<compile_context>
chip_gen: v7x
topology: tpu7x:2x2x1
jax: 0.10.2.dev20260603
libtpu: 0.0.44.dev20260713+nightly
codegen_flags: <defaults>
</compile_context>

<pallas_src>
import functools

import jax
import jax.numpy as jnp
from jax import lax
from jax.experimental import pallas as pl
from jax.experimental.pallas import tpu as pltpu
from jax.experimental.pallas import tpu_sc as plsc

CHUNK = 256


PACK_W = 8192


def _pack_tc(x_t, N, D):
    W = PACK_W
    grid = (N + 2 * W - 1) // (2 * W)
    safe_b = N // W - 1

    def body(xa_ref, xb_ref, y_ref):
        y_ref[:, 0:D] = xa_ref[...].T
        y_ref[:, D : 2 * D] = xb_ref[...].T

    return pl.pallas_call(
        body,
        grid=(grid,),
        in_specs=[
            pl.BlockSpec((D, W), lambda g: (0, 2 * g)),
            pl.BlockSpec(
                (D, W),
                lambda g, safe_b=safe_b: (0, jnp.minimum(2 * g + 1, safe_b)),
            ),
        ],
        out_specs=pl.BlockSpec((W, 2 * D), lambda g: (g, 0)),
        out_shape=jax.ShapeDtypeStruct((grid * W, 2 * D), jnp.float32),
    )(x_t, x_t)


@functools.lru_cache(maxsize=None)
def _build(B: int, D: int, N: int):
    info = plsc.get_sparse_core_info()
    NC, NS, L = info.num_cores, info.num_subcores, info.num_lanes
    NW = NC * NS
    assert B % (8 * NW) == 0 and D % L == 0
    bpw = B // NW
    W = PACK_W
    nchunk = bpw // CHUNK

    mesh = plsc.VectorSubcoreMesh(core_axis_name="c", subcore_axis_name="s")

    @functools.partial(
        pl.kernel,
        mesh=mesh,
        compiler_params=pltpu.CompilerParams(
            needs_layout_passes=False, use_tc_tiling_on_sc=True),
        out_type=jax.ShapeDtypeStruct((NW, 1, bpw), jnp.float32),
        scratch_types=[
            pltpu.VMEM((2 * bpw,), jnp.int32),
            pltpu.VMEM((CHUNK,), jnp.int32),
            pltpu.VMEM((CHUNK,), jnp.int32),
            pltpu.VMEM((bpw,), jnp.int32),
            pltpu.VMEM((bpw,), jnp.int32),
            pltpu.VMEM((CHUNK, 2 * D), jnp.float32),
            pltpu.VMEM((CHUNK, 2 * D), jnp.float32),
            pltpu.VMEM((L * L,), jnp.float32),
            pltpu.VMEM((bpw,), jnp.float32),
            pltpu.SemaphoreType.DMA,
            pltpu.SemaphoreType.DMA,
        ],
    )
    def sc_kernel(pairs_hbm, yin_hbm, yout_hbm, res_hbm,
                  pv_v, yi_v, yo_v, hi_v, ho_v, bi_v, bo_v, part_v, res_v,
                  sem_i, sem_o):
        wid = lax.axis_index("s") * NC + lax.axis_index("c")
        base = wid * bpw

        pltpu.sync_copy(pairs_hbm.at[pl.ds(2 * base, 2 * bpw)], pv_v)

        lane = lax.iota(jnp.int32, 16)

        for ci in range(nchunk):
            def build(b, _):
                e = 2 * (CHUNK * ci + L * b) + 2 * lane
                ii = plsc.load_gather(pv_v, [e])
                oi = plsc.load_gather(pv_v, [e + 1])
                iw = ii % (2 * W)
                ih = jnp.where(iw >= W, 1, 0).astype(jnp.int32)
                yi_v[pl.ds(L * b, L)] = (ii // (2 * W)) * W + iw - ih * W
                hi_v[pl.ds(CHUNK * ci + L * b, L)] = ih * D
                ow = oi % (2 * W)
                oh = jnp.where(ow >= W, 1, 0).astype(jnp.int32)
                yo_v[pl.ds(L * b, L)] = (oi // (2 * W)) * W + ow - oh * W
                ho_v[pl.ds(CHUNK * ci + L * b, L)] = oh * D
                return 0

            lax.fori_loop(0, CHUNK // L, build, 0)

            cp_i = pltpu.async_copy(yin_hbm.at[yi_v], bi_v, sem_i)
            cp_o = pltpu.async_copy(yout_hbm.at[yo_v], bo_v, sem_o)
            cp_i.wait()
            cp_o.wait()

            def compute(b, _):
                hvi = hi_v[pl.ds(CHUNK * ci + L * b, L)]
                hvo = ho_v[pl.ds(CHUNK * ci + L * b, L)]
                for k in range(L):
                    p = jnp.full((L,), L * b + k, jnp.int32)
                    ci_off = hvi[k]
                    co_off = hvo[k]
                    acc = jnp.zeros((L,), jnp.float32)
                    for c in range(D // L):
                        a = plsc.load_gather(
                            bi_v, [p, ci_off + c * L + lane])
                        o = plsc.load_gather(
                            bo_v, [p, co_off + c * L + lane])
                        acc = acc + a * o
                    part_v[pl.ds(k * L, L)] = acc
                tot = jnp.zeros((L,), jnp.float32)
                for d in range(L):
                    tot = tot + plsc.load_gather(part_v, [lane * L + d])
                res_v[pl.ds(CHUNK * ci + L * b, L)] = tot
                return 0

            lax.fori_loop(0, CHUNK // L, compute, 0)

        pltpu.sync_copy(res_v, res_hbm.at[wid, 0])

    return sc_kernel


def kernel(in_out_pairs, input_embeddings, output_embeddings):
    B = in_out_pairs.shape[0]
    N, D = input_embeddings.shape
    pairs_flat = in_out_pairs.reshape(2 * B)
    yin = _pack_tc(input_embeddings.T, N, D)
    yout = _pack_tc(output_embeddings.T, N, D)
    info = plsc.get_sparse_core_info()
    NW = info.num_cores * info.num_subcores
    res3 = _build(B, D, N)(pairs_flat, yin, yout)
    return res3.reshape(B)

# --- scband reference (transcript-rebuilt; emitter-appended) ---
"""Pipeline reference for scband-bilinear-factor-model-86912958202570 (READ-ONLY COPY).

The authoritative reference and input builder live on the scoring server;
editing this copy changes nothing except your own understanding.
"""

import jax, jax.numpy as jnp
import numpy as np

N_INPUT = 1000000
N_OUTPUT = 1000000
DIM = 64
BATCH = 16384


def setup_inputs(seed: int = 0) -> dict:
    key = jax.random.key(seed)
    k1, k2, k3 = jax.random.split(key, 3)
    in_out_pairs = jax.random.randint(k1, (BATCH, 2), 0, N_INPUT, dtype=jnp.int64 if jax.config.jax_enable_x64 else jnp.int32).astype(jnp.int32)
    input_embeddings = jax.random.normal(k2, (N_INPUT, DIM), dtype=jnp.float32) * 0.01
    output_embeddings = jax.random.normal(k3, (N_OUTPUT, DIM), dtype=jnp.float32) * 0.01
    return {
        "in_out_pairs": in_out_pairs,
        "input_embeddings": input_embeddings,
        "output_embeddings": output_embeddings,
    }


def reference(in_out_pairs, input_embeddings, output_embeddings):
    # i = self.input_embeddings(in_out_pairs[:, 0])
    i = jnp.take(input_embeddings, in_out_pairs[:, 0], axis=0)
    # o = self.output_embeddings(in_out_pairs[:, 1])
    o = jnp.take(output_embeddings, in_out_pairs[:, 1], axis=0)
    # (i * o).sum(1).squeeze()
    return jnp.squeeze(jnp.sum(i * o, axis=1))

if __name__ == "__main__":
    import jax
    _d = setup_inputs()
    print(jax.jit(kernel)(*tuple(_d.values())))

</pallas_src>

<mosaic_0001>
#map = affine_map<(d0, d1) -> (0)>
#map1 = affine_map<(d0, d1) -> (0, 0)>
#map2 = affine_map<(d0, d1) -> (0, 0, 0)>
module attributes {stable_mosaic.version = 14 : i64} {
  func.func @sc_kernel(%arg0: i32, %arg1: i32, %arg2: memref<32768xi32, #tpu.memory_space<hbm>>, %arg3: memref<507904x128xf32, #tpu.memory_space<hbm>>, %arg4: memref<507904x128xf32, #tpu.memory_space<hbm>>, %arg5: memref<32x1x512xf32, #tpu.memory_space<hbm>>, %arg6: memref<1024xi32, #tpu.memory_space<vmem>>, %arg7: memref<256xi32, #tpu.memory_space<vmem>>, %arg8: memref<256xi32, #tpu.memory_space<vmem>>, %arg9: memref<512xi32, #tpu.memory_space<vmem>>, %arg10: memref<512xi32, #tpu.memory_space<vmem>>, %arg11: memref<256x128xf32, #tpu.memory_space<vmem>>, %arg12: memref<256x128xf32, #tpu.memory_space<vmem>>, %arg13: memref<256xf32, #tpu.memory_space<vmem>>, %arg14: memref<512xf32, #tpu.memory_space<vmem>>, %arg15: memref<!tpu.dma_semaphore, #tpu.memory_space<semaphore_mem>>, %arg16: memref<!tpu.dma_semaphore, #tpu.memory_space<semaphore_mem>>) attributes {dimension_semantics = [#tpu.dimension_semantics<core_parallel>, #tpu.dimension_semantics<subcore_parallel>], iteration_bounds = array<i64: 2, 16>, scalar_prefetch = 0 : i64, scratch_operands = 11 : i64, tpu.core_type = #tpu.core_type<sc_vector_subcore>, window_params = [{transform_indices = #map}, {transform_indices = #map1}, {transform_indices = #map1}, {transform_indices = #map2}]} {
    %mul3A = arith.constant 2 : i32
    %mul3A_0 = arith.muli %arg1, %mul3A : i32
    %add3A = arith.addi %mul3A_0, %arg0 : i32
    %mul3A_1 = arith.constant 512 : i32
    %mul3A_2 = arith.muli %add3A, %mul3A_1 : i32
    %mul3A_3 = arith.constant 2 : i32
    %mul3A_4 = arith.muli %mul3A_3, %mul3A_2 : i32
    "tpu.region"() ({
      %run_scoped3A_54 = tpu.sem_alloc : memref<!tpu.dma_semaphore, #tpu.memory_space<semaphore_mem>>
      %dma_start3A_55 = tpu.memref_slice %arg2[%mul3A_4] : memref<32768xi32, #tpu.memory_space<hbm>> -> memref<1024xi32, #tpu.memory_space<hbm>>
      %dma_start3A_56 = tpu.memref_slice %arg2[%mul3A_4] : memref<32768xi32, #tpu.memory_space<hbm>> -> memref<1024xi32, #tpu.memory_space<hbm>>
      tpu.enqueue_dma source(%dma_start3A_56 : memref<1024xi32, #tpu.memory_space<hbm>>) target(%arg6 : memref<1024xi32, #tpu.memory_space<vmem>>) target_semaphore(%run_scoped3A_54 : memref<!tpu.dma_semaphore, #tpu.memory_space<semaphore_mem>>)
      %dma_wait3A_57 = tpu.memref_slice %arg2[%mul3A_4] : memref<32768xi32, #tpu.memory_space<hbm>> -> memref<1024xi32, #tpu.memory_space<hbm>>
      %dma_wait3A_58 = tpu.memref_slice %arg2[%mul3A_4] : memref<32768xi32, #tpu.memory_space<hbm>> -> memref<1024xi32, #tpu.memory_space<hbm>>
      tpu.wait_dma2 semaphore(%run_scoped3A_54 : memref<!tpu.dma_semaphore, #tpu.memory_space<semaphore_mem>>) src(%dma_wait3A_58 : memref<1024xi32, #tpu.memory_space<hbm>>) dst(%arg6 : memref<1024xi32, #tpu.memory_space<vmem>>)
      tpu.yield
    }) : () -> ()
    %iota3A = tpu.iota {dimensions = array<i32: 0>} : vector<16xi32>
    %scan3A = arith.constant 0 : i32
    %scan3A_5 = arith.constant 0 : i32
    %scan3A_6 = arith.constant 16 : i32
    %scan3A_7 = arith.addi %scan3A_5, %scan3A_6 : i32
    %scan3A_8 = arith.constant 1 : i32
    %scan3A_9 = scf.for %scan3A_54 = %scan3A_5 to %scan3A_7 step %scan3A_8 iter_args(%scan3A_55 = %scan3A) -> (i32)  : i32 {
      %mul3A_56 = arith.constant 16 : i32
      %mul3A_57 = arith.muli %mul3A_56, %scan3A_54 : i32
      %add3A_58 = arith.constant 0 : i32
      %add3A_59 = arith.addi %add3A_58, %mul3A_57 : i32
      %mul3A_60 = arith.constant 2 : i32
      %mul3A_61 = arith.muli %mul3A_60, %add3A_59 : i32
      %mul3A_62 = arith.constant 2 : i32
      %mul3A_63 = vector.broadcast %mul3A_62 : i32 to vector<16xi32>
      %mul3A_64 = arith.muli %mul3A_63, %iota3A : vector<16xi32>
      %add3A_65 = vector.broadcast %mul3A_61 : i32 to vector<16xi32>
      %add3A_66 = arith.addi %add3A_65, %mul3A_64 : vector<16xi32>
      %gather3A = tpu.vector_load_idx %arg6[%add3A_66] : memref<1024xi32, #tpu.memory_space<vmem>>[vector<16xi32>], vector<16xi32>,
      %add3A_67 = arith.constant 1 : i32
      %add3A_68 = vector.broadcast %add3A_67 : i32 to vector<16xi32>
      %add3A_69 = arith.addi %add3A_66, %add3A_68 : vector<16xi32>
      %gather3A_70 = tpu.vector_load_idx %arg6[%add3A_69] : memref<1024xi32, #tpu.memory_space<vmem>>[vector<16xi32>], vector<16xi32>,
      %jit3A = arith.constant 16384 : i32
      %eq3A = arith.constant 0 : i32
      %eq3A_71 = arith.cmpi eq, %jit3A, %eq3A : i32
      %jit3A_72 = arith.constant 1 : i32
      %select_n3A = arith.select %eq3A_71, %jit3A_72, %jit3A : i32
      %rem3A = vector.broadcast %select_n3A : i32 to vector<16xi32>
      %rem3A_73 = arith.remsi %gather3A, %rem3A : vector<16xi32>
      %ne3A = arith.constant 0 : i32
      %ne3A_74 = vector.broadcast %ne3A : i32 to vector<16xi32>
      %ne3A_75 = arith.cmpi ne, %rem3A_73, %ne3A_74 : vector<16xi32>
      %lt3A = arith.constant 0 : i32
      %lt3A_76 = vector.broadcast %lt3A : i32 to vector<16xi32>
      %lt3A_77 = arith.cmpi slt, %rem3A_73, %lt3A_76 : vector<16xi32>
      %lt3A_78 = arith.constant 0 : i32
      %lt3A_79 = arith.cmpi slt, %select_n3A, %lt3A_78 : i32
      %ne3A_80 = vector.broadcast %lt3A_79 : i1 to vector<16xi1>
      %ne3A_81 = vector.broadcast %ne3A_80 : vector<16xi1> to vector<16xi1>
      %ne3A_82 = arith.xori %lt3A_77, %ne3A_81 : vector<16xi1>
      %and3A = arith.andi %ne3A_82, %ne3A_75 : vector<16xi1>
      %add3A_83 = vector.broadcast %select_n3A : i32 to vector<16xi32>
      %add3A_84 = arith.addi %rem3A_73, %add3A_83 : vector<16xi32>
      %select_n3A_85 = arith.select %and3A, %add3A_84, %rem3A_73 : vector<16xi1>, vector<16xi32>
      %ge3A = arith.constant 8192 : i32
      %ge3A_86 = vector.broadcast %ge3A : i32 to vector<16xi32>
      %ge3A_87 = arith.cmpi sge, %select_n3A_85, %ge3A_86 : vector<16xi32>
      %jit3A_88 = arith.constant 1 : i32
      %jit3A_89 = arith.constant 0 : i32
      %broadcast_in_dim3A = vector.broadcast %jit3A_88 : i32 to vector<16xi32>
      %broadcast_in_dim3A_90 = vector.broadcast %jit3A_89 : i32 to vector<16xi32>
      %select_n3A_91 = arith.select %ge3A_87, %broadcast_in_dim3A, %broadcast_in_dim3A_90 : vector<16xi1>, vector<16xi32>
      %jit3A_92 = arith.constant 16384 : i32
      %div3A = vector.broadcast %jit3A_92 : i32 to vector<16xi32>
      %div3A_93 = arith.divsi %gather3A, %div3A : vector<16xi32>
      %sign3A = arith.constant 0 : i32
      %sign3A_94 = vector.broadcast %sign3A : i32 to vector<16xi32>
      %sign3A_95 = arith.cmpi sgt, %gather3A, %sign3A_94 : vector<16xi32>
      %sign3A_96 = arith.extui %sign3A_95 : vector<16xi1> to vector<16xi32>
      %sign3A_97 = arith.constant 0 : i32
      %sign3A_98 = vector.broadcast %sign3A_97 : i32 to vector<16xi32>
      %sign3A_99 = arith.cmpi slt, %gather3A, %sign3A_98 : vector<16xi32>
      %sign3A_100 = arith.extui %sign3A_99 : vector<16xi1> to vector<16xi32>
      %sign3A_101 = arith.subi %sign3A_96, %sign3A_100 : vector<16xi32>
      %sign3A_102 = arith.constant 0 : i32
      %sign3A_103 = arith.cmpi sgt, %jit3A_92, %sign3A_102 : i32
      %sign3A_104 = arith.extui %sign3A_103 : i1 to i32
      %sign3A_105 = arith.constant 0 : i32
      %sign3A_106 = arith.cmpi slt, %jit3A_92, %sign3A_105 : i32
      %sign3A_107 = arith.extui %sign3A_106 : i1 to i32
      %sign3A_108 = arith.subi %sign3A_104, %sign3A_107 : i32
      %ne3A_109 = vector.broadcast %sign3A_108 : i32 to vector<16xi32>
      %ne3A_110 = arith.cmpi ne, %sign3A_101, %ne3A_109 : vector<16xi32>
      %rem3A_111 = vector.broadcast %jit3A_92 : i32 to vector<16xi32>
      %rem3A_112 = arith.remsi %gather3A, %rem3A_111 : vector<16xi32>
      %ne3A_113 = arith.constant 0 : i32
      %ne3A_114 = vector.broadcast %ne3A_113 : i32 to vector<16xi32>
      %ne3A_115 = arith.cmpi ne, %rem3A_112, %ne3A_114 : vector<16xi32>
      %and3A_116 = arith.andi %ne3A_110, %ne3A_115 : vector<16xi1>
      %sub3A = arith.constant 1 : i32
      %sub3A_117 = vector.broadcast %sub3A : i32 to vector<16xi32>
      %sub3A_118 = arith.subi %div3A_93, %sub3A_117 : vector<16xi32>
      %select_n3A_119 = arith.select %and3A_116, %sub3A_118, %div3A_93 : vector<16xi1>, vector<16xi32>
      %mul3A_120 = arith.constant 8192 : i32
      %mul3A_121 = vector.broadcast %mul3A_120 : i32 to vector<16xi32>
      %mul3A_122 = arith.muli %select_n3A_119, %mul3A_121 : vector<16xi32>
      %add3A_123 = arith.addi %mul3A_122, %select_n3A_85 : vector<16xi32>
      %mul3A_124 = arith.constant 8192 : i32
      %mul3A_125 = vector.broadcast %mul3A_124 : i32 to vector<16xi32>
      %mul3A_126 = arith.muli %select_n3A_91, %mul3A_125 : vector<16xi32>
      %sub3A_127 = arith.subi %add3A_123, %mul3A_126 : vector<16xi32>
      %mul3A_128 = arith.constant 16 : i32
      %mul3A_129 = arith.muli %mul3A_128, %scan3A_54 : i32
      %swap3A = arith.index_cast %mul3A_129 : i32 to index
      %swap3A_130 = tpu.vector_load %arg7[%swap3A] {strides = array<i32>} : memref<256xi32, #tpu.memory_space<vmem>>, vector<16xi32>,
      tpu.vector_store %arg7[%swap3A], %sub3A_127 {strides = array<i32>} : memref<256xi32, #tpu.memory_space<vmem>>, vector<16xi32>,
      %mul3A_131 = arith.constant 64 : i32
      %mul3A_132 = vector.broadcast %mul3A_131 : i32 to vector<16xi32>
      %mul3A_133 = arith.muli %select_n3A_91, %mul3A_132 : vector<16xi32>
      %mul3A_134 = arith.constant 16 : i32
      %mul3A_135 = arith.muli %mul3A_134, %scan3A_54 : i32
      %add3A_136 = arith.constant 0 : i32
      %add3A_137 = arith.addi %add3A_136, %mul3A_135 : i32
      %swap3A_138 = arith.index_cast %add3A_137 : i32 to index
      %swap3A_139 = tpu.vector_load %arg9[%swap3A_138] {strides = array<i32>} : memref<512xi32, #tpu.memory_space<vmem>>, vector<16xi32>,
      tpu.vector_store %arg9[%swap3A_138], %mul3A_133 {strides = array<i32>} : memref<512xi32, #tpu.memory_space<vmem>>, vector<16xi32>,
      %jit3A_140 = arith.constant 16384 : i32
      %eq3A_141 = arith.constant 0 : i32
      %eq3A_142 = arith.cmpi eq, %jit3A_140, %eq3A_141 : i32
      %jit3A_143 = arith.constant 1 : i32
      %select_n3A_144 = arith.select %eq3A_142, %jit3A_143, %jit3A_140 : i32
      %rem3A_145 = vector.broadcast %select_n3A_144 : i32 to vector<16xi32>
      %rem3A_146 = arith.remsi %gather3A_70, %rem3A_145 : vector<16xi32>
      %ne3A_147 = arith.constant 0 : i32
      %ne3A_148 = vector.broadcast %ne3A_147 : i32 to vector<16xi32>
      %ne3A_149 = arith.cmpi ne, %rem3A_146, %ne3A_148 : vector<16xi32>
      %lt3A_150 = arith.constant 0 : i32
      %lt3A_151 = vector.broadcast %lt3A_150 : i32 to vector<16xi32>
      %lt3A_152 = arith.cmpi slt, %rem3A_146, %lt3A_151 : vector<16xi32>
      %lt3A_153 = arith.constant 0 : i32
      %lt3A_154 = arith.cmpi slt, %select_n3A_144, %lt3A_153 : i32
      %ne3A_155 = vector.broadcast %lt3A_154 : i1 to vector<16xi1>
      %ne3A_156 = vector.broadcast %ne3A_155 : vector<16xi1> to vector<16xi1>
      %ne3A_157 = arith.xori %lt3A_152, %ne3A_156 : vector<16xi1>
      %and3A_158 = arith.andi %ne3A_157, %ne3A_149 : vector<16xi1>
      %add3A_159 = vector.broadcast %select_n3A_144 : i32 to vector<16xi32>
      %add3A_160 = arith.addi %rem3A_146, %add3A_159 : vector<16xi32>
      %select_n3A_161 = arith.select %and3A_158, %add3A_160, %rem3A_146 : vector<16xi1>, vector<16xi32>
      %ge3A_162 = arith.constant 8192 : i32
      %ge3A_163 = vector.broadcast %ge3A_162 : i32 to vector<16xi32>
      %ge3A_164 = arith.cmpi sge, %select_n3A_161, %ge3A_163 : vector<16xi32>
      %jit3A_165 = arith.constant 1 : i32
      %jit3A_166 = arith.constant 0 : i32
      %broadcast_in_dim3A_167 = vector.broadcast %jit3A_165 : i32 to vector<16xi32>
      %broadcast_in_dim3A_168 = vector.broadcast %jit3A_166 : i32 to vector<16xi32>
      %select_n3A_169 = arith.select %ge3A_164, %broadcast_in_dim3A_167, %broadcast_in_dim3A_168 : vector<16xi1>, vector<16xi32>
      %jit3A_170 = arith.constant 16384 : i32
      %div3A_171 = vector.broadcast %jit3A_170 : i32 to vector<16xi32>
      %div3A_172 = arith.divsi %gather3A_70, %div3A_171 : vector<16xi32>
      %sign3A_173 = arith.constant 0 : i32
      %sign3A_174 = vector.broadcast %sign3A_173 : i32 to vector<16xi32>
      %sign3A_175 = arith.cmpi sgt, %gather3A_70, %sign3A_174 : vector<16xi32>
      %sign3A_176 = arith.extui %sign3A_175 : vector<16xi1> to vector<16xi32>
      %sign3A_177 = arith.constant 0 : i32
      %sign3A_178 = vector.broadcast %sign3A_177 : i32 to vector<16xi32>
      %sign3A_179 = arith.cmpi slt, %gather3A_70, %sign3A_178 : vector<16xi32>
      %sign3A_180 = arith.extui %sign3A_179 : vector<16xi1> to vector<16xi32>
      %sign3A_181 = arith.subi %sign3A_176, %sign3A_180 : vector<16xi32>
      %sign3A_182 = arith.constant 0 : i32
      %sign3A_183 = arith.cmpi sgt, %jit3A_170, %sign3A_182 : i32
      %sign3A_184 = arith.extui %sign3A_183 : i1 to i32
      %sign3A_185 = arith.constant 0 : i32
      %sign3A_186 = arith.cmpi slt, %jit3A_170, %sign3A_185 : i32
      %sign3A_187 = arith.extui %sign3A_186 : i1 to i32
      %sign3A_188 = arith.subi %sign3A_184, %sign3A_187 : i32
      %ne3A_189 = vector.broadcast %sign3A_188 : i32 to vector<16xi32>
      %ne3A_190 = arith.cmpi ne, %sign3A_181, %ne3A_189 : vector<16xi32>
      %rem3A_191 = vector.broadcast %jit3A_170 : i32 to vector<16xi32>
      %rem3A_192 = arith.remsi %gather3A_70, %rem3A_191 : vector<16xi32>
      %ne3A_193 = arith.constant 0 : i32
      %ne3A_194 = vector.broadcast %ne3A_193 : i32 to vector<16xi32>
      %ne3A_195 = arith.cmpi ne, %rem3A_192, %ne3A_194 : vector<16xi32>
      %and3A_196 = arith.andi %ne3A_190, %ne3A_195 : vector<16xi1>
      %sub3A_197 = arith.constant 1 : i32
      %sub3A_198 = vector.broadcast %sub3A_197 : i32 to vector<16xi32>
      %sub3A_199 = arith.subi %div3A_172, %sub3A_198 : vector<16xi32>
      %select_n3A_200 = arith.select %and3A_196, %sub3A_199, %div3A_172 : vector<16xi1>, vector<16xi32>
      %mul3A_201 = arith.constant 8192 : i32
      %mul3A_202 = vector.broadcast %mul3A_201 : i32 to vector<16xi32>
      %mul3A_203 = arith.muli %select_n3A_200, %mul3A_202 : vector<16xi32>
      %add3A_204 = arith.addi %mul3A_203, %select_n3A_161 : vector<16xi32>
      %mul3A_205 = arith.constant 8192 : i32
      %mul3A_206 = vector.broadcast %mul3A_205 : i32 to vector<16xi32>
      %mul3A_207 = arith.muli %select_n3A_169, %mul3A_206 : vector<16xi32>
      %sub3A_208 = arith.subi %add3A_204, %mul3A_207 : vector<16xi32>
      %mul3A_209 = arith.constant 16 : i32
      %mul3A_210 = arith.muli %mul3A_209, %scan3A_54 : i32
      %swap3A_211 = arith.index_cast %mul3A_210 : i32 to index
      %swap3A_212 = tpu.vector_load %arg8[%swap3A_211] {strides = array<i32>} : memref<256xi32, #tpu.memory_space<vmem>>, vector<16xi32>,
      tpu.vector_store %arg8[%swap3A_211], %sub3A_208 {strides = array<i32>} : memref<256xi32, #tpu.memory_space<vmem>>, vector<16xi32>,
      %mul3A_213 = arith.constant 64 : i32
      %mul3A_214 = vector.broadcast %mul3A_213 : i32 to vector<16xi32>
      %mul3A_215 = arith.muli %select_n3A_169, %mul3A_214 : vector<16xi32>
      %mul3A_216 = arith.constant 16 : i32
      %mul3A_217 = arith.muli %mul3A_216, %scan3A_54 : i32
      %add3A_218 = arith.constant 0 : i32
      %add3A_219 = arith.addi %add3A_218, %mul3A_217 : i32
      %swap3A_220 = arith.index_cast %add3A_219 : i32 to index
      %swap3A_221 = tpu.vector_load %arg10[%swap3A_220] {strides = array<i32>} : memref<512xi32, #tpu.memory_space<vmem>>, vector<16xi32>,
      tpu.vector_store %arg10[%swap3A_220], %mul3A_215 {strides = array<i32>} : memref<512xi32, #tpu.memory_space<vmem>>, vector<16xi32>,
      %scan3A_222 = arith.constant 0 : i32
      scf.yield %scan3A_222 : i32
    }
    %scan3A_10 = arith.constant 16 : i32
    %dma_start3A = arith.constant 0 : i32
    %dma_start3A_11 = arith.constant 0 : i32
    %dma_start3A_12 = tpu.memref_slice %arg3[%dma_start3A, %dma_start3A_11] : memref<507904x128xf32, #tpu.memory_space<hbm>> -> memref<507904x128xf32, #tpu.memory_space<hbm>>
    tpu.enqueue_indirect_dma source(%dma_start3A_12 : memref<507904x128xf32, #tpu.memory_space<hbm>>) target(%arg11 : memref<256x128xf32, #tpu.memory_space<vmem>>) offsets(%arg7 : memref<256xi32, #tpu.memory_space<vmem>>) semaphore(%arg15 : memref<!tpu.dma_semaphore, #tpu.memory_space<semaphore_mem>>)
    %dma_start3A_13 = arith.constant 0 : i32
    %dma_start3A_14 = arith.constant 0 : i32
    %dma_start3A_15 = tpu.memref_slice %arg4[%dma_start3A_13, %dma_start3A_14] : memref<507904x128xf32, #tpu.memory_space<hbm>> -> memref<507904x128xf32, #tpu.memory_space<hbm>>
    tpu.enqueue_indirect_dma source(%dma_start3A_15 : memref<507904x128xf32, #tpu.memory_space<hbm>>) target(%arg12 : memref<256x128xf32, #tpu.memory_space<vmem>>) offsets(%arg8 : memref<256xi32, #tpu.memory_space<vmem>>) semaphore(%arg16 : memref<!tpu.dma_semaphore, #tpu.memory_space<semaphore_mem>>)
    %dma_wait3A = arith.constant 0 : i32
    %dma_wait3A_16 = arith.constant 0 : i32
    %dma_wait3A_17 = tpu.memref_slice %arg3[%dma_wait3A, %dma_wait3A_16] : memref<507904x128xf32, #tpu.memory_space<hbm>> -> memref<507904x128xf32, #tpu.memory_space<hbm>>
    tpu.wait_indirect_dma semaphore(%arg15 : memref<!tpu.dma_semaphore, #tpu.memory_space<semaphore_mem>>) src(%dma_wait3A_17 : memref<507904x128xf32, #tpu.memory_space<hbm>>) dst(%arg11 : memref<256x128xf32, #tpu.memory_space<vmem>>)
    %dma_wait3A_18 = arith.constant 0 : i32
    %dma_wait3A_19 = arith.constant 0 : i32
    %dma_wait3A_20 = tpu.memref_slice %arg4[%dma_wait3A_18, %dma_wait3A_19] : memref<507904x128xf32, #tpu.memory_space<hbm>> -> memref<507904x128xf32, #tpu.memory_space<hbm>>
    tpu.wait_indirect_dma semaphore(%arg16 : memref<!tpu.dma_semaphore, #tpu.memory_space<semaphore_mem>>) src(%dma_wait3A_20 : memref<507904x128xf32, #tpu.memory_space<hbm>>) dst(%arg12 : memref<256x128xf32, #tpu.memory_space<vmem>>)
    %scan3A_21 = arith.constant 0 : i32
    %scan3A_22 = arith.constant 0 : i32
    %scan3A_23 = arith.constant 16 : i32
    %scan3A_24 = arith.addi %scan3A_22, %scan3A_23 : i32
    %scan3A_25 = arith.constant 1 : i32
    %scan3A_26 = scf.for %scan3A_54 = %scan3A_22 to %scan3A_24 step %scan3A_25 iter_args(%scan3A_55 = %scan3A_21) -> (i32)  : i32 {
      %mul3A_56 = arith.constant 16 : i32
      %mul3A_57 = arith.muli %mul3A_56, %scan3A_54 : i32
      %add3A_58 = arith.constant 0 : i32
      %add3A_59 = arith.addi %add3A_58, %mul3A_57 : i32
      %get3A = arith.index_cast %add3A_59 : i32 to index
      %get3A_60 = tpu.vector_load %arg9[%get3A] {strides = array<i32>} : memref<512xi32, #tpu.memory_space<vmem>>, vector<16xi32>,
      %mul3A_61 = arith.constant 16 : i32
      %mul3A_62 = arith.muli %mul3A_61, %scan3A_54 : i32
      %add3A_63 = arith.constant 0 : i32
      %add3A_64 = arith.addi %add3A_63, %mul3A_62 : i32
      %get3A_65 = arith.index_cast %add3A_64 : i32 to index
      %get3A_66 = tpu.vector_load %arg10[%get3A_65] {strides = array<i32>} : memref<512xi32, #tpu.memory_space<vmem>>, vector<16xi32>,
      %mul3A_67 = arith.constant 16 : i32
      %mul3A_68 = arith.muli %mul3A_67, %scan3A_54 : i32
      %add3A_69 = arith.constant 0 : i32
      %add3A_70 = arith.addi %mul3A_68, %add3A_69 : i32
      %broadcast_in_dim3A = vector.broadcast %add3A_70 : i32 to vector<16xi32>
      %slice3A = vector.extract_strided_slice %get3A_60 {offsets = [0], sizes = [1], strides = [1]} : vector<16xi32> to vector<1xi32>
      %squeeze3A = vector.extract %slice3A[0] : i32 from vector<1xi32>
      %slice3A_71 = vector.extract_strided_slice %get3A_66 {offsets = [0], sizes = [1], strides = [1]} : vector<16xi32> to vector<1xi32>
      %squeeze3A_72 = vector.extract %slice3A_71[0] : i32 from vector<1xi32>
      %broadcast_in_dim3A_73 = arith.constant 0.000000e+00 : f32
      %broadcast_in_dim3A_74 = vector.broadcast %broadcast_in_dim3A_73 : f32 to vector<16xf32>
      %add3A_75 = arith.constant 0 : i32
      %add3A_76 = arith.addi %squeeze3A, %add3A_75 : i32
      %add3A_77 = vector.broadcast %add3A_76 : i32 to vector<16xi32>
      %add3A_78 = arith.addi %add3A_77, %iota3A : vector<16xi32>
      %gather3A = tpu.vector_load_idx %arg11[%broadcast_in_dim3A, %add3A_78] : memref<256x128xf32, #tpu.memory_space<vmem>>[vector<16xi32>, vector<16xi32>], vector<16xf32>,
      %add3A_79 = arith.constant 0 : i32
      %add3A_80 = arith.addi %squeeze3A_72, %add3A_79 : i32
      %add3A_81 = vector.broadcast %add3A_80 : i32 to vector<16xi32>
      %add3A_82 = arith.addi %add3A_81, %iota3A : vector<16xi32>
      %gather3A_83 = tpu.vector_load_idx %arg12[%broadcast_in_dim3A, %add3A_82] : memref<256x128xf32, #tpu.memory_space<vmem>>[vector<16xi32>, vector<16xi32>], vector<16xf32>,
      %mul3A_84 = arith.mulf %gather3A, %gather3A_83 : vector<16xf32>
      %add3A_85 = arith.addf %broadcast_in_dim3A_74, %mul3A_84 : vector<16xf32>
      %add3A_86 = arith.constant 16 : i32
      %add3A_87 = arith.addi %squeeze3A, %add3A_86 : i32
      %add3A_88 = vector.broadcast %add3A_87 : i32 to vector<16xi32>
      %add3A_89 = arith.addi %add3A_88, %iota3A : vector<16xi32>
      %gather3A_90 = tpu.vector_load_idx %arg11[%broadcast_in_dim3A, %add3A_89] : memref<256x128xf32, #tpu.memory_space<vmem>>[vector<16xi32>, vector<16xi32>], vector<16xf32>,
      %add3A_91 = arith.constant 16 : i32
      %add3A_92 = arith.addi %squeeze3A_72, %add3A_91 : i32
      %add3A_93 = vector.broadcast %add3A_92 : i32 to vector<16xi32>
      %add3A_94 = arith.addi %add3A_93, %iota3A : vector<16xi32>
      %gather3A_95 = tpu.vector_load_idx %arg12[%broadcast_in_dim3A, %add3A_94] : memref<256x128xf32, #tpu.memory_space<vmem>>[vector<16xi32>, vector<16xi32>], vector<16xf32>,
      %mul3A_96 = arith.mulf %gather3A_90, %gather3A_95 : vector<16xf32>
      %add3A_97 = arith.addf %add3A_85, %mul3A_96 : vector<16xf32>
      %add3A_98 = arith.constant 32 : i32
      %add3A_99 = arith.addi %squeeze3A, %add3A_98 : i32
      %add3A_100 = vector.broadcast %add3A_99 : i32 to vector<16xi32>
      %add3A_101 = arith.addi %add3A_100, %iota3A : vector<16xi32>
      %gather3A_102 = tpu.vector_load_idx %arg11[%broadcast_in_dim3A, %add3A_101] : memref<256x128xf32, #tpu.memory_space<vmem>>[vector<16xi32>, vector<16xi32>], vector<16xf32>,
      %add3A_103 = arith.constant 32 : i32
      %add3A_104 = arith.addi %squeeze3A_72, %add3A_103 : i32
      %add3A_105 = vector.broadcast %add3A_104 : i32 to vector<16xi32>
      %add3A_106 = arith.addi %add3A_105, %iota3A : vector<16xi32>
      %gather3A_107 = tpu.vector_load_idx %arg12[%broadcast_in_dim3A, %add3A_106] : memref<256x128xf32, #tpu.memory_space<vmem>>[vector<16xi32>, vector<16xi32>], vector<16xf32>,
      %mul3A_108 = arith.mulf %gather3A_102, %gather3A_107 : vector<16xf32>
      %add3A_109 = arith.addf %add3A_97, %mul3A_108 : vector<16xf32>
      %add3A_110 = arith.constant 48 : i32
      %add3A_111 = arith.addi %squeeze3A, %add3A_110 : i32
      %add3A_112 = vector.broadcast %add3A_111 : i32 to vector<16xi32>
      %add3A_113 = arith.addi %add3A_112, %iota3A : vector<16xi32>
      %gather3A_114 = tpu.vector_load_idx %arg11[%broadcast_in_dim3A, %add3A_113] : memref<256x128xf32, #tpu.memory_space<vmem>>[vector<16xi32>, vector<16xi32>], vector<16xf32>,
      %add3A_115 = arith.constant 48 : i32
      %add3A_116 = arith.addi %squeeze3A_72, %add3A_115 : i32
      %add3A_117 = vector.broadcast %add3A_116 : i32 to vector<16xi32>
      %add3A_118 = arith.addi %add3A_117, %iota3A : vector<16xi32>
      %gather3A_119 = tpu.vector_load_idx %arg12[%broadcast_in_dim3A, %add3A_118] : memref<256x128xf32, #tpu.memory_space<vmem>>[vector<16xi32>, vector<16xi32>], vector<16xf32>,
      %mul3A_120 = arith.mulf %gather3A_114, %gather3A_119 : vector<16xf32>
      %add3A_121 = arith.addf %add3A_109, %mul3A_120 : vector<16xf32>
      %swap3A = arith.constant 0 : index
      %swap3A_122 = tpu.vector_load %arg13[%swap3A] {strides = array<i32>} : memref<256xf32, #tpu.memory_space<vmem>>, vector<16xf32>,
      tpu.vector_store %arg13[%swap3A], %add3A_121 {strides = array<i32>} : memref<256xf32, #tpu.memory_space<vmem>>, vector<16xf32>,
      %mul3A_123 = arith.constant 16 : i32
      %mul3A_124 = arith.muli %mul3A_123, %scan3A_54 : i32
      %add3A_125 = arith.constant 1 : i32
      %add3A_126 = arith.addi %mul3A_124, %add3A_125 : i32
      %broadcast_in_dim3A_127 = vector.broadcast %add3A_126 : i32 to vector<16xi32>
      %slice3A_128 = vector.extract_strided_slice %get3A_60 {offsets = [1], sizes = [1], strides = [1]} : vector<16xi32> to vector<1xi32>
      %squeeze3A_129 = vector.extract %slice3A_128[0] : i32 from vector<1xi32>
      %slice3A_130 = vector.extract_strided_slice %get3A_66 {offsets = [1], sizes = [1], strides = [1]} : vector<16xi32> to vector<1xi32>
      %squeeze3A_131 = vector.extract %slice3A_130[0] : i32 from vector<1xi32>
      %broadcast_in_dim3A_132 = arith.constant 0.000000e+00 : f32
      %broadcast_in_dim3A_133 = vector.broadcast %broadcast_in_dim3A_132 : f32 to vector<16xf32>
      %add3A_134 = arith.constant 0 : i32
      %add3A_135 = arith.addi %squeeze3A_129, %add3A_134 : i32
      %add3A_136 = vector.broadcast %add3A_135 : i32 to vector<16xi32>
      %add3A_137 = arith.addi %add3A_136, %iota3A : vector<16xi32>
      %gather3A_138 = tpu.vector_load_idx %arg11[%broadcast_in_dim3A_127, %add3A_137] : memref<256x128xf32, #tpu.memory_space<vmem>>[vector<16xi32>, vector<16xi32>], vector<16xf32>,
      %add3A_139 = arith.constant 0 : i32
      %add3A_140 = arith.addi %squeeze3A_131, %add3A_139 : i32
      %add3A_141 = vector.broadcast %add3A_140 : i32 to vector<16xi32>
      %add3A_142 = arith.addi %add3A_141, %iota3A : vector<16xi32>
      %gather3A_143 = tpu.vector_load_idx %arg12[%broadcast_in_dim3A_127, %add3A_142] : memref<256x128xf32, #tpu.memory_space<vmem>>[vector<16xi32>, vector<16xi32>], vector<16xf32>,
      %mul3A_144 = arith.mulf %gather3A_138, %gather3A_143 : vector<16xf32>
      %add3A_145 = arith.addf %broadcast_in_dim3A_133, %mul3A_144 : vector<16xf32>
      %add3A_146 = arith.constant 16 : i32
      %add3A_147 = arith.addi %squeeze3A_129, %add3A_146 : i32
      %add3A_148 = vector.broadcast %add3A_147 : i32 to vector<16xi32>
      %add3A_149 = arith.addi %add3A_148, %iota3A : vector<16xi32>
      %gather3A_150 = tpu.vector_load_idx %arg11[%broadcast_in_dim3A_127, %add3A_149] : memref<256x128xf32, #tpu.memory_space<vmem>>[vector<16xi32>, vector<16xi32>], vector<16xf32>,
      %add3A_151 = arith.constant 16 : i32
      %add3A_152 = arith.addi %squeeze3A_131, %add3A_151 : i32
      %add3A_153 = vector.broadcast %add3A_152 : i32 to vector<16xi32>
      %add3A_154 = arith.addi %add3A_153, %iota3A : vector<16xi32>
      %gather3A_155 = tpu.vector_load_idx %arg12[%broadcast_in_dim3A_127, %add3A_154] : memref<256x128xf32, #tpu.memory_space<vmem>>[vector<16xi32>, vector<16xi32>], vector<16xf32>,
      %mul3A_156 = arith.mulf %gather3A_150, %gather3A_155 : vector<16xf32>
      %add3A_157 = arith.addf %add3A_145, %mul3A_156 : vector<16xf32>
      %add3A_158 = arith.constant 32 : i32
      %add3A_159 = arith.addi %squeeze3A_129, %add3A_158 : i32
      %add3A_160 = vector.broadcast %add3A_159 : i32 to vector<16xi32>
      %add3A_161 = arith.addi %add3A_160, %iota3A : vector<16xi32>
      %gather3A_162 = tpu.vector_load_idx %arg11[%broadcast_in_dim3A_127, %add3A_161] : memref<256x128xf32, #tpu.memory_space<vmem>>[vector<16xi32>, vector<16xi32>], vector<16xf32>,
      %add3A_163 = arith.constant 32 : i32
      %add3A_164 = arith.addi %squeeze3A_131, %add3A_163 : i32
      %add3A_165 = vector.broadcast %add3A_164 : i32 to vector<16xi32>
      %add3A_166 = arith.addi %add3A_165, %iota3A : vector<16xi32>
      %gather3A_167 = tpu.vector_load_idx %arg12[%broadcast_in_dim3A_127, %add3A_166] : memref<256x128xf32, #tpu.memory_space<vmem>>[vector<16xi32>, vector<16xi32>], vector<16xf32>,
      %mul3A_168 = arith.mulf %gather3A_162, %gather3A_167 : vector<16xf32>
      %add3A_169 = arith.addf %add3A_157, %mul3A_168 : vector<16xf32>
      %add3A_170 = arith.constant 48 : i32
      %add3A_171 = arith.addi %squeeze3A_129, %add3A_170 : i32
      %add3A_172 = vector.broadcast %add3A_171 : i32 to vector<16xi32>
      %add3A_173 = arith.addi %add3A_172, %iota3A : vector<16xi32>
      %gather3A_174 = tpu.vector_load_idx %arg11[%broadcast_in_dim3A_127, %add3A_173] : memref<256x128xf32, #tpu.memory_space<vmem>>[vector<16xi32>, vector<16xi32>], vector<16xf32>,
      %add3A_175 = arith.constant 48 : i32
      %add3A_176 = arith.addi %squeeze3A_131, %add3A_175 : i32
      %add3A_177 = vector.broadcast %add3A_176 : i32 to vector<16xi32>
      %add3A_178 = arith.addi %add3A_177, %iota3A : vector<16xi32>
      %gather3A_179 = tpu.vector_load_idx %arg12[%broadcast_in_dim3A_127, %add3A_178] : memref<256x128xf32, #tpu.memory_space<vmem>>[vector<16xi32>, vector<16xi32>], vector<16xf32>,
      %mul3A_180 = arith.mulf %gather3A_174, %gather3A_179 : vector<16xf32>
      %add3A_181 = arith.addf %add3A_169, %mul3A_180 : vector<16xf32>
      %swap3A_182 = arith.constant 16 : index
      %swap3A_183 = tpu.vector_load %arg13[%swap3A_182] {strides = array<i32>} : memref<256xf32, #tpu.memory_space<vmem>>, vector<16xf32>,
      tpu.vector_store %arg13[%swap3A_182], %add3A_181 {strides = array<i32>} : memref<256xf32, #tpu.memory_space<vmem>>, vector<16xf32>,
      %mul3A_184 = arith.constant 16 : i32
      %mul3A_185 = arith.muli %mul3A_184, %scan3A_54 : i32
      %add3A_186 = arith.constant 2 : i32
      %add3A_187 = arith.addi %mul3A_185, %add3A_186 : i32
      %broadcast_in_dim3A_188 = vector.broadcast %add3A_187 : i32 to vector<16xi32>
      %slice3A_189 = vector.extract_strided_slice %get3A_60 {offsets = [2], sizes = [1], strides = [1]} : vector<16xi32> to vector<1xi32>
      %squeeze3A_190 = vector.extract %slice3A_189[0] : i32 from vector<1xi32>
      %slice3A_191 = vector.extract_strided_slice %get3A_66 {offsets = [2], sizes = [1], strides = [1]} : vector<16xi32> to vector<1xi32>
      %squeeze3A_192 = vector.extract %slice3A_191[0] : i32 from vector<1xi32>
      %broadcast_in_dim3A_193 = arith.constant 0.000000e+00 : f32
      %broadcast_in_dim3A_194 = vector.broadcast %broadcast_in_dim3A_193 : f32 to vector<16xf32>
      %add3A_195 = arith.constant 0 : i32
      %add3A_196 = arith.addi %squeeze3A_190, %add3A_195 : i32
      %add3A_197 = vector.broadcast %add3A_196 : i32 to vector<16xi32>
      %add3A_198 = arith.addi %add3A_197, %iota3A : vector<16xi32>
      %gather3A_199 = tpu.vector_load_idx %arg11[%broadcast_in_dim3A_188, %add3A_198] : memref<256x128xf32, #tpu.memory_space<vmem>>[vector<16xi32>, vector<16xi32>], vector<16xf32>,
      %add3A_200 = arith.constant 0 : i32
      %add3A_201 = arith.addi %squeeze3A_192, %add3A_200 : i32
      %add3A_202 = vector.broadcast %add3A_201 : i32 to vector<16xi32>
      %add3A_203 = arith.addi %add3A_202, %iota3A : vector<16xi32>
      %gather3A_204 = tpu.vector_load_idx %arg12[%broadcast_in_dim3A_188, %add3A_203] : memref<256x128xf32, #tpu.memory_space<vmem>>[vector<16xi32>, vector<16xi32>], vector<16xf32>,
      %mul3A_205 = arith.mulf %gather3A_199, %gather3A_204 : vector<16xf32>
      %add3A_206 = arith.addf %broadcast_in_dim3A_194, %mul3A_205 : vector<16xf32>
      %add3A_207 = arith.constant 16 : i32
      %add3A_208 = arith.addi %squeeze3A_190, %add3A_207 : i32
      %add3A_209 = vector.broadcast %add3A_208 : i32 to vector<16xi32>
      %add3A_210 = arith.addi %add3A_209, %iota3A : vector<16xi32>
      %gather3A_211 = tpu.vector_load_idx %arg11[%broadcast_in_dim3A_188, %add3A_210] : memref<256x128xf32, #tpu.memory_space<vmem>>[vector<16xi32>, vector<16xi32>], vector<16xf32>,
      %add3A_212 = arith.constant 16 : i32
      %add3A_213 = arith.addi %squeeze3A_192, %add3A_212 : i32
      %add3A_214 = vector.broadcast %add3A_213 : i32 to vector<16xi32>
      %add3A_215 = arith.addi %add3A_214, %iota3A : vector<16xi32>
      %gather3A_216 = tpu.vector_load_idx %arg12[%broadcast_in_dim3A_188, %add3A_215] : memref<256x128xf32, #tpu.memory_space<vmem>>[vector<16xi32>, vector<16xi32>], vector<16xf32>,
      %mul3A_217 = arith.mulf %gather3A_211, %gather3A_216 : vector<16xf32>
      %add3A_218 = arith.addf %add3A_206, %mul3A_217 : vector<16xf32>
      %add3A_219 = arith.constant 32 : i32
      %add3A_220 = arith.addi %squeeze3A_190, %add3A_219 : i32
      %add3A_221 = vector.broadcast %add3A_220 : i32 to vector<16xi32>
      %add3A_222 = arith.addi %add3A_221, %iota3A : vector<16xi32>
      %gather3A_223 = tpu.vector_load_idx %arg11[%broadcast_in_dim3A_188, %add3A_222] : memref<256x128xf32, #tpu.memory_space<vmem>>[vector<16xi32>, vector<16xi32>], vector<16xf32>,
      %add3A_224 = arith.constant 32 : i32
      %add3A_225 = arith.addi %squeeze3A_192, %add3A_224 : i32
      %add3A_226 = vector.broadcast %add3A_225 : i32 to vector<16xi32>
      %add3A_227 = arith.addi %add3A_226, %iota3A : vector<16xi32>
      %gather3A_228 = tpu.vector_load_idx %arg12[%broadcast_in_dim3A_188, %add3A_227] : memref<256x128xf32, #tpu.memory_space<vmem>>[vector<16xi32>, vector<16xi32>], vector<16xf32>,
      %mul3A_229 = arith.mulf %gather3A_223, %gather3A_228 : vector<16xf32>
      %add3A_230 = arith.addf %add3A_218, %mul3A_229 : vector<16xf32>
      %add3A_231 = arith.constant 48 : i32
      %add3A_232 = arith.addi %squeeze3A_190, %add3A_231 : i32
      %add3A_233 = vector.broadcast %add3A_232 : i32 to vector<16xi32>
      %add3A_234 = arith.addi %add3A_233, %iota3A : vector<16xi32>
      %gather3A_235 = tpu.vector_load_idx %arg11[%broadcast_in_dim3A_188, %add3A_234] : memref<256x128xf32, #tpu.memory_space<vmem>>[vector<16xi32>, vector<16xi32>], vector<16xf32>,
      %add3A_236 = arith.constant 48 : i32
      %add3A_237 = arith.addi %squeeze3A_192, %add3A_236 : i32
      %add3A_238 = vector.broadcast %add3A_237 : i32 to vector<16xi32>
      %add3A_239 = arith.addi %add3A_238, %iota3A : vector<16xi32>
      %gather3A_240 = tpu.vector_load_idx %arg12[%broadcast_in_dim3A_188, %add3A_239] : memref<256x128xf32, #tpu.memory_space<vmem>>[vector<16xi32>, vector<16xi32>], vector<16xf32>,
      %mul3A_241 = arith.mulf %gather3A_235, %gather3A_240 : vector<16xf32>
      %add3A_242 = arith.addf %add3A_230, %mul3A_241 : vector<16xf32>
      %swap3A_243 = arith.constant 32 : index
      %swap3A_244 = tpu.vector_load %arg13[%swap3A_243] {strides = array<i32>} : memref<256xf32, #tpu.memory_space<vmem>>, vector<16xf32>,
      tpu.vector_store %arg13[%swap3A_243], %add3A_242 {strides = array<i32>} : memref<256xf32, #tpu.memory_space<vmem>>, vector<16xf32>,
      %mul3A_245 = arith.constant 16 : i32
      %mul3A_246 = arith.muli %mul3A_245, %scan3A_54 : i32
      %add3A_247 = arith.constant 3 : i32
      %add3A_248 = arith.addi %mul3A_246, %add3A_247 : i32
      %broadcast_in_dim3A_249 = vector.broadcast %add3A_248 : i32 to vector<16xi32>
      %slice3A_250 = vector.extract_strided_slice %get3A_60 {offsets = [3], sizes = [1], strides = [1]} : vector<16xi32> to vector<1xi32>
      %squeeze3A_251 = vector.extract %slice3A_250[0] : i32 from vector<1xi32>
      %slice3A_252 = vector.extract_strided_slice %get3A_66 {offsets = [3], sizes = [1], strides = [1]} : vector<16xi32> to vector<1xi32>
      %squeeze3A_253 = vector.extract %slice3A_252[0] : i32 from vector<1xi32>
      %broadcast_in_dim3A_254 = arith.constant 0.000000e+00 : f32
      %broadcast_in_dim3A_255 = vector.broadcast %broadcast_in_dim3A_254 : f32 to vector<16xf32>
      %add3A_256 = arith.constant 0 : i32
      %add3A_257 = arith.addi %squeeze3A_251, %add3A_256 : i32
      %add3A_258 = vector.broadcast %add3A_257 : i32 to vector<16xi32>
      %add3A_259 = arith.addi %add3A_258, %iota3A : vector<16xi32>
      %gather3A_260 = tpu.vector_load_idx %arg11[%broadcast_in_dim3A_249, %add3A_259] : memref<256x128xf32, #tpu.memory_space<vmem>>[vector<16xi32>, vector<16xi32>], vector<16xf32>,
      %add3A_261 = arith.constant 0 : i32
      %add3A_262 = arith.addi %squeeze3A_253, %add3A_261 : i32
      %add3A_263 = vector.broadcast %add3A_262 : i32 to vector<16xi32>
      %add3A_264 = arith.addi %add3A_263, %iota3A : vector<16xi32>
      %gather3A_265 = tpu.vector_load_idx %arg12[%broadcast_in_dim3A_249, %add3A_264] : memref<256x128xf32, #tpu.memory_space<vmem>>[vector<16xi32>, vector<16xi32>], vector<16xf32>,
      %mul3A_266 = arith.mulf %gather3A_260, %gather3A_265 : vector<16xf32>
      %add3A_267 = arith.addf %broadcast_in_dim3A_255, %mul3A_266 : vector<16xf32>
      %add3A_268 = arith.constant 16 : i32
      %add3A_269 = arith.addi %squeeze3A_251, %add3A_268 : i32
      %add3A_270 = vector.broadcast %add3A_269 : i32 to vector<16xi32>
      %add3A_271 = arith.addi %add3A_270, %iota3A : vector<16xi32>
      %gather3A_272 = tpu.vector_load_idx %arg11[%broadcast_in_dim3A_249, %add3A_271] : memref<256x128xf32, #tpu.memory_space<vmem>>[vector<16xi32>, vector<16xi32>], vector<16xf32>,
      %add3A_273 = arith.constant 16 : i32
      %add3A_274 = arith.addi %squeeze3A_253, %add3A_273 : i32
      %add3A_275 = vector.broadcast %add3A_274 : i32 to vector<16xi32>
      %add3A_276 = arith.addi %add3A_275, %iota3A : vector<16xi32>
      %gather3A_277 = tpu.vector_load_idx %arg12[%broadcast_in_dim3A_249, %add3A_276] : memref<256x128xf32, #tpu.memory_space<vmem>>[vector<16xi32>, vector<16xi32>], vector<16xf32>,
      %mul3A_278 = arith.mulf %gather3A_272, %gather3A_277 : vector<16xf32>
      %add3A_279 = arith.addf %add3A_267, %mul3A_278 : vector<16xf32>
      %add3A_280 = arith.constant 32 : i32
      %add3A_281 = arith.addi %squeeze3A_251, %add3A_280 : i32
      %add3A_282 = vector.broadcast %add3A_281 : i32 to vector<16xi32>
      %add3A_283 = arith.addi %add3A_282, %iota3A : vector<16xi32>
      %gather3A_284 = tpu.vector_load_idx %arg11[%broadcast_in_dim3A_249, %add3A_283] : memref<256x128xf32, #tpu.memory_space<vmem>>[vector<16xi32>, vector<16xi32>], vector<16xf32>,
      %add3A_285 = arith.constant 32 : i32
      %add3A_286 = arith.addi %squeeze3A_253, %add3A_285 : i32
      %add3A_287 = vector.broadcast %add3A_286 : i32 to vector<16xi32>
      %add3A_288 = arith.addi %add3A_287, %iota3A : vector<16xi32>
      %gather3A_289 = tpu.vector_load_idx %arg12[%broadcast_in_dim3A_249, %add3A_288] : memref<256x128xf32, #tpu.memory_space<vmem>>[vector<16xi32>, vector<16xi32>], vector<16xf32>,
      %mul3A_290 = arith.mulf %gather3A_284, %gather3A_289 : vector<16xf32>
      %add3A_291 = arith.addf %add3A_279, %mul3A_290 : vector<16xf32>
      %add3A_292 = arith.constant 48 : i32
      %add3A_293 = arith.addi %squeeze3A_251, %add3A_292 : i32
      %add3A_294 = vector.broadcast %add3A_293 : i32 to vector<16xi32>
      %add3A_295 = arith.addi %add3A_294, %iota3A : vector<16xi32>
      %gather3A_296 = tpu.vector_load_idx %arg11[%broadcast_in_dim3A_249, %add3A_295] : memref<256x128xf32, #tpu.memory_space<vmem>>[vector<16xi32>, vector<16xi32>], vector<16xf32>,
      %add3A_297 = arith.constant 48 : i32
      %add3A_298 = arith.addi %squeeze3A_253, %add3A_297 : i32
      %add3A_299 = vector.broadcast %add3A_298 : i32 to vector<16xi32>
      %add3A_300 = arith.addi %add3A_299, %iota3A : vector<16xi32>
      %gather3A_301 = tpu.vector_load_idx %arg12[%broadcast_in_dim3A_249, %add3A_300] : memref<256x128xf32, #tpu.memory_space<vmem>>[vector<16xi32>, vector<16xi32>], vector<16xf32>,
      %mul3A_302 = arith.mulf %gather3A_296, %gather3A_301 : vector<16xf32>
      %add3A_303 = arith.addf %add3A_291, %mul3A_302 : vector<16xf32>
      %swap3A_304 = arith.constant 48 : index
      %swap3A_305 = tpu.vector_load %arg13[%swap3A_304] {strides = array<i32>} : memref<256xf32, #tpu.memory_space<vmem>>, vector<16xf32>,
      tpu.vector_store %arg13[%swap3A_304], %add3A_303 {strides = array<i32>} : memref<256xf32, #tpu.memory_space<vmem>>, vector<16xf32>,
      %mul3A_306 = arith.constant 16 : i32
      %mul3A_307 = arith.muli %mul3A_306, %scan3A_54 : i32
      %add3A_308 = arith.constant 4 : i32
      %add3A_309 = arith.addi %mul3A_307, %add3A_308 : i32
      %broadcast_in_dim3A_310 = vector.broadcast %add3A_309 : i32 to vector<16xi32>
      %slice3A_311 = vector.extract_strided_slice %get3A_60 {offsets = [4], sizes = [1], strides = [1]} : vector<16xi32> to vector<1xi32>
      %squeeze3A_312 = vector.extract %slice3A_311[0] : i32 from vector<1xi32>
      %slice3A_313 = vector.extract_strided_slice %get3A_66 {offsets = [4], sizes = [1], strides = [1]} : vector<16xi32> to vector<1xi32>
      %squeeze3A_314 = vector.extract %slice3A_313[0] : i32 from vector<1xi32>
      %broadcast_in_dim3A_315 = arith.constant 0.000000e+00 : f32
      %broadcast_in_dim3A_316 = vector.broadcast %broadcast_in_dim3A_315 : f32 to vector<16xf32>
      %add3A_317 = arith.constant 0 : i32
      %add3A_318 = arith.addi %squeeze3A_312, %add3A_317 : i32
      %add3A_319 = vector.broadcast %add3A_318 : i32 to vector<16xi32>
      %add3A_320 = arith.addi %add3A_319, %iota3A : vector<16xi32>
      %gather3A_321 = tpu.vector_load_idx %arg11[%broadcast_in_dim3A_310, %add3A_320] : memref<256x128xf32, #tpu.memory_space<vmem>>[vector<16xi32>, vector<16xi32>], vector<16xf32>,
      %add3A_322 = arith.constant 0 : i32
      %add3A_323 = arith.addi %squeeze3A_314, %add3A_322 : i32
      %add3A_324 = vector.broadcast %add3A_323 : i32 to vector<16xi32>
      %add3A_325 = arith.addi %add3A_324, %iota3A : vector<16xi32>
      %gather3A_326 = tpu.vector_load_idx %arg12[%broadcast_in_dim3A_310, %add3A_325] : memref<256x128xf32, #tpu.memory_space<vmem>>[vector<16xi32>, vector<16xi32>], vector<16xf32>,
      %mul3A_327 = arith.mulf %gather3A_321, %gather3A_326 : vector<16xf32>
      %add3A_328 = arith.addf %broadcast_in_dim3A_316, %mul3A_327 : vector<16xf32>
      %add3A_329 = arith.constant 16 : i32
      %add3A_330 = arith.addi %squeeze3A_312, %add3A_329 : i32
      %add3A_331 = vector.broadcast %add3A_330 : i32 to vector<16xi32>
      %add3A_332 = arith.addi %add3A_331, %iota3A : vector<16xi32>
      %gather3A_333 = tpu.vector_load_idx %arg11[%broadcast_in_dim3A_310, %add3A_332] : memref<256x128xf32, #tpu.memory_space<vmem>>[vector<16xi32>, vector<16xi32>], vector<16xf32>,
      %add3A_334 = arith.constant 16 : i32
      %add3A_335 = arith.addi %squeeze3A_314, %add3A_334 : i32
      %add3A_336 = vector.broadcast %add3A_335 : i32 to vector<16xi32>
      %add3A_337 = arith.addi %add3A_336, %iota3A : vector<16xi32>
      %gather3A_338 = tpu.vector_load_idx %arg12[%broadcast_in_dim3A_310, %add3A_337] : memref<256x128xf32, #tpu.memory_space<vmem>>[vector<16xi32>, vector<16xi32>], vector<16xf32>,
      %mul3A_339 = arith.mulf %gather3A_333, %gather3A_338 : vector<16xf32>
      %add3A_340 = arith.addf %add3A_328, %mul3A_339 : vector<16xf32>
      %add3A_341 = arith.constant 32 : i32
      %add3A_342 = arith.addi %squeeze3A_312, %add3A_341 : i32
      %add3A_343 = vector.broadcast %add3A_342 : i32 to vector<16xi32>
      %add3A_344 = arith.addi %add3A_343, %iota3A : vector<16xi32>
      %gather3A_345 = tpu.vector_load_idx %arg11[%broadcast_in_dim3A_310, %add3A_344] : memref<256x128xf32, #tpu.memory_space<vmem>>[vector<16xi32>, vector<16xi32>], vector<16xf32>,
      %add3A_346 = arith.constant 32 : i32
      %add3A_347 = arith.addi %squeeze3A_314, %add3A_346 : i32
      %add3A_348 = vector.broadcast %add3A_347 : i32 to vector<16xi32>
      %add3A_349 = arith.addi %add3A_348, %iota3A : vector<16xi32>
      %gather3A_350 = tpu.vector_load_idx %arg12[%broadcast_in_dim3A_310, %add3A_349] : memref<256x128xf32, #tpu.memory_space<vmem>>[vector<16xi32>, vector<16xi32>], vector<16xf32>,
      %mul3A_351 = arith.mulf %gather3A_345, %gather3A_350 : vector<16xf32>
      %add3A_352 = arith.addf %add3A_340, %mul3A_351 : vector<16xf32>
      %add3A_353 = arith.constant 48 : i32
      %add3A_354 = arith.addi %squeeze3A_312, %add3A_353 : i32
      %add3A_355 = vector.broadcast %add3A_354 : i32 to vector<16xi32>
      %add3A_356 = arith.addi %add3A_355, %iota3A : vector<16xi32>
      %gather3A_357 = tpu.vector_load_idx %arg11[%broadcast_in_dim3A_310, %add3A_356] : memref<256x128xf32, #tpu.memory_space<vmem>>[vector<16xi32>, vector<16xi32>], vector<16xf32>,
      %add3A_358 = arith.constant 48 : i32
      %add3A_359 = arith.addi %squeeze3A_314, %add3A_358 : i32
      %add3A_360 = vector.broadcast %add3A_359 : i32 to vector<16xi32>
      %add3A_361 = arith.addi %add3A_360, %iota3A : vector<16xi32>
      %gather3A_362 = tpu.vector_load_idx %arg12[%broadcast_in_dim3A_310, %add3A_361] : memref<256x128xf32, #tpu.memory_space<vmem>>[vector<16xi32>, vector<16xi32>], vector<16xf32>,
      %mul3A_363 = arith.mulf %gather3A_357, %gather3A_362 : vector<16xf32>
      %add3A_364 = arith.addf %add3A_352, %mul3A_363 : vector<16xf32>
      %swap3A_365 = arith.constant 64 : index
      %swap3A_366 = tpu.vector_load %arg13[%swap3A_365] {strides = array<i32>} : memref<256xf32, #tpu.memory_space<vmem>>, vector<16xf32>,
      tpu.vector_store %arg13[%swap3A_365], %add3A_364 {strides = array<i32>} : memref<256xf32, #tpu.memory_space<vmem>>, vector<16xf32>,
      %mul3A_367 = arith.constant 16 : i32
      %mul3A_368 = arith.muli %mul3A_367, %scan3A_54 : i32
      %add3A_369 = arith.constant 5 : i32
      %add3A_370 = arith.addi %mul3A_368, %add3A_369 : i32
      %broadcast_in_dim3A_371 = vector.broadcast %add3A_370 : i32 to vector<16xi32>
      %slice3A_372 = vector.extract_strided_slice %get3A_60 {offsets = [5], sizes = [1], strides = [1]} : vector<16xi32> to vector<1xi32>
      %squeeze3A_373 = vector.extract %slice3A_372[0] : i32 from vector<1xi32>
      %slice3A_374 = vector.extract_strided_slice %get3A_66 {offsets = [5], sizes = [1], strides = [1]} : vector<16xi32> to vector<1xi32>
      %squeeze3A_375 = vector.extract %slice3A_374[0] : i32 from vector<1xi32>
      %broadcast_in_dim3A_376 = arith.constant 0.000000e+00 : f32
      %broadcast_in_dim3A_377 = vector.broadcast %broadcast_in_dim3A_376 : f32 to vector<16xf32>
      %add3A_378 = arith.constant 0 : i32
      %add3A_379 = arith.addi %squeeze3A_373, %add3A_378 : i32
      %add3A_380 = vector.broadcast %add3A_379 : i32 to vector<16xi32>
      %add3A_381 = arith.addi %add3A_380, %iota3A : vector<16xi32>
      %gather3A_382 = tpu.vector_load_idx %arg11[%broadcast_in_dim3A_371, %add3A_381] : memref<256x128xf32, #tpu.memory_space<vmem>>[vector<16xi32>, vector<16xi32>], vector<16xf32>,
      %add3A_383 = arith.constant 0 : i32
      %add3A_384 = arith.addi %squeeze3A_375, %add3A_383 : i32
      %add3A_385 = vector.broadcast %add3A_384 : i32 to vector<16xi32>
      %add3A_386 = arith.addi %add3A_385, %iota3A : vector<16xi32>
      %gather3A_387 = tpu.vector_load_idx %arg12[%broadcast_in_dim3A_371, %add3A_386] : memref<256x128xf32, #tpu.memory_space<vmem>>[vector<16xi32>, vector<16xi32>], vector<16xf32>,
      %mul3A_388 = arith.mulf %gather3A_382, %gather3A_387 : vector<16xf32>
      %add3A_389 = arith.addf %broadcast_in_dim3A_377, %mul3A_388 : vector<16xf32>
      %add3A_390 = arith.constant 16 : i32
      %add3A_391 = arith.addi %squeeze3A_373, %add3A_390 : i32
      %add3A_392 = vector.broadcast %add3A_391 : i32 to vector<16xi32>
      %add3A_393 = arith.addi %add3A_392, %iota3A : vector<16xi32>
      %gather3A_394 = tpu.vector_load_idx %arg11[%broadcast_in_dim3A_371, %add3A_393] : memref<256x128xf32, #tpu.memory_space<vmem>>[vector<16xi32>, vector<16xi32>], vector<16xf32>,
      %add3A_395 = arith.constant 16 : i32
      %add3A_396 = arith.addi %squeeze3A_375, %add3A_395 : i32
      %add3A_397 = vector.broadcast %add3A_396 : i32 to vector<16xi32>
      %add3A_398 = arith.addi %add3A_397, %iota3A : vector<16xi32>
      %gather3A_399 = tpu.vector_load_idx %arg12[%broadcast_in_dim3A_371, %add3A_398] : memref<256x128xf32, #tpu.memory_space<vmem>>[vector<16xi32>, vector<16xi32>], vector<16xf32>,
      %mul3A_400 = arith.mulf %gather3A_394, %gather3A_399 : vector<16xf32>
      %add3A_401 = arith.addf %add3A_389, %mul3A_400 : vector<16xf32>
      %add3A_402 = arith.constant 32 : i32
      %add3A_403 = arith.addi %squeeze3A_373, %add3A_402 : i32
      %add3A_404 = vector.broadcast %add3A_403 : i32 to vector<16xi32>
      %add3A_405 = arith.addi %add3A_404, %iota3A : vector<16xi32>
      %gather3A_406 = tpu.vector_load_idx %arg11[%broadcast_in_dim3A_371, %add3A_405] : memref<256x128xf32, #tpu.memory_space<vmem>>[vector<16xi32>, vector<16xi32>], vector<16xf32>,
      %add3A_407 = arith.constant 32 : i32
      %add3A_408 = arith.addi %squeeze3A_375, %add3A_407 : i32
      %add3A_409 = vector.broadcast %add3A_408 : i32 to vector<16xi32>
      %add3A_410 = arith.addi %add3A_409, %iota3A : vector<16xi32>
      %gather3A_411 = tpu.vector_load_idx %arg12[%broadcast_in_dim3A_371, %add3A_410] : memref<256x128xf32, #tpu.memory_space<vmem>>[vector<16xi32>, vector<16xi32>], vector<16xf32>,
      %mul3A_412 = arith.mulf %gather3A_406, %gather3A_411 : vector<16xf32>
      %add3A_413 = arith.addf %add3A_401, %mul3A_412 : vector<16xf32>
      %add3A_414 = arith.constant 48 : i32
      %add3A_415 = arith.addi %squeeze3A_373, %add3A_414 : i32
      %add3A_416 = vector.broadcast %add3A_415 : i32 to vector<16xi32>
      %add3A_417 = arith.addi %add3A_416, %iota3A : vector<16xi32>
      %gather3A_418 = tpu.vector_load_idx %arg11[%broadcast_in_dim3A_371, %add3A_417] : memref<256x128xf32, #tpu.memory_space<vmem>>[vector<16xi32>, vector<16xi32>], vector<16xf32>,
      %add3A_419 = arith.constant 48 : i32
      %add3A_420 = arith.addi %squeeze3A_375, %add3A_419 : i32
      %add3A_421 = vector.broadcast %add3A_420 : i32 to vector<16xi32>
      %add3A_422 = arith.addi %add3A_421, %iota3A : vector<16xi32>
      %gather3A_423 = tpu.vector_load_idx %arg12[%broadcast_in_dim3A_371, %add3A_422] : memref<256x128xf32, #tpu.memory_space<vmem>>[vector<16xi32>, vector<16xi32>], vector<16xf32>,
      %mul3A_424 = arith.mulf %gather3A_418, %gather3A_423 : vector<16xf32>
      %add3A_425 = arith.addf %add3A_413, %mul3A_424 : vector<16xf32>
      %swap3A_426 = arith.constant 80 : index
      %swap3A_427 = tpu.vector_load %arg13[%swap3A_426] {strides = array<i32>} : memref<256xf32, #tpu.memory_space<vmem>>, vector<16xf32>,
      tpu.vector_store %arg13[%swap3A_426], %add3A_425 {strides = array<i32>} : memref<256xf32, #tpu.memory_space<vmem>>, vector<16xf32>,
      %mul3A_428 = arith.constant 16 : i32
      %mul3A_429 = arith.muli %mul3A_428, %scan3A_54 : i32
      %add3A_430 = arith.constant 6 : i32
      %add3A_431 = arith.addi %mul3A_429, %add3A_430 : i32
      %broadcast_in_dim3A_432 = vector.broadcast %add3A_431 : i32 to vector<16xi32>
      %slice3A_433 = vector.extract_strided_slice %get3A_60 {offsets = [6], sizes = [1], strides = [1]} : vector<16xi32> to vector<1xi32>
      %squeeze3A_434 = vector.extract %slice3A_433[0] : i32 from vector<1xi32>
      %slice3A_435 = vector.extract_strided_slice %get3A_66 {offsets = [6], sizes = [1], strides = [1]} : vector<16xi32> to vector<1xi32>
      %squeeze3A_436 = vector.extract %slice3A_435[0] : i32 from vector<1xi32>
      %broadcast_in_dim3A_437 = arith.constant 0.000000e+00 : f32
      %broadcast_in_dim3A_438 = vector.broadcast %broadcast_in_dim3A_437 : f32 to vector<16xf32>
      %add3A_439 = arith.constant 0 : i32
      %add3A_440 = arith.addi %squeeze3A_434, %add3A_439 : i32
      %add3A_441 = vector.broadcast %add3A_440 : i32 to vector<16xi32>
      %add3A_442 = arith.addi %add3A_441, %iota3A : vector<16xi32>
      %gather3A_443 = tpu.vector_load_idx %arg11[%broadcast_in_dim3A_432, %add3A_442] : memref<256x128xf32, #tpu.memory_space<vmem>>[vector<16xi32>, vector<16xi32>], vector<16xf32>,
      %add3A_444 = arith.constant 0 : i32
      %add3A_445 = arith.addi %squeeze3A_436, %add3A_444 : i32
      %add3A_446 = vector.broadcast %add3A_445 : i32 to vector<16xi32>
      %add3A_447 = arith.addi %add3A_446, %iota3A : vector<16xi32>
      %gather3A_448 = tpu.vector_load_idx %arg12[%broadcast_in_dim3A_432, %add3A_447] : memref<256x128xf32, #tpu.memory_space<vmem>>[vector<16xi32>, vector<16xi32>], vector<16xf32>,
      %mul3A_449 = arith.mulf %gather3A_443, %gather3A_448 : vector<16xf32>
      %add3A_450 = arith.addf %broadcast_in_dim3A_438, %mul3A_449 : vector<16xf32>
      %add3A_451 = arith.constant 16 : i32
      %add3A_452 = arith.addi %squeeze3A_434, %add3A_451 : i32
      %add3A_453 = vector.broadcast %add3A_452 : i32 to vector<16xi32>
      %add3A_454 = arith.addi %add3A_453, %iota3A : vector<16xi32>
      %gather3A_455 = tpu.vector_load_idx %arg11[%broadcast_in_dim3A_432, %add3A_454] : memref<256x128xf32, #tpu.memory_space<vmem>>[vector<16xi32>, vector<16xi32>], vector<16xf32>,
      %add3A_456 = arith.constant 16 : i32
      %add3A_457 = arith.addi %squeeze3A_436, %add3A_456 : i32
      %add3A_458 = vector.broadcast %add3A_457 : i32 to vector<16xi32>
      %add3A_459 = arith.addi %add3A_458, %iota3A : vector<16xi32>
      %gather3A_460 = tpu.vector_load_idx %arg12[%broadcast_in_dim3A_432, %add3A_459] : memref<256x128xf32, #tpu.memory_space<vmem>>[vector<16xi32>, vector<16xi32>], vector<16xf32>,
      %mul3A_461 = arith.mulf %gather3A_455, %gather3A_460 : vector<16xf32>
      %add3A_462 = arith.addf %add3A_450, %mul3A_461 : vector<16xf32>
      %add3A_463 = arith.constant 32 : i32
      %add3A_464 = arith.addi %squeeze3A_434, %add3A_463 : i32
      %add3A_465 = vector.broadcast %add3A_464 : i32 to vector<16xi32>
      %add3A_466 = arith.addi %add3A_465, %iota3A : vector<16xi32>
      %gather3A_467 = tpu.vector_load_idx %arg11[%broadcast_in_dim3A_432, %add3A_466] : memref<256x128xf32, #tpu.memory_space<vmem>>[vector<16xi32>, vector<16xi32>], vector<16xf32>,
      %add3A_468 = arith.constant 32 : i32
      %add3A_469 = arith.addi %squeeze3A_436, %add3A_468 : i32
      %add3A_470 = vector.broadcast %add3A_469 : i32 to vector<16xi32>
      %add3A_471 = arith.addi %add3A_470, %iota3A : vector<16xi32>
      %gather3A_472 = tpu.vector_load_idx %arg12[%broadcast_in_dim3A_432, %add3A_471] : memref<256x128xf32, #tpu.memory_space<vmem>>[vector<16xi32>, vector<16xi32>], vector<16xf32>,
      %mul3A_473 = arith.mulf %gather3A_467, %gather3A_472 : vector<16xf32>
      %add3A_474 = arith.addf %add3A_462, %mul3A_473 : vector<16xf32>
      %add3A_475 = arith.constant 48 : i32
      %add3A_476 = arith.addi %squeeze3A_434, %add3A_475 : i32
      %add3A_477 = vector.broadcast %add3A_476 : i32 to vector<16xi32>
      %add3A_478 = arith.addi %add3A_477, %iota3A : vector<16xi32>
      %gather3A_479 = tpu.vector_load_idx %arg11[%broadcast_in_dim3A_432, %add3A_478] : memref<256x128xf32, #tpu.memory_space<vmem>>[vector<16xi32>, vector<16xi32>], vector<16xf32>,
      %add3A_480 = arith.constant 48 : i32
      %add3A_481 = arith.addi %squeeze3A_436, %add3A_480 : i32
      %add3A_482 = vector.broadcast %add3A_481 : i32 to vector<16xi32>
      %add3A_483 = arith.addi %add3A_482, %iota3A : vector<16xi32>
      %gather3A_484 = tpu.vector_load_idx %arg12[%broadcast_in_dim3A_432, %add3A_483] : memref<256x128xf32, #tpu.memory_space<vmem>>[vector<16xi32>, vector<16xi32>], vector<16xf32>,
      %mul3A_485 = arith.mulf %gather3A_479, %gather3A_484 : vector<16xf32>
      %add3A_486 = arith.addf %add3A_474, %mul3A_485 : vector<16xf32>
      %swap3A_487 = arith.constant 96 : index
      %swap3A_488 = tpu.vector_load %arg13[%swap3A_487] {strides = array<i32>} : memref<256xf32, #tpu.memory_space<vmem>>, vector<16xf32>,
      tpu.vector_store %arg13[%swap3A_487], %add3A_486 {strides = array<i32>} : memref<256xf32, #tpu.memory_space<vmem>>, vector<16xf32>,
      %mul3A_489 = arith.constant 16 : i32
      %mul3A_490 = arith.muli %mul3A_489, %scan3A_54 : i32
      %add3A_491 = arith.constant 7 : i32
      %add3A_492 = arith.addi %mul3A_490, %add3A_491 : i32
      %broadcast_in_dim3A_493 = vector.broadcast %add3A_492 : i32 to vector<16xi32>
      %slice3A_494 = vector.extract_strided_slice %get3A_60 {offsets = [7], sizes = [1], strides = [1]} : vector<16xi32> to vector<1xi32>
      %squeeze3A_495 = vector.extract %slice3A_494[0] : i32 from vector<1xi32>
      %slice3A_496 = vector.extract_strided_slice %get3A_66 {offsets = [7], sizes = [1], strides = [1]} : vector<16xi32> to vector<1xi32>
      %squeeze3A_497 = vector.extract %slice3A_496[0] : i32 from vector<1xi32>
      %broadcast_in_dim3A_498 = arith.constant 0.000000e+00 : f32
      %broadcast_in_dim3A_499 = vector.broadcast %broadcast_in_dim3A_498 : f32 to vector<16xf32>
      %add3A_500 = arith.constant 0 : i32
      %add3A_501 = arith.addi %squeeze3A_495, %add3A_500 : i32
      %add3A_502 = vector.broadcast %add3A_501 : i32 to vector<16xi32>
      %add3A_503 = arith.addi %add3A_502, %iota3A : vector<16xi32>
      %gather3A_504 = tpu.vector_load_idx %arg11[%broadcast_in_dim3A_493, %add3A_503] : memref<256x128xf32, #tpu.memory_space<vmem>>[vector<16xi32>, vector<16xi32>], vector<16xf32>,
      %add3A_505 = arith.constant 0 : i32
      %add3A_506 = arith.addi %squeeze3A_497, %add3A_505 : i32
      %add3A_507 = vector.broadcast %add3A_506 : i32 to vector<16xi32>
      %add3A_508 = arith.addi %add3A_507, %iota3A : vector<16xi32>
      %gather3A_509 = tpu.vector_load_idx %arg12[%broadcast_in_dim3A_493, %add3A_508] : memref<256x128xf32, #tpu.memory_space<vmem>>[vector<16xi32>, vector<16xi32>], vector<16xf32>,
      %mul3A_510 = arith.mulf %gather3A_504, %gather3A_509 : vector<16xf32>
      %add3A_511 = arith.addf %broadcast_in_dim3A_499, %mul3A_510 : vector<16xf32>
      %add3A_512 = arith.constant 16 : i32
      %add3A_513 = arith.addi %squeeze3A_495, %add3A_512 : i32
      %add3A_514 = vector.broadcast %add3A_513 : i32 to vector<16xi32>
      %add3A_515 = arith.addi %add3A_514, %iota3A : vector<16xi32>
      %gather3A_516 = tpu.vector_load_idx %arg11[%broadcast_in_dim3A_493, %add3A_515] : memref<256x128xf32, #tpu.memory_space<vmem>>[vector<16xi32>, vector<16xi32>], vector<16xf32>,
      %add3A_517 = arith.constant 16 : i32
      %add3A_518 = arith.addi %squeeze3A_497, %add3A_517 : i32
      %add3A_519 = vector.broadcast %add3A_518 : i32 to vector<16xi32>
      %add3A_520 = arith.addi %add3A_519, %iota3A : vector<16xi32>
      %gather3A_521 = tpu.vector_load_idx %arg12[%broadcast_in_dim3A_493, %add3A_520] : memref<256x128xf32, #tpu.memory_space<vmem>>[vector<16xi32>, vector<16xi32>], vector<16xf32>,
      %mul3A_522 = arith.mulf %gather3A_516, %gather3A_521 : vector<16xf32>
      %add3A_523 = arith.addf %add3A_511, %mul3A_522 : vector<16xf32>
      %add3A_524 = arith.constant 32 : i32
      %add3A_525 = arith.addi %squeeze3A_495, %add3A_524 : i32
      %add3A_526 = vector.broadcast %add3A_525 : i32 to vector<16xi32>
      %add3A_527 = arith.addi %add3A_526, %iota3A : vector<16xi32>
      %gather3A_528 = tpu.vector_load_idx %arg11[%broadcast_in_dim3A_493, %add3A_527] : memref<256x128xf32, #tpu.memory_space<vmem>>[vector<16xi32>, vector<16xi32>], vector<16xf32>,
      %add3A_529 = arith.constant 32 : i32
      %add3A_530 = arith.addi %squeeze3A_497, %add3A_529 : i32
      %add3A_531 = vector.broadcast %add3A_530 : i32 to vector<16xi32>
      %add3A_532 = arith.addi %add3A_531, %iota3A : vector<16xi32>
      %gather3A_533 = tpu.vector_load_idx %arg12[%broadcast_in_dim3A_493, %add3A_532] : memref<256x128xf32, #tpu.memory_space<vmem>>[vector<16xi32>, vector<16xi32>], vector<16xf32>,
      %mul3A_534 = arith.mulf %gather3A_528, %gather3A_533 : vector<16xf32>
      %add3A_535 = arith.addf %add3A_523, %mul3A_534 : vector<16xf32>
      %add3A_536 = arith.constant 48 : i32
      %add3A_537 = arith.addi %squeeze3A_495, %add3A_536 : i32
      %add3A_538 = vector.broadcast %add3A_537 : i32 to vector<16xi32>
      %add3A_539 = arith.addi %add3A_538, %iota3A : vector<16xi32>
      %gather3A_540 = tpu.vector_load_idx %arg11[%broadcast_in_dim3A_493, %add3A_539] : memref<256x128xf32, #tpu.memory_space<vmem>>[vector<16xi32>, vector<16xi32>], vector<16xf32>,
      %add3A_541 = arith.constant 48 : i32
      %add3A_542 = arith.addi %squeeze3A_497, %add3A_541 : i32
      %add3A_543 = vector.broadcast %add3A_542 : i32 to vector<16xi32>
      %add3A_544 = arith.addi %add3A_543, %iota3A : vector<16xi32>
      %gather3A_545 = tpu.vector_load_idx %arg12[%broadcast_in_dim3A_493, %add3A_544] : memref<256x128xf32, #tpu.memory_space<vmem>>[vector<16xi32>, vector<16xi32>], vector<16xf32>,
      %mul3A_546 = arith.mulf %gather3A_540, %gather3A_545 : vector<16xf32>
      %add3A_547 = arith.addf %add3A_535, %mul3A_546 : vector<16xf32>
      %swap3A_548 = arith.constant 112 : index
      %swap3A_549 = tpu.vector_load %arg13[%swap3A_548] {strides = array<i32>} : memref<256xf32, #tpu.memory_space<vmem>>, vector<16xf32>,
      tpu.vector_store %arg13[%swap3A_548], %add3A_547 {strides = array<i32>} : memref<256xf32, #tpu.memory_space<vmem>>, vector<16xf32>,
      %mul3A_550 = arith.constant 16 : i32
      %mul3A_551 = arith.muli %mul3A_550, %scan3A_54 : i32
      %add3A_552 = arith.constant 8 : i32
      %add3A_553 = arith.addi %mul3A_551, %add3A_552 : i32
      %broadcast_in_dim3A_554 = vector.broadcast %add3A_553 : i32 to vector<16xi32>
      %slice3A_555 = vector.extract_strided_slice %get3A_60 {offsets = [8], sizes = [1], strides = [1]} : vector<16xi32> to vector<1xi32>
      %squeeze3A_556 = vector.extract %slice3A_555[0] : i32 from vector<1xi32>
      %slice3A_557 = vector.extract_strided_slice %get3A_66 {offsets = [8], sizes = [1], strides = [1]} : vector<16xi32> to vector<1xi32>
      %squeeze3A_558 = vector.extract %slice3A_557[0] : i32 from vector<1xi32>
      %broadcast_in_dim3A_559 = arith.constant 0.000000e+00 : f32
      %broadcast_in_dim3A_560 = vector.broadcast %broadcast_in_dim3A_559 : f32 to vector<16xf32>
      %add3A_561 = arith.constant 0 : i32
      %add3A_562 = arith.addi %squeeze3A_556, %add3A_561 : i32
      %add3A_563 = vector.broadcast %add3A_562 : i32 to vector<16xi32>
      %add3A_564 = arith.addi %add3A_563, %iota3A : vector<16xi32>
      %gather3A_565 = tpu.vector_load_idx %arg11[%broadcast_in_dim3A_554, %add3A_564] : memref<256x128xf32, #tpu.memory_space<vmem>>[vector<16xi32>, vector<16xi32>], vector<16xf32>,
      %add3A_566 = arith.constant 0 : i32
      %add3A_567 = arith.addi %squeeze3A_558, %add3A_566 : i32
      %add3A_568 = vector.broadcast %add3A_567 : i32 to vector<16xi32>
      %add3A_569 = arith.addi %add3A_568, %iota3A : vector<16xi32>
      %gather3A_570 = tpu.vector_load_idx %arg12[%broadcast_in_dim3A_554, %add3A_569] : memref<256x128xf32, #tpu.memory_space<vmem>>[vector<16xi32>, vector<16xi32>], vector<16xf32>,
      %mul3A_571 = arith.mulf %gather3A_565, %gather3A_570 : vector<16xf32>
      %add3A_572 = arith.addf %broadcast_in_dim3A_560, %mul3A_571 : vector<16xf32>
      %add3A_573 = arith.constant 16 : i32
      %add3A_574 = arith.addi %squeeze3A_556, %add3A_573 : i32
      %add3A_575 = vector.broadcast %add3A_574 : i32 to vector<16xi32>
      %add3A_576 = arith.addi %add3A_575, %iota3A : vector<16xi32>
      %gather3A_577 = tpu.vector_load_idx %arg11[%broadcast_in_dim3A_554, %add3A_576] : memref<256x128xf32, #tpu.memory_space<vmem>>[vector<16xi32>, vector<16xi32>], vector<16xf32>,
      %add3A_578 = arith.constant 16 : i32
      %add3A_579 = arith.addi %squeeze3A_558, %add3A_578 : i32
      %add3A_580 = vector.broadcast %add3A_579 : i32 to vector<16xi32>
      %add3A_581 = arith.addi %add3A_580, %iota3A : vector<16xi32>
      %gather3A_582 = tpu.vector_load_idx %arg12[%broadcast_in_dim3A_554, %add3A_581] : memref<256x128xf32, #tpu.memory_space<vmem>>[vector<16xi32>, vector<16xi32>], vector<16xf32>,
      %mul3A_583 = arith.mulf %gather3A_577, %gather3A_582 : vector<16xf32>
      %add3A_584 = arith.addf %add3A_572, %mul3A_583 : vector<16xf32>
      %add3A_585 = arith.constant 32 : i32
      %add3A_586 = arith.addi %squeeze3A_556, %add3A_585 : i32
      %add3A_587 = vector.broadcast %add3A_586 : i32 to vector<16xi32>
      %add3A_588 = arith.addi %add3A_587, %iota3A : vector<16xi32>
      %gather3A_589 = tpu.vector_load_idx %arg11[%broadcast_in_dim3A_554, %add3A_588] : memref<256x128xf32, #tpu.memory_space<vmem>>[vector<16xi32>, vector<16xi32>], vector<16xf32>,
      %add3A_590 = arith.constant 32 : i32
      %add3A_591 = arith.addi %squeeze3A_558, %add3A_590 : i32
      %add3A_592 = vector.broadcast %add3A_591 : i32 to vector<16xi32>
      %add3A_593 = arith.addi %add3A_592, %iota3A : vector<16xi32>
      %gather3A_594 = tpu.vector_load_idx %arg12[%broadcast_in_dim3A_554, %add3A_593] : memref<256x128xf32, #tpu.memory_space<vmem>>[vector<16xi32>, vector<16xi32>], vector<16xf32>,
      %mul3A_595 = arith.mulf %gather3A_589, %gather3A_594 : vector<16xf32>
      %add3A_596 = arith.addf %add3A_584, %mul3A_595 : vector<16xf32>
      %add3A_597 = arith.constant 48 : i32
      %add3A_598 = arith.addi %squeeze3A_556, %add3A_597 : i32
      %add3A_599 = vector.broadcast %add3A_598 : i32 to vector<16xi32>
      %add3A_600 = arith.addi %add3A_599, %iota3A : vector<16xi32>
      %gather3A_601 = tpu.vector_load_idx %arg11[%broadcast_in_dim3A_554, %add3A_600] : memref<256x128xf32, #tpu.memory_space<vmem>>[vector<16xi32>, vector<16xi32>], vector<16xf32>,
      %add3A_602 = arith.constant 48 : i32
      %add3A_603 = arith.addi %squeeze3A_558, %add3A_602 : i32
      %add3A_604 = vector.broadcast %add3A_603 : i32 to vector<16xi32>
      %add3A_605 = arith.addi %add3A_604, %iota3A : vector<16xi32>
      %gather3A_606 = tpu.vector_load_idx %arg12[%broadcast_in_dim3A_554, %add3A_605] : memref<256x128xf32, #tpu.memory_space<vmem>>[vector<16xi32>, vector<16xi32>], vector<16xf32>,
      %mul3A_607 = arith.mulf %gather3A_601, %gather3A_606 : vector<16xf32>
      %add3A_608 = arith.addf %add3A_596, %mul3A_607 : vector<16xf32>
      %swap3A_609 = arith.constant 128 : index
      %swap3A_610 = tpu.vector_load %arg13[%swap3A_609] {strides = array<i32>} : memref<256xf32, #tpu.memory_space<vmem>>, vector<16xf32>,
      tpu.vector_store %arg13[%swap3A_609], %add3A_608 {strides = array<i32>} : memref<256xf32, #tpu.memory_space<vmem>>, vector<16xf32>,
      %mul3A_611 = arith.constant 16 : i32
      %mul3A_612 = arith.muli %mul3A_611, %scan3A_54 : i32
      %add3A_613 = arith.constant 9 : i32
      %add3A_614 = arith.addi %mul3A_612, %add3A_613 : i32
      %broadcast_in_dim3A_615 = vector.broadcast %add3A_614 : i32 to vector<16xi32>
      %slice3A_616 = vector.extract_strided_slice %get3A_60 {offsets = [9], sizes = [1], strides = [1]} : vector<16xi32> to vector<1xi32>
      %squeeze3A_617 = vector.extract %slice3A_616[0] : i32 from vector<1xi32>
      %slice3A_618 = vector.extract_strided_slice %get3A_66 {offsets = [9], sizes = [1], strides = [1]} : vector<16xi32> to vector<1xi32>
      %squeeze3A_619 = vector.extract %slice3A_618[0] : i32 from vector<1xi32>
      %broadcast_in_dim3A_620 = arith.constant 0.000000e+00 : f32
      %broadcast_in_dim3A_621 = vector.broadcast %broadcast_in_dim3A_620 : f32 to vector<16xf32>
      %add3A_622 = arith.constant 0 : i32
      %add3A_623 = arith.addi %squeeze3A_617, %add3A_622 : i32
      %add3A_624 = vector.broadcast %add3A_623 : i32 to vector<16xi32>
      %add3A_625 = arith.addi %add3A_624, %iota3A : vector<16xi32>
      %gather3A_626 = tpu.vector_load_idx %arg11[%broadcast_in_dim3A_615, %add3A_625] : memref<256x128xf32, #tpu.memory_space<vmem>>[vector<16xi32>, vector<16xi32>], vector<16xf32>,
      %add3A_627 = arith.constant 0 : i32
      %add3A_628 = arith.addi %squeeze3A_619, %add3A_627 : i32
      %add3A_629 = vector.broadcast %add3A_628 : i32 to vector<16xi32>
      %add3A_630 = arith.addi %add3A_629, %iota3A : vector<16xi32>
      %gather3A_631 = tpu.vector_load_idx %arg12[%broadcast_in_dim3A_615, %add3A_630] : memref<256x128xf32, #tpu.memory_space<vmem>>[vector<16xi32>, vector<16xi32>], vector<16xf32>,
      %mul3A_632 = arith.mulf %gather3A_626, %gather3A_631 : vector<16xf32>
      %add3A_633 = arith.addf %broadcast_in_dim3A_621, %mul3A_632 : vector<16xf32>
      %add3A_634 = arith.constant 16 : i32
      %add3A_635 = arith.addi %squeeze3A_617, %add3A_634 : i32
      %add3A_636 = vector.broadcast %add3A_635 : i32 to vector<16xi32>
      %add3A_637 = arith.addi %add3A_636, %iota3A : vector<16xi32>
      %gather3A_638 = tpu.vector_load_idx %arg11[%broadcast_in_dim3A_615, %add3A_637] : memref<256x128xf32, #tpu.memory_space<vmem>>[vector<16xi32>, vector<16xi32>], vector<16xf32>,
      %add3A_639 = arith.constant 16 : i32
      %add3A_640 = arith.addi %squeeze3A_619, %add3A_639 : i32
      %add3A_641 = vector.broadcast %add3A_640 : i32 to vector<16xi32>
      %add3A_642 = arith.addi %add3A_641, %iota3A : vector<16xi32>
      %gather3A_643 = tpu.vector_load_idx %arg12[%broadcast_in_dim3A_615, %add3A_642] : memref<256x128xf32, #tpu.memory_space<vmem>>[vector<16xi32>, vector<16xi32>], vector<16xf32>,
      %mul3A_644 = arith.mulf %gather3A_638, %gather3A_643 : vector<16xf32>
      %add3A_645 = arith.addf %add3A_633, %mul3A_644 : vector<16xf32>
      %add3A_646 = arith.constant 32 : i32
      %add3A_647 = arith.addi %squeeze3A_617, %add3A_646 : i32
      %add3A_648 = vector.broadcast %add3A_647 : i32 to vector<16xi32>
      %add3A_649 = arith.addi %add3A_648, %iota3A : vector<16xi32>
      %gather3A_650 = tpu.vector_load_idx %arg11[%broadcast_in_dim3A_615, %add3A_649] : memref<256x128xf32, #tpu.memory_space<vmem>>[vector<16xi32>, vector<16xi32>], vector<16xf32>,
      %add3A_651 = arith.constant 32 : i32
      %add3A_652 = arith.addi %squeeze3A_619, %add3A_651 : i32
      %add3A_653 = vector.broadcast %add3A_652 : i32 to vector<16xi32>
      %add3A_654 = arith.addi %add3A_653, %iota3A : vector<16xi32>
      %gather3A_655 = tpu.vector_load_idx %arg12[%broadcast_in_dim3A_615, %add3A_654] : memref<256x128xf32, #tpu.memory_space<vmem>>[vector<16xi32>, vector<16xi32>], vector<16xf32>,
      %mul3A_656 = arith.mulf %gather3A_650, %gather3A_655 : vector<16xf32>
      %add3A_657 = arith.addf %add3A_645, %mul3A_656 : vector<16xf32>
      %add3A_658 = arith.constant 48 : i32
      %add3A_659 = arith.addi %squeeze3A_617, %add3A_658 : i32
      %add3A_660 = vector.broadcast %add3A_659 : i32 to vector<16xi32>
      %add3A_661 = arith.addi %add3A_660, %iota3A : vector<16xi32>
      %gather3A_662 = tpu.vector_load_idx %arg11[%broadcast_in_dim3A_615, %add3A_661] : memref<256x128xf32, #tpu.memory_space<vmem>>[vector<16xi32>, vector<16xi32>], vector<16xf32>,
      %add3A_663 = arith.constant 48 : i32
      %add3A_664 = arith.addi %squeeze3A_619, %add3A_663 : i32
      %add3A_665 = vector.broadcast %add3A_664 : i32 to vector<16xi32>
      %add3A_666 = arith.addi %add3A_665, %iota3A : vector<16xi32>
      %gather3A_667 = tpu.vector_load_idx %arg12[%broadcast_in_dim3A_615, %add3A_666] : memref<256x128xf32, #tpu.memory_space<vmem>>[vector<16xi32>, vector<16xi32>], vector<16xf32>,
      %mul3A_668 = arith.mulf %gather3A_662, %gather3A_667 : vector<16xf32>
      %add3A_669 = arith.addf %add3A_657, %mul3A_668 : vector<16xf32>
      %swap3A_670 = arith.constant 144 : index
      %swap3A_671 = tpu.vector_load %arg13[%swap3A_670] {strides = array<i32>} : memref<256xf32, #tpu.memory_space<vmem>>, vector<16xf32>,
      tpu.vector_store %arg13[%swap3A_670], %add3A_669 {strides = array<i32>} : memref<256xf32, #tpu.memory_space<vmem>>, vector<16xf32>,
      %mul3A_672 = arith.constant 16 : i32
      %mul3A_673 = arith.muli %mul3A_672, %scan3A_54 : i32
      %add3A_674 = arith.constant 10 : i32
      %add3A_675 = arith.addi %mul3A_673, %add3A_674 : i32
      %broadcast_in_dim3A_676 = vector.broadcast %add3A_675 : i32 to vector<16xi32>
      %slice3A_677 = vector.extract_strided_slice %get3A_60 {offsets = [10], sizes = [1], strides = [1]} : vector<16xi32> to vector<1xi32>
      %squeeze3A_678 = vector.extract %slice3A_677[0] : i32 from vector<1xi32>
      %slice3A_679 = vector.extract_strided_slice %get3A_66 {offsets = [10], sizes = [1], strides = [1]} : vector<16xi32> to vector<1xi32>
      %squeeze3A_680 = vector.extract %slice3A_679[0] : i32 from vector<1xi32>
      %broadcast_in_dim3A_681 = arith.constant 0.000000e+00 : f32
      %broadcast_in_dim3A_682 = vector.broadcast %broadcast_in_dim3A_681 : f32 to vector<16xf32>
      %add3A_683 = arith.constant 0 : i32
      %add3A_684 = arith.addi %squeeze3A_678, %add3A_683 : i32
      %add3A_685 = vector.broadcast %add3A_684 : i32 to vector<16xi32>
      %add3A_686 = arith.addi %add3A_685, %iota3A : vector<16xi32>
      %gather3A_687 = tpu.vector_load_idx %arg11[%broadcast_in_dim3A_676, %add3A_686] : memref<256x128xf32, #tpu.memory_space<vmem>>[vector<16xi32>, vector<16xi32>], vector<16xf32>,
      %add3A_688 = arith.constant 0 : i32
      %add3A_689 = arith.addi %squeeze3A_680, %add3A_688 : i32
      %add3A_690 = vector.broadcast %add3A_689 : i32 to vector<16xi32>
      %add3A_691 = arith.addi %add3A_690, %iota3A : vector<16xi32>
      %gather3A_692 = tpu.vector_load_idx %arg12[%broadcast_in_dim3A_676, %add3A_691] : memref<256x128xf32, #tpu.memory_space<vmem>>[vector<16xi32>, vector<16xi32>], vector<16xf32>,
      %mul3A_693 = arith.mulf %gather3A_687, %gather3A_692 : vector<16xf32>
      %add3A_694 = arith.addf %broadcast_in_dim3A_682, %mul3A_693 : vector<16xf32>
      %add3A_695 = arith.constant 16 : i32
      %add3A_696 = arith.addi %squeeze3A_678, %add3A_695 : i32
      %add3A_697 = vector.broadcast %add3A_696 : i32 to vector<16xi32>
      %add3A_698 = arith.addi %add3A_697, %iota3A : vector<16xi32>
      %gather3A_699 = tpu.vector_load_idx %arg11[%broadcast_in_dim3A_676, %add3A_698] : memref<256x128xf32, #tpu.memory_space<vmem>>[vector<16xi32>, vector<16xi32>], vector<16xf32>,
      %add3A_700 = arith.constant 16 : i32
      %add3A_701 = arith.addi %squeeze3A_680, %add3A_700 : i32
      %add3A_702 = vector.broadcast %add3A_701 : i32 to vector<16xi32>
      %add3A_703 = arith.addi %add3A_702, %iota3A : vector<16xi32>
      %gather3A_704 = tpu.vector_load_idx %arg12[%broadcast_in_dim3A_676, %add3A_703] : memref<256x128xf32, #tpu.memory_space<vmem>>[vector<16xi32>, vector<16xi32>], vector<16xf32>,
      %mul3A_705 = arith.mulf %gather3A_699, %gather3A_704 : vector<16xf32>
      %add3A_706 = arith.addf %add3A_694, %mul3A_705 : vector<16xf32>
      %add3A_707 = arith.constant 32 : i32
      %add3A_708 = arith.addi %squeeze3A_678, %add3A_707 : i32
      %add3A_709 = vector.broadcast %add3A_708 : i32 to vector<16xi32>
      %add3A_710 = arith.addi %add3A_709, %iota3A : vector<16xi32>
      %gather3A_711 = tpu.vector_load_idx %arg11[%broadcast_in_dim3A_676, %add3A_710] : memref<256x128xf32, #tpu.memory_space<vmem>>[vector<16xi32>, vector<16xi32>], vector<16xf32>,
      %add3A_712 = arith.constant 32 : i32
      %add3A_713 = arith.addi %squeeze3A_680, %add3A_712 : i32
      %add3A_714 = vector.broadcast %add3A_713 : i32 to vector<16xi32>
      %add3A_715 = arith.addi %add3A_714, %iota3A : vector<16xi32>
      %gather3A_716 = tpu.vector_load_idx %arg12[%broadcast_in_dim3A_676, %add3A_715] : memref<256x128xf32, #tpu.memory_space<vmem>>[vector<16xi32>, vector<16xi32>], vector<16xf32>,
      %mul3A_717 = arith.mulf %gather3A_711, %gather3A_716 : vector<16xf32>
      %add3A_718 = arith.addf %add3A_706, %mul3A_717 : vector<16xf32>
      %add3A_719 = arith.constant 48 : i32
      %add3A_720 = arith.addi %squeeze3A_678, %add3A_719 : i32
      %add3A_721 = vector.broadcast %add3A_720 : i32 to vector<16xi32>
      %add3A_722 = arith.addi %add3A_721, %iota3A : vector<16xi32>
      %gather3A_723 = tpu.vector_load_idx %arg11[%broadcast_in_dim3A_676, %add3A_722] : memref<256x128xf32, #tpu.memory_space<vmem>>[vector<16xi32>, vector<16xi32>], vector<16xf32>,
      %add3A_724 = arith.constant 48 : i32
      %add3A_725 = arith.addi %squeeze3A_680, %add3A_724 : i32
      %add3A_726 = vector.broadcast %add3A_725 : i32 to vector<16xi32>
      %add3A_727 = arith.addi %add3A_726, %iota3A : vector<16xi32>
      %gather3A_728 = tpu.vector_load_idx %arg12[%broadcast_in_dim3A_676, %add3A_727] : memref<256x128xf32, #tpu.memory_space<vmem>>[vector<16xi32>, vector<16xi32>], vector<16xf32>,
      %mul3A_729 = arith.mulf %gather3A_723, %gather3A_728 : vector<16xf32>
      %add3A_730 = arith.addf %add3A_718, %mul3A_729 : vector<16xf32>
      %swap3A_731 = arith.constant 160 : index
      %swap3A_732 = tpu.vector_load %arg13[%swap3A_731] {strides = array<i32>} : memref<256xf32, #tpu.memory_space<vmem>>, vector<16xf32>,
      tpu.vector_store %arg13[%swap3A_731], %add3A_730 {strides = array<i32>} : memref<256xf32, #tpu.memory_space<vmem>>, vector<16xf32>,
      %mul3A_733 = arith.constant 16 : i32
      %mul3A_734 = arith.muli %mul3A_733, %scan3A_54 : i32
      %add3A_735 = arith.constant 11 : i32
      %add3A_736 = arith.addi %mul3A_734, %add3A_735 : i32
      %broadcast_in_dim3A_737 = vector.broadcast %add3A_736 : i32 to vector<16xi32>
      %slice3A_738 = vector.extract_strided_slice %get3A_60 {offsets = [11], sizes = [1], strides = [1]} : vector<16xi32> to vector<1xi32>
      %squeeze3A_739 = vector.extract %slice3A_738[0] : i32 from vector<1xi32>
      %slice3A_740 = vector.extract_strided_slice %get3A_66 {offsets = [11], sizes = [1], strides = [1]} : vector<16xi32> to vector<1xi32>
      %squeeze3A_741 = vector.extract %slice3A_740[0] : i32 from vector<1xi32>
      %broadcast_in_dim3A_742 = arith.constant 0.000000e+00 : f32
      %broadcast_in_dim3A_743 = vector.broadcast %broadcast_in_dim3A_742 : f32 to vector<16xf32>
      %add3A_744 = arith.constant 0 : i32
      %add3A_745 = arith.addi %squeeze3A_739, %add3A_744 : i32
      %add3A_746 = vector.broadcast %add3A_745 : i32 to vector<16xi32>
      %add3A_747 = arith.addi %add3A_746, %iota3A : vector<16xi32>
      %gather3A_748 = tpu.vector_load_idx %arg11[%broadcast_in_dim3A_737, %add3A_747] : memref<256x128xf32, #tpu.memory_space<vmem>>[vector<16xi32>, vector<16xi32>], vector<16xf32>,
      %add3A_749 = arith.constant 0 : i32
      %add3A_750 = arith.addi %squeeze3A_741, %add3A_749 : i32
      %add3A_751 = vector.broadcast %add3A_750 : i32 to vector<16xi32>
      %add3A_752 = arith.addi %add3A_751, %iota3A : vector<16xi32>
      %gather3A_753 = tpu.vector_load_idx %arg12[%broadcast_in_dim3A_737, %add3A_752] : memref<256x128xf32, #tpu.memory_space<vmem>>[vector<16xi32>, vector<16xi32>], vector<16xf32>,
      %mul3A_754 = arith.mulf %gather3A_748, %gather3A_753 : vector<16xf32>
      %add3A_755 = arith.addf %broadcast_in_dim3A_743, %mul3A_754 : vector<16xf32>
      %add3A_756 = arith.constant 16 : i32
      %add3A_757 = arith.addi %squeeze3A_739, %add3A_756 : i32
      %add3A_758 = vector.broadcast %add3A_757 : i32 to vector<16xi32>
      %add3A_759 = arith.addi %add3A_758, %iota3A : vector<16xi32>
      %gather3A_760 = tpu.vector_load_idx %arg11[%broadcast_in_dim3A_737, %add3A_759] : memref<256x128xf32, #tpu.memory_space<vmem>>[vector<16xi32>, vector<16xi32>], vector<16xf32>,
      %add3A_761 = arith.constant 16 : i32
      %add3A_762 = arith.addi %squeeze3A_741, %add3A_761 : i32
      %add3A_763 = vector.broadcast %add3A_762 : i32 to vector<16xi32>
      %add3A_764 = arith.addi %add3A_763, %iota3A : vector<16xi32>
      %gather3A_765 = tpu.vector_load_idx %arg12[%broadcast_in_dim3A_737, %add3A_764] : memref<256x128xf32, #tpu.memory_space<vmem>>[vector<16xi32>, vector<16xi32>], vector<16xf32>,
      %mul3A_766 = arith.mulf %gather3A_760, %gather3A_765 : vector<16xf32>
      %add3A_767 = arith.addf %add3A_755, %mul3A_766 : vector<16xf32>
      %add3A_768 = arith.constant 32 : i32
      %add3A_769 = arith.addi %squeeze3A_739, %add3A_768 : i32
      %add3A_770 = vector.broadcast %add3A_769 : i32 to vector<16xi32>
      %add3A_771 = arith.addi %add3A_770, %iota3A : vector<16xi32>
      %gather3A_772 = tpu.vector_load_idx %arg11[%broadcast_in_dim3A_737, %add3A_771] : memref<256x128xf32, #tpu.memory_space<vmem>>[vector<16xi32>, vector<16xi32>], vector<16xf32>,
      %add3A_773 = arith.constant 32 : i32
      %add3A_774 = arith.addi %squeeze3A_741, %add3A_773 : i32
      %add3A_775 = vector.broadcast %add3A_774 : i32 to vector<16xi32>
      %add3A_776 = arith.addi %add3A_775, %iota3A : vector<16xi32>
      %gather3A_777 = tpu.vector_load_idx %arg12[%broadcast_in_dim3A_737, %add3A_776] : memref<256x128xf32, #tpu.memory_space<vmem>>[vector<16xi32>, vector<16xi32>], vector<16xf32>,
      %mul3A_778 = arith.mulf %gather3A_772, %gather3A_777 : vector<16xf32>
      %add3A_779 = arith.addf %add3A_767, %mul3A_778 : vector<16xf32>
      %add3A_780 = arith.constant 48 : i32
      %add3A_781 = arith.addi %squeeze3A_739, %add3A_780 : i32
      %add3A_782 = vector.broadcast %add3A_781 : i32 to vector<16xi32>
      %add3A_783 = arith.addi %add3A_782, %iota3A : vector<16xi32>
      %gather3A_784 = tpu.vector_load_idx %arg11[%broadcast_in_dim3A_737, %add3A_783] : memref<256x128xf32, #tpu.memory_space<vmem>>[vector<16xi32>, vector<16xi32>], vector<16xf32>,
      %add3A_785 = arith.constant 48 : i32
      %add3A_786 = arith.addi %squeeze3A_741, %add3A_785 : i32
      %add3A_787 = vector.broadcast %add3A_786 : i32 to vector<16xi32>
      %add3A_788 = arith.addi %add3A_787, %iota3A : vector<16xi32>
      %gather3A_789 = tpu.vector_load_idx %arg12[%broadcast_in_dim3A_737, %add3A_788] : memref<256x128xf32, #tpu.memory_space<vmem>>[vector<16xi32>, vector<16xi32>], vector<16xf32>,
      %mul3A_790 = arith.mulf %gather3A_784, %gather3A_789 : vector<16xf32>
      %add3A_791 = arith.addf %add3A_779, %mul3A_790 : vector<16xf32>
      %swap3A_792 = arith.constant 176 : index
      %swap3A_793 = tpu.vector_load %arg13[%swap3A_792] {strides = array<i32>} : memref<256xf32, #tpu.memory_space<vmem>>, vector<16xf32>,
      tpu.vector_store %arg13[%swap3A_792], %add3A_791 {strides = array<i32>} : memref<256xf32, #tpu.memory_space<vmem>>, vector<16xf32>,
      %mul3A_794 = arith.constant 16 : i32
      %mul3A_795 = arith.muli %mul3A_794, %scan3A_54 : i32
      %add3A_796 = arith.constant 12 : i32
      %add3A_797 = arith.addi %mul3A_795, %add3A_796 : i32
      %broadcast_in_dim3A_798 = vector.broadcast %add3A_797 : i32 to vector<16xi32>
      %slice3A_799 = vector.extract_strided_slice %get3A_60 {offsets = [12], sizes = [1], strides = [1]} : vector<16xi32> to vector<1xi32>
      %squeeze3A_800 = vector.extract %slice3A_799[0] : i32 from vector<1xi32>
      %slice3A_801 = vector.extract_strided_slice %get3A_66 {offsets = [12], sizes = [1], strides = [1]} : vector<16xi32> to vector<1xi32>
      %squeeze3A_802 = vector.extract %slice3A_801[0] : i32 from vector<1xi32>
      %broadcast_in_dim3A_803 = arith.constant 0.000000e+00 : f32
      %broadcast_in_dim3A_804 = vector.broadcast %broadcast_in_dim3A_803 : f32 to vector<16xf32>
      %add3A_805 = arith.constant 0 : i32
      %add3A_806 = arith.addi %squeeze3A_800, %add3A_805 : i32
      %add3A_807 = vector.broadcast %add3A_806 : i32 to vector<16xi32>
      %add3A_808 = arith.addi %add3A_807, %iota3A : vector<16xi32>
      %gather3A_809 = tpu.vector_load_idx %arg11[%broadcast_in_dim3A_798, %add3A_808] : memref<256x128xf32, #tpu.memory_space<vmem>>[vector<16xi32>, vector<16xi32>], vector<16xf32>,
      %add3A_810 = arith.constant 0 : i32
      %add3A_811 = arith.addi %squeeze3A_802, %add3A_810 : i32
      %add3A_812 = vector.broadcast %add3A_811 : i32 to vector<16xi32>
      %add3A_813 = arith.addi %add3A_812, %iota3A : vector<16xi32>
      %gather3A_814 = tpu.vector_load_idx %arg12[%broadcast_in_dim3A_798, %add3A_813] : memref<256x128xf32, #tpu.memory_space<vmem>>[vector<16xi32>, vector<16xi32>], vector<16xf32>,
      %mul3A_815 = arith.mulf %gather3A_809, %gather3A_814 : vector<16xf32>
      %add3A_816 = arith.addf %broadcast_in_dim3A_804, %mul3A_815 : vector<16xf32>
      %add3A_817 = arith.constant 16 : i32
      %add3A_818 = arith.addi %squeeze3A_800, %add3A_817 : i32
      %add3A_819 = vector.broadcast %add3A_818 : i32 to vector<16xi32>
      %add3A_820 = arith.addi %add3A_819, %iota3A : vector<16xi32>
      %gather3A_821 = tpu.vector_load_idx %arg11[%broadcast_in_dim3A_798, %add3A_820] : memref<256x128xf32, #tpu.memory_space<vmem>>[vector<16xi32>, vector<16xi32>], vector<16xf32>,
      %add3A_822 = arith.constant 16 : i32
      %add3A_823 = arith.addi %squeeze3A_802, %add3A_822 : i32
      %add3A_824 = vector.broadcast %add3A_823 : i32 to vector<16xi32>
      %add3A_825 = arith.addi %add3A_824, %iota3A : vector<16xi32>
      %gather3A_826 = tpu.vector_load_idx %arg12[%broadcast_in_dim3A_798, %add3A_825] : memref<256x128xf32, #tpu.memory_space<vmem>>[vector<16xi32>, vector<16xi32>], vector<16xf32>,
      %mul3A_827 = arith.mulf %gather3A_821, %gather3A_826 : vector<16xf32>
      %add3A_828 = arith.addf %add3A_816, %mul3A_827 : vector<16xf32>
      %add3A_829 = arith.constant 32 : i32
      %add3A_830 = arith.addi %squeeze3A_800, %add3A_829 : i32
      %add3A_831 = vector.broadcast %add3A_830 : i32 to vector<16xi32>
      %add3A_832 = arith.addi %add3A_831, %iota3A : vector<16xi32>
      %gather3A_833 = tpu.vector_load_idx %arg11[%broadcast_in_dim3A_798, %add3A_832] : memref<256x128xf32, #tpu.memory_space<vmem>>[vector<16xi32>, vector<16xi32>], vector<16xf32>,
      %add3A_834 = arith.constant 32 : i32
      %add3A_835 = arith.addi %squeeze3A_802, %add3A_834 : i32
      %add3A_836 = vector.broadcast %add3A_835 : i32 to vector<16xi32>
      %add3A_837 = arith.addi %add3A_836, %iota3A : vector<16xi32>
      %gather3A_838 = tpu.vector_load_idx %arg12[%broadcast_in_dim3A_798, %add3A_837] : memref<256x128xf32, #tpu.memory_space<vmem>>[vector<16xi32>, vector<16xi32>], vector<16xf32>,
      %mul3A_839 = arith.mulf %gather3A_833, %gather3A_838 : vector<16xf32>
      %add3A_840 = arith.addf %add3A_828, %mul3A_839 : vector<16xf32>
      %add3A_841 = arith.constant 48 : i32
      %add3A_842 = arith.addi %squeeze3A_800, %add3A_841 : i32
      %add3A_843 = vector.broadcast %add3A_842 : i32 to vector<16xi32>
      %add3A_844 = arith.addi %add3A_843, %iota3A : vector<16xi32>
      %gather3A_845 = tpu.vector_load_idx %arg11[%broadcast_in_dim3A_798, %add3A_844] : memref<256x128xf32, #tpu.memory_space<vmem>>[vector<16xi32>, vector<16xi32>], vector<16xf32>,
      %add3A_846 = arith.constant 48 : i32
      %add3A_847 = arith.addi %squeeze3A_802, %add3A_846 : i32
      %add3A_848 = vector.broadcast %add3A_847 : i32 to vector<16xi32>
      %add3A_849 = arith.addi %add3A_848, %iota3A : vector<16xi32>
      %gather3A_850 = tpu.vector_load_idx %arg12[%broadcast_in_dim3A_798, %add3A_849] : memref<256x128xf32, #tpu.memory_space<vmem>>[vector<16xi32>, vector<16xi32>], vector<16xf32>,
      %mul3A_851 = arith.mulf %gather3A_845, %gather3A_850 : vector<16xf32>
      %add3A_852 = arith.addf %add3A_840, %mul3A_851 : vector<16xf32>
      %swap3A_853 = arith.constant 192 : index
      %swap3A_854 = tpu.vector_load %arg13[%swap3A_853] {strides = array<i32>} : memref<256xf32, #tpu.memory_space<vmem>>, vector<16xf32>,
      tpu.vector_store %arg13[%swap3A_853], %add3A_852 {strides = array<i32>} : memref<256xf32, #tpu.memory_space<vmem>>, vector<16xf32>,
      %mul3A_855 = arith.constant 16 : i32
      %mul3A_856 = arith.muli %mul3A_855, %scan3A_54 : i32
      %add3A_857 = arith.constant 13 : i32
      %add3A_858 = arith.addi %mul3A_856, %add3A_857 : i32
      %broadcast_in_dim3A_859 = vector.broadcast %add3A_858 : i32 to vector<16xi32>
      %slice3A_860 = vector.extract_strided_slice %get3A_60 {offsets = [13], sizes = [1], strides = [1]} : vector<16xi32> to vector<1xi32>
      %squeeze3A_861 = vector.extract %slice3A_860[0] : i32 from vector<1xi32>
      %slice3A_862 = vector.extract_strided_slice %get3A_66 {offsets = [13], sizes = [1], strides = [1]} : vector<16xi32> to vector<1xi32>
      %squeeze3A_863 = vector.extract %slice3A_862[0] : i32 from vector<1xi32>
      %broadcast_in_dim3A_864 = arith.constant 0.000000e+00 : f32
      %broadcast_in_dim3A_865 = vector.broadcast %broadcast_in_dim3A_864 : f32 to vector<16xf32>
      %add3A_866 = arith.constant 0 : i32
      %add3A_867 = arith.addi %squeeze3A_861, %add3A_866 : i32
      %add3A_868 = vector.broadcast %add3A_867 : i32 to vector<16xi32>
      %add3A_869 = arith.addi %add3A_868, %iota3A : vector<16xi32>
      %gather3A_870 = tpu.vector_load_idx %arg11[%broadcast_in_dim3A_859, %add3A_869] : memref<256x128xf32, #tpu.memory_space<vmem>>[vector<16xi32>, vector<16xi32>], vector<16xf32>,
      %add3A_871 = arith.constant 0 : i32
      %add3A_872 = arith.addi %squeeze3A_863, %add3A_871 : i32
      %add3A_873 = vector.broadcast %add3A_872 : i32 to vector<16xi32>
      %add3A_874 = arith.addi %add3A_873, %iota3A : vector<16xi32>
      %gather3A_875 = tpu.vector_load_idx %arg12[%broadcast_in_dim3A_859, %add3A_874] : memref<256x128xf32, #tpu.memory_space<vmem>>[vector<16xi32>, vector<16xi32>], vector<16xf32>,
      %mul3A_876 = arith.mulf %gather3A_870, %gather3A_875 : vector<16xf32>
      %add3A_877 = arith.addf %broadcast_in_dim3A_865, %mul3A_876 : vector<16xf32>
      %add3A_878 = arith.constant 16 : i32
      %add3A_879 = arith.addi %squeeze3A_861, %add3A_878 : i32
      %add3A_880 = vector.broadcast %add3A_879 : i32 to vector<16xi32>
      %add3A_881 = arith.addi %add3A_880, %iota3A : vector<16xi32>
      %gather3A_882 = tpu.vector_load_idx %arg11[%broadcast_in_dim3A_859, %add3A_881] : memref<256x128xf32, #tpu.memory_space<vmem>>[vector<16xi32>, vector<16xi32>], vector<16xf32>,
      %add3A_883 = arith.constant 16 : i32
      %add3A_884 = arith.addi %squeeze3A_863, %add3A_883 : i32
      %add3A_885 = vector.broadcast %add3A_884 : i32 to vector<16xi32>
      %add3A_886 = arith.addi %add3A_885, %iota3A : vector<16xi32>
      %gather3A_887 = tpu.vector_load_idx %arg12[%broadcast_in_dim3A_859, %add3A_886] : memref<256x128xf32, #tpu.memory_space<vmem>>[vector<16xi32>, vector<16xi32>], vector<16xf32>,
      %mul3A_888 = arith.mulf %gather3A_882, %gather3A_887 : vector<16xf32>
      %add3A_889 = arith.addf %add3A_877, %mul3A_888 : vector<16xf32>
      %add3A_890 = arith.constant 32 : i32
      %add3A_891 = arith.addi %squeeze3A_861, %add3A_890 : i32
      %add3A_892 = vector.broadcast %add3A_891 : i32 to vector<16xi32>
      %add3A_893 = arith.addi %add3A_892, %iota3A : vector<16xi32>
      %gather3A_894 = tpu.vector_load_idx %arg11[%broadcast_in_dim3A_859, %add3A_893] : memref<256x128xf32, #tpu.memory_space<vmem>>[vector<16xi32>, vector<16xi32>], vector<16xf32>,
      %add3A_895 = arith.constant 32 : i32
      %add3A_896 = arith.addi %squeeze3A_863, %add3A_895 : i32
      %add3A_897 = vector.broadcast %add3A_896 : i32 to vector<16xi32>
      %add3A_898 = arith.addi %add3A_897, %iota3A : vector<16xi32>
      %gather3A_899 = tpu.vector_load_idx %arg12[%broadcast_in_dim3A_859, %add3A_898] : memref<256x128xf32, #tpu.memory_space<vmem>>[vector<16xi32>, vector<16xi32>], vector<16xf32>,
      %mul3A_900 = arith.mulf %gather3A_894, %gather3A_899 : vector<16xf32>
      %add3A_901 = arith.addf %add3A_889, %mul3A_900 : vector<16xf32>
      %add3A_902 = arith.constant 48 : i32
      %add3A_903 = arith.addi %squeeze3A_861, %add3A_902 : i32
      %add3A_904 = vector.broadcast %add3A_903 : i32 to vector<16xi32>
      %add3A_905 = arith.addi %add3A_904, %iota3A : vector<16xi32>
      %gather3A_906 = tpu.vector_load_idx %arg11[%broadcast_in_dim3A_859, %add3A_905] : memref<256x128xf32, #tpu.memory_space<vmem>>[vector<16xi32>, vector<16xi32>], vector<16xf32>,
      %add3A_907 = arith.constant 48 : i32
      %add3A_908 = arith.addi %squeeze3A_863, %add3A_907 : i32
      %add3A_909 = vector.broadcast %add3A_908 : i32 to vector<16xi32>
      %add3A_910 = arith.addi %add3A_909, %iota3A : vector<16xi32>
      %gather3A_911 = tpu.vector_load_idx %arg12[%broadcast_in_dim3A_859, %add3A_910] : memref<256x128xf32, #tpu.memory_space<vmem>>[vector<16xi32>, vector<16xi32>], vector<16xf32>,
      %mul3A_912 = arith.mulf %gather3A_906, %gather3A_911 : vector<16xf32>
      %add3A_913 = arith.addf %add3A_901, %mul3A_912 : vector<16xf32>
      %swap3A_914 = arith.constant 208 : index
      %swap3A_915 = tpu.vector_load %arg13[%swap3A_914] {strides = array<i32>} : memref<256xf32, #tpu.memory_space<vmem>>, vector<16xf32>,
      tpu.vector_store %arg13[%swap3A_914], %add3A_913 {strides = array<i32>} : memref<256xf32, #tpu.memory_space<vmem>>, vector<16xf32>,
      %mul3A_916 = arith.constant 16 : i32
      %mul3A_917 = arith.muli %mul3A_916, %scan3A_54 : i32
      %add3A_918 = arith.constant 14 : i32
      %add3A_919 = arith.addi %mul3A_917, %add3A_918 : i32
      %broadcast_in_dim3A_920 = vector.broadcast %add3A_919 : i32 to vector<16xi32>
      %slice3A_921 = vector.extract_strided_slice %get3A_60 {offsets = [14], sizes = [1], strides = [1]} : vector<16xi32> to vector<1xi32>
      %squeeze3A_922 = vector.extract %slice3A_921[0] : i32 from vector<1xi32>
      %slice3A_923 = vector.extract_strided_slice %get3A_66 {offsets = [14], sizes = [1], strides = [1]} : vector<16xi32> to vector<1xi32>
      %squeeze3A_924 = vector.extract %slice3A_923[0] : i32 from vector<1xi32>
      %broadcast_in_dim3A_925 = arith.constant 0.000000e+00 : f32
      %broadcast_in_dim3A_926 = vector.broadcast %broadcast_in_dim3A_925 : f32 to vector<16xf32>
      %add3A_927 = arith.constant 0 : i32
      %add3A_928 = arith.addi %squeeze3A_922, %add3A_927 : i32
      %add3A_929 = vector.broadcast %add3A_928 : i32 to vector<16xi32>
      %add3A_930 = arith.addi %add3A_929, %iota3A : vector<16xi32>
      %gather3A_931 = tpu.vector_load_idx %arg11[%broadcast_in_dim3A_920, %add3A_930] : memref<256x128xf32, #tpu.memory_space<vmem>>[vector<16xi32>, vector<16xi32>], vector<16xf32>,
      %add3A_932 = arith.constant 0 : i32
      %add3A_933 = arith.addi %squeeze3A_924, %add3A_932 : i32
      %add3A_934 = vector.broadcast %add3A_933 : i32 to vector<16xi32>
      %add3A_935 = arith.addi %add3A_934, %iota3A : vector<16xi32>
      %gather3A_936 = tpu.vector_load_idx %arg12[%broadcast_in_dim3A_920, %add3A_935] : memref<256x128xf32, #tpu.memory_space<vmem>>[vector<16xi32>, vector<16xi32>], vector<16xf32>,
      %mul3A_937 = arith.mulf %gather3A_931, %gather3A_936 : vector<16xf32>
      %add3A_938 = arith.addf %broadcast_in_dim3A_926, %mul3A_937 : vector<16xf32>
      %add3A_939 = arith.constant 16 : i32
      %add3A_940 = arith.addi %squeeze3A_922, %add3A_939 : i32
      %add3A_941 = vector.broadcast %add3A_940 : i32 to vector<16xi32>
      %add3A_942 = arith.addi %add3A_941, %iota3A : vector<16xi32>
      %gather3A_943 = tpu.vector_load_idx %arg11[%broadcast_in_dim3A_920, %add3A_942] : memref<256x128xf32, #tpu.memory_space<vmem>>[vector<16xi32>, vector<16xi32>], vector<16xf32>,
      %add3A_944 = arith.constant 16 : i32
      %add3A_945 = arith.addi %squeeze3A_924, %add3A_944 : i32
      %add3A_946 = vector.broadcast %add3A_945 : i32 to vector<16xi32>
      %add3A_947 = arith.addi %add3A_946, %iota3A : vector<16xi32>
      %gather3A_948 = tpu.vector_load_idx %arg12[%broadcast_in_dim3A_920, %add3A_947] : memref<256x128xf32, #tpu.memory_space<vmem>>[vector<16xi32>, vector<16xi32>], vector<16xf32>,
      %mul3A_949 = arith.mulf %gather3A_943, %gather3A_948 : vector<16xf32>
      %add3A_950 = arith.addf %add3A_938, %mul3A_949 : vector<16xf32>
      %add3A_951 = arith.constant 32 : i32
      %add3A_952 = arith.addi %squeeze3A_922, %add3A_951 : i32
      %add3A_953 = vector.broadcast %add3A_952 : i32 to vector<16xi32>
      %add3A_954 = arith.addi %add3A_953, %iota3A : vector<16xi32>
      %gather3A_955 = tpu.vector_load_idx %arg11[%broadcast_in_dim3A_920, %add3A_954] : memref<256x128xf32, #tpu.memory_space<vmem>>[vector<16xi32>, vector<16xi32>], vector<16xf32>,
      %add3A_956 = arith.constant 32 : i32
      %add3A_957 = arith.addi %squeeze3A_924, %add3A_956 : i32
      %add3A_958 = vector.broadcast %add3A_957 : i32 to vector<16xi32>
      %add3A_959 = arith.addi %add3A_958, %iota3A : vector<16xi32>
      %gather3A_960 = tpu.vector_load_idx %arg12[%broadcast_in_dim3A_920, %add3A_959] : memref<256x128xf32, #tpu.memory_space<vmem>>[vector<16xi32>, vector<16xi32>], vector<16xf32>,
      %mul3A_961 = arith.mulf %gather3A_955, %gather3A_960 : vector<16xf32>
      %add3A_962 = arith.addf %add3A_950, %mul3A_961 : vector<16xf32>
      %add3A_963 = arith.constant 48 : i32
      %add3A_964 = arith.addi %squeeze3A_922, %add3A_963 : i32
      %add3A_965 = vector.broadcast %add3A_964 : i32 to vector<16xi32>
      %add3A_966 = arith.addi %add3A_965, %iota3A : vector<16xi32>
      %gather3A_967 = tpu.vector_load_idx %arg11[%broadcast_in_dim3A_920, %add3A_966] : memref<256x128xf32, #tpu.memory_space<vmem>>[vector<16xi32>, vector<16xi32>], vector<16xf32>,
      %add3A_968 = arith.constant 48 : i32
      %add3A_969 = arith.addi %squeeze3A_924, %add3A_968 : i32
      %add3A_970 = vector.broadcast %add3A_969 : i32 to vector<16xi32>
      %add3A_971 = arith.addi %add3A_970, %iota3A : vector<16xi32>
      %gather3A_972 = tpu.vector_load_idx %arg12[%broadcast_in_dim3A_920, %add3A_971] : memref<256x128xf32, #tpu.memory_space<vmem>>[vector<16xi32>, vector<16xi32>], vector<16xf32>,
      %mul3A_973 = arith.mulf %gather3A_967, %gather3A_972 : vector<16xf32>
      %add3A_974 = arith.addf %add3A_962, %mul3A_973 : vector<16xf32>
      %swap3A_975 = arith.constant 224 : index
      %swap3A_976 = tpu.vector_load %arg13[%swap3A_975] {strides = array<i32>} : memref<256xf32, #tpu.memory_space<vmem>>, vector<16xf32>,
      tpu.vector_store %arg13[%swap3A_975], %add3A_974 {strides = array<i32>} : memref<256xf32, #tpu.memory_space<vmem>>, vector<16xf32>,
      %mul3A_977 = arith.constant 16 : i32
      %mul3A_978 = arith.muli %mul3A_977, %scan3A_54 : i32
      %add3A_979 = arith.constant 15 : i32
      %add3A_980 = arith.addi %mul3A_978, %add3A_979 : i32
      %broadcast_in_dim3A_981 = vector.broadcast %add3A_980 : i32 to vector<16xi32>
      %slice3A_982 = vector.extract_strided_slice %get3A_60 {offsets = [15], sizes = [1], strides = [1]} : vector<16xi32> to vector<1xi32>
      %squeeze3A_983 = vector.extract %slice3A_982[0] : i32 from vector<1xi32>
      %slice3A_984 = vector.extract_strided_slice %get3A_66 {offsets = [15], sizes = [1], strides = [1]} : vector<16xi32> to vector<1xi32>
      %squeeze3A_985 = vector.extract %slice3A_984[0] : i32 from vector<1xi32>
      %broadcast_in_dim3A_986 = arith.constant 0.000000e+00 : f32
      %broadcast_in_dim3A_987 = vector.broadcast %broadcast_in_dim3A_986 : f32 to vector<16xf32>
      %add3A_988 = arith.constant 0 : i32
      %add3A_989 = arith.addi %squeeze3A_983, %add3A_988 : i32
      %add3A_990 = vector.broadcast %add3A_989 : i32 to vector<16xi32>
      %add3A_991 = arith.addi %add3A_990, %iota3A : vector<16xi32>
      %gather3A_992 = tpu.vector_load_idx %arg11[%broadcast_in_dim3A_981, %add3A_991] : memref<256x128xf32, #tpu.memory_space<vmem>>[vector<16xi32>, vector<16xi32>], vector<16xf32>,
      %add3A_993 = arith.constant 0 : i32
      %add3A_994 = arith.addi %squeeze3A_985, %add3A_993 : i32
      %add3A_995 = vector.broadcast %add3A_994 : i32 to vector<16xi32>
      %add3A_996 = arith.addi %add3A_995, %iota3A : vector<16xi32>
      %gather3A_997 = tpu.vector_load_idx %arg12[%broadcast_in_dim3A_981, %add3A_996] : memref<256x128xf32, #tpu.memory_space<vmem>>[vector<16xi32>, vector<16xi32>], vector<16xf32>,
      %mul3A_998 = arith.mulf %gather3A_992, %gather3A_997 : vector<16xf32>
      %add3A_999 = arith.addf %broadcast_in_dim3A_987, %mul3A_998 : vector<16xf32>
      %add3A_1000 = arith.constant 16 : i32
      %add3A_1001 = arith.addi %squeeze3A_983, %add3A_1000 : i32
      %add3A_1002 = vector.broadcast %add3A_1001 : i32 to vector<16xi32>
      %add3A_1003 = arith.addi %add3A_1002, %iota3A : vector<16xi32>
      %gather3A_1004 = tpu.vector_load_idx %arg11[%broadcast_in_dim3A_981, %add3A_1003] : memref<256x128xf32, #tpu.memory_space<vmem>>[vector<16xi32>, vector<16xi32>], vector<16xf32>,
      %add3A_1005 = arith.constant 16 : i32
      %add3A_1006 = arith.addi %squeeze3A_985, %add3A_1005 : i32
      %add3A_1007 = vector.broadcast %add3A_1006 : i32 to vector<16xi32>
      %add3A_1008 = arith.addi %add3A_1007, %iota3A : vector<16xi32>
      %gather3A_1009 = tpu.vector_load_idx %arg12[%broadcast_in_dim3A_981, %add3A_1008] : memref<256x128xf32, #tpu.memory_space<vmem>>[vector<16xi32>, vector<16xi32>], vector<16xf32>,
      %mul3A_1010 = arith.mulf %gather3A_1004, %gather3A_1009 : vector<16xf32>
      %add3A_1011 = arith.addf %add3A_999, %mul3A_1010 : vector<16xf32>
      %add3A_1012 = arith.constant 32 : i32
      %add3A_1013 = arith.addi %squeeze3A_983, %add3A_1012 : i32
      %add3A_1014 = vector.broadcast %add3A_1013 : i32 to vector<16xi32>
      %add3A_1015 = arith.addi %add3A_1014, %iota3A : vector<16xi32>
      %gather3A_1016 = tpu.vector_load_idx %arg11[%broadcast_in_dim3A_981, %add3A_1015] : memref<256x128xf32, #tpu.memory_space<vmem>>[vector<16xi32>, vector<16xi32>], vector<16xf32>,
      %add3A_1017 = arith.constant 32 : i32
      %add3A_1018 = arith.addi %squeeze3A_985, %add3A_1017 : i32
      %add3A_1019 = vector.broadcast %add3A_1018 : i32 to vector<16xi32>
      %add3A_1020 = arith.addi %add3A_1019, %iota3A : vector<16xi32>
      %gather3A_1021 = tpu.vector_load_idx %arg12[%broadcast_in_dim3A_981, %add3A_1020] : memref<256x128xf32, #tpu.memory_space<vmem>>[vector<16xi32>, vector<16xi32>], vector<16xf32>,
      %mul3A_1022 = arith.mulf %gather3A_1016, %gather3A_1021 : vector<16xf32>
      %add3A_1023 = arith.addf %add3A_1011, %mul3A_1022 : vector<16xf32>
      %add3A_1024 = arith.constant 48 : i32
      %add3A_1025 = arith.addi %squeeze3A_983, %add3A_1024 : i32
      %add3A_1026 = vector.broadcast %add3A_1025 : i32 to vector<16xi32>
      %add3A_1027 = arith.addi %add3A_1026, %iota3A : vector<16xi32>
      %gather3A_1028 = tpu.vector_load_idx %arg11[%broadcast_in_dim3A_981, %add3A_1027] : memref<256x128xf32, #tpu.memory_space<vmem>>[vector<16xi32>, vector<16xi32>], vector<16xf32>,
      %add3A_1029 = arith.constant 48 : i32
      %add3A_1030 = arith.addi %squeeze3A_985, %add3A_1029 : i32
      %add3A_1031 = vector.broadcast %add3A_1030 : i32 to vector<16xi32>
      %add3A_1032 = arith.addi %add3A_1031, %iota3A : vector<16xi32>
      %gather3A_1033 = tpu.vector_load_idx %arg12[%broadcast_in_dim3A_981, %add3A_1032] : memref<256x128xf32, #tpu.memory_space<vmem>>[vector<16xi32>, vector<16xi32>], vector<16xf32>,
      %mul3A_1034 = arith.mulf %gather3A_1028, %gather3A_1033 : vector<16xf32>
      %add3A_1035 = arith.addf %add3A_1023, %mul3A_1034 : vector<16xf32>
      %swap3A_1036 = arith.constant 240 : index
      %swap3A_1037 = tpu.vector_load %arg13[%swap3A_1036] {strides = array<i32>} : memref<256xf32, #tpu.memory_space<vmem>>, vector<16xf32>,
      tpu.vector_store %arg13[%swap3A_1036], %add3A_1035 {strides = array<i32>} : memref<256xf32, #tpu.memory_space<vmem>>, vector<16xf32>,
      %broadcast_in_dim3A_1038 = arith.constant 0.000000e+00 : f32
      %broadcast_in_dim3A_1039 = vector.broadcast %broadcast_in_dim3A_1038 : f32 to vector<16xf32>
      %mul3A_1040 = arith.constant 16 : i32
      %mul3A_1041 = vector.broadcast %mul3A_1040 : i32 to vector<16xi32>
      %mul3A_1042 = arith.muli %iota3A, %mul3A_1041 : vector<16xi32>
      %add3A_1043 = arith.constant 0 : i32
      %add3A_1044 = vector.broadcast %add3A_1043 : i32 to vector<16xi32>
      %add3A_1045 = arith.addi %mul3A_1042, %add3A_1044 : vector<16xi32>
      %gather3A_1046 = tpu.vector_load_idx %arg13[%add3A_1045] : memref<256xf32, #tpu.memory_space<vmem>>[vector<16xi32>], vector<16xf32>,
      %add3A_1047 = arith.addf %broadcast_in_dim3A_1039, %gather3A_1046 : vector<16xf32>
      %mul3A_1048 = arith.constant 16 : i32
      %mul3A_1049 = vector.broadcast %mul3A_1048 : i32 to vector<16xi32>
      %mul3A_1050 = arith.muli %iota3A, %mul3A_1049 : vector<16xi32>
      %add3A_1051 = arith.constant 1 : i32
      %add3A_1052 = vector.broadcast %add3A_1051 : i32 to vector<16xi32>
      %add3A_1053 = arith.addi %mul3A_1050, %add3A_1052 : vector<16xi32>
      %gather3A_1054 = tpu.vector_load_idx %arg13[%add3A_1053] : memref<256xf32, #tpu.memory_space<vmem>>[vector<16xi32>], vector<16xf32>,
      %add3A_1055 = arith.addf %add3A_1047, %gather3A_1054 : vector<16xf32>
      %mul3A_1056 = arith.constant 16 : i32
      %mul3A_1057 = vector.broadcast %mul3A_1056 : i32 to vector<16xi32>
      %mul3A_1058 = arith.muli %iota3A, %mul3A_1057 : vector<16xi32>
      %add3A_1059 = arith.constant 2 : i32
      %add3A_1060 = vector.broadcast %add3A_1059 : i32 to vector<16xi32>
      %add3A_1061 = arith.addi %mul3A_1058, %add3A_1060 : vector<16xi32>
      %gather3A_1062 = tpu.vector_load_idx %arg13[%add3A_1061] : memref<256xf32, #tpu.memory_space<vmem>>[vector<16xi32>], vector<16xf32>,
      %add3A_1063 = arith.addf %add3A_1055, %gather3A_1062 : vector<16xf32>
      %mul3A_1064 = arith.constant 16 : i32
      %mul3A_1065 = vector.broadcast %mul3A_1064 : i32 to vector<16xi32>
      %mul3A_1066 = arith.muli %iota3A, %mul3A_1065 : vector<16xi32>
      %add3A_1067 = arith.constant 3 : i32
      %add3A_1068 = vector.broadcast %add3A_1067 : i32 to vector<16xi32>
      %add3A_1069 = arith.addi %mul3A_1066, %add3A_1068 : vector<16xi32>
      %gather3A_1070 = tpu.vector_load_idx %arg13[%add3A_1069] : memref<256xf32, #tpu.memory_space<vmem>>[vector<16xi32>], vector<16xf32>,
      %add3A_1071 = arith.addf %add3A_1063, %gather3A_1070 : vector<16xf32>
      %mul3A_1072 = arith.constant 16 : i32
      %mul3A_1073 = vector.broadcast %mul3A_1072 : i32 to vector<16xi32>
      %mul3A_1074 = arith.muli %iota3A, %mul3A_1073 : vector<16xi32>
      %add3A_1075 = arith.constant 4 : i32
      %add3A_1076 = vector.broadcast %add3A_1075 : i32 to vector<16xi32>
      %add3A_1077 = arith.addi %mul3A_1074, %add3A_1076 : vector<16xi32>
      %gather3A_1078 = tpu.vector_load_idx %arg13[%add3A_1077] : memref<256xf32, #tpu.memory_space<vmem>>[vector<16xi32>], vector<16xf32>,
      %add3A_1079 = arith.addf %add3A_1071, %gather3A_1078 : vector<16xf32>
      %mul3A_1080 = arith.constant 16 : i32
      %mul3A_1081 = vector.broadcast %mul3A_1080 : i32 to vector<16xi32>
      %mul3A_1082 = arith.muli %iota3A, %mul3A_1081 : vector<16xi32>
      %add3A_1083 = arith.constant 5 : i32
      %add3A_1084 = vector.broadcast %add3A_1083 : i32 to vector<16xi32>
      %add3A_1085 = arith.addi %mul3A_1082, %add3A_1084 : vector<16xi32>
      %gather3A_1086 = tpu.vector_load_idx %arg13[%add3A_1085] : memref<256xf32, #tpu.memory_space<vmem>>[vector<16xi32>], vector<16xf32>,
      %add3A_1087 = arith.addf %add3A_1079, %gather3A_1086 : vector<16xf32>
      %mul3A_1088 = arith.constant 16 : i32
      %mul3A_1089 = vector.broadcast %mul3A_1088 : i32 to vector<16xi32>
      %mul3A_1090 = arith.muli %iota3A, %mul3A_1089 : vector<16xi32>
      %add3A_1091 = arith.constant 6 : i32
      %add3A_1092 = vector.broadcast %add3A_1091 : i32 to vector<16xi32>
      %add3A_1093 = arith.addi %mul3A_1090, %add3A_1092 : vector<16xi32>
      %gather3A_1094 = tpu.vector_load_idx %arg13[%add3A_1093] : memref<256xf32, #tpu.memory_space<vmem>>[vector<16xi32>], vector<16xf32>,
      %add3A_1095 = arith.addf %add3A_1087, %gather3A_1094 : vector<16xf32>
      %mul3A_1096 = arith.constant 16 : i32
      %mul3A_1097 = vector.broadcast %mul3A_1096 : i32 to vector<16xi32>
      %mul3A_1098 = arith.muli %iota3A, %mul3A_1097 : vector<16xi32>
      %add3A_1099 = arith.constant 7 : i32
      %add3A_1100 = vector.broadcast %add3A_1099 : i32 to vector<16xi32>
      %add3A_1101 = arith.addi %mul3A_1098, %add3A_1100 : vector<16xi32>
      %gather3A_1102 = tpu.vector_load_idx %arg13[%add3A_1101] : memref<256xf32, #tpu.memory_space<vmem>>[vector<16xi32>], vector<16xf32>,
      %add3A_1103 = arith.addf %add3A_1095, %gather3A_1102 : vector<16xf32>
      %mul3A_1104 = arith.constant 16 : i32
      %mul3A_1105 = vector.broadcast %mul3A_1104 : i32 to vector<16xi32>
      %mul3A_1106 = arith.muli %iota3A, %mul3A_1105 : vector<16xi32>
      %add3A_1107 = arith.constant 8 : i32
      %add3A_1108 = vector.broadcast %add3A_1107 : i32 to vector<16xi32>
      %add3A_1109 = arith.addi %mul3A_1106, %add3A_1108 : vector<16xi32>
      %gather3A_1110 = tpu.vector_load_idx %arg13[%add3A_1109] : memref<256xf32, #tpu.memory_space<vmem>>[vector<16xi32>], vector<16xf32>,
      %add3A_1111 = arith.addf %add3A_1103, %gather3A_1110 : vector<16xf32>
      %mul3A_1112 = arith.constant 16 : i32
      %mul3A_1113 = vector.broadcast %mul3A_1112 : i32 to vector<16xi32>
      %mul3A_1114 = arith.muli %iota3A, %mul3A_1113 : vector<16xi32>
      %add3A_1115 = arith.constant 9 : i32
      %add3A_1116 = vector.broadcast %add3A_1115 : i32 to vector<16xi32>
      %add3A_1117 = arith.addi %mul3A_1114, %add3A_1116 : vector<16xi32>
      %gather3A_1118 = tpu.vector_load_idx %arg13[%add3A_1117] : memref<256xf32, #tpu.memory_space<vmem>>[vector<16xi32>], vector<16xf32>,
      %add3A_1119 = arith.addf %add3A_1111, %gather3A_1118 : vector<16xf32>
      %mul3A_1120 = arith.constant 16 : i32
      %mul3A_1121 = vector.broadcast %mul3A_1120 : i32 to vector<16xi32>
      %mul3A_1122 = arith.muli %iota3A, %mul3A_1121 : vector<16xi32>
      %add3A_1123 = arith.constant 10 : i32
      %add3A_1124 = vector.broadcast %add3A_1123 : i32 to vector<16xi32>
      %add3A_1125 = arith.addi %mul3A_1122, %add3A_1124 : vector<16xi32>
      %gather3A_1126 = tpu.vector_load_idx %arg13[%add3A_1125] : memref<256xf32, #tpu.memory_space<vmem>>[vector<16xi32>], vector<16xf32>,
      %add3A_1127 = arith.addf %add3A_1119, %gather3A_1126 : vector<16xf32>
      %mul3A_1128 = arith.constant 16 : i32
      %mul3A_1129 = vector.broadcast %mul3A_1128 : i32 to vector<16xi32>
      %mul3A_1130 = arith.muli %iota3A, %mul3A_1129 : vector<16xi32>
      %add3A_1131 = arith.constant 11 : i32
      %add3A_1132 = vector.broadcast %add3A_1131 : i32 to vector<16xi32>
      %add3A_1133 = arith.addi %mul3A_1130, %add3A_1132 : vector<16xi32>
      %gather3A_1134 = tpu.vector_load_idx %arg13[%add3A_1133] : memref<256xf32, #tpu.memory_space<vmem>>[vector<16xi32>], vector<16xf32>,
      %add3A_1135 = arith.addf %add3A_1127, %gather3A_1134 : vector<16xf32>
      %mul3A_1136 = arith.constant 16 : i32
      %mul3A_1137 = vector.broadcast %mul3A_1136 : i32 to vector<16xi32>
      %mul3A_1138 = arith.muli %iota3A, %mul3A_1137 : vector<16xi32>
      %add3A_1139 = arith.constant 12 : i32
      %add3A_1140 = vector.broadcast %add3A_1139 : i32 to vector<16xi32>
      %add3A_1141 = arith.addi %mul3A_1138, %add3A_1140 : vector<16xi32>
      %gather3A_1142 = tpu.vector_load_idx %arg13[%add3A_1141] : memref<256xf32, #tpu.memory_space<vmem>>[vector<16xi32>], vector<16xf32>,
      %add3A_1143 = arith.addf %add3A_1135, %gather3A_1142 : vector<16xf32>
      %mul3A_1144 = arith.constant 16 : i32
      %mul3A_1145 = vector.broadcast %mul3A_1144 : i32 to vector<16xi32>
      %mul3A_1146 = arith.muli %iota3A, %mul3A_1145 : vector<16xi32>
      %add3A_1147 = arith.constant 13 : i32
      %add3A_1148 = vector.broadcast %add3A_1147 : i32 to vector<16xi32>
      %add3A_1149 = arith.addi %mul3A_1146, %add3A_1148 : vector<16xi32>
      %gather3A_1150 = tpu.vector_load_idx %arg13[%add3A_1149] : memref<256xf32, #tpu.memory_space<vmem>>[vector<16xi32>], vector<16xf32>,
      %add3A_1151 = arith.addf %add3A_1143, %gather3A_1150 : vector<16xf32>
      %mul3A_1152 = arith.constant 16 : i32
      %mul3A_1153 = vector.broadcast %mul3A_1152 : i32 to vector<16xi32>
      %mul3A_1154 = arith.muli %iota3A, %mul3A_1153 : vector<16xi32>
      %add3A_1155 = arith.constant 14 : i32
      %add3A_1156 = vector.broadcast %add3A_1155 : i32 to vector<16xi32>
      %add3A_1157 = arith.addi %mul3A_1154, %add3A_1156 : vector<16xi32>
      %gather3A_1158 = tpu.vector_load_idx %arg13[%add3A_1157] : memref<256xf32, #tpu.memory_space<vmem>>[vector<16xi32>], vector<16xf32>,
      %add3A_1159 = arith.addf %add3A_1151, %gather3A_1158 : vector<16xf32>
      %mul3A_1160 = arith.constant 16 : i32
      %mul3A_1161 = vector.broadcast %mul3A_1160 : i32 to vector<16xi32>
      %mul3A_1162 = arith.muli %iota3A, %mul3A_1161 : vector<16xi32>
      %add3A_1163 = arith.constant 15 : i32
      %add3A_1164 = vector.broadcast %add3A_1163 : i32 to vector<16xi32>
      %add3A_1165 = arith.addi %mul3A_1162, %add3A_1164 : vector<16xi32>
      %gather3A_1166 = tpu.vector_load_idx %arg13[%add3A_1165] : memref<256xf32, #tpu.memory_space<vmem>>[vector<16xi32>], vector<16xf32>,
      %add3A_1167 = arith.addf %add3A_1159, %gather3A_1166 : vector<16xf32>
      %mul3A_1168 = arith.constant 16 : i32
      %mul3A_1169 = arith.muli %mul3A_1168, %scan3A_54 : i32
      %add3A_1170 = arith.constant 0 : i32
      %add3A_1171 = arith.addi %add3A_1170, %mul3A_1169 : i32
      %swap3A_1172 = arith.index_cast %add3A_1171 : i32 to index
      %swap3A_1173 = tpu.vector_load %arg14[%swap3A_1172] {strides = array<i32>} : memref<512xf32, #tpu.memory_space<vmem>>, vector<16xf32>,
      tpu.vector_store %arg14[%swap3A_1172], %add3A_1167 {strides = array<i32>} : memref<512xf32, #tpu.memory_space<vmem>>, vector<16xf32>,
      %scan3A_1174 = arith.constant 0 : i32
      scf.yield %scan3A_1174 : i32
    }
    %scan3A_27 = arith.constant 16 : i32
    %scan3A_28 = arith.constant 0 : i32
    %scan3A_29 = arith.constant 0 : i32
    %scan3A_30 = arith.constant 16 : i32
    %scan3A_31 = arith.addi %scan3A_29, %scan3A_30 : i32
    %scan3A_32 = arith.constant 1 : i32
    %scan3A_33 = scf.for %scan3A_54 = %scan3A_29 to %scan3A_31 step %scan3A_32 iter_args(%scan3A_55 = %scan3A_28) -> (i32)  : i32 {
      %mul3A_56 = arith.constant 16 : i32
      %mul3A_57 = arith.muli %mul3A_56, %scan3A_54 : i32
      %add3A_58 = arith.constant 256 : i32
      %add3A_59 = arith.addi %add3A_58, %mul3A_57 : i32
      %mul3A_60 = arith.constant 2 : i32
      %mul3A_61 = arith.muli %mul3A_60, %add3A_59 : i32
      %mul3A_62 = arith.constant 2 : i32
      %mul3A_63 = vector.broadcast %mul3A_62 : i32 to vector<16xi32>
      %mul3A_64 = arith.muli %mul3A_63, %iota3A : vector<16xi32>
      %add3A_65 = vector.broadcast %mul3A_61 : i32 to vector<16xi32>
      %add3A_66 = arith.addi %add3A_65, %mul3A_64 : vector<16xi32>
      %gather3A = tpu.vector_load_idx %arg6[%add3A_66] : memref<1024xi32, #tpu.memory_space<vmem>>[vector<16xi32>], vector<16xi32>,
      %add3A_67 = arith.constant 1 : i32
      %add3A_68 = vector.broadcast %add3A_67 : i32 to vector<16xi32>
      %add3A_69 = arith.addi %add3A_66, %add3A_68 : vector<16xi32>
      %gather3A_70 = tpu.vector_load_idx %arg6[%add3A_69] : memref<1024xi32, #tpu.memory_space<vmem>>[vector<16xi32>], vector<16xi32>,
      %jit3A = arith.constant 16384 : i32
      %eq3A = arith.constant 0 : i32
      %eq3A_71 = arith.cmpi eq, %jit3A, %eq3A : i32
      %jit3A_72 = arith.constant 1 : i32
      %select_n3A = arith.select %eq3A_71, %jit3A_72, %jit3A : i32
      %rem3A = vector.broadcast %select_n3A : i32 to vector<16xi32>
      %rem3A_73 = arith.remsi %gather3A, %rem3A : vector<16xi32>
      %ne3A = arith.constant 0 : i32
      %ne3A_74 = vector.broadcast %ne3A : i32 to vector<16xi32>
      %ne3A_75 = arith.cmpi ne, %rem3A_73, %ne3A_74 : vector<16xi32>
      %lt3A = arith.constant 0 : i32
      %lt3A_76 = vector.broadcast %lt3A : i32 to vector<16xi32>
      %lt3A_77 = arith.cmpi slt, %rem3A_73, %lt3A_76 : vector<16xi32>
      %lt3A_78 = arith.constant 0 : i32
      %lt3A_79 = arith.cmpi slt, %select_n3A, %lt3A_78 : i32
      %ne3A_80 = vector.broadcast %lt3A_79 : i1 to vector<16xi1>
      %ne3A_81 = vector.broadcast %ne3A_80 : vector<16xi1> to vector<16xi1>
      %ne3A_82 = arith.xori %lt3A_77, %ne3A_81 : vector<16xi1>
      %and3A = arith.andi %ne3A_82, %ne3A_75 : vector<16xi1>
      %add3A_83 = vector.broadcast %select_n3A : i32 to vector<16xi32>
      %add3A_84 = arith.addi %rem3A_73, %add3A_83 : vector<16xi32>
      %select_n3A_85 = arith.select %and3A, %add3A_84, %rem3A_73 : vector<16xi1>, vector<16xi32>
      %ge3A = arith.constant 8192 : i32
      %ge3A_86 = vector.broadcast %ge3A : i32 to vector<16xi32>
      %ge3A_87 = arith.cmpi sge, %select_n3A_85, %ge3A_86 : vector<16xi32>
      %jit3A_88 = arith.constant 1 : i32
      %jit3A_89 = arith.constant 0 : i32
      %broadcast_in_dim3A = vector.broadcast %jit3A_88 : i32 to vector<16xi32>
      %broadcast_in_dim3A_90 = vector.broadcast %jit3A_89 : i32 to vector<16xi32>
      %select_n3A_91 = arith.select %ge3A_87, %broadcast_in_dim3A, %broadcast_in_dim3A_90 : vector<16xi1>, vector<16xi32>
      %jit3A_92 = arith.constant 16384 : i32
      %div3A = vector.broadcast %jit3A_92 : i32 to vector<16xi32>
      %div3A_93 = arith.divsi %gather3A, %div3A : vector<16xi32>
      %sign3A = arith.constant 0 : i32
      %sign3A_94 = vector.broadcast %sign3A : i32 to vector<16xi32>
      %sign3A_95 = arith.cmpi sgt, %gather3A, %sign3A_94 : vector<16xi32>
      %sign3A_96 = arith.extui %sign3A_95 : vector<16xi1> to vector<16xi32>
      %sign3A_97 = arith.constant 0 : i32
      %sign3A_98 = vector.broadcast %sign3A_97 : i32 to vector<16xi32>
      %sign3A_99 = arith.cmpi slt, %gather3A, %sign3A_98 : vector<16xi32>
      %sign3A_100 = arith.extui %sign3A_99 : vector<16xi1> to vector<16xi32>
      %sign3A_101 = arith.subi %sign3A_96, %sign3A_100 : vector<16xi32>
      %sign3A_102 = arith.constant 0 : i32
      %sign3A_103 = arith.cmpi sgt, %jit3A_92, %sign3A_102 : i32
      %sign3A_104 = arith.extui %sign3A_103 : i1 to i32
      %sign3A_105 = arith.constant 0 : i32
      %sign3A_106 = arith.cmpi slt, %jit3A_92, %sign3A_105 : i32
      %sign3A_107 = arith.extui %sign3A_106 : i1 to i32
      %sign3A_108 = arith.subi %sign3A_104, %sign3A_107 : i32
      %ne3A_109 = vector.broadcast %sign3A_108 : i32 to vector<16xi32>
      %ne3A_110 = arith.cmpi ne, %sign3A_101, %ne3A_109 : vector<16xi32>
      %rem3A_111 = vector.broadcast %jit3A_92 : i32 to vector<16xi32>
      %rem3A_112 = arith.remsi %gather3A, %rem3A_111 : vector<16xi32>
      %ne3A_113 = arith.constant 0 : i32
      %ne3A_114 = vector.broadcast %ne3A_113 : i32 to vector<16xi32>
      %ne3A_115 = arith.cmpi ne, %rem3A_112, %ne3A_114 : vector<16xi32>
      %and3A_116 = arith.andi %ne3A_110, %ne3A_115 : vector<16xi1>
      %sub3A = arith.constant 1 : i32
      %sub3A_117 = vector.broadcast %sub3A : i32 to vector<16xi32>
      %sub3A_118 = arith.subi %div3A_93, %sub3A_117 : vector<16xi32>
      %select_n3A_119 = arith.select %and3A_116, %sub3A_118, %div3A_93 : vector<16xi1>, vector<16xi32>
      %mul3A_120 = arith.constant 8192 : i32
      %mul3A_121 = vector.broadcast %mul3A_120 : i32 to vector<16xi32>
      %mul3A_122 = arith.muli %select_n3A_119, %mul3A_121 : vector<16xi32>
      %add3A_123 = arith.addi %mul3A_122, %select_n3A_85 : vector<16xi32>
      %mul3A_124 = arith.constant 8192 : i32
      %mul3A_125 = vector.broadcast %mul3A_124 : i32 to vector<16xi32>
      %mul3A_126 = arith.muli %select_n3A_91, %mul3A_125 : vector<16xi32>
      %sub3A_127 = arith.subi %add3A_123, %mul3A_126 : vector<16xi32>
      %mul3A_128 = arith.constant 16 : i32
      %mul3A_129 = arith.muli %mul3A_128, %scan3A_54 : i32
      %swap3A = arith.index_cast %mul3A_129 : i32 to index
      %swap3A_130 = tpu.vector_load %arg7[%swap3A] {strides = array<i32>} : memref<256xi32, #tpu.memory_space<vmem>>, vector<16xi32>,
      tpu.vector_store %arg7[%swap3A], %sub3A_127 {strides = array<i32>} : memref<256xi32, #tpu.memory_space<vmem>>, vector<16xi32>,
      %mul3A_131 = arith.constant 64 : i32
      %mul3A_132 = vector.broadcast %mul3A_131 : i32 to vector<16xi32>
      %mul3A_133 = arith.muli %select_n3A_91, %mul3A_132 : vector<16xi32>
      %mul3A_134 = arith.constant 16 : i32
      %mul3A_135 = arith.muli %mul3A_134, %scan3A_54 : i32
      %add3A_136 = arith.constant 256 : i32
      %add3A_137 = arith.addi %add3A_136, %mul3A_135 : i32
      %swap3A_138 = arith.index_cast %add3A_137 : i32 to index
      %swap3A_139 = tpu.vector_load %arg9[%swap3A_138] {strides = array<i32>} : memref<512xi32, #tpu.memory_space<vmem>>, vector<16xi32>,
      tpu.vector_store %arg9[%swap3A_138], %mul3A_133 {strides = array<i32>} : memref<512xi32, #tpu.memory_space<vmem>>, vector<16xi32>,
      %jit3A_140 = arith.constant 16384 : i32
      %eq3A_141 = arith.constant 0 : i32
      %eq3A_142 = arith.cmpi eq, %jit3A_140, %eq3A_141 : i32
      %jit3A_143 = arith.constant 1 : i32
      %select_n3A_144 = arith.select %eq3A_142, %jit3A_143, %jit3A_140 : i32
      %rem3A_145 = vector.broadcast %select_n3A_144 : i32 to vector<16xi32>
      %rem3A_146 = arith.remsi %gather3A_70, %rem3A_145 : vector<16xi32>
      %ne3A_147 = arith.constant 0 : i32
      %ne3A_148 = vector.broadcast %ne3A_147 : i32 to vector<16xi32>
      %ne3A_149 = arith.cmpi ne, %rem3A_146, %ne3A_148 : vector<16xi32>
      %lt3A_150 = arith.constant 0 : i32
      %lt3A_151 = vector.broadcast %lt3A_150 : i32 to vector<16xi32>
      %lt3A_152 = arith.cmpi slt, %rem3A_146, %lt3A_151 : vector<16xi32>
      %lt3A_153 = arith.constant 0 : i32
      %lt3A_154 = arith.cmpi slt, %select_n3A_144, %lt3A_153 : i32
      %ne3A_155 = vector.broadcast %lt3A_154 : i1 to vector<16xi1>
      %ne3A_156 = vector.broadcast %ne3A_155 : vector<16xi1> to vector<16xi1>
      %ne3A_157 = arith.xori %lt3A_152, %ne3A_156 : vector<16xi1>
      %and3A_158 = arith.andi %ne3A_157, %ne3A_149 : vector<16xi1>
      %add3A_159 = vector.broadcast %select_n3A_144 : i32 to vector<16xi32>
      %add3A_160 = arith.addi %rem3A_146, %add3A_159 : vector<16xi32>
      %select_n3A_161 = arith.select %and3A_158, %add3A_160, %rem3A_146 : vector<16xi1>, vector<16xi32>
      %ge3A_162 = arith.constant 8192 : i32
      %ge3A_163 = vector.broadcast %ge3A_162 : i32 to vector<16xi32>
      %ge3A_164 = arith.cmpi sge, %select_n3A_161, %ge3A_163 : vector<16xi32>
      %jit3A_165 = arith.constant 1 : i32
      %jit3A_166 = arith.constant 0 : i32
      %broadcast_in_dim3A_167 = vector.broadcast %jit3A_165 : i32 to vector<16xi32>
      %broadcast_in_dim3A_168 = vector.broadcast %jit3A_166 : i32 to vector<16xi32>
      %select_n3A_169 = arith.select %ge3A_164, %broadcast_in_dim3A_167, %broadcast_in_dim3A_168 : vector<16xi1>, vector<16xi32>
      %jit3A_170 = arith.constant 16384 : i32
      %div3A_171 = vector.broadcast %jit3A_170 : i32 to vector<16xi32>
      %div3A_172 = arith.divsi %gather3A_70, %div3A_171 : vector<16xi32>
      %sign3A_173 = arith.constant 0 : i32
      %sign3A_174 = vector.broadcast %sign3A_173 : i32 to vector<16xi32>
      %sign3A_175 = arith.cmpi sgt, %gather3A_70, %sign3A_174 : vector<16xi32>
      %sign3A_176 = arith.extui %sign3A_175 : vector<16xi1> to vector<16xi32>
      %sign3A_177 = arith.constant 0 : i32
      %sign3A_178 = vector.broadcast %sign3A_177 : i32 to vector<16xi32>
      %sign3A_179 = arith.cmpi slt, %gather3A_70, %sign3A_178 : vector<16xi32>
      %sign3A_180 = arith.extui %sign3A_179 : vector<16xi1> to vector<16xi32>
      %sign3A_181 = arith.subi %sign3A_176, %sign3A_180 : vector<16xi32>
      %sign3A_182 = arith.constant 0 : i32
      %sign3A_183 = arith.cmpi sgt, %jit3A_170, %sign3A_182 : i32
      %sign3A_184 = arith.extui %sign3A_183 : i1 to i32
      %sign3A_185 = arith.constant 0 : i32
      %sign3A_186 = arith.cmpi slt, %jit3A_170, %sign3A_185 : i32
      %sign3A_187 = arith.extui %sign3A_186 : i1 to i32
      %sign3A_188 = arith.subi %sign3A_184, %sign3A_187 : i32
      %ne3A_189 = vector.broadcast %sign3A_188 : i32 to vector<16xi32>
      %ne3A_190 = arith.cmpi ne, %sign3A_181, %ne3A_189 : vector<16xi32>
      %rem3A_191 = vector.broadcast %jit3A_170 : i32 to vector<16xi32>
      %rem3A_192 = arith.remsi %gather3A_70, %rem3A_191 : vector<16xi32>
      %ne3A_193 = arith.constant 0 : i32
      %ne3A_194 = vector.broadcast %ne3A_193 : i32 to vector<16xi32>
      %ne3A_195 = arith.cmpi ne, %rem3A_192, %ne3A_194 : vector<16xi32>
      %and3A_196 = arith.andi %ne3A_190, %ne3A_195 : vector<16xi1>
      %sub3A_197 = arith.constant 1 : i32
      %sub3A_198 = vector.broadcast %sub3A_197 : i32 to vector<16xi32>
      %sub3A_199 = arith.subi %div3A_172, %sub3A_198 : vector<16xi32>
      %select_n3A_200 = arith.select %and3A_196, %sub3A_199, %div3A_172 : vector<16xi1>, vector<16xi32>
      %mul3A_201 = arith.constant 8192 : i32
      %mul3A_202 = vector.broadcast %mul3A_201 : i32 to vector<16xi32>
      %mul3A_203 = arith.muli %select_n3A_200, %mul3A_202 : vector<16xi32>
      %add3A_204 = arith.addi %mul3A_203, %select_n3A_161 : vector<16xi32>
      %mul3A_205 = arith.constant 8192 : i32
      %mul3A_206 = vector.broadcast %mul3A_205 : i32 to vector<16xi32>
      %mul3A_207 = arith.muli %select_n3A_169, %mul3A_206 : vector<16xi32>
      %sub3A_208 = arith.subi %add3A_204, %mul3A_207 : vector<16xi32>
      %mul3A_209 = arith.constant 16 : i32
      %mul3A_210 = arith.muli %mul3A_209, %scan3A_54 : i32
      %swap3A_211 = arith.index_cast %mul3A_210 : i32 to index
      %swap3A_212 = tpu.vector_load %arg8[%swap3A_211] {strides = array<i32>} : memref<256xi32, #tpu.memory_space<vmem>>, vector<16xi32>,
      tpu.vector_store %arg8[%swap3A_211], %sub3A_208 {strides = array<i32>} : memref<256xi32, #tpu.memory_space<vmem>>, vector<16xi32>,
      %mul3A_213 = arith.constant 64 : i32
      %mul3A_214 = vector.broadcast %mul3A_213 : i32 to vector<16xi32>
      %mul3A_215 = arith.muli %select_n3A_169, %mul3A_214 : vector<16xi32>
      %mul3A_216 = arith.constant 16 : i32
      %mul3A_217 = arith.muli %mul3A_216, %scan3A_54 : i32
      %add3A_218 = arith.constant 256 : i32
      %add3A_219 = arith.addi %add3A_218, %mul3A_217 : i32
      %swap3A_220 = arith.index_cast %add3A_219 : i32 to index
      %swap3A_221 = tpu.vector_load %arg10[%swap3A_220] {strides = array<i32>} : memref<512xi32, #tpu.memory_space<vmem>>, vector<16xi32>,
      tpu.vector_store %arg10[%swap3A_220], %mul3A_215 {strides = array<i32>} : memref<512xi32, #tpu.memory_space<vmem>>, vector<16xi32>,
      %scan3A_222 = arith.constant 0 : i32
      scf.yield %scan3A_222 : i32
    }
    %scan3A_34 = arith.constant 16 : i32
    %dma_start3A_35 = arith.constant 0 : i32
    %dma_start3A_36 = arith.constant 0 : i32
    %dma_start3A_37 = tpu.memref_slice %arg3[%dma_start3A_35, %dma_start3A_36] : memref<507904x128xf32, #tpu.memory_space<hbm>> -> memref<507904x128xf32, #tpu.memory_space<hbm>>
    tpu.enqueue_indirect_dma source(%dma_start3A_37 : memref<507904x128xf32, #tpu.memory_space<hbm>>) target(%arg11 : memref<256x128xf32, #tpu.memory_space<vmem>>) offsets(%arg7 : memref<256xi32, #tpu.memory_space<vmem>>) semaphore(%arg15 : memref<!tpu.dma_semaphore, #tpu.memory_space<semaphore_mem>>)
    %dma_start3A_38 = arith.constant 0 : i32
    %dma_start3A_39 = arith.constant 0 : i32
    %dma_start3A_40 = tpu.memref_slice %arg4[%dma_start3A_38, %dma_start3A_39] : memref<507904x128xf32, #tpu.memory_space<hbm>> -> memref<507904x128xf32, #tpu.memory_space<hbm>>
    tpu.enqueue_indirect_dma source(%dma_start3A_40 : memref<507904x128xf32, #tpu.memory_space<hbm>>) target(%arg12 : memref<256x128xf32, #tpu.memory_space<vmem>>) offsets(%arg8 : memref<256xi32, #tpu.memory_space<vmem>>) semaphore(%arg16 : memref<!tpu.dma_semaphore, #tpu.memory_space<semaphore_mem>>)
    %dma_wait3A_41 = arith.constant 0 : i32
    %dma_wait3A_42 = arith.constant 0 : i32
    %dma_wait3A_43 = tpu.memref_slice %arg3[%dma_wait3A_41, %dma_wait3A_42] : memref<507904x128xf32, #tpu.memory_space<hbm>> -> memref<507904x128xf32, #tpu.memory_space<hbm>>
    tpu.wait_indirect_dma semaphore(%arg15 : memref<!tpu.dma_semaphore, #tpu.memory_space<semaphore_mem>>) src(%dma_wait3A_43 : memref<507904x128xf32, #tpu.memory_space<hbm>>) dst(%arg11 : memref<256x128xf32, #tpu.memory_space<vmem>>)
    %dma_wait3A_44 = arith.constant 0 : i32
    %dma_wait3A_45 = arith.constant 0 : i32
    %dma_wait3A_46 = tpu.memref_slice %arg4[%dma_wait3A_44, %dma_wait3A_45] : memref<507904x128xf32, #tpu.memory_space<hbm>> -> memref<507904x128xf32, #tpu.memory_space<hbm>>
    tpu.wait_indirect_dma semaphore(%arg16 : memref<!tpu.dma_semaphore, #tpu.memory_space<semaphore_mem>>) src(%dma_wait3A_46 : memref<507904x128xf32, #tpu.memory_space<hbm>>) dst(%arg12 : memref<256x128xf32, #tpu.memory_space<vmem>>)
    %scan3A_47 = arith.constant 0 : i32
    %scan3A_48 = arith.constant 0 : i32
    %scan3A_49 = arith.constant 16 : i32
    %scan3A_50 = arith.addi %scan3A_48, %scan3A_49 : i32
    %scan3A_51 = arith.constant 1 : i32
    %scan3A_52 = scf.for %scan3A_54 = %scan3A_48 to %scan3A_50 step %scan3A_51 iter_args(%scan3A_55 = %scan3A_47) -> (i32)  : i32 {
      %mul3A_56 = arith.constant 16 : i32
      %mul3A_57 = arith.muli %mul3A_56, %scan3A_54 : i32
      %add3A_58 = arith.constant 256 : i32
      %add3A_59 = arith.addi %add3A_58, %mul3A_57 : i32
      %get3A = arith.index_cast %add3A_59 : i32 to index
      %get3A_60 = tpu.vector_load %arg9[%get3A] {strides = array<i32>} : memref<512xi32, #tpu.memory_space<vmem>>, vector<16xi32>,
      %mul3A_61 = arith.constant 16 : i32
      %mul3A_62 = arith.muli %mul3A_61, %scan3A_54 : i32
      %add3A_63 = arith.constant 256 : i32
      %add3A_64 = arith.addi %add3A_63, %mul3A_62 : i32
      %get3A_65 = arith.index_cast %add3A_64 : i32 to index
      %get3A_66 = tpu.vector_load %arg10[%get3A_65] {strides = array<i32>} : memref<512xi32, #tpu.memory_space<vmem>>, vector<16xi32>,
      %mul3A_67 = arith.constant 16 : i32
      %mul3A_68 = arith.muli %mul3A_67, %scan3A_54 : i32
      %add3A_69 = arith.constant 0 : i32
      %add3A_70 = arith.addi %mul3A_68, %add3A_69 : i32
      %broadcast_in_dim3A = vector.broadcast %add3A_70 : i32 to vector<16xi32>
      %slice3A = vector.extract_strided_slice %get3A_60 {offsets = [0], sizes = [1], strides = [1]} : vector<16xi32> to vector<1xi32>
      %squeeze3A = vector.extract %slice3A[0] : i32 from vector<1xi32>
      %slice3A_71 = vector.extract_strided_slice %get3A_66 {offsets = [0], sizes = [1], strides = [1]} : vector<16xi32> to vector<1xi32>
      %squeeze3A_72 = vector.extract %slice3A_71[0] : i32 from vector<1xi32>
      %broadcast_in_dim3A_73 = arith.constant 0.000000e+00 : f32
      %broadcast_in_dim3A_74 = vector.broadcast %broadcast_in_dim3A_73 : f32 to vector<16xf32>
      %add3A_75 = arith.constant 0 : i32
      %add3A_76 = arith.addi %squeeze3A, %add3A_75 : i32
      %add3A_77 = vector.broadcast %add3A_76 : i32 to vector<16xi32>
      %add3A_78 = arith.addi %add3A_77, %iota3A : vector<16xi32>
      %gather3A = tpu.vector_load_idx %arg11[%broadcast_in_dim3A, %add3A_78] : memref<256x128xf32, #tpu.memory_space<vmem>>[vector<16xi32>, vector<16xi32>], vector<16xf32>,
      %add3A_79 = arith.constant 0 : i32
      %add3A_80 = arith.addi %squeeze3A_72, %add3A_79 : i32
      %add3A_81 = vector.broadcast %add3A_80 : i32 to vector<16xi32>
      %add3A_82 = arith.addi %add3A_81, %iota3A : vector<16xi32>
      %gather3A_83 = tpu.vector_load_idx %arg12[%broadcast_in_dim3A, %add3A_82] : memref<256x128xf32, #tpu.memory_space<vmem>>[vector<16xi32>, vector<16xi32>], vector<16xf32>,
      %mul3A_84 = arith.mulf %gather3A, %gather3A_83 : vector<16xf32>
      %add3A_85 = arith.addf %broadcast_in_dim3A_74, %mul3A_84 : vector<16xf32>
      %add3A_86 = arith.constant 16 : i32
      %add3A_87 = arith.addi %squeeze3A, %add3A_86 : i32
      %add3A_88 = vector.broadcast %add3A_87 : i32 to vector<16xi32>
      %add3A_89 = arith.addi %add3A_88, %iota3A : vector<16xi32>
      %gather3A_90 = tpu.vector_load_idx %arg11[%broadcast_in_dim3A, %add3A_89] : memref<256x128xf32, #tpu.memory_space<vmem>>[vector<16xi32>, vector<16xi32>], vector<16xf32>,
      %add3A_91 = arith.constant 16 : i32
      %add3A_92 = arith.addi %squeeze3A_72, %add3A_91 : i32
      %add3A_93 = vector.broadcast %add3A_92 : i32 to vector<16xi32>
      %add3A_94 = arith.addi %add3A_93, %iota3A : vector<16xi32>
      %gather3A_95 = tpu.vector_load_idx %arg12[%broadcast_in_dim3A, %add3A_94] : memref<256x128xf32, #tpu.memory_space<vmem>>[vector<16xi32>, vector<16xi32>], vector<16xf32>,
      %mul3A_96 = arith.mulf %gather3A_90, %gather3A_95 : vector<16xf32>
      %add3A_97 = arith.addf %add3A_85, %mul3A_96 : vector<16xf32>
      %add3A_98 = arith.constant 32 : i32
      %add3A_99 = arith.addi %squeeze3A, %add3A_98 : i32
      %add3A_100 = vector.broadcast %add3A_99 : i32 to vector<16xi32>
      %add3A_101 = arith.addi %add3A_100, %iota3A : vector<16xi32>
      %gather3A_102 = tpu.vector_load_idx %arg11[%broadcast_in_dim3A, %add3A_101] : memref<256x128xf32, #tpu.memory_space<vmem>>[vector<16xi32>, vector<16xi32>], vector<16xf32>,
      %add3A_103 = arith.constant 32 : i32
      %add3A_104 = arith.addi %squeeze3A_72, %add3A_103 : i32
      %add3A_105 = vector.broadcast %add3A_104 : i32 to vector<16xi32>
      %add3A_106 = arith.addi %add3A_105, %iota3A : vector<16xi32>
      %gather3A_107 = tpu.vector_load_idx %arg12[%broadcast_in_dim3A, %add3A_106] : memref<256x128xf32, #tpu.memory_space<vmem>>[vector<16xi32>, vector<16xi32>], vector<16xf32>,
      %mul3A_108 = arith.mulf %gather3A_102, %gather3A_107 : vector<16xf32>
      %add3A_109 = arith.addf %add3A_97, %mul3A_108 : vector<16xf32>
      %add3A_110 = arith.constant 48 : i32
      %add3A_111 = arith.addi %squeeze3A, %add3A_110 : i32
      %add3A_112 = vector.broadcast %add3A_111 : i32 to vector<16xi32>
      %add3A_113 = arith.addi %add3A_112, %iota3A : vector<16xi32>
      %gather3A_114 = tpu.vector_load_idx %arg11[%broadcast_in_dim3A, %add3A_113] : memref<256x128xf32, #tpu.memory_space<vmem>>[vector<16xi32>, vector<16xi32>], vector<16xf32>,
      %add3A_115 = arith.constant 48 : i32
      %add3A_116 = arith.addi %squeeze3A_72, %add3A_115 : i32
      %add3A_117 = vector.broadcast %add3A_116 : i32 to vector<16xi32>
      %add3A_118 = arith.addi %add3A_117, %iota3A : vector<16xi32>
      %gather3A_119 = tpu.vector_load_idx %arg12[%broadcast_in_dim3A, %add3A_118] : memref<256x128xf32, #tpu.memory_space<vmem>>[vector<16xi32>, vector<16xi32>], vector<16xf32>,
      %mul3A_120 = arith.mulf %gather3A_114, %gather3A_119 : vector<16xf32>
      %add3A_121 = arith.addf %add3A_109, %mul3A_120 : vector<16xf32>
      %swap3A = arith.constant 0 : index
      %swap3A_122 = tpu.vector_load %arg13[%swap3A] {strides = array<i32>} : memref<256xf32, #tpu.memory_space<vmem>>, vector<16xf32>,
      tpu.vector_store %arg13[%swap3A], %add3A_121 {strides = array<i32>} : memref<256xf32, #tpu.memory_space<vmem>>, vector<16xf32>,
      %mul3A_123 = arith.constant 16 : i32
      %mul3A_124 = arith.muli %mul3A_123, %scan3A_54 : i32
      %add3A_125 = arith.constant 1 : i32
      %add3A_126 = arith.addi %mul3A_124, %add3A_125 : i32
      %broadcast_in_dim3A_127 = vector.broadcast %add3A_126 : i32 to vector<16xi32>
      %slice3A_128 = vector.extract_strided_slice %get3A_60 {offsets = [1], sizes = [1], strides = [1]} : vector<16xi32> to vector<1xi32>
      %squeeze3A_129 = vector.extract %slice3A_128[0] : i32 from vector<1xi32>
      %slice3A_130 = vector.extract_strided_slice %get3A_66 {offsets = [1], sizes = [1], strides = [1]} : vector<16xi32> to vector<1xi32>
      %squeeze3A_131 = vector.extract %slice3A_130[0] : i32 from vector<1xi32>
      %broadcast_in_dim3A_132 = arith.constant 0.000000e+00 : f32
      %broadcast_in_dim3A_133 = vector.broadcast %broadcast_in_dim3A_132 : f32 to vector<16xf32>
      %add3A_134 = arith.constant 0 : i32
      %add3A_135 = arith.addi %squeeze3A_129, %add3A_134 : i32
      %add3A_136 = vector.broadcast %add3A_135 : i32 to vector<16xi32>
      %add3A_137 = arith.addi %add3A_136, %iota3A : vector<16xi32>
      %gather3A_138 = tpu.vector_load_idx %arg11[%broadcast_in_dim3A_127, %add3A_137] : memref<256x128xf32, #tpu.memory_space<vmem>>[vector<16xi32>, vector<16xi32>], vector<16xf32>,
      %add3A_139 = arith.constant 0 : i32
      %add3A_140 = arith.addi %squeeze3A_131, %add3A_139 : i32
      %add3A_141 = vector.broadcast %add3A_140 : i32 to vector<16xi32>
      %add3A_142 = arith.addi %add3A_141, %iota3A : vector<16xi32>
      %gather3A_143 = tpu.vector_load_idx %arg12[%broadcast_in_dim3A_127, %add3A_142] : memref<256x128xf32, #tpu.memory_space<vmem>>[vector<16xi32>, vector<16xi32>], vector<16xf32>,
      %mul3A_144 = arith.mulf %gather3A_138, %gather3A_143 : vector<16xf32>
      %add3A_145 = arith.addf %broadcast_in_dim3A_133, %mul3A_144 : vector<16xf32>
      %add3A_146 = arith.constant 16 : i32
      %add3A_147 = arith.addi %squeeze3A_129, %add3A_146 : i32
      %add3A_148 = vector.broadcast %add3A_147 : i32 to vector<16xi32>
      %add3A_149 = arith.addi %add3A_148, %iota3A : vector<16xi32>
      %gather3A_150 = tpu.vector_load_idx %arg11[%broadcast_in_dim3A_127, %add3A_149] : memref<256x128xf32, #tpu.memory_space<vmem>>[vector<16xi32>, vector<16xi32>], vector<16xf32>,
      %add3A_151 = arith.constant 16 : i32
      %add3A_152 = arith.addi %squeeze3A_131, %add3A_151 : i32
      %add3A_153 = vector.broadcast %add3A_152 : i32 to vector<16xi32>
      %add3A_154 = arith.addi %add3A_153, %iota3A : vector<16xi32>
      %gather3A_155 = tpu.vector_load_idx %arg12[%broadcast_in_dim3A_127, %add3A_154] : memref<256x128xf32, #tpu.memory_space<vmem>>[vector<16xi32>, vector<16xi32>], vector<16xf32>,
      %mul3A_156 = arith.mulf %gather3A_150, %gather3A_155 : vector<16xf32>
      %add3A_157 = arith.addf %add3A_145, %mul3A_156 : vector<16xf32>
      %add3A_158 = arith.constant 32 : i32
      %add3A_159 = arith.addi %squeeze3A_129, %add3A_158 : i32
      %add3A_160 = vector.broadcast %add3A_159 : i32 to vector<16xi32>
      %add3A_161 = arith.addi %add3A_160, %iota3A : vector<16xi32>
      %gather3A_162 = tpu.vector_load_idx %arg11[%broadcast_in_dim3A_127, %add3A_161] : memref<256x128xf32, #tpu.memory_space<vmem>>[vector<16xi32>, vector<16xi32>], vector<16xf32>,
      %add3A_163 = arith.constant 32 : i32
      %add3A_164 = arith.addi %squeeze3A_131, %add3A_163 : i32
      %add3A_165 = vector.broadcast %add3A_164 : i32 to vector<16xi32>
      %add3A_166 = arith.addi %add3A_165, %iota3A : vector<16xi32>
      %gather3A_167 = tpu.vector_load_idx %arg12[%broadcast_in_dim3A_127, %add3A_166] : memref<256x128xf32, #tpu.memory_space<vmem>>[vector<16xi32>, vector<16xi32>], vector<16xf32>,
      %mul3A_168 = arith.mulf %gather3A_162, %gather3A_167 : vector<16xf32>
      %add3A_169 = arith.addf %add3A_157, %mul3A_168 : vector<16xf32>
      %add3A_170 = arith.constant 48 : i32
      %add3A_171 = arith.addi %squeeze3A_129, %add3A_170 : i32
      %add3A_172 = vector.broadcast %add3A_171 : i32 to vector<16xi32>
      %add3A_173 = arith.addi %add3A_172, %iota3A : vector<16xi32>
      %gather3A_174 = tpu.vector_load_idx %arg11[%broadcast_in_dim3A_127, %add3A_173] : memref<256x128xf32, #tpu.memory_space<vmem>>[vector<16xi32>, vector<16xi32>], vector<16xf32>,
      %add3A_175 = arith.constant 48 : i32
      %add3A_176 = arith.addi %squeeze3A_131, %add3A_175 : i32
      %add3A_177 = vector.broadcast %add3A_176 : i32 to vector<16xi32>
      %add3A_178 = arith.addi %add3A_177, %iota3A : vector<16xi32>
      %gather3A_179 = tpu.vector_load_idx %arg12[%broadcast_in_dim3A_127, %add3A_178] : memref<256x128xf32, #tpu.memory_space<vmem>>[vector<16xi32>, vector<16xi32>], vector<16xf32>,
      %mul3A_180 = arith.mulf %gather3A_174, %gather3A_179 : vector<16xf32>
      %add3A_181 = arith.addf %add3A_169, %mul3A_180 : vector<16xf32>
      %swap3A_182 = arith.constant 16 : index
      %swap3A_183 = tpu.vector_load %arg13[%swap3A_182] {strides = array<i32>} : memref<256xf32, #tpu.memory_space<vmem>>, vector<16xf32>,
      tpu.vector_store %arg13[%swap3A_182], %add3A_181 {strides = array<i32>} : memref<256xf32, #tpu.memory_space<vmem>>, vector<16xf32>,
      %mul3A_184 = arith.constant 16 : i32
      %mul3A_185 = arith.muli %mul3A_184, %scan3A_54 : i32
      %add3A_186 = arith.constant 2 : i32
      %add3A_187 = arith.addi %mul3A_185, %add3A_186 : i32
      %broadcast_in_dim3A_188 = vector.broadcast %add3A_187 : i32 to vector<16xi32>
      %slice3A_189 = vector.extract_strided_slice %get3A_60 {offsets = [2], sizes = [1], strides = [1]} : vector<16xi32> to vector<1xi32>
      %squeeze3A_190 = vector.extract %slice3A_189[0] : i32 from vector<1xi32>
      %slice3A_191 = vector.extract_strided_slice %get3A_66 {offsets = [2], sizes = [1], strides = [1]} : vector<16xi32> to vector<1xi32>
      %squeeze3A_192 = vector.extract %slice3A_191[0] : i32 from vector<1xi32>
      %broadcast_in_dim3A_193 = arith.constant 0.000000e+00 : f32
      %broadcast_in_dim3A_194 = vector.broadcast %broadcast_in_dim3A_193 : f32 to vector<16xf32>
      %add3A_195 = arith.constant 0 : i32
      %add3A_196 = arith.addi %squeeze3A_190, %add3A_195 : i32
      %add3A_197 = vector.broadcast %add3A_196 : i32 to vector<16xi32>
      %add3A_198 = arith.addi %add3A_197, %iota3A : vector<16xi32>
      %gather3A_199 = tpu.vector_load_idx %arg11[%broadcast_in_dim3A_188, %add3A_198] : memref<256x128xf32, #tpu.memory_space<vmem>>[vector<16xi32>, vector<16xi32>], vector<16xf32>,
      %add3A_200 = arith.constant 0 : i32
      %add3A_201 = arith.addi %squeeze3A_192, %add3A_200 : i32
      %add3A_202 = vector.broadcast %add3A_201 : i32 to vector<16xi32>
      %add3A_203 = arith.addi %add3A_202, %iota3A : vector<16xi32>
      %gather3A_204 = tpu.vector_load_idx %arg12[%broadcast_in_dim3A_188, %add3A_203] : memref<256x128xf32, #tpu.memory_space<vmem>>[vector<16xi32>, vector<16xi32>], vector<16xf32>,
      %mul3A_205 = arith.mulf %gather3A_199, %gather3A_204 : vector<16xf32>
      %add3A_206 = arith.addf %broadcast_in_dim3A_194, %mul3A_205 : vector<16xf32>
      %add3A_207 = arith.constant 16 : i32
      %add3A_208 = arith.addi %squeeze3A_190, %add3A_207 : i32
      %add3A_209 = vector.broadcast %add3A_208 : i32 to vector<16xi32>
      %add3A_210 = arith.addi %add3A_209, %iota3A : vector<16xi32>
      %gather3A_211 = tpu.vector_load_idx %arg11[%broadcast_in_dim3A_188, %add3A_210] : memref<256x128xf32, #tpu.memory_space<vmem>>[vector<16xi32>, vector<16xi32>], vector<16xf32>,
      %add3A_212 = arith.constant 16 : i32
      %add3A_213 = arith.addi %squeeze3A_192, %add3A_212 : i32
      %add3A_214 = vector.broadcast %add3A_213 : i32 to vector<16xi32>
      %add3A_215 = arith.addi %add3A_214, %iota3A : vector<16xi32>
      %gather3A_216 = tpu.vector_load_idx %arg12[%broadcast_in_dim3A_188, %add3A_215] : memref<256x128xf32, #tpu.memory_space<vmem>>[vector<16xi32>, vector<16xi32>], vector<16xf32>,
      %mul3A_217 = arith.mulf %gather3A_211, %gather3A_216 : vector<16xf32>
      %add3A_218 = arith.addf %add3A_206, %mul3A_217 : vector<16xf32>
      %add3A_219 = arith.constant 32 : i32
      %add3A_220 = arith.addi %squeeze3A_190, %add3A_219 : i32
      %add3A_221 = vector.broadcast %add3A_220 : i32 to vector<16xi32>
      %add3A_222 = arith.addi %add3A_221, %iota3A : vector<16xi32>
      %gather3A_223 = tpu.vector_load_idx %arg11[%broadcast_in_dim3A_188, %add3A_222] : memref<256x128xf32, #tpu.memory_space<vmem>>[vector<16xi32>, vector<16xi32>], vector<16xf32>,
      %add3A_224 = arith.constant 32 : i32
      %add3A_225 = arith.addi %squeeze3A_192, %add3A_224 : i32
      %add3A_226 = vector.broadcast %add3A_225 : i32 to vector<16xi32>
      %add3A_227 = arith.addi %add3A_226, %iota3A : vector<16xi32>
      %gather3A_228 = tpu.vector_load_idx %arg12[%broadcast_in_dim3A_188, %add3A_227] : memref<256x128xf32, #tpu.memory_space<vmem>>[vector<16xi32>, vector<16xi32>], vector<16xf32>,
      %mul3A_229 = arith.mulf %gather3A_223, %gather3A_228 : vector<16xf32>
      %add3A_230 = arith.addf %add3A_218, %mul3A_229 : vector<16xf32>
      %add3A_231 = arith.constant 48 : i32
      %add3A_232 = arith.addi %squeeze3A_190, %add3A_231 : i32
      %add3A_233 = vector.broadcast %add3A_232 : i32 to vector<16xi32>
      %add3A_234 = arith.addi %add3A_233, %iota3A : vector<16xi32>
      %gather3A_235 = tpu.vector_load_idx %arg11[%broadcast_in_dim3A_188, %add3A_234] : memref<256x128xf32, #tpu.memory_space<vmem>>[vector<16xi32>, vector<16xi32>], vector<16xf32>,
      %add3A_236 = arith.constant 48 : i32
      %add3A_237 = arith.addi %squeeze3A_192, %add3A_236 : i32
      %add3A_238 = vector.broadcast %add3A_237 : i32 to vector<16xi32>
      %add3A_239 = arith.addi %add3A_238, %iota3A : vector<16xi32>
      %gather3A_240 = tpu.vector_load_idx %arg12[%broadcast_in_dim3A_188, %add3A_239] : memref<256x128xf32, #tpu.memory_space<vmem>>[vector<16xi32>, vector<16xi32>], vector<16xf32>,
      %mul3A_241 = arith.mulf %gather3A_235, %gather3A_240 : vector<16xf32>
      %add3A_242 = arith.addf %add3A_230, %mul3A_241 : vector<16xf32>
      %swap3A_243 = arith.constant 32 : index
      %swap3A_244 = tpu.vector_load %arg13[%swap3A_243] {strides = array<i32>} : memref<256xf32, #tpu.memory_space<vmem>>, vector<16xf32>,
      tpu.vector_store %arg13[%swap3A_243], %add3A_242 {strides = array<i32>} : memref<256xf32, #tpu.memory_space<vmem>>, vector<16xf32>,
      %mul3A_245 = arith.constant 16 : i32
      %mul3A_246 = arith.muli %mul3A_245, %scan3A_54 : i32
      %add3A_247 = arith.constant 3 : i32
      %add3A_248 = arith.addi %mul3A_246, %add3A_247 : i32
      %broadcast_in_dim3A_249 = vector.broadcast %add3A_248 : i32 to vector<16xi32>
      %slice3A_250 = vector.extract_strided_slice %get3A_60 {offsets = [3], sizes = [1], strides = [1]} : vector<16xi32> to vector<1xi32>
      %squeeze3A_251 = vector.extract %slice3A_250[0] : i32 from vector<1xi32>
      %slice3A_252 = vector.extract_strided_slice %get3A_66 {offsets = [3], sizes = [1], strides = [1]} : vector<16xi32> to vector<1xi32>
      %squeeze3A_253 = vector.extract %slice3A_252[0] : i32 from vector<1xi32>
      %broadcast_in_dim3A_254 = arith.constant 0.000000e+00 : f32
      %broadcast_in_dim3A_255 = vector.broadcast %broadcast_in_dim3A_254 : f32 to vector<16xf32>
      %add3A_256 = arith.constant 0 : i32
      %add3A_257 = arith.addi %squeeze3A_251, %add3A_256 : i32
      %add3A_258 = vector.broadcast %add3A_257 : i32 to vector<16xi32>
      %add3A_259 = arith.addi %add3A_258, %iota3A : vector<16xi32>
      %gather3A_260 = tpu.vector_load_idx %arg11[%broadcast_in_dim3A_249, %add3A_259] : memref<256x128xf32, #tpu.memory_space<vmem>>[vector<16xi32>, vector<16xi32>], vector<16xf32>,
      %add3A_261 = arith.constant 0 : i32
      %add3A_262 = arith.addi %squeeze3A_253, %add3A_261 : i32
      %add3A_263 = vector.broadcast %add3A_262 : i32 to vector<16xi32>
      %add3A_264 = arith.addi %add3A_263, %iota3A : vector<16xi32>
      %gather3A_265 = tpu.vector_load_idx %arg12[%broadcast_in_dim3A_249, %add3A_264] : memref<256x128xf32, #tpu.memory_space<vmem>>[vector<16xi32>, vector<16xi32>], vector<16xf32>,
      %mul3A_266 = arith.mulf %gather3A_260, %gather3A_265 : vector<16xf32>
      %add3A_267 = arith.addf %broadcast_in_dim3A_255, %mul3A_266 : vector<16xf32>
      %add3A_268 = arith.constant 16 : i32
      %add3A_269 = arith.addi %squeeze3A_251, %add3A_268 : i32
      %add3A_270 = vector.broadcast %add3A_269 : i32 to vector<16xi32>
      %add3A_271 = arith.addi %add3A_270, %iota3A : vector<16xi32>
      %gather3A_272 = tpu.vector_load_idx %arg11[%broadcast_in_dim3A_249, %add3A_271] : memref<256x128xf32, #tpu.memory_space<vmem>>[vector<16xi32>, vector<16xi32>], vector<16xf32>,
      %add3A_273 = arith.constant 16 : i32
      %add3A_274 = arith.addi %squeeze3A_253, %add3A_273 : i32
      %add3A_275 = vector.broadcast %add3A_274 : i32 to vector<16xi32>
      %add3A_276 = arith.addi %add3A_275, %iota3A : vector<16xi32>
      %gather3A_277 = tpu.vector_load_idx %arg12[%broadcast_in_dim3A_249, %add3A_276] : memref<256x128xf32, #tpu.memory_space<vmem>>[vector<16xi32>, vector<16xi32>], vector<16xf32>,
      %mul3A_278 = arith.mulf %gather3A_272, %gather3A_277 : vector<16xf32>
      %add3A_279 = arith.addf %add3A_267, %mul3A_278 : vector<16xf32>
      %add3A_280 = arith.constant 32 : i32
      %add3A_281 = arith.addi %squeeze3A_251, %add3A_280 : i32
      %add3A_282 = vector.broadcast %add3A_281 : i32 to vector<16xi32>
      %add3A_283 = arith.addi %add3A_282, %iota3A : vector<16xi32>
      %gather3A_284 = tpu.vector_load_idx %arg11[%broadcast_in_dim3A_249, %add3A_283] : memref<256x128xf32, #tpu.memory_space<vmem>>[vector<16xi32>, vector<16xi32>], vector<16xf32>,
      %add3A_285 = arith.constant 32 : i32
      %add3A_286 = arith.addi %squeeze3A_253, %add3A_285 : i32
      %add3A_287 = vector.broadcast %add3A_286 : i32 to vector<16xi32>
      %add3A_288 = arith.addi %add3A_287, %iota3A : vector<16xi32>
      %gather3A_289 = tpu.vector_load_idx %arg12[%broadcast_in_dim3A_249, %add3A_288] : memref<256x128xf32, #tpu.memory_space<vmem>>[vector<16xi32>, vector<16xi32>], vector<16xf32>,
      %mul3A_290 = arith.mulf %gather3A_284, %gather3A_289 : vector<16xf32>
      %add3A_291 = arith.addf %add3A_279, %mul3A_290 : vector<16xf32>
      %add3A_292 = arith.constant 48 : i32
      %add3A_293 = arith.addi %squeeze3A_251, %add3A_292 : i32
      %add3A_294 = vector.broadcast %add3A_293 : i32 to vector<16xi32>
      %add3A_295 = arith.addi %add3A_294, %iota3A : vector<16xi32>
      %gather3A_296 = tpu.vector_load_idx %arg11[%broadcast_in_dim3A_249, %add3A_295] : memref<256x128xf32, #tpu.memory_space<vmem>>[vector<16xi32>, vector<16xi32>], vector<16xf32>,
      %add3A_297 = arith.constant 48 : i32
      %add3A_298 = arith.addi %squeeze3A_253, %add3A_297 : i32
      %add3A_299 = vector.broadcast %add3A_298 : i32 to vector<16xi32>
      %add3A_300 = arith.addi %add3A_299, %iota3A : vector<16xi32>
      %gather3A_301 = tpu.vector_load_idx %arg12[%broadcast_in_dim3A_249, %add3A_300] : memref<256x128xf32, #tpu.memory_space<vmem>>[vector<16xi32>, vector<16xi32>], vector<16xf32>,
      %mul3A_302 = arith.mulf %gather3A_296, %gather3A_301 : vector<16xf32>
      %add3A_303 = arith.addf %add3A_291, %mul3A_302 : vector<16xf32>
      %swap3A_304 = arith.constant 48 : index
      %swap3A_305 = tpu.vector_load %arg13[%swap3A_304] {strides = array<i32>} : memref<256xf32, #tpu.memory_space<vmem>>, vector<16xf32>,
      tpu.vector_store %arg13[%swap3A_304], %add3A_303 {strides = array<i32>} : memref<256xf32, #tpu.memory_space<vmem>>, vector<16xf32>,
      %mul3A_306 = arith.constant 16 : i32
      %mul3A_307 = arith.muli %mul3A_306, %scan3A_54 : i32
      %add3A_308 = arith.constant 4 : i32
      %add3A_309 = arith.addi %mul3A_307, %add3A_308 : i32
      %broadcast_in_dim3A_310 = vector.broadcast %add3A_309 : i32 to vector<16xi32>
      %slice3A_311 = vector.extract_strided_slice %get3A_60 {offsets = [4], sizes = [1], strides = [1]} : vector<16xi32> to vector<1xi32>
      %squeeze3A_312 = vector.extract %slice3A_311[0] : i32 from vector<1xi32>
      %slice3A_313 = vector.extract_strided_slice %get3A_66 {offsets = [4], sizes = [1], strides = [1]} : vector<16xi32> to vector<1xi32>
      %squeeze3A_314 = vector.extract %slice3A_313[0] : i32 from vector<1xi32>
      %broadcast_in_dim3A_315 = arith.constant 0.000000e+00 : f32
      %broadcast_in_dim3A_316 = vector.broadcast %broadcast_in_dim3A_315 : f32 to vector<16xf32>
      %add3A_317 = arith.constant 0 : i32
      %add3A_318 = arith.addi %squeeze3A_312, %add3A_317 : i32
      %add3A_319 = vector.broadcast %add3A_318 : i32 to vector<16xi32>
      %add3A_320 = arith.addi %add3A_319, %iota3A : vector<16xi32>
      %gather3A_321 = tpu.vector_load_idx %arg11[%broadcast_in_dim3A_310, %add3A_320] : memref<256x128xf32, #tpu.memory_space<vmem>>[vector<16xi32>, vector<16xi32>], vector<16xf32>,
      %add3A_322 = arith.constant 0 : i32
      %add3A_323 = arith.addi %squeeze3A_314, %add3A_322 : i32
      %add3A_324 = vector.broadcast %add3A_323 : i32 to vector<16xi32>
      %add3A_325 = arith.addi %add3A_324, %iota3A : vector<16xi32>
      %gather3A_326 = tpu.vector_load_idx %arg12[%broadcast_in_dim3A_310, %add3A_325] : memref<256x128xf32, #tpu.memory_space<vmem>>[vector<16xi32>, vector<16xi32>], vector<16xf32>,
      %mul3A_327 = arith.mulf %gather3A_321, %gather3A_326 : vector<16xf32>
      %add3A_328 = arith.addf %broadcast_in_dim3A_316, %mul3A_327 : vector<16xf32>
      %add3A_329 = arith.constant 16 : i32
      %add3A_330 = arith.addi %squeeze3A_312, %add3A_329 : i32
      %add3A_331 = vector.broadcast %add3A_330 : i32 to vector<16xi32>
      %add3A_332 = arith.addi %add3A_331, %iota3A : vector<16xi32>
      %gather3A_333 = tpu.vector_load_idx %arg11[%broadcast_in_dim3A_310, %add3A_332] : memref<256x128xf32, #tpu.memory_space<vmem>>[vector<16xi32>, vector<16xi32>], vector<16xf32>,
      %add3A_334 = arith.constant 16 : i32
      %add3A_335 = arith.addi %squeeze3A_314, %add3A_334 : i32
      %add3A_336 = vector.broadcast %add3A_335 : i32 to vector<16xi32>
      %add3A_337 = arith.addi %add3A_336, %iota3A : vector<16xi32>
      %gather3A_338 = tpu.vector_load_idx %arg12[%broadcast_in_dim3A_310, %add3A_337] : memref<256x128xf32, #tpu.memory_space<vmem>>[vector<16xi32>, vector<16xi32>], vector<16xf32>,
      %mul3A_339 = arith.mulf %gather3A_333, %gather3A_338 : vector<16xf32>
      %add3A_340 = arith.addf %add3A_328, %mul3A_339 : vector<16xf32>
      %add3A_341 = arith.constant 32 : i32
      %add3A_342 = arith.addi %squeeze3A_312, %add3A_341 : i32
      %add3A_343 = vector.broadcast %add3A_342 : i32 to vector<16xi32>
      %add3A_344 = arith.addi %add3A_343, %iota3A : vector<16xi32>
      %gather3A_345 = tpu.vector_load_idx %arg11[%broadcast_in_dim3A_310, %add3A_344] : memref<256x128xf32, #tpu.memory_space<vmem>>[vector<16xi32>, vector<16xi32>], vector<16xf32>,
      %add3A_346 = arith.constant 32 : i32
      %add3A_347 = arith.addi %squeeze3A_314, %add3A_346 : i32
      %add3A_348 = vector.broadcast %add3A_347 : i32 to vector<16xi32>
      %add3A_349 = arith.addi %add3A_348, %iota3A : vector<16xi32>
      %gather3A_350 = tpu.vector_load_idx %arg12[%broadcast_in_dim3A_310, %add3A_349] : memref<256x128xf32, #tpu.memory_space<vmem>>[vector<16xi32>, vector<16xi32>], vector<16xf32>,
      %mul3A_351 = arith.mulf %gather3A_345, %gather3A_350 : vector<16xf32>
      %add3A_352 = arith.addf %add3A_340, %mul3A_351 : vector<16xf32>
      %add3A_353 = arith.constant 48 : i32
      %add3A_354 = arith.addi %squeeze3A_312, %add3A_353 : i32
      %add3A_355 = vector.broadcast %add3A_354 : i32 to vector<16xi32>
      %add3A_356 = arith.addi %add3A_355, %iota3A : vector<16xi32>
      %gather3A_357 = tpu.vector_load_idx %arg11[%broadcast_in_dim3A_310, %add3A_356] : memref<256x128xf32, #tpu.memory_space<vmem>>[vector<16xi32>, vector<16xi32>], vector<16xf32>,
      %add3A_358 = arith.constant 48 : i32
      %add3A_359 = arith.addi %squeeze3A_314, %add3A_358 : i32
      %add3A_360 = vector.broadcast %add3A_359 : i32 to vector<16xi32>
      %add3A_361 = arith.addi %add3A_360, %iota3A : vector<16xi32>
      %gather3A_362 = tpu.vector_load_idx %arg12[%broadcast_in_dim3A_310, %add3A_361] : memref<256x128xf32, #tpu.memory_space<vmem>>[vector<16xi32>, vector<16xi32>], vector<16xf32>,
      %mul3A_363 = arith.mulf %gather3A_357, %gather3A_362 : vector<16xf32>
      %add3A_364 = arith.addf %add3A_352, %mul3A_363 : vector<16xf32>
      %swap3A_365 = arith.constant 64 : index
      %swap3A_366 = tpu.vector_load %arg13[%swap3A_365] {strides = array<i32>} : memref<256xf32, #tpu.memory_space<vmem>>, vector<16xf32>,
      tpu.vector_store %arg13[%swap3A_365], %add3A_364 {strides = array<i32>} : memref<256xf32, #tpu.memory_space<vmem>>, vector<16xf32>,
      %mul3A_367 = arith.constant 16 : i32
      %mul3A_368 = arith.muli %mul3A_367, %scan3A_54 : i32
      %add3A_369 = arith.constant 5 : i32
      %add3A_370 = arith.addi %mul3A_368, %add3A_369 : i32
      %broadcast_in_dim3A_371 = vector.broadcast %add3A_370 : i32 to vector<16xi32>
      %slice3A_372 = vector.extract_strided_slice %get3A_60 {offsets = [5], sizes = [1], strides = [1]} : vector<16xi32> to vector<1xi32>
      %squeeze3A_373 = vector.extract %slice3A_372[0] : i32 from vector<1xi32>
      %slice3A_374 = vector.extract_strided_slice %get3A_66 {offsets = [5], sizes = [1], strides = [1]} : vector<16xi32> to vector<1xi32>
      %squeeze3A_375 = vector.extract %slice3A_374[0] : i32 from vector<1xi32>
      %broadcast_in_dim3A_376 = arith.constant 0.000000e+00 : f32
      %broadcast_in_dim3A_377 = vector.broadcast %broadcast_in_dim3A_376 : f32 to vector<16xf32>
      %add3A_378 = arith.constant 0 : i32
      %add3A_379 = arith.addi %squeeze3A_373, %add3A_378 : i32
      %add3A_380 = vector.broadcast %add3A_379 : i32 to vector<16xi32>
      %add3A_381 = arith.addi %add3A_380, %iota3A : vector<16xi32>
      %gather3A_382 = tpu.vector_load_idx %arg11[%broadcast_in_dim3A_371, %add3A_381] : memref<256x128xf32, #tpu.memory_space<vmem>>[vector<16xi32>, vector<16xi32>], vector<16xf32>,
      %add3A_383 = arith.constant 0 : i32
      %add3A_384 = arith.addi %squeeze3A_375, %add3A_383 : i32
      %add3A_385 = vector.broadcast %add3A_384 : i32 to vector<16xi32>
      %add3A_386 = arith.addi %add3A_385, %iota3A : vector<16xi32>
      %gather3A_387 = tpu.vector_load_idx %arg12[%broadcast_in_dim3A_371, %add3A_386] : memref<256x128xf32, #tpu.memory_space<vmem>>[vector<16xi32>, vector<16xi32>], vector<16xf32>,
      %mul3A_388 = arith.mulf %gather3A_382, %gather3A_387 : vector<16xf32>
      %add3A_389 = arith.addf %broadcast_in_dim3A_377, %mul3A_388 : vector<16xf32>
      %add3A_390 = arith.constant 16 : i32
      %add3A_391 = arith.addi %squeeze3A_373, %add3A_390 : i32
      %add3A_392 = vector.broadcast %add3A_391 : i32 to vector<16xi32>
      %add3A_393 = arith.addi %add3A_392, %iota3A : vector<16xi32>
      %gather3A_394 = tpu.vector_load_idx %arg11[%broadcast_in_dim3A_371, %add3A_393] : memref<256x128xf32, #tpu.memory_space<vmem>>[vector<16xi32>, vector<16xi32>], vector<16xf32>,
      %add3A_395 = arith.constant 16 : i32
      %add3A_396 = arith.addi %squeeze3A_375, %add3A_395 : i32
      %add3A_397 = vector.broadcast %add3A_396 : i32 to vector<16xi32>
      %add3A_398 = arith.addi %add3A_397, %iota3A : vector<16xi32>
      %gather3A_399 = tpu.vector_load_idx %arg12[%broadcast_in_dim3A_371, %add3A_398] : memref<256x128xf32, #tpu.memory_space<vmem>>[vector<16xi32>, vector<16xi32>], vector<16xf32>,
      %mul3A_400 = arith.mulf %gather3A_394, %gather3A_399 : vector<16xf32>
      %add3A_401 = arith.addf %add3A_389, %mul3A_400 : vector<16xf32>
      %add3A_402 = arith.constant 32 : i32
      %add3A_403 = arith.addi %squeeze3A_373, %add3A_402 : i32
      %add3A_404 = vector.broadcast %add3A_403 : i32 to vector<16xi32>
      %add3A_405 = arith.addi %add3A_404, %iota3A : vector<16xi32>
      %gather3A_406 = tpu.vector_load_idx %arg11[%broadcast_in_dim3A_371, %add3A_405] : memref<256x128xf32, #tpu.memory_space<vmem>>[vector<16xi32>, vector<16xi32>], vector<16xf32>,
      %add3A_407 = arith.constant 32 : i32
      %add3A_408 = arith.addi %squeeze3A_375, %add3A_407 : i32
      %add3A_409 = vector.broadcast %add3A_408 : i32 to vector<16xi32>
      %add3A_410 = arith.addi %add3A_409, %iota3A : vector<16xi32>
      %gather3A_411 = tpu.vector_load_idx %arg12[%broadcast_in_dim3A_371, %add3A_410] : memref<256x128xf32, #tpu.memory_space<vmem>>[vector<16xi32>, vector<16xi32>], vector<16xf32>,
      %mul3A_412 = arith.mulf %gather3A_406, %gather3A_411 : vector<16xf32>
      %add3A_413 = arith.addf %add3A_401, %mul3A_412 : vector<16xf32>
      %add3A_414 = arith.constant 48 : i32
      %add3A_415 = arith.addi %squeeze3A_373, %add3A_414 : i32
      %add3A_416 = vector.broadcast %add3A_415 : i32 to vector<16xi32>
      %add3A_417 = arith.addi %add3A_416, %iota3A : vector<16xi32>
      %gather3A_418 = tpu.vector_load_idx %arg11[%broadcast_in_dim3A_371, %add3A_417] : memref<256x128xf32, #tpu.memory_space<vmem>>[vector<16xi32>, vector<16xi32>], vector<16xf32>,
      %add3A_419 = arith.constant 48 : i32
      %add3A_420 = arith.addi %squeeze3A_375, %add3A_419 : i32
      %add3A_421 = vector.broadcast %add3A_420 : i32 to vector<16xi32>
      %add3A_422 = arith.addi %add3A_421, %iota3A : vector<16xi32>
      %gather3A_423 = tpu.vector_load_idx %arg12[%broadcast_in_dim3A_371, %add3A_422] : memref<256x128xf32, #tpu.memory_space<vmem>>[vector<16xi32>, vector<16xi32>], vector<16xf32>,
      %mul3A_424 = arith.mulf %gather3A_418, %gather3A_423 : vector<16xf32>
      %add3A_425 = arith.addf %add3A_413, %mul3A_424 : vector<16xf32>
      %swap3A_426 = arith.constant 80 : index
      %swap3A_427 = tpu.vector_load %arg13[%swap3A_426] {strides = array<i32>} : memref<256xf32, #tpu.memory_space<vmem>>, vector<16xf32>,
      tpu.vector_store %arg13[%swap3A_426], %add3A_425 {strides = array<i32>} : memref<256xf32, #tpu.memory_space<vmem>>, vector<16xf32>,
      %mul3A_428 = arith.constant 16 : i32
      %mul3A_429 = arith.muli %mul3A_428, %scan3A_54 : i32
      %add3A_430 = arith.constant 6 : i32
      %add3A_431 = arith.addi %mul3A_429, %add3A_430 : i32
      %broadcast_in_dim3A_432 = vector.broadcast %add3A_431 : i32 to vector<16xi32>
      %slice3A_433 = vector.extract_strided_slice %get3A_60 {offsets = [6], sizes = [1], strides = [1]} : vector<16xi32> to vector<1xi32>
      %squeeze3A_434 = vector.extract %slice3A_433[0] : i32 from vector<1xi32>
      %slice3A_435 = vector.extract_strided_slice %get3A_66 {offsets = [6], sizes = [1], strides = [1]} : vector<16xi32> to vector<1xi32>
      %squeeze3A_436 = vector.extract %slice3A_435[0] : i32 from vector<1xi32>
      %broadcast_in_dim3A_437 = arith.constant 0.000000e+00 : f32
      %broadcast_in_dim3A_438 = vector.broadcast %broadcast_in_dim3A_437 : f32 to vector<16xf32>
      %add3A_439 = arith.constant 0 : i32
      %add3A_440 = arith.addi %squeeze3A_434, %add3A_439 : i32
      %add3A_441 = vector.broadcast %add3A_440 : i32 to vector<16xi32>
      %add3A_442 = arith.addi %add3A_441, %iota3A : vector<16xi32>
      %gather3A_443 = tpu.vector_load_idx %arg11[%broadcast_in_dim3A_432, %add3A_442] : memref<256x128xf32, #tpu.memory_space<vmem>>[vector<16xi32>, vector<16xi32>], vector<16xf32>,
      %add3A_444 = arith.constant 0 : i32
      %add3A_445 = arith.addi %squeeze3A_436, %add3A_444 : i32
      %add3A_446 = vector.broadcast %add3A_445 : i32 to vector<16xi32>
      %add3A_447 = arith.addi %add3A_446, %iota3A : vector<16xi32>
      %gather3A_448 = tpu.vector_load_idx %arg12[%broadcast_in_dim3A_432, %add3A_447] : memref<256x128xf32, #tpu.memory_space<vmem>>[vector<16xi32>, vector<16xi32>], vector<16xf32>,
      %mul3A_449 = arith.mulf %gather3A_443, %gather3A_448 : vector<16xf32>
      %add3A_450 = arith.addf %broadcast_in_dim3A_438, %mul3A_449 : vector<16xf32>
      %add3A_451 = arith.constant 16 : i32
      %add3A_452 = arith.addi %squeeze3A_434, %add3A_451 : i32
      %add3A_453 = vector.broadcast %add3A_452 : i32 to vector<16xi32>
      %add3A_454 = arith.addi %add3A_453, %iota3A : vector<16xi32>
      %gather3A_455 = tpu.vector_load_idx %arg11[%broadcast_in_dim3A_432, %add3A_454] : memref<256x128xf32, #tpu.memory_space<vmem>>[vector<16xi32>, vector<16xi32>], vector<16xf32>,
      %add3A_456 = arith.constant 16 : i32
      %add3A_457 = arith.addi %squeeze3A_436, %add3A_456 : i32
      %add3A_458 = vector.broadcast %add3A_457 : i32 to vector<16xi32>
      %add3A_459 = arith.addi %add3A_458, %iota3A : vector<16xi32>
      %gather3A_460 = tpu.vector_load_idx %arg12[%broadcast_in_dim3A_432, %add3A_459] : memref<256x128xf32, #tpu.memory_space<vmem>>[vector<16xi32>, vector<16xi32>], vector<16xf32>,
      %mul3A_461 = arith.mulf %gather3A_455, %gather3A_460 : vector<16xf32>
      %add3A_462 = arith.addf %add3A_450, %mul3A_461 : vector<16xf32>
      %add3A_463 = arith.constant 32 : i32
      %add3A_464 = arith.addi %squeeze3A_434, %add3A_463 : i32
      %add3A_465 = vector.broadcast %add3A_464 : i32 to vector<16xi32>
      %add3A_466 = arith.addi %add3A_465, %iota3A : vector<16xi32>
      %gather3A_467 = tpu.vector_load_idx %arg11[%broadcast_in_dim3A_432, %add3A_466] : memref<256x128xf32, #tpu.memory_space<vmem>>[vector<16xi32>, vector<16xi32>], vector<16xf32>,
      %add3A_468 = arith.constant 32 : i32
      %add3A_469 = arith.addi %squeeze3A_436, %add3A_468 : i32
      %add3A_470 = vector.broadcast %add3A_469 : i32 to vector<16xi32>
      %add3A_471 = arith.addi %add3A_470, %iota3A : vector<16xi32>
      %gather3A_472 = tpu.vector_load_idx %arg12[%broadcast_in_dim3A_432, %add3A_471] : memref<256x128xf32, #tpu.memory_space<vmem>>[vector<16xi32>, vector<16xi32>], vector<16xf32>,
      %mul3A_473 = arith.mulf %gather3A_467, %gather3A_472 : vector<16xf32>
      %add3A_474 = arith.addf %add3A_462, %mul3A_473 : vector<16xf32>
      %add3A_475 = arith.constant 48 : i32
      %add3A_476 = arith.addi %squeeze3A_434, %add3A_475 : i32
      %add3A_477 = vector.broadcast %add3A_476 : i32 to vector<16xi32>
      %add3A_478 = arith.addi %add3A_477, %iota3A : vector<16xi32>
      %gather3A_479 = tpu.vector_load_idx %arg11[%broadcast_in_dim3A_432, %add3A_478] : memref<256x128xf32, #tpu.memory_space<vmem>>[vector<16xi32>, vector<16xi32>], vector<16xf32>,
      %add3A_480 = arith.constant 48 : i32
      %add3A_481 = arith.addi %squeeze3A_436, %add3A_480 : i32
      %add3A_482 = vector.broadcast %add3A_481 : i32 to vector<16xi32>
      %add3A_483 = arith.addi %add3A_482, %iota3A : vector<16xi32>
      %gather3A_484 = tpu.vector_load_idx %arg12[%broadcast_in_dim3A_432, %add3A_483] : memref<256x128xf32, #tpu.memory_space<vmem>>[vector<16xi32>, vector<16xi32>], vector<16xf32>,
      %mul3A_485 = arith.mulf %gather3A_479, %gather3A_484 : vector<16xf32>
      %add3A_486 = arith.addf %add3A_474, %mul3A_485 : vector<16xf32>
      %swap3A_487 = arith.constant 96 : index
      %swap3A_488 = tpu.vector_load %arg13[%swap3A_487] {strides = array<i32>} : memref<256xf32, #tpu.memory_space<vmem>>, vector<16xf32>,
      tpu.vector_store %arg13[%swap3A_487], %add3A_486 {strides = array<i32>} : memref<256xf32, #tpu.memory_space<vmem>>, vector<16xf32>,
      %mul3A_489 = arith.constant 16 : i32
      %mul3A_490 = arith.muli %mul3A_489, %scan3A_54 : i32
      %add3A_491 = arith.constant 7 : i32
      %add3A_492 = arith.addi %mul3A_490, %add3A_491 : i32
      %broadcast_in_dim3A_493 = vector.broadcast %add3A_492 : i32 to vector<16xi32>
      %slice3A_494 = vector.extract_strided_slice %get3A_60 {offsets = [7], sizes = [1], strides = [1]} : vector<16xi32> to vector<1xi32>
      %squeeze3A_495 = vector.extract %slice3A_494[0] : i32 from vector<1xi32>
      %slice3A_496 = vector.extract_strided_slice %get3A_66 {offsets = [7], sizes = [1], strides = [1]} : vector<16xi32> to vector<1xi32>
      %squeeze3A_497 = vector.extract %slice3A_496[0] : i32 from vector<1xi32>
      %broadcast_in_dim3A_498 = arith.constant 0.000000e+00 : f32
      %broadcast_in_dim3A_499 = vector.broadcast %broadcast_in_dim3A_498 : f32 to vector<16xf32>
      %add3A_500 = arith.constant 0 : i32
      %add3A_501 = arith.addi %squeeze3A_495, %add3A_500 : i32
      %add3A_502 = vector.broadcast %add3A_501 : i32 to vector<16xi32>
      %add3A_503 = arith.addi %add3A_502, %iota3A : vector<16xi32>
      %gather3A_504 = tpu.vector_load_idx %arg11[%broadcast_in_dim3A_493, %add3A_503] : memref<256x128xf32, #tpu.memory_space<vmem>>[vector<16xi32>, vector<16xi32>], vector<16xf32>,
      %add3A_505 = arith.constant 0 : i32
      %add3A_506 = arith.addi %squeeze3A_497, %add3A_505 : i32
      %add3A_507 = vector.broadcast %add3A_506 : i32 to vector<16xi32>
      %add3A_508 = arith.addi %add3A_507, %iota3A : vector<16xi32>
      %gather3A_509 = tpu.vector_load_idx %arg12[%broadcast_in_dim3A_493, %add3A_508] : memref<256x128xf32, #tpu.memory_space<vmem>>[vector<16xi32>, vector<16xi32>], vector<16xf32>,
      %mul3A_510 = arith.mulf %gather3A_504, %gather3A_509 : vector<16xf32>
      %add3A_511 = arith.addf %broadcast_in_dim3A_499, %mul3A_510 : vector<16xf32>
      %add3A_512 = arith.constant 16 : i32
      %add3A_513 = arith.addi %squeeze3A_495, %add3A_512 : i32
      %add3A_514 = vector.broadcast %add3A_513 : i32 to vector<16xi32>
      %add3A_515 = arith.addi %add3A_514, %iota3A : vector<16xi32>
      %gather3A_516 = tpu.vector_load_idx %arg11[%broadcast_in_dim3A_493, %add3A_515] : memref<256x128xf32, #tpu.memory_space<vmem>>[vector<16xi32>, vector<16xi32>], vector<16xf32>,
      %add3A_517 = arith.constant 16 : i32
      %add3A_518 = arith.addi %squeeze3A_497, %add3A_517 : i32
      %add3A_519 = vector.broadcast %add3A_518 : i32 to vector<16xi32>
      %add3A_520 = arith.addi %add3A_519, %iota3A : vector<16xi32>
      %gather3A_521 = tpu.vector_load_idx %arg12[%broadcast_in_dim3A_493, %add3A_520] : memref<256x128xf32, #tpu.memory_space<vmem>>[vector<16xi32>, vector<16xi32>], vector<16xf32>,
      %mul3A_522 = arith.mulf %gather3A_516, %gather3A_521 : vector<16xf32>
      %add3A_523 = arith.addf %add3A_511, %mul3A_522 : vector<16xf32>
      %add3A_524 = arith.constant 32 : i32
      %add3A_525 = arith.addi %squeeze3A_495, %add3A_524 : i32
      %add3A_526 = vector.broadcast %add3A_525 : i32 to vector<16xi32>
      %add3A_527 = arith.addi %add3A_526, %iota3A : vector<16xi32>
      %gather3A_528 = tpu.vector_load_idx %arg11[%broadcast_in_dim3A_493, %add3A_527] : memref<256x128xf32, #tpu.memory_space<vmem>>[vector<16xi32>, vector<16xi32>], vector<16xf32>,
      %add3A_529 = arith.constant 32 : i32
      %add3A_530 = arith.addi %squeeze3A_497, %add3A_529 : i32
      %add3A_531 = vector.broadcast %add3A_530 : i32 to vector<16xi32>
      %add3A_532 = arith.addi %add3A_531, %iota3A : vector<16xi32>
      %gather3A_533 = tpu.vector_load_idx %arg12[%broadcast_in_dim3A_493, %add3A_532] : memref<256x128xf32, #tpu.memory_space<vmem>>[vector<16xi32>, vector<16xi32>], vector<16xf32>,
      %mul3A_534 = arith.mulf %gather3A_528, %gather3A_533 : vector<16xf32>
      %add3A_535 = arith.addf %add3A_523, %mul3A_534 : vector<16xf32>
      %add3A_536 = arith.constant 48 : i32
      %add3A_537 = arith.addi %squeeze3A_495, %add3A_536 : i32
      %add3A_538 = vector.broadcast %add3A_537 : i32 to vector<16xi32>
      %add3A_539 = arith.addi %add3A_538, %iota3A : vector<16xi32>
      %gather3A_540 = tpu.vector_load_idx %arg11[%broadcast_in_dim3A_493, %add3A_539] : memref<256x128xf32, #tpu.memory_space<vmem>>[vector<16xi32>, vector<16xi32>], vector<16xf32>,
      %add3A_541 = arith.constant 48 : i32
      %add3A_542 = arith.addi %squeeze3A_497, %add3A_541 : i32
      %add3A_543 = vector.broadcast %add3A_542 : i32 to vector<16xi32>
      %add3A_544 = arith.addi %add3A_543, %iota3A : vector<16xi32>
      %gather3A_545 = tpu.vector_load_idx %arg12[%broadcast_in_dim3A_493, %add3A_544] : memref<256x128xf32, #tpu.memory_space<vmem>>[vector<16xi32>, vector<16xi32>], vector<16xf32>,
      %mul3A_546 = arith.mulf %gather3A_540, %gather3A_545 : vector<16xf32>
      %add3A_547 = arith.addf %add3A_535, %mul3A_546 : vector<16xf32>
      %swap3A_548 = arith.constant 112 : index
      %swap3A_549 = tpu.vector_load %arg13[%swap3A_548] {strides = array<i32>} : memref<256xf32, #tpu.memory_space<vmem>>, vector<16xf32>,
      tpu.vector_store %arg13[%swap3A_548], %add3A_547 {strides = array<i32>} : memref<256xf32, #tpu.memory_space<vmem>>, vector<16xf32>,
      %mul3A_550 = arith.constant 16 : i32
      %mul3A_551 = arith.muli %mul3A_550, %scan3A_54 : i32
      %add3A_552 = arith.constant 8 : i32
      %add3A_553 = arith.addi %mul3A_551, %add3A_552 : i32
      %broadcast_in_dim3A_554 = vector.broadcast %add3A_553 : i32 to vector<16xi32>
      %slice3A_555 = vector.extract_strided_slice %get3A_60 {offsets = [8], sizes = [1], strides = [1]} : vector<16xi32> to vector<1xi32>
      %squeeze3A_556 = vector.extract %slice3A_555[0] : i32 from vector<1xi32>
      %slice3A_557 = vector.extract_strided_slice %get3A_66 {offsets = [8], sizes = [1], strides = [1]} : vector<16xi32> to vector<1xi32>
      %squeeze3A_558 = vector.extract %slice3A_557[0] : i32 from vector<1xi32>
      %broadcast_in_dim3A_559 = arith.constant 0.000000e+00 : f32
      %broadcast_in_dim3A_560 = vector.broadcast %broadcast_in_dim3A_559 : f32 to vector<16xf32>
      %add3A_561 = arith.constant 0 : i32
      %add3A_562 = arith.addi %squeeze3A_556, %add3A_561 : i32
      %add3A_563 = vector.broadcast %add3A_562 : i32 to vector<16xi32>
      %add3A_564 = arith.addi %add3A_563, %iota3A : vector<16xi32>
      %gather3A_565 = tpu.vector_load_idx %arg11[%broadcast_in_dim3A_554, %add3A_564] : memref<256x128xf32, #tpu.memory_space<vmem>>[vector<16xi32>, vector<16xi32>], vector<16xf32>,
      %add3A_566 = arith.constant 0 : i32
      %add3A_567 = arith.addi %squeeze3A_558, %add3A_566 : i32
      %add3A_568 = vector.broadcast %add3A_567 : i32 to vector<16xi32>
      %add3A_569 = arith.addi %add3A_568, %iota3A : vector<16xi32>
      %gather3A_570 = tpu.vector_load_idx %arg12[%broadcast_in_dim3A_554, %add3A_569] : memref<256x128xf32, #tpu.memory_space<vmem>>[vector<16xi32>, vector<16xi32>], vector<16xf32>,
      %mul3A_571 = arith.mulf %gather3A_565, %gather3A_570 : vector<16xf32>
      %add3A_572 = arith.addf %broadcast_in_dim3A_560, %mul3A_571 : vector<16xf32>
      %add3A_573 = arith.constant 16 : i32
      %add3A_574 = arith.addi %squeeze3A_556, %add3A_573 : i32
      %add3A_575 = vector.broadcast %add3A_574 : i32 to vector<16xi32>
      %add3A_576 = arith.addi %add3A_575, %iota3A : vector<16xi32>
      %gather3A_577 = tpu.vector_load_idx %arg11[%broadcast_in_dim3A_554, %add3A_576] : memref<256x128xf32, #tpu.memory_space<vmem>>[vector<16xi32>, vector<16xi32>], vector<16xf32>,
      %add3A_578 = arith.constant 16 : i32
      %add3A_579 = arith.addi %squeeze3A_558, %add3A_578 : i32
      %add3A_580 = vector.broadcast %add3A_579 : i32 to vector<16xi32>
      %add3A_581 = arith.addi %add3A_580, %iota3A : vector<16xi32>
      %gather3A_582 = tpu.vector_load_idx %arg12[%broadcast_in_dim3A_554, %add3A_581] : memref<256x128xf32, #tpu.memory_space<vmem>>[vector<16xi32>, vector<16xi32>], vector<16xf32>,
      %mul3A_583 = arith.mulf %gather3A_577, %gather3A_582 : vector<16xf32>
      %add3A_584 = arith.addf %add3A_572, %mul3A_583 : vector<16xf32>
      %add3A_585 = arith.constant 32 : i32
      %add3A_586 = arith.addi %squeeze3A_556, %add3A_585 : i32
      %add3A_587 = vector.broadcast %add3A_586 : i32 to vector<16xi32>
      %add3A_588 = arith.addi %add3A_587, %iota3A : vector<16xi32>
      %gather3A_589 = tpu.vector_load_idx %arg11[%broadcast_in_dim3A_554, %add3A_588] : memref<256x128xf32, #tpu.memory_space<vmem>>[vector<16xi32>, vector<16xi32>], vector<16xf32>,
      %add3A_590 = arith.constant 32 : i32
      %add3A_591 = arith.addi %squeeze3A_558, %add3A_590 : i32
      %add3A_592 = vector.broadcast %add3A_591 : i32 to vector<16xi32>
      %add3A_593 = arith.addi %add3A_592, %iota3A : vector<16xi32>
      %gather3A_594 = tpu.vector_load_idx %arg12[%broadcast_in_dim3A_554, %add3A_593] : memref<256x128xf32, #tpu.memory_space<vmem>>[vector<16xi32>, vector<16xi32>], vector<16xf32>,
      %mul3A_595 = arith.mulf %gather3A_589, %gather3A_594 : vector<16xf32>
      %add3A_596 = arith.addf %add3A_584, %mul3A_595 : vector<16xf32>
      %add3A_597 = arith.constant 48 : i32
      %add3A_598 = arith.addi %squeeze3A_556, %add3A_597 : i32
      %add3A_599 = vector.broadcast %add3A_598 : i32 to vector<16xi32>
      %add3A_600 = arith.addi %add3A_599, %iota3A : vector<16xi32>
      %gather3A_601 = tpu.vector_load_idx %arg11[%broadcast_in_dim3A_554, %add3A_600] : memref<256x128xf32, #tpu.memory_space<vmem>>[vector<16xi32>, vector<16xi32>], vector<16xf32>,
      %add3A_602 = arith.constant 48 : i32
      %add3A_603 = arith.addi %squeeze3A_558, %add3A_602 : i32
      %add3A_604 = vector.broadcast %add3A_603 : i32 to vector<16xi32>
      %add3A_605 = arith.addi %add3A_604, %iota3A : vector<16xi32>
      %gather3A_606 = tpu.vector_load_idx %arg12[%broadcast_in_dim3A_554, %add3A_605] : memref<256x128xf32, #tpu.memory_space<vmem>>[vector<16xi32>, vector<16xi32>], vector<16xf32>,
      %mul3A_607 = arith.mulf %gather3A_601, %gather3A_606 : vector<16xf32>
      %add3A_608 = arith.addf %add3A_596, %mul3A_607 : vector<16xf32>
      %swap3A_609 = arith.constant 128 : index
      %swap3A_610 = tpu.vector_load %arg13[%swap3A_609] {strides = array<i32>} : memref<256xf32, #tpu.memory_space<vmem>>, vector<16xf32>,
      tpu.vector_store %arg13[%swap3A_609], %add3A_608 {strides = array<i32>} : memref<256xf32, #tpu.memory_space<vmem>>, vector<16xf32>,
      %mul3A_611 = arith.constant 16 : i32
      %mul3A_612 = arith.muli %mul3A_611, %scan3A_54 : i32
      %add3A_613 = arith.constant 9 : i32
      %add3A_614 = arith.addi %mul3A_612, %add3A_613 : i32
      %broadcast_in_dim3A_615 = vector.broadcast %add3A_614 : i32 to vector<16xi32>
      %slice3A_616 = vector.extract_strided_slice %get3A_60 {offsets = [9], sizes = [1], strides = [1]} : vector<16xi32> to vector<1xi32>
      %squeeze3A_617 = vector.extract %slice3A_616[0] : i32 from vector<1xi32>
      %slice3A_618 = vector.extract_strided_slice %get3A_66 {offsets = [9], sizes = [1], strides = [1]} : vector<16xi32> to vector<1xi32>
      %squeeze3A_619 = vector.extract %slice3A_618[0] : i32 from vector<1xi32>
      %broadcast_in_dim3A_620 = arith.constant 0.000000e+00 : f32
      %broadcast_in_dim3A_621 = vector.broadcast %broadcast_in_dim3A_620 : f32 to vector<16xf32>
      %add3A_622 = arith.constant 0 : i32
      %add3A_623 = arith.addi %squeeze3A_617, %add3A_622 : i32
      %add3A_624 = vector.broadcast %add3A_623 : i32 to vector<16xi32>
      %add3A_625 = arith.addi %add3A_624, %iota3A : vector<16xi32>
      %gather3A_626 = tpu.vector_load_idx %arg11[%broadcast_in_dim3A_615, %add3A_625] : memref<256x128xf32, #tpu.memory_space<vmem>>[vector<16xi32>, vector<16xi32>], vector<16xf32>,
      %add3A_627 = arith.constant 0 : i32
      %add3A_628 = arith.addi %squeeze3A_619, %add3A_627 : i32
      %add3A_629 = vector.broadcast %add3A_628 : i32 to vector<16xi32>
      %add3A_630 = arith.addi %add3A_629, %iota3A : vector<16xi32>
      %gather3A_631 = tpu.vector_load_idx %arg12[%broadcast_in_dim3A_615, %add3A_630] : memref<256x128xf32, #tpu.memory_space<vmem>>[vector<16xi32>, vector<16xi32>], vector<16xf32>,
      %mul3A_632 = arith.mulf %gather3A_626, %gather3A_631 : vector<16xf32>
      %add3A_633 = arith.addf %broadcast_in_dim3A_621, %mul3A_632 : vector<16xf32>
      %add3A_634 = arith.constant 16 : i32
      %add3A_635 = arith.addi %squeeze3A_617, %add3A_634 : i32
      %add3A_636 = vector.broadcast %add3A_635 : i32 to vector<16xi32>
      %add3A_637 = arith.addi %add3A_636, %iota3A : vector<16xi32>
      %gather3A_638 = tpu.vector_load_idx %arg11[%broadcast_in_dim3A_615, %add3A_637] : memref<256x128xf32, #tpu.memory_space<vmem>>[vector<16xi32>, vector<16xi32>], vector<16xf32>,
      %add3A_639 = arith.constant 16 : i32
      %add3A_640 = arith.addi %squeeze3A_619, %add3A_639 : i32
      %add3A_641 = vector.broadcast %add3A_640 : i32 to vector<16xi32>
      %add3A_642 = arith.addi %add3A_641, %iota3A : vector<16xi32>
      %gather3A_643 = tpu.vector_load_idx %arg12[%broadcast_in_dim3A_615, %add3A_642] : memref<256x128xf32, #tpu.memory_space<vmem>>[vector<16xi32>, vector<16xi32>], vector<16xf32>,
      %mul3A_644 = arith.mulf %gather3A_638, %gather3A_643 : vector<16xf32>
      %add3A_645 = arith.addf %add3A_633, %mul3A_644 : vector<16xf32>
      %add3A_646 = arith.constant 32 : i32
      %add3A_647 = arith.addi %squeeze3A_617, %add3A_646 : i32
      %add3A_648 = vector.broadcast %add3A_647 : i32 to vector<16xi32>
      %add3A_649 = arith.addi %add3A_648, %iota3A : vector<16xi32>
      %gather3A_650 = tpu.vector_load_idx %arg11[%broadcast_in_dim3A_615, %add3A_649] : memref<256x128xf32, #tpu.memory_space<vmem>>[vector<16xi32>, vector<16xi32>], vector<16xf32>,
      %add3A_651 = arith.constant 32 : i32
      %add3A_652 = arith.addi %squeeze3A_619, %add3A_651 : i32
      %add3A_653 = vector.broadcast %add3A_652 : i32 to vector<16xi32>
      %add3A_654 = arith.addi %add3A_653, %iota3A : vector<16xi32>
      %gather3A_655 = tpu.vector_load_idx %arg12[%broadcast_in_dim3A_615, %add3A_654] : memref<256x128xf32, #tpu.memory_space<vmem>>[vector<16xi32>, vector<16xi32>], vector<16xf32>,
      %mul3A_656 = arith.mulf %gather3A_650, %gather3A_655 : vector<16xf32>
      %add3A_657 = arith.addf %add3A_645, %mul3A_656 : vector<16xf32>
      %add3A_658 = arith.constant 48 : i32
      %add3A_659 = arith.addi %squeeze3A_617, %add3A_658 : i32
      %add3A_660 = vector.broadcast %add3A_659 : i32 to vector<16xi32>
      %add3A_661 = arith.addi %add3A_660, %iota3A : vector<16xi32>
      %gather3A_662 = tpu.vector_load_idx %arg11[%broadcast_in_dim3A_615, %add3A_661] : memref<256x128xf32, #tpu.memory_space<vmem>>[vector<16xi32>, vector<16xi32>], vector<16xf32>,
      %add3A_663 = arith.constant 48 : i32
      %add3A_664 = arith.addi %squeeze3A_619, %add3A_663 : i32
      %add3A_665 = vector.broadcast %add3A_664 : i32 to vector<16xi32>
      %add3A_666 = arith.addi %add3A_665, %iota3A : vector<16xi32>
      %gather3A_667 = tpu.vector_load_idx %arg12[%broadcast_in_dim3A_615, %add3A_666] : memref<256x128xf32, #tpu.memory_space<vmem>>[vector<16xi32>, vector<16xi32>], vector<16xf32>,
      %mul3A_668 = arith.mulf %gather3A_662, %gather3A_667 : vector<16xf32>
      %add3A_669 = arith.addf %add3A_657, %mul3A_668 : vector<16xf32>
      %swap3A_670 = arith.constant 144 : index
      %swap3A_671 = tpu.vector_load %arg13[%swap3A_670] {strides = array<i32>} : memref<256xf32, #tpu.memory_space<vmem>>, vector<16xf32>,
      tpu.vector_store %arg13[%swap3A_670], %add3A_669 {strides = array<i32>} : memref<256xf32, #tpu.memory_space<vmem>>, vector<16xf32>,
      %mul3A_672 = arith.constant 16 : i32
      %mul3A_673 = arith.muli %mul3A_672, %scan3A_54 : i32
      %add3A_674 = arith.constant 10 : i32
      %add3A_675 = arith.addi %mul3A_673, %add3A_674 : i32
      %broadcast_in_dim3A_676 = vector.broadcast %add3A_675 : i32 to vector<16xi32>
      %slice3A_677 = vector.extract_strided_slice %get3A_60 {offsets = [10], sizes = [1], strides = [1]} : vector<16xi32> to vector<1xi32>
      %squeeze3A_678 = vector.extract %slice3A_677[0] : i32 from vector<1xi32>
      %slice3A_679 = vector.extract_strided_slice %get3A_66 {offsets = [10], sizes = [1], strides = [1]} : vector<16xi32> to vector<1xi32>
      %squeeze3A_680 = vector.extract %slice3A_679[0] : i32 from vector<1xi32>
      %broadcast_in_dim3A_681 = arith.constant 0.000000e+00 : f32
      %broadcast_in_dim3A_682 = vector.broadcast %broadcast_in_dim3A_681 : f32 to vector<16xf32>
      %add3A_683 = arith.constant 0 : i32
      %add3A_684 = arith.addi %squeeze3A_678, %add3A_683 : i32
      %add3A_685 = vector.broadcast %add3A_684 : i32 to vector<16xi32>
      %add3A_686 = arith.addi %add3A_685, %iota3A : vector<16xi32>
      %gather3A_687 = tpu.vector_load_idx %arg11[%broadcast_in_dim3A_676, %add3A_686] : memref<256x128xf32, #tpu.memory_space<vmem>>[vector<16xi32>, vector<16xi32>], vector<16xf32>,
      %add3A_688 = arith.constant 0 : i32
      %add3A_689 = arith.addi %squeeze3A_680, %add3A_688 : i32
      %add3A_690 = vector.broadcast %add3A_689 : i32 to vector<16xi32>
      %add3A_691 = arith.addi %add3A_690, %iota3A : vector<16xi32>
      %gather3A_692 = tpu.vector_load_idx %arg12[%broadcast_in_dim3A_676, %add3A_691] : memref<256x128xf32, #tpu.memory_space<vmem>>[vector<16xi32>, vector<16xi32>], vector<16xf32>,
      %mul3A_693 = arith.mulf %gather3A_687, %gather3A_692 : vector<16xf32>
      %add3A_694 = arith.addf %broadcast_in_dim3A_682, %mul3A_693 : vector<16xf32>
      %add3A_695 = arith.constant 16 : i32
      %add3A_696 = arith.addi %squeeze3A_678, %add3A_695 : i32
      %add3A_697 = vector.broadcast %add3A_696 : i32 to vector<16xi32>
      %add3A_698 = arith.addi %add3A_697, %iota3A : vector<16xi32>
      %gather3A_699 = tpu.vector_load_idx %arg11[%broadcast_in_dim3A_676, %add3A_698] : memref<256x128xf32, #tpu.memory_space<vmem>>[vector<16xi32>, vector<16xi32>], vector<16xf32>,
      %add3A_700 = arith.constant 16 : i32
      %add3A_701 = arith.addi %squeeze3A_680, %add3A_700 : i32
      %add3A_702 = vector.broadcast %add3A_701 : i32 to vector<16xi32>
      %add3A_703 = arith.addi %add3A_702, %iota3A : vector<16xi32>
      %gather3A_704 = tpu.vector_load_idx %arg12[%broadcast_in_dim3A_676, %add3A_703] : memref<256x128xf32, #tpu.memory_space<vmem>>[vector<16xi32>, vector<16xi32>], vector<16xf32>,
      %mul3A_705 = arith.mulf %gather3A_699, %gather3A_704 : vector<16xf32>
      %add3A_706 = arith.addf %add3A_694, %mul3A_705 : vector<16xf32>
      %add3A_707 = arith.constant 32 : i32
      %add3A_708 = arith.addi %squeeze3A_678, %add3A_707 : i32
      %add3A_709 = vector.broadcast %add3A_708 : i32 to vector<16xi32>
      %add3A_710 = arith.addi %add3A_709, %iota3A : vector<16xi32>
      %gather3A_711 = tpu.vector_load_idx %arg11[%broadcast_in_dim3A_676, %add3A_710] : memref<256x128xf32, #tpu.memory_space<vmem>>[vector<16xi32>, vector<16xi32>], vector<16xf32>,
      %add3A_712 = arith.constant 32 : i32
      %add3A_713 = arith.addi %squeeze3A_680, %add3A_712 : i32
      %add3A_714 = vector.broadcast %add3A_713 : i32 to vector<16xi32>
      %add3A_715 = arith.addi %add3A_714, %iota3A : vector<16xi32>
      %gather3A_716 = tpu.vector_load_idx %arg12[%broadcast_in_dim3A_676, %add3A_715] : memref<256x128xf32, #tpu.memory_space<vmem>>[vector<16xi32>, vector<16xi32>], vector<16xf32>,
      %mul3A_717 = arith.mulf %gather3A_711, %gather3A_716 : vector<16xf32>
      %add3A_718 = arith.addf %add3A_706, %mul3A_717 : vector<16xf32>
      %add3A_719 = arith.constant 48 : i32
      %add3A_720 = arith.addi %squeeze3A_678, %add3A_719 : i32
      %add3A_721 = vector.broadcast %add3A_720 : i32 to vector<16xi32>
      %add3A_722 = arith.addi %add3A_721, %iota3A : vector<16xi32>
      %gather3A_723 = tpu.vector_load_idx %arg11[%broadcast_in_dim3A_676, %add3A_722] : memref<256x128xf32, #tpu.memory_space<vmem>>[vector<16xi32>, vector<16xi32>], vector<16xf32>,
      %add3A_724 = arith.constant 48 : i32
      %add3A_725 = arith.addi %squeeze3A_680, %add3A_724 : i32
      %add3A_726 = vector.broadcast %add3A_725 : i32 to vector<16xi32>
      %add3A_727 = arith.addi %add3A_726, %iota3A : vector<16xi32>
      %gather3A_728 = tpu.vector_load_idx %arg12[%broadcast_in_dim3A_676, %add3A_727] : memref<256x128xf32, #tpu.memory_space<vmem>>[vector<16xi32>, vector<16xi32>], vector<16xf32>,
      %mul3A_729 = arith.mulf %gather3A_723, %gather3A_728 : vector<16xf32>
      %add3A_730 = arith.addf %add3A_718, %mul3A_729 : vector<16xf32>
      %swap3A_731 = arith.constant 160 : index
      %swap3A_732 = tpu.vector_load %arg13[%swap3A_731] {strides = array<i32>} : memref<256xf32, #tpu.memory_space<vmem>>, vector<16xf32>,
      tpu.vector_store %arg13[%swap3A_731], %add3A_730 {strides = array<i32>} : memref<256xf32, #tpu.memory_space<vmem>>, vector<16xf32>,
      %mul3A_733 = arith.constant 16 : i32
      %mul3A_734 = arith.muli %mul3A_733, %scan3A_54 : i32
      %add3A_735 = arith.constant 11 : i32
      %add3A_736 = arith.addi %mul3A_734, %add3A_735 : i32
      %broadcast_in_dim3A_737 = vector.broadcast %add3A_736 : i32 to vector<16xi32>
      %slice3A_738 = vector.extract_strided_slice %get3A_60 {offsets = [11], sizes = [1], strides = [1]} : vector<16xi32> to vector<1xi32>
      %squeeze3A_739 = vector.extract %slice3A_738[0] : i32 from vector<1xi32>
      %slice3A_740 = vector.extract_strided_slice %get3A_66 {offsets = [11], sizes = [1], strides = [1]} : vector<16xi32> to vector<1xi32>
      %squeeze3A_741 = vector.extract %slice3A_740[0] : i32 from vector<1xi32>
      %broadcast_in_dim3A_742 = arith.constant 0.000000e+00 : f32
      %broadcast_in_dim3A_743 = vector.broadcast %broadcast_in_dim3A_742 : f32 to vector<16xf32>
      %add3A_744 = arith.constant 0 : i32
      %add3A_745 = arith.addi %squeeze3A_739, %add3A_744 : i32
      %add3A_746 = vector.broadcast %add3A_745 : i32 to vector<16xi32>
      %add3A_747 = arith.addi %add3A_746, %iota3A : vector<16xi32>
      %gather3A_748 = tpu.vector_load_idx %arg11[%broadcast_in_dim3A_737, %add3A_747] : memref<256x128xf32, #tpu.memory_space<vmem>>[vector<16xi32>, vector<16xi32>], vector<16xf32>,
      %add3A_749 = arith.constant 0 : i32
      %add3A_750 = arith.addi %squeeze3A_741, %add3A_749 : i32
      %add3A_751 = vector.broadcast %add3A_750 : i32 to vector<16xi32>
      %add3A_752 = arith.addi %add3A_751, %iota3A : vector<16xi32>
      %gather3A_753 = tpu.vector_load_idx %arg12[%broadcast_in_dim3A_737, %add3A_752] : memref<256x128xf32, #tpu.memory_space<vmem>>[vector<16xi32>, vector<16xi32>], vector<16xf32>,
      %mul3A_754 = arith.mulf %gather3A_748, %gather3A_753 : vector<16xf32>
      %add3A_755 = arith.addf %broadcast_in_dim3A_743, %mul3A_754 : vector<16xf32>
      %add3A_756 = arith.constant 16 : i32
      %add3A_757 = arith.addi %squeeze3A_739, %add3A_756 : i32
      %add3A_758 = vector.broadcast %add3A_757 : i32 to vector<16xi32>
      %add3A_759 = arith.addi %add3A_758, %iota3A : vector<16xi32>
      %gather3A_760 = tpu.vector_load_idx %arg11[%broadcast_in_dim3A_737, %add3A_759] : memref<256x128xf32, #tpu.memory_space<vmem>>[vector<16xi32>, vector<16xi32>], vector<16xf32>,
      %add3A_761 = arith.constant 16 : i32
      %add3A_762 = arith.addi %squeeze3A_741, %add3A_761 : i32
      %add3A_763 = vector.broadcast %add3A_762 : i32 to vector<16xi32>
      %add3A_764 = arith.addi %add3A_763, %iota3A : vector<16xi32>
      %gather3A_765 = tpu.vector_load_idx %arg12[%broadcast_in_dim3A_737, %add3A_764] : memref<256x128xf32, #tpu.memory_space<vmem>>[vector<16xi32>, vector<16xi32>], vector<16xf32>,
      %mul3A_766 = arith.mulf %gather3A_760, %gather3A_765 : vector<16xf32>
      %add3A_767 = arith.addf %add3A_755, %mul3A_766 : vector<16xf32>
      %add3A_768 = arith.constant 32 : i32
      %add3A_769 = arith.addi %squeeze3A_739, %add3A_768 : i32
      %add3A_770 = vector.broadcast %add3A_769 : i32 to vector<16xi32>
      %add3A_771 = arith.addi %add3A_770, %iota3A : vector<16xi32>
      %gather3A_772 = tpu.vector_load_idx %arg11[%broadcast_in_dim3A_737, %add3A_771] : memref<256x128xf32, #tpu.memory_space<vmem>>[vector<16xi32>, vector<16xi32>], vector<16xf32>,
      %add3A_773 = arith.constant 32 : i32
      %add3A_774 = arith.addi %squeeze3A_741, %add3A_773 : i32
      %add3A_775 = vector.broadcast %add3A_774 : i32 to vector<16xi32>
      %add3A_776 = arith.addi %add3A_775, %iota3A : vector<16xi32>
      %gather3A_777 = tpu.vector_load_idx %arg12[%broadcast_in_dim3A_737, %add3A_776] : memref<256x128xf32, #tpu.memory_space<vmem>>[vector<16xi32>, vector<16xi32>], vector<16xf32>,
      %mul3A_778 = arith.mulf %gather3A_772, %gather3A_777 : vector<16xf32>
      %add3A_779 = arith.addf %add3A_767, %mul3A_778 : vector<16xf32>
      %add3A_780 = arith.constant 48 : i32
      %add3A_781 = arith.addi %squeeze3A_739, %add3A_780 : i32
      %add3A_782 = vector.broadcast %add3A_781 : i32 to vector<16xi32>
      %add3A_783 = arith.addi %add3A_782, %iota3A : vector<16xi32>
      %gather3A_784 = tpu.vector_load_idx %arg11[%broadcast_in_dim3A_737, %add3A_783] : memref<256x128xf32, #tpu.memory_space<vmem>>[vector<16xi32>, vector<16xi32>], vector<16xf32>,
      %add3A_785 = arith.constant 48 : i32
      %add3A_786 = arith.addi %squeeze3A_741, %add3A_785 : i32
      %add3A_787 = vector.broadcast %add3A_786 : i32 to vector<16xi32>
      %add3A_788 = arith.addi %add3A_787, %iota3A : vector<16xi32>
      %gather3A_789 = tpu.vector_load_idx %arg12[%broadcast_in_dim3A_737, %add3A_788] : memref<256x128xf32, #tpu.memory_space<vmem>>[vector<16xi32>, vector<16xi32>], vector<16xf32>,
      %mul3A_790 = arith.mulf %gather3A_784, %gather3A_789 : vector<16xf32>
      %add3A_791 = arith.addf %add3A_779, %mul3A_790 : vector<16xf32>
      %swap3A_792 = arith.constant 176 : index
      %swap3A_793 = tpu.vector_load %arg13[%swap3A_792] {strides = array<i32>} : memref<256xf32, #tpu.memory_space<vmem>>, vector<16xf32>,
      tpu.vector_store %arg13[%swap3A_792], %add3A_791 {strides = array<i32>} : memref<256xf32, #tpu.memory_space<vmem>>, vector<16xf32>,
      %mul3A_794 = arith.constant 16 : i32
      %mul3A_795 = arith.muli %mul3A_794, %scan3A_54 : i32
      %add3A_796 = arith.constant 12 : i32
      %add3A_797 = arith.addi %mul3A_795, %add3A_796 : i32
      %broadcast_in_dim3A_798 = vector.broadcast %add3A_797 : i32 to vector<16xi32>
      %slice3A_799 = vector.extract_strided_slice %get3A_60 {offsets = [12], sizes = [1], strides = [1]} : vector<16xi32> to vector<1xi32>
      %squeeze3A_800 = vector.extract %slice3A_799[0] : i32 from vector<1xi32>
      %slice3A_801 = vector.extract_strided_slice %get3A_66 {offsets = [12], sizes = [1], strides = [1]} : vector<16xi32> to vector<1xi32>
      %squeeze3A_802 = vector.extract %slice3A_801[0] : i32 from vector<1xi32>
      %broadcast_in_dim3A_803 = arith.constant 0.000000e+00 : f32
      %broadcast_in_dim3A_804 = vector.broadcast %broadcast_in_dim3A_803 : f32 to vector<16xf32>
      %add3A_805 = arith.constant 0 : i32
      %add3A_806 = arith.addi %squeeze3A_800, %add3A_805 : i32
      %add3A_807 = vector.broadcast %add3A_806 : i32 to vector<16xi32>
      %add3A_808 = arith.addi %add3A_807, %iota3A : vector<16xi32>
      %gather3A_809 = tpu.vector_load_idx %arg11[%broadcast_in_dim3A_798, %add3A_808] : memref<256x128xf32, #tpu.memory_space<vmem>>[vector<16xi32>, vector<16xi32>], vector<16xf32>,
      %add3A_810 = arith.constant 0 : i32
      %add3A_811 = arith.addi %squeeze3A_802, %add3A_810 : i32
      %add3A_812 = vector.broadcast %add3A_811 : i32 to vector<16xi32>
      %add3A_813 = arith.addi %add3A_812, %iota3A : vector<16xi32>
      %gather3A_814 = tpu.vector_load_idx %arg12[%broadcast_in_dim3A_798, %add3A_813] : memref<256x128xf32, #tpu.memory_space<vmem>>[vector<16xi32>, vector<16xi32>], vector<16xf32>,
      %mul3A_815 = arith.mulf %gather3A_809, %gather3A_814 : vector<16xf32>
      %add3A_816 = arith.addf %broadcast_in_dim3A_804, %mul3A_815 : vector<16xf32>
      %add3A_817 = arith.constant 16 : i32
      %add3A_818 = arith.addi %squeeze3A_800, %add3A_817 : i32
      %add3A_819 = vector.broadcast %add3A_818 : i32 to vector<16xi32>
      %add3A_820 = arith.addi %add3A_819, %iota3A : vector<16xi32>
      %gather3A_821 = tpu.vector_load_idx %arg11[%broadcast_in_dim3A_798, %add3A_820] : memref<256x128xf32, #tpu.memory_space<vmem>>[vector<16xi32>, vector<16xi32>], vector<16xf32>,
      %add3A_822 = arith.constant 16 : i32
      %add3A_823 = arith.addi %squeeze3A_802, %add3A_822 : i32
      %add3A_824 = vector.broadcast %add3A_823 : i32 to vector<16xi32>
      %add3A_825 = arith.addi %add3A_824, %iota3A : vector<16xi32>
      %gather3A_826 = tpu.vector_load_idx %arg12[%broadcast_in_dim3A_798, %add3A_825] : memref<256x128xf32, #tpu.memory_space<vmem>>[vector<16xi32>, vector<16xi32>], vector<16xf32>,
      %mul3A_827 = arith.mulf %gather3A_821, %gather3A_826 : vector<16xf32>
      %add3A_828 = arith.addf %add3A_816, %mul3A_827 : vector<16xf32>
      %add3A_829 = arith.constant 32 : i32
      %add3A_830 = arith.addi %squeeze3A_800, %add3A_829 : i32
      %add3A_831 = vector.broadcast %add3A_830 : i32 to vector<16xi32>
      %add3A_832 = arith.addi %add3A_831, %iota3A : vector<16xi32>
      %gather3A_833 = tpu.vector_load_idx %arg11[%broadcast_in_dim3A_798, %add3A_832] : memref<256x128xf32, #tpu.memory_space<vmem>>[vector<16xi32>, vector<16xi32>], vector<16xf32>,
      %add3A_834 = arith.constant 32 : i32
      %add3A_835 = arith.addi %squeeze3A_802, %add3A_834 : i32
      %add3A_836 = vector.broadcast %add3A_835 : i32 to vector<16xi32>
      %add3A_837 = arith.addi %add3A_836, %iota3A : vector<16xi32>
      %gather3A_838 = tpu.vector_load_idx %arg12[%broadcast_in_dim3A_798, %add3A_837] : memref<256x128xf32, #tpu.memory_space<vmem>>[vector<16xi32>, vector<16xi32>], vector<16xf32>,
      %mul3A_839 = arith.mulf %gather3A_833, %gather3A_838 : vector<16xf32>
      %add3A_840 = arith.addf %add3A_828, %mul3A_839 : vector<16xf32>
      %add3A_841 = arith.constant 48 : i32
      %add3A_842 = arith.addi %squeeze3A_800, %add3A_841 : i32
      %add3A_843 = vector.broadcast %add3A_842 : i32 to vector<16xi32>
      %add3A_844 = arith.addi %add3A_843, %iota3A : vector<16xi32>
      %gather3A_845 = tpu.vector_load_idx %arg11[%broadcast_in_dim3A_798, %add3A_844] : memref<256x128xf32, #tpu.memory_space<vmem>>[vector<16xi32>, vector<16xi32>], vector<16xf32>,
      %add3A_846 = arith.constant 48 : i32
      %add3A_847 = arith.addi %squeeze3A_802, %add3A_846 : i32
      %add3A_848 = vector.broadcast %add3A_847 : i32 to vector<16xi32>
      %add3A_849 = arith.addi %add3A_848, %iota3A : vector<16xi32>
      %gather3A_850 = tpu.vector_load_idx %arg12[%broadcast_in_dim3A_798, %add3A_849] : memref<256x128xf32, #tpu.memory_space<vmem>>[vector<16xi32>, vector<16xi32>], vector<16xf32>,
      %mul3A_851 = arith.mulf %gather3A_845, %gather3A_850 : vector<16xf32>
      %add3A_852 = arith.addf %add3A_840, %mul3A_851 : vector<16xf32>
      %swap3A_853 = arith.constant 192 : index
      %swap3A_854 = tpu.vector_load %arg13[%swap3A_853] {strides = array<i32>} : memref<256xf32, #tpu.memory_space<vmem>>, vector<16xf32>,
      tpu.vector_store %arg13[%swap3A_853], %add3A_852 {strides = array<i32>} : memref<256xf32, #tpu.memory_space<vmem>>, vector<16xf32>,
      %mul3A_855 = arith.constant 16 : i32
      %mul3A_856 = arith.muli %mul3A_855, %scan3A_54 : i32
      %add3A_857 = arith.constant 13 : i32
      %add3A_858 = arith.addi %mul3A_856, %add3A_857 : i32
      %broadcast_in_dim3A_859 = vector.broadcast %add3A_858 : i32 to vector<16xi32>
      %slice3A_860 = vector.extract_strided_slice %get3A_60 {offsets = [13], sizes = [1], strides = [1]} : vector<16xi32> to vector<1xi32>
      %squeeze3A_861 = vector.extract %slice3A_860[0] : i32 from vector<1xi32>
      %slice3A_862 = vector.extract_strided_slice %get3A_66 {offsets = [13], sizes = [1], strides = [1]} : vector<16xi32> to vector<1xi32>
      %squeeze3A_863 = vector.extract %slice3A_862[0] : i32 from vector<1xi32>
      %broadcast_in_dim3A_864 = arith.constant 0.000000e+00 : f32
      %broadcast_in_dim3A_865 = vector.broadcast %broadcast_in_dim3A_864 : f32 to vector<16xf32>
      %add3A_866 = arith.constant 0 : i32
      %add3A_867 = arith.addi %squeeze3A_861, %add3A_866 : i32
      %add3A_868 = vector.broadcast %add3A_867 : i32 to vector<16xi32>
      %add3A_869 = arith.addi %add3A_868, %iota3A : vector<16xi32>
      %gather3A_870 = tpu.vector_load_idx %arg11[%broadcast_in_dim3A_859, %add3A_869] : memref<256x128xf32, #tpu.memory_space<vmem>>[vector<16xi32>, vector<16xi32>], vector<16xf32>,
      %add3A_871 = arith.constant 0 : i32
      %add3A_872 = arith.addi %squeeze3A_863, %add3A_871 : i32
      %add3A_873 = vector.broadcast %add3A_872 : i32 to vector<16xi32>
      %add3A_874 = arith.addi %add3A_873, %iota3A : vector<16xi32>
      %gather3A_875 = tpu.vector_load_idx %arg12[%broadcast_in_dim3A_859, %add3A_874] : memref<256x128xf32, #tpu.memory_space<vmem>>[vector<16xi32>, vector<16xi32>], vector<16xf32>,
      %mul3A_876 = arith.mulf %gather3A_870, %gather3A_875 : vector<16xf32>
      %add3A_877 = arith.addf %broadcast_in_dim3A_865, %mul3A_876 : vector<16xf32>
      %add3A_878 = arith.constant 16 : i32
      %add3A_879 = arith.addi %squeeze3A_861, %add3A_878 : i32
      %add3A_880 = vector.broadcast %add3A_879 : i32 to vector<16xi32>
      %add3A_881 = arith.addi %add3A_880, %iota3A : vector<16xi32>
      %gather3A_882 = tpu.vector_load_idx %arg11[%broadcast_in_dim3A_859, %add3A_881] : memref<256x128xf32, #tpu.memory_space<vmem>>[vector<16xi32>, vector<16xi32>], vector<16xf32>,
      %add3A_883 = arith.constant 16 : i32
      %add3A_884 = arith.addi %squeeze3A_863, %add3A_883 : i32
      %add3A_885 = vector.broadcast %add3A_884 : i32 to vector<16xi32>
      %add3A_886 = arith.addi %add3A_885, %iota3A : vector<16xi32>
      %gather3A_887 = tpu.vector_load_idx %arg12[%broadcast_in_dim3A_859, %add3A_886] : memref<256x128xf32, #tpu.memory_space<vmem>>[vector<16xi32>, vector<16xi32>], vector<16xf32>,
      %mul3A_888 = arith.mulf %gather3A_882, %gather3A_887 : vector<16xf32>
      %add3A_889 = arith.addf %add3A_877, %mul3A_888 : vector<16xf32>
      %add3A_890 = arith.constant 32 : i32
      %add3A_891 = arith.addi %squeeze3A_861, %add3A_890 : i32
      %add3A_892 = vector.broadcast %add3A_891 : i32 to vector<16xi32>
      %add3A_893 = arith.addi %add3A_892, %iota3A : vector<16xi32>
      %gather3A_894 = tpu.vector_load_idx %arg11[%broadcast_in_dim3A_859, %add3A_893] : memref<256x128xf32, #tpu.memory_space<vmem>>[vector<16xi32>, vector<16xi32>], vector<16xf32>,
      %add3A_895 = arith.constant 32 : i32
      %add3A_896 = arith.addi %squeeze3A_863, %add3A_895 : i32
      %add3A_897 = vector.broadcast %add3A_896 : i32 to vector<16xi32>
      %add3A_898 = arith.addi %add3A_897, %iota3A : vector<16xi32>
      %gather3A_899 = tpu.vector_load_idx %arg12[%broadcast_in_dim3A_859, %add3A_898] : memref<256x128xf32, #tpu.memory_space<vmem>>[vector<16xi32>, vector<16xi32>], vector<16xf32>,
      %mul3A_900 = arith.mulf %gather3A_894, %gather3A_899 : vector<16xf32>
      %add3A_901 = arith.addf %add3A_889, %mul3A_900 : vector<16xf32>
      %add3A_902 = arith.constant 48 : i32
      %add3A_903 = arith.addi %squeeze3A_861, %add3A_902 : i32
      %add3A_904 = vector.broadcast %add3A_903 : i32 to vector<16xi32>
      %add3A_905 = arith.addi %add3A_904, %iota3A : vector<16xi32>
      %gather3A_906 = tpu.vector_load_idx %arg11[%broadcast_in_dim3A_859, %add3A_905] : memref<256x128xf32, #tpu.memory_space<vmem>>[vector<16xi32>, vector<16xi32>], vector<16xf32>,
      %add3A_907 = arith.constant 48 : i32
      %add3A_908 = arith.addi %squeeze3A_863, %add3A_907 : i32
      %add3A_909 = vector.broadcast %add3A_908 : i32 to vector<16xi32>
      %add3A_910 = arith.addi %add3A_909, %iota3A : vector<16xi32>
      %gather3A_911 = tpu.vector_load_idx %arg12[%broadcast_in_dim3A_859, %add3A_910] : memref<256x128xf32, #tpu.memory_space<vmem>>[vector<16xi32>, vector<16xi32>], vector<16xf32>,
      %mul3A_912 = arith.mulf %gather3A_906, %gather3A_911 : vector<16xf32>
      %add3A_913 = arith.addf %add3A_901, %mul3A_912 : vector<16xf32>
      %swap3A_914 = arith.constant 208 : index
      %swap3A_915 = tpu.vector_load %arg13[%swap3A_914] {strides = array<i32>} : memref<256xf32, #tpu.memory_space<vmem>>, vector<16xf32>,
      tpu.vector_store %arg13[%swap3A_914], %add3A_913 {strides = array<i32>} : memref<256xf32, #tpu.memory_space<vmem>>, vector<16xf32>,
      %mul3A_916 = arith.constant 16 : i32
      %mul3A_917 = arith.muli %mul3A_916, %scan3A_54 : i32
      %add3A_918 = arith.constant 14 : i32
      %add3A_919 = arith.addi %mul3A_917, %add3A_918 : i32
      %broadcast_in_dim3A_920 = vector.broadcast %add3A_919 : i32 to vector<16xi32>
      %slice3A_921 = vector.extract_strided_slice %get3A_60 {offsets = [14], sizes = [1], strides = [1]} : vector<16xi32> to vector<1xi32>
      %squeeze3A_922 = vector.extract %slice3A_921[0] : i32 from vector<1xi32>
      %slice3A_923 = vector.extract_strided_slice %get3A_66 {offsets = [14], sizes = [1], strides = [1]} : vector<16xi32> to vector<1xi32>
      %squeeze3A_924 = vector.extract %slice3A_923[0] : i32 from vector<1xi32>
      %broadcast_in_dim3A_925 = arith.constant 0.000000e+00 : f32
      %broadcast_in_dim3A_926 = vector.broadcast %broadcast_in_dim3A_925 : f32 to vector<16xf32>
      %add3A_927 = arith.constant 0 : i32
      %add3A_928 = arith.addi %squeeze3A_922, %add3A_927 : i32
      %add3A_929 = vector.broadcast %add3A_928 : i32 to vector<16xi32>
      %add3A_930 = arith.addi %add3A_929, %iota3A : vector<16xi32>
      %gather3A_931 = tpu.vector_load_idx %arg11[%broadcast_in_dim3A_920, %add3A_930] : memref<256x128xf32, #tpu.memory_space<vmem>>[vector<16xi32>, vector<16xi32>], vector<16xf32>,
      %add3A_932 = arith.constant 0 : i32
      %add3A_933 = arith.addi %squeeze3A_924, %add3A_932 : i32
      %add3A_934 = vector.broadcast %add3A_933 : i32 to vector<16xi32>
      %add3A_935 = arith.addi %add3A_934, %iota3A : vector<16xi32>
      %gather3A_936 = tpu.vector_load_idx %arg12[%broadcast_in_dim3A_920, %add3A_935] : memref<256x128xf32, #tpu.memory_space<vmem>>[vector<16xi32>, vector<16xi32>], vector<16xf32>,
      %mul3A_937 = arith.mulf %gather3A_931, %gather3A_936 : vector<16xf32>
      %add3A_938 = arith.addf %broadcast_in_dim3A_926, %mul3A_937 : vector<16xf32>
      %add3A_939 = arith.constant 16 : i32
      %add3A_940 = arith.addi %squeeze3A_922, %add3A_939 : i32
      %add3A_941 = vector.broadcast %add3A_940 : i32 to vector<16xi32>
      %add3A_942 = arith.addi %add3A_941, %iota3A : vector<16xi32>
      %gather3A_943 = tpu.vector_load_idx %arg11[%broadcast_in_dim3A_920, %add3A_942] : memref<256x128xf32, #tpu.memory_space<vmem>>[vector<16xi32>, vector<16xi32>], vector<16xf32>,
      %add3A_944 = arith.constant 16 : i32
      %add3A_945 = arith.addi %squeeze3A_924, %add3A_944 : i32
      %add3A_946 = vector.broadcast %add3A_945 : i32 to vector<16xi32>
      %add3A_947 = arith.addi %add3A_946, %iota3A : vector<16xi32>
      %gather3A_948 = tpu.vector_load_idx %arg12[%broadcast_in_dim3A_920, %add3A_947] : memref<256x128xf32, #tpu.memory_space<vmem>>[vector<16xi32>, vector<16xi32>], vector<16xf32>,
      %mul3A_949 = arith.mulf %gather3A_943, %gather3A_948 : vector<16xf32>
      %add3A_950 = arith.addf %add3A_938, %mul3A_949 : vector<16xf32>
      %add3A_951 = arith.constant 32 : i32
      %add3A_952 = arith.addi %squeeze3A_922, %add3A_951 : i32
      %add3A_953 = vector.broadcast %add3A_952 : i32 to vector<16xi32>
      %add3A_954 = arith.addi %add3A_953, %iota3A : vector<16xi32>
      %gather3A_955 = tpu.vector_load_idx %arg11[%broadcast_in_dim3A_920, %add3A_954] : memref<256x128xf32, #tpu.memory_space<vmem>>[vector<16xi32>, vector<16xi32>], vector<16xf32>,
      %add3A_956 = arith.constant 32 : i32
      %add3A_957 = arith.addi %squeeze3A_924, %add3A_956 : i32
      %add3A_958 = vector.broadcast %add3A_957 : i32 to vector<16xi32>
      %add3A_959 = arith.addi %add3A_958, %iota3A : vector<16xi32>
      %gather3A_960 = tpu.vector_load_idx %arg12[%broadcast_in_dim3A_920, %add3A_959] : memref<256x128xf32, #tpu.memory_space<vmem>>[vector<16xi32>, vector<16xi32>], vector<16xf32>,
      %mul3A_961 = arith.mulf %gather3A_955, %gather3A_960 : vector<16xf32>
      %add3A_962 = arith.addf %add3A_950, %mul3A_961 : vector<16xf32>
      %add3A_963 = arith.constant 48 : i32
      %add3A_964 = arith.addi %squeeze3A_922, %add3A_963 : i32
      %add3A_965 = vector.broadcast %add3A_964 : i32 to vector<16xi32>
      %add3A_966 = arith.addi %add3A_965, %iota3A : vector<16xi32>
      %gather3A_967 = tpu.vector_load_idx %arg11[%broadcast_in_dim3A_920, %add3A_966] : memref<256x128xf32, #tpu.memory_space<vmem>>[vector<16xi32>, vector<16xi32>], vector<16xf32>,
      %add3A_968 = arith.constant 48 : i32
      %add3A_969 = arith.addi %squeeze3A_924, %add3A_968 : i32
      %add3A_970 = vector.broadcast %add3A_969 : i32 to vector<16xi32>
      %add3A_971 = arith.addi %add3A_970, %iota3A : vector<16xi32>
      %gather3A_972 = tpu.vector_load_idx %arg12[%broadcast_in_dim3A_920, %add3A_971] : memref<256x128xf32, #tpu.memory_space<vmem>>[vector<16xi32>, vector<16xi32>], vector<16xf32>,
      %mul3A_973 = arith.mulf %gather3A_967, %gather3A_972 : vector<16xf32>
      %add3A_974 = arith.addf %add3A_962, %mul3A_973 : vector<16xf32>
      %swap3A_975 = arith.constant 224 : index
      %swap3A_976 = tpu.vector_load %arg13[%swap3A_975] {strides = array<i32>} : memref<256xf32, #tpu.memory_space<vmem>>, vector<16xf32>,
      tpu.vector_store %arg13[%swap3A_975], %add3A_974 {strides = array<i32>} : memref<256xf32, #tpu.memory_space<vmem>>, vector<16xf32>,
      %mul3A_977 = arith.constant 16 : i32
      %mul3A_978 = arith.muli %mul3A_977, %scan3A_54 : i32
      %add3A_979 = arith.constant 15 : i32
      %add3A_980 = arith.addi %mul3A_978, %add3A_979 : i32
      %broadcast_in_dim3A_981 = vector.broadcast %add3A_980 : i32 to vector<16xi32>
      %slice3A_982 = vector.extract_strided_slice %get3A_60 {offsets = [15], sizes = [1], strides = [1]} : vector<16xi32> to vector<1xi32>
      %squeeze3A_983 = vector.extract %slice3A_982[0] : i32 from vector<1xi32>
      %slice3A_984 = vector.extract_strided_slice %get3A_66 {offsets = [15], sizes = [1], strides = [1]} : vector<16xi32> to vector<1xi32>
      %squeeze3A_985 = vector.extract %slice3A_984[0] : i32 from vector<1xi32>
      %broadcast_in_dim3A_986 = arith.constant 0.000000e+00 : f32
      %broadcast_in_dim3A_987 = vector.broadcast %broadcast_in_dim3A_986 : f32 to vector<16xf32>
      %add3A_988 = arith.constant 0 : i32
      %add3A_989 = arith.addi %squeeze3A_983, %add3A_988 : i32
      %add3A_990 = vector.broadcast %add3A_989 : i32 to vector<16xi32>
      %add3A_991 = arith.addi %add3A_990, %iota3A : vector<16xi32>
      %gather3A_992 = tpu.vector_load_idx %arg11[%broadcast_in_dim3A_981, %add3A_991] : memref<256x128xf32, #tpu.memory_space<vmem>>[vector<16xi32>, vector<16xi32>], vector<16xf32>,
      %add3A_993 = arith.constant 0 : i32
      %add3A_994 = arith.addi %squeeze3A_985, %add3A_993 : i32
      %add3A_995 = vector.broadcast %add3A_994 : i32 to vector<16xi32>
      %add3A_996 = arith.addi %add3A_995, %iota3A : vector<16xi32>
      %gather3A_997 = tpu.vector_load_idx %arg12[%broadcast_in_dim3A_981, %add3A_996] : memref<256x128xf32, #tpu.memory_space<vmem>>[vector<16xi32>, vector<16xi32>], vector<16xf32>,
      %mul3A_998 = arith.mulf %gather3A_992, %gather3A_997 : vector<16xf32>
      %add3A_999 = arith.addf %broadcast_in_dim3A_987, %mul3A_998 : vector<16xf32>
      %add3A_1000 = arith.constant 16 : i32
      %add3A_1001 = arith.addi %squeeze3A_983, %add3A_1000 : i32
      %add3A_1002 = vector.broadcast %add3A_1001 : i32 to vector<16xi32>
      %add3A_1003 = arith.addi %add3A_1002, %iota3A : vector<16xi32>
      %gather3A_1004 = tpu.vector_load_idx %arg11[%broadcast_in_dim3A_981, %add3A_1003] : memref<256x128xf32, #tpu.memory_space<vmem>>[vector<16xi32>, vector<16xi32>], vector<16xf32>,
      %add3A_1005 = arith.constant 16 : i32
      %add3A_1006 = arith.addi %squeeze3A_985, %add3A_1005 : i32
      %add3A_1007 = vector.broadcast %add3A_1006 : i32 to vector<16xi32>
      %add3A_1008 = arith.addi %add3A_1007, %iota3A : vector<16xi32>
      %gather3A_1009 = tpu.vector_load_idx %arg12[%broadcast_in_dim3A_981, %add3A_1008] : memref<256x128xf32, #tpu.memory_space<vmem>>[vector<16xi32>, vector<16xi32>], vector<16xf32>,
      %mul3A_1010 = arith.mulf %gather3A_1004, %gather3A_1009 : vector<16xf32>
      %add3A_1011 = arith.addf %add3A_999, %mul3A_1010 : vector<16xf32>
      %add3A_1012 = arith.constant 32 : i32
      %add3A_1013 = arith.addi %squeeze3A_983, %add3A_1012 : i32
      %add3A_1014 = vector.broadcast %add3A_1013 : i32 to vector<16xi32>
      %add3A_1015 = arith.addi %add3A_1014, %iota3A : vector<16xi32>
      %gather3A_1016 = tpu.vector_load_idx %arg11[%broadcast_in_dim3A_981, %add3A_1015] : memref<256x128xf32, #tpu.memory_space<vmem>>[vector<16xi32>, vector<16xi32>], vector<16xf32>,
      %add3A_1017 = arith.constant 32 : i32
      %add3A_1018 = arith.addi %squeeze3A_985, %add3A_1017 : i32
      %add3A_1019 = vector.broadcast %add3A_1018 : i32 to vector<16xi32>
      %add3A_1020 = arith.addi %add3A_1019, %iota3A : vector<16xi32>
      %gather3A_1021 = tpu.vector_load_idx %arg12[%broadcast_in_dim3A_981, %add3A_1020] : memref<256x128xf32, #tpu.memory_space<vmem>>[vector<16xi32>, vector<16xi32>], vector<16xf32>,
      %mul3A_1022 = arith.mulf %gather3A_1016, %gather3A_1021 : vector<16xf32>
      %add3A_1023 = arith.addf %add3A_1011, %mul3A_1022 : vector<16xf32>
      %add3A_1024 = arith.constant 48 : i32
      %add3A_1025 = arith.addi %squeeze3A_983, %add3A_1024 : i32
      %add3A_1026 = vector.broadcast %add3A_1025 : i32 to vector<16xi32>
      %add3A_1027 = arith.addi %add3A_1026, %iota3A : vector<16xi32>
      %gather3A_1028 = tpu.vector_load_idx %arg11[%broadcast_in_dim3A_981, %add3A_1027] : memref<256x128xf32, #tpu.memory_space<vmem>>[vector<16xi32>, vector<16xi32>], vector<16xf32>,
      %add3A_1029 = arith.constant 48 : i32
      %add3A_1030 = arith.addi %squeeze3A_985, %add3A_1029 : i32
      %add3A_1031 = vector.broadcast %add3A_1030 : i32 to vector<16xi32>
      %add3A_1032 = arith.addi %add3A_1031, %iota3A : vector<16xi32>
      %gather3A_1033 = tpu.vector_load_idx %arg12[%broadcast_in_dim3A_981, %add3A_1032] : memref<256x128xf32, #tpu.memory_space<vmem>>[vector<16xi32>, vector<16xi32>], vector<16xf32>,
      %mul3A_1034 = arith.mulf %gather3A_1028, %gather3A_1033 : vector<16xf32>
      %add3A_1035 = arith.addf %add3A_1023, %mul3A_1034 : vector<16xf32>
      %swap3A_1036 = arith.constant 240 : index
      %swap3A_1037 = tpu.vector_load %arg13[%swap3A_1036] {strides = array<i32>} : memref<256xf32, #tpu.memory_space<vmem>>, vector<16xf32>,
      tpu.vector_store %arg13[%swap3A_1036], %add3A_1035 {strides = array<i32>} : memref<256xf32, #tpu.memory_space<vmem>>, vector<16xf32>,
      %broadcast_in_dim3A_1038 = arith.constant 0.000000e+00 : f32
      %broadcast_in_dim3A_1039 = vector.broadcast %broadcast_in_dim3A_1038 : f32 to vector<16xf32>
      %mul3A_1040 = arith.constant 16 : i32
      %mul3A_1041 = vector.broadcast %mul3A_1040 : i32 to vector<16xi32>
      %mul3A_1042 = arith.muli %iota3A, %mul3A_1041 : vector<16xi32>
      %add3A_1043 = arith.constant 0 : i32
      %add3A_1044 = vector.broadcast %add3A_1043 : i32 to vector<16xi32>
      %add3A_1045 = arith.addi %mul3A_1042, %add3A_1044 : vector<16xi32>
      %gather3A_1046 = tpu.vector_load_idx %arg13[%add3A_1045] : memref<256xf32, #tpu.memory_space<vmem>>[vector<16xi32>], vector<16xf32>,
      %add3A_1047 = arith.addf %broadcast_in_dim3A_1039, %gather3A_1046 : vector<16xf32>
      %mul3A_1048 = arith.constant 16 : i32
      %mul3A_1049 = vector.broadcast %mul3A_1048 : i32 to vector<16xi32>
      %mul3A_1050 = arith.muli %iota3A, %mul3A_1049 : vector<16xi32>
      %add3A_1051 = arith.constant 1 : i32
      %add3A_1052 = vector.broadcast %add3A_1051 : i32 to vector<16xi32>
      %add3A_1053 = arith.addi %mul3A_1050, %add3A_1052 : vector<16xi32>
      %gather3A_1054 = tpu.vector_load_idx %arg13[%add3A_1053] : memref<256xf32, #tpu.memory_space<vmem>>[vector<16xi32>], vector<16xf32>,
      %add3A_1055 = arith.addf %add3A_1047, %gather3A_1054 : vector<16xf32>
      %mul3A_1056 = arith.constant 16 : i32
      %mul3A_1057 = vector.broadcast %mul3A_1056 : i32 to vector<16xi32>
      %mul3A_1058 = arith.muli %iota3A, %mul3A_1057 : vector<16xi32>
      %add3A_1059 = arith.constant 2 : i32
      %add3A_1060 = vector.broadcast %add3A_1059 : i32 to vector<16xi32>
      %add3A_1061 = arith.addi %mul3A_1058, %add3A_1060 : vector<16xi32>
      %gather3A_1062 = tpu.vector_load_idx %arg13[%add3A_1061] : memref<256xf32, #tpu.memory_space<vmem>>[vector<16xi32>], vector<16xf32>,
      %add3A_1063 = arith.addf %add3A_1055, %gather3A_1062 : vector<16xf32>
      %mul3A_1064 = arith.constant 16 : i32
      %mul3A_1065 = vector.broadcast %mul3A_1064 : i32 to vector<16xi32>
      %mul3A_1066 = arith.muli %iota3A, %mul3A_1065 : vector<16xi32>
      %add3A_1067 = arith.constant 3 : i32
      %add3A_1068 = vector.broadcast %add3A_1067 : i32 to vector<16xi32>
      %add3A_1069 = arith.addi %mul3A_1066, %add3A_1068 : vector<16xi32>
      %gather3A_1070 = tpu.vector_load_idx %arg13[%add3A_1069] : memref<256xf32, #tpu.memory_space<vmem>>[vector<16xi32>], vector<16xf32>,
      %add3A_1071 = arith.addf %add3A_1063, %gather3A_1070 : vector<16xf32>
      %mul3A_1072 = arith.constant 16 : i32
      %mul3A_1073 = vector.broadcast %mul3A_1072 : i32 to vector<16xi32>
      %mul3A_1074 = arith.muli %iota3A, %mul3A_1073 : vector<16xi32>
      %add3A_1075 = arith.constant 4 : i32
      %add3A_1076 = vector.broadcast %add3A_1075 : i32 to vector<16xi32>
      %add3A_1077 = arith.addi %mul3A_1074, %add3A_1076 : vector<16xi32>
      %gather3A_1078 = tpu.vector_load_idx %arg13[%add3A_1077] : memref<256xf32, #tpu.memory_space<vmem>>[vector<16xi32>], vector<16xf32>,
      %add3A_1079 = arith.addf %add3A_1071, %gather3A_1078 : vector<16xf32>
      %mul3A_1080 = arith.constant 16 : i32
      %mul3A_1081 = vector.broadcast %mul3A_1080 : i32 to vector<16xi32>
      %mul3A_1082 = arith.muli %iota3A, %mul3A_1081 : vector<16xi32>
      %add3A_1083 = arith.constant 5 : i32
      %add3A_1084 = vector.broadcast %add3A_1083 : i32 to vector<16xi32>
      %add3A_1085 = arith.addi %mul3A_1082, %add3A_1084 : vector<16xi32>
      %gather3A_1086 = tpu.vector_load_idx %arg13[%add3A_1085] : memref<256xf32, #tpu.memory_space<vmem>>[vector<16xi32>], vector<16xf32>,
      %add3A_1087 = arith.addf %add3A_1079, %gather3A_1086 : vector<16xf32>
      %mul3A_1088 = arith.constant 16 : i32
      %mul3A_1089 = vector.broadcast %mul3A_1088 : i32 to vector<16xi32>
      %mul3A_1090 = arith.muli %iota3A, %mul3A_1089 : vector<16xi32>
      %add3A_1091 = arith.constant 6 : i32
      %add3A_1092 = vector.broadcast %add3A_1091 : i32 to vector<16xi32>
      %add3A_1093 = arith.addi %mul3A_1090, %add3A_1092 : vector<16xi32>
      %gather3A_1094 = tpu.vector_load_idx %arg13[%add3A_1093] : memref<256xf32, #tpu.memory_space<vmem>>[vector<16xi32>], vector<16xf32>,
      %add3A_1095 = arith.addf %add3A_1087, %gather3A_1094 : vector<16xf32>
      %mul3A_1096 = arith.constant 16 : i32
      %mul3A_1097 = vector.broadcast %mul3A_1096 : i32 to vector<16xi32>
      %mul3A_1098 = arith.muli %iota3A, %mul3A_1097 : vector<16xi32>
      %add3A_1099 = arith.constant 7 : i32
      %add3A_1100 = vector.broadcast %add3A_1099 : i32 to vector<16xi32>
      %add3A_1101 = arith.addi %mul3A_1098, %add3A_1100 : vector<16xi32>
      %gather3A_1102 = tpu.vector_load_idx %arg13[%add3A_1101] : memref<256xf32, #tpu.memory_space<vmem>>[vector<16xi32>], vector<16xf32>,
      %add3A_1103 = arith.addf %add3A_1095, %gather3A_1102 : vector<16xf32>
      %mul3A_1104 = arith.constant 16 : i32
      %mul3A_1105 = vector.broadcast %mul3A_1104 : i32 to vector<16xi32>
      %mul3A_1106 = arith.muli %iota3A, %mul3A_1105 : vector<16xi32>
      %add3A_1107 = arith.constant 8 : i32
      %add3A_1108 = vector.broadcast %add3A_1107 : i32 to vector<16xi32>
      %add3A_1109 = arith.addi %mul3A_1106, %add3A_1108 : vector<16xi32>
      %gather3A_1110 = tpu.vector_load_idx %arg13[%add3A_1109] : memref<256xf32, #tpu.memory_space<vmem>>[vector<16xi32>], vector<16xf32>,
      %add3A_1111 = arith.addf %add3A_1103, %gather3A_1110 : vector<16xf32>
      %mul3A_1112 = arith.constant 16 : i32
      %mul3A_1113 = vector.broadcast %mul3A_1112 : i32 to vector<16xi32>
      %mul3A_1114 = arith.muli %iota3A, %mul3A_1113 : vector<16xi32>
      %add3A_1115 = arith.constant 9 : i32
      %add3A_1116 = vector.broadcast %add3A_1115 : i32 to vector<16xi32>
      %add3A_1117 = arith.addi %mul3A_1114, %add3A_1116 : vector<16xi32>
      %gather3A_1118 = tpu.vector_load_idx %arg13[%add3A_1117] : memref<256xf32, #tpu.memory_space<vmem>>[vector<16xi32>], vector<16xf32>,
      %add3A_1119 = arith.addf %add3A_1111, %gather3A_1118 : vector<16xf32>
      %mul3A_1120 = arith.constant 16 : i32
      %mul3A_1121 = vector.broadcast %mul3A_1120 : i32 to vector<16xi32>
      %mul3A_1122 = arith.muli %iota3A, %mul3A_1121 : vector<16xi32>
      %add3A_1123 = arith.constant 10 : i32
      %add3A_1124 = vector.broadcast %add3A_1123 : i32 to vector<16xi32>
      %add3A_1125 = arith.addi %mul3A_1122, %add3A_1124 : vector<16xi32>
      %gather3A_1126 = tpu.vector_load_idx %arg13[%add3A_1125] : memref<256xf32, #tpu.memory_space<vmem>>[vector<16xi32>], vector<16xf32>,
      %add3A_1127 = arith.addf %add3A_1119, %gather3A_1126 : vector<16xf32>
      %mul3A_1128 = arith.constant 16 : i32
      %mul3A_1129 = vector.broadcast %mul3A_1128 : i32 to vector<16xi32>
      %mul3A_1130 = arith.muli %iota3A, %mul3A_1129 : vector<16xi32>
      %add3A_1131 = arith.constant 11 : i32
      %add3A_1132 = vector.broadcast %add3A_1131 : i32 to vector<16xi32>
      %add3A_1133 = arith.addi %mul3A_1130, %add3A_1132 : vector<16xi32>
      %gather3A_1134 = tpu.vector_load_idx %arg13[%add3A_1133] : memref<256xf32, #tpu.memory_space<vmem>>[vector<16xi32>], vector<16xf32>,
      %add3A_1135 = arith.addf %add3A_1127, %gather3A_1134 : vector<16xf32>
      %mul3A_1136 = arith.constant 16 : i32
      %mul3A_1137 = vector.broadcast %mul3A_1136 : i32 to vector<16xi32>
      %mul3A_1138 = arith.muli %iota3A, %mul3A_1137 : vector<16xi32>
      %add3A_1139 = arith.constant 12 : i32
      %add3A_1140 = vector.broadcast %add3A_1139 : i32 to vector<16xi32>
      %add3A_1141 = arith.addi %mul3A_1138, %add3A_1140 : vector<16xi32>
      %gather3A_1142 = tpu.vector_load_idx %arg13[%add3A_1141] : memref<256xf32, #tpu.memory_space<vmem>>[vector<16xi32>], vector<16xf32>,
      %add3A_1143 = arith.addf %add3A_1135, %gather3A_1142 : vector<16xf32>
      %mul3A_1144 = arith.constant 16 : i32
      %mul3A_1145 = vector.broadcast %mul3A_1144 : i32 to vector<16xi32>
      %mul3A_1146 = arith.muli %iota3A, %mul3A_1145 : vector<16xi32>
      %add3A_1147 = arith.constant 13 : i32
      %add3A_1148 = vector.broadcast %add3A_1147 : i32 to vector<16xi32>
      %add3A_1149 = arith.addi %mul3A_1146, %add3A_1148 : vector<16xi32>
      %gather3A_1150 = tpu.vector_load_idx %arg13[%add3A_1149] : memref<256xf32, #tpu.memory_space<vmem>>[vector<16xi32>], vector<16xf32>,
      %add3A_1151 = arith.addf %add3A_1143, %gather3A_1150 : vector<16xf32>
      %mul3A_1152 = arith.constant 16 : i32
      %mul3A_1153 = vector.broadcast %mul3A_1152 : i32 to vector<16xi32>
      %mul3A_1154 = arith.muli %iota3A, %mul3A_1153 : vector<16xi32>
      %add3A_1155 = arith.constant 14 : i32
      %add3A_1156 = vector.broadcast %add3A_1155 : i32 to vector<16xi32>
      %add3A_1157 = arith.addi %mul3A_1154, %add3A_1156 : vector<16xi32>
      %gather3A_1158 = tpu.vector_load_idx %arg13[%add3A_1157] : memref<256xf32, #tpu.memory_space<vmem>>[vector<16xi32>], vector<16xf32>,
      %add3A_1159 = arith.addf %add3A_1151, %gather3A_1158 : vector<16xf32>
      %mul3A_1160 = arith.constant 16 : i32
      %mul3A_1161 = vector.broadcast %mul3A_1160 : i32 to vector<16xi32>
      %mul3A_1162 = arith.muli %iota3A, %mul3A_1161 : vector<16xi32>
      %add3A_1163 = arith.constant 15 : i32
      %add3A_1164 = vector.broadcast %add3A_1163 : i32 to vector<16xi32>
      %add3A_1165 = arith.addi %mul3A_1162, %add3A_1164 : vector<16xi32>
      %gather3A_1166 = tpu.vector_load_idx %arg13[%add3A_1165] : memref<256xf32, #tpu.memory_space<vmem>>[vector<16xi32>], vector<16xf32>,
      %add3A_1167 = arith.addf %add3A_1159, %gather3A_1166 : vector<16xf32>
      %mul3A_1168 = arith.constant 16 : i32
      %mul3A_1169 = arith.muli %mul3A_1168, %scan3A_54 : i32
      %add3A_1170 = arith.constant 256 : i32
      %add3A_1171 = arith.addi %add3A_1170, %mul3A_1169 : i32
      %swap3A_1172 = arith.index_cast %add3A_1171 : i32 to index
      %swap3A_1173 = tpu.vector_load %arg14[%swap3A_1172] {strides = array<i32>} : memref<512xf32, #tpu.memory_space<vmem>>, vector<16xf32>,
      tpu.vector_store %arg14[%swap3A_1172], %add3A_1167 {strides = array<i32>} : memref<512xf32, #tpu.memory_space<vmem>>, vector<16xf32>,
      %scan3A_1174 = arith.constant 0 : i32
      scf.yield %scan3A_1174 : i32
    }
    %scan3A_53 = arith.constant 16 : i32
    %run_scoped3A = arith.constant 0 : i32
    "tpu.region"() ({
      %run_scoped3A_54 = tpu.sem_alloc : memref<!tpu.dma_semaphore, #tpu.memory_space<semaphore_mem>>
      %dma_start3A_55 = arith.constant 0 : i32
      %dma_start3A_56 = tpu.memref_slice %arg5[%add3A, %run_scoped3A, %dma_start3A_55] : memref<32x1x512xf32, #tpu.memory_space<hbm>> -> memref<1x1x512xf32, #tpu.memory_space<hbm>>
      %dma_start3A_57 = tpu.memref_squeeze %dma_start3A_56 : memref<1x1x512xf32, #tpu.memory_space<hbm>> -> memref<512xf32, #tpu.memory_space<hbm>>
      %dma_start3A_58 = arith.constant 0 : i32
      %dma_start3A_59 = tpu.memref_slice %arg5[%add3A, %run_scoped3A, %dma_start3A_58] : memref<32x1x512xf32, #tpu.memory_space<hbm>> -> memref<1x1x512xf32, #tpu.memory_space<hbm>>
      %dma_start3A_60 = tpu.memref_squeeze %dma_start3A_59 : memref<1x1x512xf32, #tpu.memory_space<hbm>> -> memref<512xf32, #tpu.memory_space<hbm>>
      tpu.enqueue_dma source(%arg14 : memref<512xf32, #tpu.memory_space<vmem>>) target(%dma_start3A_60 : memref<512xf32, #tpu.memory_space<hbm>>) target_semaphore(%run_scoped3A_54 : memref<!tpu.dma_semaphore, #tpu.memory_space<semaphore_mem>>)
      %dma_wait3A_61 = arith.constant 0 : i32
      %dma_wait3A_62 = tpu.memref_slice %arg5[%add3A, %run_scoped3A, %dma_wait3A_61] : memref<32x1x512xf32, #tpu.memory_space<hbm>> -> memref<1x1x512xf32, #tpu.memory_space<hbm>>
      %dma_wait3A_63 = tpu.memref_squeeze %dma_wait3A_62 : memref<1x1x512xf32, #tpu.memory_space<hbm>> -> memref<512xf32, #tpu.memory_space<hbm>>
      %dma_wait3A_64 = arith.constant 0 : i32
      %dma_wait3A_65 = tpu.memref_slice %arg5[%add3A, %run_scoped3A, %dma_wait3A_64] : memref<32x1x512xf32, #tpu.memory_space<hbm>> -> memref<1x1x512xf32, #tpu.memory_space<hbm>>
      %dma_wait3A_66 = tpu.memref_squeeze %dma_wait3A_65 : memref<1x1x512xf32, #tpu.memory_space<hbm>> -> memref<512xf32, #tpu.memory_space<hbm>>
      tpu.wait_dma2 semaphore(%run_scoped3A_54 : memref<!tpu.dma_semaphore, #tpu.memory_space<semaphore_mem>>) src(%arg14 : memref<512xf32, #tpu.memory_space<vmem>>) dst(%dma_wait3A_66 : memref<512xf32, #tpu.memory_space<hbm>>)
      tpu.yield
    }) : () -> ()
    return
  }
}

module attributes {stable_mosaic.version = 14 : i64} {
  func.func @body(%arg0: i32, %arg1: memref<64x8192xf32, #tpu.memory_space<vmem>>, %arg2: memref<64x8192xf32, #tpu.memory_space<vmem>>, %arg3: memref<8192x128xf32, #tpu.memory_space<vmem>>) attributes {dimension_semantics = [#tpu.dimension_semantics<arbitrary>], iteration_bounds = array<i64: 62>, scalar_prefetch = 0 : i64, scratch_operands = 0 : i64, tpu.core_type = #tpu.core_type<tc>, window_params = [{transform_indices = @transform_0, window_bounds = array<i64: 64, 8192>}, {transform_indices = @transform_1, window_bounds = array<i64: 64, 8192>}, {transform_indices = @transform_2, window_bounds = array<i64: 8192, 128>}]} {
    %get3A = arith.constant 0 : index
    %get3A_0 = arith.constant 0 : index
    %get3A_1 = vector.load %arg1[%get3A, %get3A_0] : memref<64x8192xf32, #tpu.memory_space<vmem>>, vector<64x8192xf32>
    %transpose3A = tpu.transpose %get3A_1, [1, 0] : vector<64x8192xf32> -> vector<8192x64xf32>
    %swap3A = arith.constant 0 : index
    %swap3A_2 = arith.constant 0 : index
    %swap3A_3 = vector.load %arg3[%swap3A, %swap3A_2] : memref<8192x128xf32, #tpu.memory_space<vmem>>, vector<8192x64xf32>
    tpu.vector_store %arg3[%swap3A, %swap3A_2], %transpose3A {strides = array<i32>} : memref<8192x128xf32, #tpu.memory_space<vmem>>, vector<8192x64xf32>,
    %get3A_4 = arith.constant 0 : index
    %get3A_5 = arith.constant 0 : index
    %get3A_6 = vector.load %arg2[%get3A_4, %get3A_5] : memref<64x8192xf32, #tpu.memory_space<vmem>>, vector<64x8192xf32>
    %transpose3A_7 = tpu.transpose %get3A_6, [1, 0] : vector<64x8192xf32> -> vector<8192x64xf32>
    %swap3A_8 = arith.constant 0 : index
    %swap3A_9 = arith.constant 64 : index
    %swap3A_10 = vector.load %arg3[%swap3A_8, %swap3A_9] : memref<8192x128xf32, #tpu.memory_space<vmem>>, vector<8192x64xf32>
    tpu.vector_store %arg3[%swap3A_8, %swap3A_9], %transpose3A_7 {strides = array<i32>} : memref<8192x128xf32, #tpu.memory_space<vmem>>, vector<8192x64xf32>,
    return
  }
  func.func @transform_0(%arg0: i32) -> (i32, i32) {
    %mul3A = arith.constant 2 : i32
    %mul3A_0 = arith.muli %mul3A, %arg0 : i32
    %c0_i32 = arith.constant 0 : i32
    %c0_i32_1 = arith.constant 0 : i32
    return %c0_i32, %mul3A_0 : i32, i32
  }
  func.func @transform_1(%arg0: i32) -> (i32, i32) {
    %mul3A = arith.constant 2 : i32
    %mul3A_0 = arith.muli %mul3A, %arg0 : i32
    %add3A = arith.constant 1 : i32
    %add3A_1 = arith.addi %mul3A_0, %add3A : i32
    %min3A = arith.constant 121 : i32
    %min3A_2 = arith.minsi %add3A_1, %min3A : i32
    %c0_i32 = arith.constant 0 : i32
    %c0_i32_3 = arith.constant 0 : i32
    return %c0_i32, %min3A_2 : i32, i32
  }
  func.func @transform_2(%arg0: i32) -> (i32, i32) {
    %c0_i32 = arith.constant 0 : i32
    %c0_i32_0 = arith.constant 0 : i32
    return %arg0, %c0_i32 : i32, i32
  }
}

</mosaic_0001>

<sc_bundles>
// kernel: kernel.5.cloned.1.call-start
scs
__scs_entry_jumppad:
0x0: {  	(pc) =	sbr.rel $0x88, $3  }
0x1: {  	(tag) =	ssettag $0x0;
	lr =	simm.s32 $0x1  }
0x2: {  	[smem:$0x3F9E] =	sst lr;
	_ =	strace $0xD0000000  }
0x3: {  	_ = 	snop  }
0x4: {  	_ = 	snop  }
0x5: {  	_ = 	snop  }
0x6: {  	_ = 	snop  }
0x7: {  	_ = 	snop  }
__scs_overlays_trampoline_lowered:
0x8: {  	[smem:$0x3FAD] =	sst s0  }
0x9: {  	[smem:$0x3FAE] =	sst s1  }
0xa: {  	[smem:$0x3FAF] =	sst s2  }
0xb: {  	[smem:$0x3FB0] =	sst s3  }
0xc: {  	[smem:$0x3FB1] =	sst s4  }
0xd: {  	[smem:$0x3FB2] =	sst s5  }
0xe: {  	[smem:$0x3FB3] =	sst s6  }
0xf: {  	[smem:$0x3FB4] =	sst s7  }
0x10: {  	[smem:$0x3FB5] =	sst s8  }
0x11: {  	[smem:$0x3FB6] =	sst s9;
	s0 =	simm.s32 @!p0 $0x0  }
0x12: {  	s1 =	sld [smem:$0x3F9C];
	s0 =	simm.s32 @p0 $0x1  }
0x13: {  	[smem:$0x3FB7] =	sst s0;
	s0 =	simm.s32 @!p1 $0x0  }
0x14: {  	s2 =	sld [smem:$0x3F9B];
	s0 =	simm.s32 @p1 $0x1  }
0x15: {  	[smem:$0x3FB8] =	sst s0;
	s0 =	simm.s32 @!p2 $0x0  }
0x16: {  	s3 =	sld [smem:$0x3FDB];
	s0 =	simm.s32 @p2 $0x1  }
0x17: {  	s4 =	simm.s32 $0x1BF5;
	[smem:$0x3FBA] =	sst s0  }
0x18: {  	s0 =	sld [smem:$0x3F9D];
	_ =	swait.ge [sflag:s4], $0x0  }
0x19: {  	s7 =	sld [smem:$0x3F9E]  }
0x1a: {  	s8 =	sadd.s32 $0xFFFFE003, lr  }
0x1b: {  	s9 =	sadd.s32 $0xFFFFFEF7, lr;
	s5 =	simm.s32 $0xFFFFFFFF;
	p2 =	slt.u32 s8, $0xFFFFF086  }
0x1c: {  	p1 =	slt.u32 s9, $0xF7A;
	s5 =	simm.s32 @!p2 $0x0  }
0x1d: {  	s5 =	simm.s32 @p1 $0x1;
	p0 =	seq.s32 s7, s2  }
0x1e: {  	s7 =	smul.u32 @!p0 $0xF7A, s2;
	p2 =	seq.s32 @!p0 s5, $0x0  }
0x1f: {  	s9 =	smul.u32 $0xF7A, s1;
	s8 =	simm.s32 @!p0 $0x1BF5;
	p2 =	por !p2, p0  }
0x20: {  	[sflag:s8] =	ssyncset.s32 @!p0 $0xFFFFF086;
	s6 =	sadd.s32 @!p0 s3, s7;
	s7 =	simm.s32 @!p0 $0x108  }
0x21: {  	s3 =	sadd.s32 s3, s9;
	s6 =	sadd.s32 @!p0 $0x88, s6;
	s7 =	simm.s32 @p2 $0x1082  }
0x22: {  	[simem:s7], [sflag:s8] =	dma.local @!p0 [hbm:s6], $0xF7A  }
0x23: {  	s9 =	sor.u32 $0xD0000000, s2;
	s6 =	simm.s32 $0x108;
	_ =	swait.ge @!p0 [sflag:s8], $0x0  }
0x24: {  	s3 =	sadd.s32 $0x88, s3;
	s6 =	simm.s32 @!p1 $0x1082;
	[sflag:s4] =	ssyncset.s32 $0xFFFFF086  }
0x25: {  	[simem:s6], [sflag:s4] =	dma.local [hbm:s3], $0xF7A  }
0x26: {  	[smem:$0x3F9E] =	sst s1;
	(tag) =	ssettag s2;
	_ =	strace s9  }
0x27: {  	s1 =	sld [smem:$0x3FAE]  }
0x28: {  	s2 =	sld [smem:$0x3FAF]  }
0x29: {  	s4 =	sld [smem:$0x3FB1]  }
0x2a: {  	p0 =	seq.s32 s5, $0x0;
	s5 =	sld [smem:$0x3FB2]  }
0x2b: {  	s6 =	sld [smem:$0x3FB3]  }
0x2c: {  	s7 =	sld [smem:$0x3FB4]  }
0x2d: {  	s3 =	simm.s32 $0x108;
	s8 =	sld [smem:$0x3FB5]  }
0x2e: {  	s3 =	simm.s32 @!p0 $0x1082;
	s9 =	sld [smem:$0x3FB6]  }
0x2f: {  	lr =	sadd.s32 s0, s3;
	s0 =	sld [smem:$0x3FAD]  }
0x30: {  	s3 =	sld [smem:$0x3FB0]  }
0x31: {  	[smem:$0x3FB9] =	sst s10  }
0x32: {  	s10 =	sld [smem:$0x3FB7];
	_ =	sdelay $0x3  }
0x33: {  	p0 =	seq.s32 s10, $0x1;
	s10 =	sld [smem:$0x3FB9];
	_ =	sdelay $0x3  }
0x34: {  	[smem:$0x3FB9] =	sst s10  }
0x35: {  	s10 =	sld [smem:$0x3FB8];
	_ =	sdelay $0x3  }
0x36: {  	p1 =	seq.s32 s10, $0x1;
	s10 =	sld [smem:$0x3FB9];
	_ =	sdelay $0x3  }
0x37: {  	[smem:$0x3FB9] =	sst s10  }
0x38: {  	s10 =	sld [smem:$0x3FBA]  }
0x39: {  	_ = 	snop;
	(pc) =	sbr.ind lr, $3  }
0x3a: {  	_ = 	snop  }
0x3b: {  	_ = 	snop  }
0x3c: {  	p2 =	seq.s32 s10, $0x1;
	s10 =	sld [smem:$0x3FB9]  }
0x3d: {  	_ =	shalt  }
0x3e: {  	_ =	shalt  }
0x3f: {  	_ =	shalt  }
0x40: {  	_ =	shalt  }
0x41: {  	_ =	shalt  }
0x42: {  	_ =	shalt  }
0x43: {  	_ =	shalt  }
0x44: {  	_ =	shalt  }
0x45: {  	_ =	shalt  }
0x46: {  	_ =	shalt  }
0x47: {  	_ =	shalt  }
0x48: {  	_ =	shalt  }
0x49: {  	_ =	shalt  }
0x4a: {  	_ =	shalt  }
0x4b: {  	_ =	shalt  }
0x4c: {  	_ =	shalt  }
0x4d: {  	_ =	shalt  }
0x4e: {  	_ =	shalt  }
0x4f: {  	_ =	shalt  }
0x50: {  	_ =	shalt  }
0x51: {  	_ =	shalt  }
0x52: {  	_ =	shalt  }
0x53: {  	_ =	shalt  }
0x54: {  	_ =	shalt  }
0x55: {  	_ =	shalt  }
0x56: {  	_ =	shalt  }
0x57: {  	_ =	shalt  }
0x58: {  	_ =	shalt  }
0x59: {  	_ =	shalt  }
0x5a: {  	_ =	shalt  }
0x5b: {  	_ =	shalt  }
0x5c: {  	_ =	shalt  }
0x5d: {  	_ =	shalt  }
0x5e: {  	_ =	shalt  }
0x5f: {  	_ =	shalt  }
0x60: {  	_ =	shalt  }
0x61: {  	_ =	shalt  }
0x62: {  	_ =	shalt  }
0x63: {  	_ =	shalt  }
0x64: {  	_ =	shalt  }
0x65: {  	_ =	shalt  }
0x66: {  	_ =	shalt  }
0x67: {  	_ =	shalt  }
0x68: {  	_ =	shalt  }
0x69: {  	_ =	shalt  }
0x6a: {  	_ =	shalt  }
0x6b: {  	_ =	shalt  }
0x6c: {  	_ =	shalt  }
0x6d: {  	_ =	shalt  }
0x6e: {  	_ =	shalt  }
0x6f: {  	_ =	shalt  }
0x70: {  	_ =	shalt  }
0x71: {  	_ =	shalt  }
0x72: {  	_ =	shalt  }
0x73: {  	_ =	shalt  }
0x74: {  	_ =	shalt  }
0x75: {  	_ =	shalt  }
0x76: {  	_ =	shalt  }
0x77: {  	_ =	shalt  }
0x78: {  	_ =	shalt  }
0x79: {  	_ =	shalt  }
0x7a: {  	_ =	shalt  }
0x7b: {  	_ =	shalt  }
0x7c: {  	_ =	shalt  }
0x7d: {  	_ =	shalt  }
0x7e: {  	_ =	shalt  }
0x7f: {  	_ =	shalt  }
0x80: {  	_ =	shalt  }
0x81: {  	_ =	shalt  }
0x82: {  	_ =	shalt  }
0x83: {  	_ =	shalt  }
0x84: {  	_ =	shalt  }
0x85: {  	_ =	shalt  }
0x86: {  	_ =	shalt  }
0x87: {  	_ =	shalt  }
.Lfunc_end0:
.L_simem_size_0:
called_computation_lowered:
.L_overlay_start_0:
0x88: {  	s2 =	sld [smem:$0x3FD9]  }
0x89: {  	s3 =	sld [smem:$0x3FFE];
	_ =	sdelay $0x1  }
0x8a: {  	s1 =	srdreg.scid  }
0x8b: {  	s0 =	sand.u32 $0x1, s1  }
0x8c: {  	s17 =	sshll.u32 s0, $0xA;
	s2 =	sadd.s32 s3, s2  }
0x8d: {  	s2 =	sadd.s32 s2, s17  }
0x8e: {  	[smem:$0x3FC5] =	sst s2  }
0x8f: {  	_ = 	snop  }
0x90: {  	s2 =	sld [smem:$0x3FD0];
	(tm) =	ssettm $0x1  }
0x91: {  	s18 =	sld [smem:$0x3FFB];
	_ =	sdelay $0x3  }
0x92: {  	_ =	strace s18  }
0x93: {  	s3 =	sld [smem:$0x3FFC];
	_ =	sdelay $0x3  }
0x94: {  	_ =	strace s3  }
0x95: {  	s3 =	sld [smem:$0x3FFD];
	_ =	sdelay $0x3  }
0x96: {  	_ =	strace s3  }
0x97: {  	_ =	strace $0x8FFFFFFF  }
0x98: {  	s19 =	sld [smem:$0x3FDB];
	_ =	sdelay $0x1  }
0x99: {  	s4 =	simm.s32 $_scs_section_size  }
0x9a: {  	s5 =	simm.s32 $_size__tile_overlayer_lowered;
	s6 =	simm.s32 $_tile_overlayer_lowered  }
0x9b: {  	s22 =	simm.s32 $0x1BFF;
	s21 =	sshll.u32 s6, $0x1;
	s3 =	sadd.s32 s4, s19  }
0x9c: {  	s7 =	simm.s32 $0x0;
	s20 =	sshll.u32 s5, $0x1;
	s5 =	sadd.s32 s21, s3  }
0x9d: {  	[timem:s7], [sflag:s22] =	dma.local [hbm:s5], s20  }
0x9e: {  	_ =	swait.ge [sflag:s22], s20  }
0x9f: {  	s4 =	ssub.s32 $0x0, s20;
	[sflag:s22] =	ssyncset.done $0x0  }
0xa0: {  	[sflag:s22] =	ssyncadd.s32 s4;
	_ =	sdelay $0x1  }
0xa1: {  	s23 =	simm.s32 $0x1B8B  }
0xa2: {  	_ =	swait.ge [sflag:s23], $0x1  }
0xa3: {  	[sflag:s23] =	ssyncset.done $0x0  }
0xa4: {  	s25 =	simm.s32 $0x1B8E;
	s24 =	sld [smem:$0x3FFE];
	[sflag:s23] =	ssyncadd.s32 $0xFFFFFFFF  }
0xa5: {  	s26 =	simm.s32 $execute0_lowered;
	[smem:$0x3FD2] =	sst s25  }
0xa6: {  	s5 =	sshll.u32 s26, $0x1;
	_ =	strace $0x80000046;
	[dreg:$0x1] =	wrdreg $0xFFFFFFFF  }
0xa7: {  	s28 =	simm.s32 $_size_execute0_lowered;
	s3 =	sadd.s32 s3, s5;
	[dreg:$0x0] =	wrdreg $0x0  }
0xa8: {  	s5 =	sshll.u32 s28, $0x1;
	[dreg:$0x2] =	wrdreg s3  }
0xa9: {  	[dreg:$0x3] =	wrdreg s5  }
0xaa: {  	[dreg:$0x4] =	wrdreg $0xC0  }
0xab: {  	_ =	task [dreg:s7], $0x5FFFF  }
0xac: {  	[dreg:$0x1] =	wrdreg $0xFFFFFFFF  }
0xad: {  	[dreg:$0x0] =	wrdreg $0x60  }
0xae: {  	[dreg:$0x2] =	wrdreg s24  }
0xaf: {  	[dreg:$0x3] =	wrdreg s2  }
0xb0: {  	[dreg:$0x4] =	wrdreg $0x9  }
0xb1: {  	_ =	task.clear_ibuf [dreg:s7], $0x5FFFF;
	_ =	strace $0x90000046  }
0xb2: {  	s29 =	simm.s32 $0x9;
	_ =	strace $0x80000048  }
0xb3: {  	_ =	swait.ge [sflag:s29], $0x1  }
0xb4: {  	[sflag:s29] =	ssyncadd.s32 $0xFFFFFFFF  }
0xb5: {  	_ =	strace $0x90000048  }
0xb6: {  	_ =	sfence  }
0xb7: {  	s30 =	sld [smem:$0x0];
	_ =	sdelay $0x2  }
0xb8: {  	s31 =	sshll.u32 s1, $0xD;
	s1 =	sshrl.u32 s1, $0x2  }
0xb9: {  	s3 =	sand.u32 $0x4000, s31;
	s1 =	sadd.s32 s1, s30  }
0xba: {  	s0 =	sor.u32 s3, s0;
	s1 =	sshll.u32 s1, $0x11  }
0xbb: {  	s0 =	sor.u32 s1, s0  }
0xbc: {  	s0 =	sadd.s32 $0x8F2B, s0  }
0xbd: {  	[sflag:s0] =	ssyncadd.remote.s32 $0x1  }
0xbe: {  	_ =	sfence.sel $0xFFFF  }
0xbf: {  	[dreg:$0x0] =	wrdreg $0xFFFFFFFF;
	(pc) =	sbr.abs _section_cstart, $3  }
0xc0: {  	[dreg:$0x1] =	wrdreg $0xFFFFFFFF  }
0xc1: {  	_ =	task.clear_ibuf [dreg:s7], $0x2FFFF;
	_ =	strace $0x9FFFFFFF  }
0xc2: {  	(tm) =	ssettm $0x7FFFFFFF  }
0xc3: {  	_ =	shalt  }
tec
execute0_lowered:
.L_overlay_start_1:
0x0: {  	(tag) =	ssettag $0x1  }
0x1: {  	s4 =	rddreg [dreg:$0x0]  }
0x2: {  	s6 =	rddreg [dreg:$0x1]  }
0x3: {  	s0 =	rddreg [dreg:$0x2]  }
0x4: {  	s3 =	srdreg.scid;
	s1 =	stileid.u32;
	s2 =	simm.s32 $0x0  }
0x5: {  	v0 =	vlaneseq.u32;
	s10 =	simm.s32 $0x400;
	s11 =	simm.s32 $0xA00;
	s12 =	simm.s32 $0x500  }
0x6: {  	s13 =	simm.s32 $0x8A00;
	s14 =	simm.s32 $0x1;
	s15 =	simm.s32 $0x2;
	v1 =	vmul.u32 $0x2, v0  }
0x7: {  	s16 =	simm.s32 $0x10A00;
	s17 =	simm.s32 $0x10B00;
	s18 =	simm.s32 $0x0;
	v2 =	vmul.u32 $0x10, v0  }
0x8: {  	v4 =	vimm.s32 $0x0;
	s5 =	sand.u32 $0x1, s3;
	s31 =	sshll.u32 s1, $0x1;
	[smem:$0x7FF] =	sst s2;
	v3 =	vor.u32 $0x1, v1  }
0x9: {  	s7 =	sor.u32 s5, s31;
	_ =	strace $0x80000047;
	s5 =	ssub.s32 $0x2, s5;
	v5 =	vor.u32 $0x1, v2;
	v6 =	vor.u32 $0x2, v2;
	v7 =	vor.u32 $0x3, v2  }
0xa: {  	s3 =	sshll.u32 s7, $0x7;
	s9 =	sshrl.u32 s5, $0x1;
	s7 =	sshll.u32 s7, $0x6;
	v8 =	vor.u32 $0x4, v2;
	v9 =	vor.u32 $0x5, v2;
	v10 =	vor.u32 $0x6, v2  }
0xb: {  	v11 =	vor.u32 $0x7, v2;
	v12 =	vor.u32 $0x8, v2;
	v13 =	vor.u32 $0x9, v2;
	s8 =	sadd.s32 s3, s4;
	s3 =	sadd.s32 $0x1400, s4;
	s4 =	sadd.s32 $0x7C1400, s4  }
0xc: {  	v14 =	vor.u32 $0xA, v2;
	v15 =	vor.u32 $0xB, v2;
	v16 =	vor.u32 $0xC, v2;
	s9 =	ssub.s32 s5, s9;
	s6 =	sadd.s32 s6, s7;
	s5 =	sadd.s32 $0x400, s8  }
0xd: {  	v17 =	vor.u32 $0xD, v2;
	v18 =	vor.u32 $0xE, v2;
	v19 =	vor.u32 $0xF, v2;
	s7 =	smax.u32 s9, $0x1;
	s8 =	simm.s32 $0x3;
	s9 =	simm.s32 $0x100  }
.LBB2_1:
0xe: {  	v20 =	vor.u32 s2, v1  }
0xf: {  	[tilespmem:s2], [sflag:$0x3] =	stream.linear.gather [hbm4b:s5+s2], $0x400, $0x38;
	[tilespmem:$0x10D00] =	vst v63  }
0x10: {  	_ =	swait.ge [sflag:s8], $0x400  }
0x11: {  	v21 =	vor.u32 s2, v3;
	[sflag:s8] =	ssyncset.done $0x0  }
0x12: {  	[sflag:s8] =	ssyncadd.s32 $0xFFFFFC00  }
0x13: {  	v20 =	vld.idx.msk [tilespmem:v20+s2+$0x0], $0xffff;
	_ =	sdelay $0x2  }
0x14: {  	v21 =	vld.idx.msk [tilespmem:v21+s2+$0x0], $0xffff;
	_ =	sdelay $0x1  }
0x15: {  	v22 =	vshra.s32 v20, $0x1F  }
0x16: {  	v22 =	vshrl.u32 v22, $0x12  }
0x17: {  	v22 =	vadd.s32 v22, v20  }
0x18: {  	v23 =	vshra.s32 v21, $0x1F;
	v22 =	vshra.s32 v22, $0xE  }
0x19: {  	v23 =	vshrl.u32 v23, $0x12;
	v24 =	vshll.u32 v22, $0xE  }
0x1a: {  	vm1 =	vlt.s32 v20, $0x1;
	v23 =	vadd.s32 v23, v21;
	vm0 =	vne.s32 v20, v24  }
0x1b: {  	v61 =	vand.u32 $0xFFFFC000, v23;
	vm0 =	vmand vm1, vm0  }
0x1c: {  	vm15 =	vlt.s32 v21, $0x1;
	vm14 =	vne.s32 v21, v61;
	v25 =	vsel vm0, $0xFFFFFFFF, v4  }
0x1d: {  	v62 =	vand.u32 $0x1FFF, v20;
	vm0 =	vmand vm15, vm14;
	v22 =	vadd.s32 v25, v22  }
0x1e: {  	v23 =	vshra.s32 v23, $0xE;
	v63 =	vsel vm0, $0xFFFFFFFF, v4;
	v22 =	vshll.u32 v22, $0xD  }
0x1f: {  	v20 =	vshrl.u32 v20, $0x7;
	v23 =	vadd.s32 v63, v23;
	v22 =	vor.u32 v22, v62  }
0x20: {  	s21 =	simm.s32 $0x20;
	v20 =	vand.u32 $0x40, v20;
	[tilespmem:s10+$0x0] =	vst v22;
	v22 =	vshll.u32 v23, $0xD;
	v23 =	vand.u32 $0x1FFF, v21  }
0x21: {  	s20 =	simm.s32 $0x600;
	v22 =	vor.u32 v22, v23;
	v23 =	vshrl.u32 v21, $0x7;
	v21 =	vor.u32 s21, v1  }
0x22: {  	[tilespmem:s20+$0x0] =	vst v20;
	v20 =	vor.u32 s21, v3  }
0x23: {  	s19 =	simm.s32 $0x800  }
0x24: {  	s23 =	simm.s32 $0x40;
	s22 =	simm.s32 $0x400;
	s21 =	simm.s32 $0x500;
	[tilespmem:s12+$0x0] =	vst v22;
	v22 =	vand.u32 $0x40, v23  }
.LBB2_2:
0x25: {  	p0 =	sne.s32 s23, $0x1E0;
	[tilespmem:s19+$0x0] =	vst v22  }
0x26: {  	v22 =	vld.idx.msk [tilespmem:v21+s2+$0x0], $0xffff  }
0x27: {  	v23 =	vld.idx.msk [tilespmem:v20+s2+$0x0], $0xffff;
	_ =	sdelay $0x4  }
0x28: {  	v20 =	vshra.s32 v22, $0x1F  }
0x29: {  	v20 =	vshrl.u32 v20, $0x12  }
0x2a: {  	v20 =	vadd.s32 v20, v22  }
0x2b: {  	v21 =	vshra.s32 v23, $0x1F;
	v24 =	vshra.s32 v20, $0xE  }
0x2c: {  	v21 =	vshrl.u32 v21, $0x12;
	v20 =	vor.u32 s23, v3;
	v25 =	vshll.u32 v24, $0xE  }
0x2d: {  	vm1 =	vlt.s32 v22, $0x1;
	vm0 =	vne.s32 v22, v25;
	v25 =	vadd.s32 v21, v23  }
0x2e: {  	v21 =	vor.u32 s23, v1;
	vm0 =	vmand vm1, vm0;
	v26 =	vand.u32 $0xFFFFC000, v25  }
0x2f: {  	vm1 =	vlt.s32 v23, $0x1;
	v27 =	vsel vm0, $0xFFFFFFFF, v4;
	vm0 =	vne.s32 v23, v26  }
0x30: {  	v26 =	vand.u32 $0x1FFF, v22;
	v24 =	vadd.s32 v27, v24;
	vm0 =	vmand vm1, vm0  }
.Ltmp0:
0x31: {  	v25 =	vshra.s32 v25, $0xE;
	v24 =	vshll.u32 v24, $0xD;
	v27 =	vsel vm0, $0xFFFFFFFF, v4;
	(pc) =	sbr.rel @p0 .LBB2_2-.Ltmp0, $4  }
0x32: {  	s22 =	sadd.s32 $0x10, s22;
	v22 =	vshrl.u32 v22, $0x7;
	v24 =	vor.u32 v24, v26;
	v25 =	vadd.s32 v27, v25  }
0x33: {  	s20 =	sadd.s32 $0x10, s20;
	v22 =	vand.u32 $0x40, v22;
	[tilespmem:s22+$0x0] =	vst v24;
	v24 =	vshll.u32 v25, $0xD;
	v25 =	vand.u32 $0x1FFF, v23  }
0x34: {  	s21 =	sadd.s32 $0x10, s21;
	v23 =	vshrl.u32 v23, $0x7;
	[tilespmem:s20+$0x0] =	vst v22;
	v22 =	vor.u32 v24, v25  }
0x35: {  	s19 =	sadd.s32 $0x10, s19;
	s23 =	sadd.s32 $0x20, s23;
	[tilespmem:s21+$0x0] =	vst v22;
	v22 =	vand.u32 $0x40, v23  }
0x36: {  	_ =	sdelay $0x2  }
0x37: {  	[tilespmem:s19+$0x0] =	vst v22  }
0x38: {  	v21 =	vld.idx.msk [tilespmem:v21+s2+$0x0], $0xffff;
	_ =	sdelay $0x2  }
0x39: {  	v20 =	vld.idx.msk [tilespmem:v20+s2+$0x0], $0xffff;
	_ =	sdelay $0x1  }
0x3a: {  	v57 =	vshra.s32 v21, $0x1F  }
0x3b: {  	v22 =	vshrl.u32 v57, $0x12  }
0x3c: {  	v22 =	vadd.s32 v22, v21  }
0x3d: {  	v23 =	vshra.s32 v20, $0x1F;
	v22 =	vshra.s32 v22, $0xE  }
0x3e: {  	v23 =	vshrl.u32 v23, $0x12;
	v24 =	vshll.u32 v22, $0xE  }
0x3f: {  	vm1 =	vlt.s32 v21, $0x1;
	v23 =	vadd.s32 v23, v20;
	vm0 =	vne.s32 v21, v24  }
0x40: {  	v58 =	vand.u32 $0xFFFFC000, v23;
	vm0 =	vmand vm1, vm0  }
0x41: {  	vm15 =	vlt.s32 v20, $0x1;
	vm14 =	vne.s32 v20, v58;
	v25 =	vsel vm0, $0xFFFFFFFF, v4  }
0x42: {  	v59 =	vand.u32 $0x1FFF, v21;
	vm0 =	vmand vm15, vm14;
	v22 =	vadd.s32 v25, v22  }
0x43: {  	v23 =	vshra.s32 v23, $0xE;
	v60 =	vsel vm0, $0xFFFFFFFF, v4;
	v22 =	vshll.u32 v22, $0xD  }
0x44: {  	s22 =	sadd.s32 $0x10, s22;
	v21 =	vshrl.u32 v21, $0x7;
	v23 =	vadd.s32 v60, v23;
	v22 =	vor.u32 v22, v59  }
0x45: {  	s20 =	sadd.s32 $0x10, s20;
	v62 =	vand.u32 $0x1FFF, v20;
	v21 =	vand.u32 $0x40, v21;
	v61 =	vshll.u32 v23, $0xD;
	[tilespmem:s22+$0x0] =	vst v22  }
0x46: {  	s30 =	sadd.s32 $0x10, s21;
	v20 =	vshrl.u32 v20, $0x7;
	v63 =	vor.u32 v61, v62;
	[tilespmem:s20+$0x0] =	vst v21  }
0x47: {  	s31 =	sadd.s32 $0x10, s19;
	v20 =	vand.u32 $0x40, v20;
	[tilespmem:s30+$0x0] =	vst v63  }
0x48: {  	[tilespmem:s31+$0x0] =	vst v20  }
0x49: {  	[tilespmem:s11], [sflag:$0x1] =	stream.indirect.gather [hbm4b:s3+s9], $0x80, s10, s9, $0xb8;
	[tilespmem:$0x10D00] =	vst v63  }
0x4a: {  	_ = 	snop  }
0x4b: {  	[tilespmem:s13], [sflag:$0x2] =	stream.indirect.gather [hbm4b:s4+s9], $0x80, s12, s9, $0xb8;
	[tilespmem:$0x10D00] =	vst v63  }
0x4c: {  	_ =	swait.ge [sflag:s14], $0x8000  }
0x4d: {  	[sflag:s14] =	ssyncset.done $0x0  }
0x4e: {  	[sflag:s14] =	ssyncadd.s32 $0xFFFF8000  }
0x4f: {  	_ =	swait.ge [sflag:s15], $0x8000  }
0x50: {  	s19 =	simm.s32 $0xF;
	s21 =	simm.s32 $0x800;
	[sflag:s15] =	ssyncset.done $0x0  }
0x51: {  	s22 =	simm.s32 $0x10B00;
	s20 =	simm.s32 $0x600;
	[sflag:s15] =	ssyncadd.s32 $0xFFFF8000  }
.LBB2_4:
0x52: {  	v21 =	vld [tilespmem:s20+$0x0];
	_ =	sdelay $0x1  }
0x53: {  	v20 =	vld [tilespmem:s21+$0x0];
	_ =	sdelay $0x2  }
0x54: {  	(v2sf) =	vpush v21, $0x0;
	_ =	sdelay $0x1  }
0x55: {  	(v2sf) =	vpush v20, $0x0;
	_ =	sdelay $0x7  }
0x56: {  	v22 =	vbroadcast v21, $0x0  }
0x57: {  	v23 =	vbroadcast v20, $0x0  }
0x58: {  	s23 =	sshll.u32 s19, $0x7;
	v22 =	vadd.s32 v0, v22  }
0x59: {  	s25 =	sadd.s32 $0xFFFFF880, s23;
	v23 =	vadd.s32 v0, v23;
	v24 =	vand.u32 $0xFFFFFF80, v22  }
0x5a: {  	v22 =	vand.u32 $0x7F, v22;
	v42 =	vand.u32 $0xFFFFFF80, v23;
	v24 =	vadd.s32 s25, v24  }
0x5b: {  	v23 =	vand.u32 $0x7F, v23;
	v22 =	vor.u32 v22, v24;
	v24 =	vadd.s32 s25, v42;
	s24 =	spop (v2sf)  }
0x5c: {  	v23 =	vor.u32 v23, v24;
	(v2sf) =	vpush v21, $0x1;
	s26 =	sadd.s32 $0x10, s24;
	s31 =	sadd.s32 $0x20, s24  }
0x5d: {  	s28 =	spop (v2sf);
	s24 =	sadd.s32 $0x30, s24;
	(v2sf) =	vpush v20, $0x1;
	v25 =	vadd.s32 s26, v0;
	v44 =	vadd.s32 s31, v0  }
0x5e: {  	s30 =	sadd.s32 $0x10, s28;
	s29 =	sadd.s32 $0x20, s28;
	v29 =	vadd.s32 s24, v0;
	v26 =	vand.u32 $0xFFFFFF80, v25;
	v25 =	vand.u32 $0x7F, v25  }
0x5f: {  	v27 =	vadd.s32 s30, v0;
	v28 =	vand.u32 $0xFFFFFF80, v44;
	v46 =	vadd.s32 s29, v0  }
0x60: {  	v30 =	vand.u32 $0xFFFFFF80, v29;
	v29 =	vand.u32 $0x7F, v29;
	v26 =	vadd.s32 s25, v26  }
0x61: {  	v45 =	vand.u32 $0xFFFFFF80, v27;
	v27 =	vand.u32 $0x7F, v27;
	v28 =	vadd.s32 s25, v28  }
0x62: {  	s30 =	sadd.s32 $0x30, s28;
	v47 =	vand.u32 $0xFFFFFF80, v46;
	v30 =	vadd.s32 s25, v30;
	v43 =	vor.u32 v25, v26  }
0x63: {  	v31 =	vadd.s32 s30, v0;
	v26 =	vadd.s32 s25, v45;
	v48 =	vor.u32 v29, v30  }
0x64: {  	v25 =	vand.u32 $0x7F, v44;
	v49 =	vand.u32 $0xFFFFFF80, v31;
	v26 =	vor.u32 v27, v26  }
0x65: {  	v22 =	vld.idx.msk [tilespmem:v22+s11+$0x0], $0xffff;
	v25 =	vor.u32 v25, v28;
	v27 =	vand.u32 $0x7F, v46;
	v28 =	vadd.s32 s25, v47  }
0x66: {  	v23 =	vld.idx.msk [tilespmem:v23+s13+$0x0], $0xffff;
	v50 =	vand.u32 $0x7F, v31;
	v29 =	vadd.s32 s25, v49;
	v27 =	vor.u32 v27, v28  }
0x67: {  	v29 =	vor.u32 v50, v29;
	v24 =	vld.idx.msk [tilespmem:v43+s11+$0x0], $0xffff  }
0x68: {  	v51 =	vld.idx.msk [tilespmem:v48+s11+$0x0], $0xffff  }
0x69: {  	v26 =	vld.idx.msk [tilespmem:v26+s13+$0x0], $0xffff  }
0x6a: {  	v25 =	vld.idx.msk [tilespmem:v25+s11+$0x0], $0xffff  }
0x6b: {  	v27 =	vld.idx.msk [tilespmem:v27+s13+$0x0], $0xffff  }
0x6c: {  	v54 =	vbroadcast v21, $0x1;
	v52 =	vld.idx.msk [tilespmem:v29+s13+$0x0], $0xffff;
	_ =	sdelay $0x1  }
0x6d: {  	v55 =	vadd.s32 v0, v54;
	v22 =	vmul.f32 v23, v22  }
0x6e: {  	v56 =	vbroadcast v20, $0x1;
	v57 =	vand.u32 $0xFFFFFF80, v55  }
0x6f: {  	v22 =	vadd.f32 $0.0e+00, v22;
	s24 =	spop (v2sf);
	(v2sf) =	vpush v21, $0x2;
	v24 =	vmul.f32 v26, v24  }
0x70: {  	s31 =	sadd.s32 $0x10, s24;
	s28 =	spop (v2sf);
	s30 =	sadd.s32 $0x20, s24;
	(v2sf) =	vpush v20, $0x2;
	v53 =	vmul.f32 v27, v25;
	v23 =	vmul.f32 v52, v51  }
0x71: {  	v25 =	vadd.s32 v0, v56;
	v59 =	vadd.s32 s31, v0;
	v63 =	vadd.s32 s30, v0  }
0x72: {  	v22 =	vadd.f32 v24, v22;
	v24 =	vand.u32 $0x7F, v55;
	v58 =	vand.u32 $0xFFFFFF80, v25  }
0x73: {  	s29 =	sadd.s32 $0x10, s28;
	s31 =	sadd.s32 $0x20, s28;
	v25 =	vand.u32 $0x7F, v25;
	v60 =	vand.u32 $0xFFFFFF80, v59;
	v26 =	vand.u32 $0x7F, v59  }
0x74: {  	s25 =	sadd.s32 $0xFFFFF900, s23;
	v61 =	vadd.s32 s29, v0;
	v33 =	vand.u32 $0xFFFFFF80, v63;
	v34 =	vadd.s32 s31, v0  }
0x75: {  	v27 =	vadd.s32 s25, v60;
	v32 =	vand.u32 $0xFFFFFF80, v61;
	v28 =	vand.u32 $0x7F, v61  }
0x76: {  	v22 =	vadd.f32 v53, v22;
	v62 =	vor.u32 v26, v27;
	v27 =	vadd.s32 s25, v32  }
0x77: {  	v29 =	vadd.s32 s25, v33;
	v26 =	vand.u32 $0x7F, v63;
	v27 =	vor.u32 v28, v27  }
0x78: {  	v26 =	vor.u32 v26, v29;
	v22 =	vadd.f32 v23, v22;
	v23 =	vadd.s32 s25, v57  }
0x79: {  	v35 =	vand.u32 $0xFFFFFF80, v34;
	v23 =	vor.u32 v24, v23;
	v24 =	vadd.s32 s25, v58  }
0x7a: {  	s28 =	sadd.s32 $0x30, s28;
	v28 =	vand.u32 $0x7F, v34;
	v29 =	vadd.s32 s25, v35;
	v24 =	vor.u32 v25, v24;
	[tilespmem:$0x10A00] =	vst v22  }
0x7b: {  	s24 =	sadd.s32 $0x30, s24;
	v39 =	vadd.s32 s28, v0;
	v28 =	vor.u32 v28, v29;
	v25 =	vld.idx.msk [tilespmem:v62+s11+$0x0], $0xffff  }
0x7c: {  	v36 =	vadd.s32 s24, v0;
	v40 =	vand.u32 $0xFFFFFF80, v39;
	v27 =	vld.idx.msk [tilespmem:v27+s13+$0x0], $0xffff  }
0x7d: {  	v37 =	vand.u32 $0xFFFFFF80, v36;
	v41 =	vand.u32 $0x7F, v39;
	v29 =	vadd.s32 s25, v40;
	v26 =	vld.idx.msk [tilespmem:v26+s11+$0x0], $0xffff  }
0x7e: {  	v30 =	vand.u32 $0x7F, v36;
	v38 =	vadd.s32 s25, v37;
	v29 =	vor.u32 v41, v29;
	v23 =	vld.idx.msk [tilespmem:v23+s11+$0x0], $0xffff  }
0x7f: {  	v22 =	vor.u32 v30, v38;
	v24 =	vld.idx.msk [tilespmem:v24+s13+$0x0], $0xffff  }
0x80: {  	v28 =	vld.idx.msk [tilespmem:v28+s13+$0x0], $0xffff  }
0x81: {  	v44 =	vbroadcast v21, $0x2;
	_ =	sdelay $0x1  }
0x82: {  	v46 =	vbroadcast v20, $0x2;
	v45 =	vadd.s32 v0, v44;
	v42 =	vld.idx.msk [tilespmem:v29+s13+$0x0], $0xffff  }
0x83: {  	v47 =	vand.u32 $0xFFFFFF80, v45;
	v22 =	vld.idx.msk [tilespmem:v22+s11+$0x0], $0xffff;
	s24 =	spop (v2sf);
	(v2sf) =	vpush v21, $0x3;
	v23 =	vmul.f32 v24, v23  }
0x84: {  	v25 =	vmul.f32 v27, v25;
	s29 =	sadd.s32 $0x10, s24;
	s28 =	spop (v2sf);
	s31 =	sadd.s32 $0x20, s24;
	(v2sf) =	vpush v20, $0x3;
	v43 =	vmul.f32 v28, v26  }
0x85: {  	s24 =	sadd.s32 $0x30, s24;
	v49 =	vadd.s32 s29, v0;
	v53 =	vadd.s32 s31, v0;
	v23 =	vadd.f32 $0.0e+00, v23  }
0x86: {  	s30 =	sadd.s32 $0x10, s28;
	v58 =	vadd.s32 s24, v0;
	v50 =	vand.u32 $0xFFFFFF80, v49;
	v26 =	vand.u32 $0x7F, v49  }
0x87: {  	s29 =	sadd.s32 $0x20, s28;
	v51 =	vadd.s32 s30, v0;
	v55 =	vand.u32 $0xFFFFFF80, v53;
	v23 =	vadd.f32 v25, v23  }
0x88: {  	s25 =	sadd.s32 $0xFFFFF980, s23;
	v56 =	vadd.s32 s29, v0;
	v59 =	vand.u32 $0xFFFFFF80, v58;
	v22 =	vmul.f32 v42, v22  }
0x89: {  	v24 =	vand.u32 $0x7F, v45;
	v27 =	vadd.s32 s25, v50;
	v23 =	vadd.f32 v43, v23  }
0x8a: {  	v54 =	vand.u32 $0xFFFFFF80, v51;
	v28 =	vand.u32 $0x7F, v51;
	v25 =	vadd.s32 v0, v46  }
0x8b: {  	v48 =	vand.u32 $0xFFFFFF80, v25;
	v22 =	vadd.f32 v22, v23;
	v23 =	vadd.s32 s25, v47  }
0x8c: {  	v25 =	vand.u32 $0x7F, v25;
	v23 =	vor.u32 v24, v23;
	v24 =	vadd.s32 s25, v48  }
0x8d: {  	s30 =	sadd.s32 $0x30, s28;
	v29 =	vadd.s32 s25, v55;
	v57 =	vand.u32 $0xFFFFFF80, v56;
	v24 =	vor.u32 v25, v24  }
0x8e: {  	v61 =	vadd.s32 s30, v0;
	v52 =	vor.u32 v26, v27;
	v27 =	vadd.s32 s25, v54  }
0x8f: {  	v26 =	vand.u32 $0x7F, v53;
	v62 =	vand.u32 $0xFFFFFF80, v61;
	v27 =	vor.u32 v28, v27  }
0x90: {  	v26 =	vor.u32 v26, v29;
	v28 =	vand.u32 $0x7F, v56;
	v29 =	vadd.s32 s25, v57;
	[tilespmem:$0x10A10] =	vst v22  }
0x91: {  	v63 =	vand.u32 $0x7F, v61;
	v28 =	vor.u32 v28, v29;
	v29 =	vadd.s32 s25, v62;
	v23 =	vld.idx.msk [tilespmem:v23+s11+$0x0], $0xffff  }
0x92: {  	v30 =	vand.u32 $0x7F, v58;
	v60 =	vadd.s32 s25, v59;
	v29 =	vor.u32 v63, v29;
	v24 =	vld.idx.msk [tilespmem:v24+s13+$0x0], $0xffff  }
0x93: {  	v22 =	vor.u32 v30, v60;
	v25 =	vld.idx.msk [tilespmem:v52+s11+$0x0], $0xffff  }
0x94: {  	v32 =	vbroadcast v21, $0x3;
	v27 =	vld.idx.msk [tilespmem:v27+s13+$0x0], $0xffff  }
0x95: {  	v26 =	vld.idx.msk [tilespmem:v26+s11+$0x0], $0xffff  }
0x96: {  	v34 =	vbroadcast v20, $0x3;
	v33 =	vadd.s32 v0, v32;
	v28 =	vld.idx.msk [tilespmem:v28+s13+$0x0], $0xffff;
	s24 =	spop (v2sf)  }
0x97: {  	v35 =	vand.u32 $0xFFFFFF80, v33;
	v30 =	vld.idx.msk [tilespmem:v29+s13+$0x0], $0xffff;
	(v2sf) =	vpush v21, $0x4;
	s31 =	sadd.s32 $0x10, s24;
	s30 =	sadd.s32 $0x20, s24;
	v23 =	vmul.f32 v24, v23  }
0x98: {  	s28 =	spop (v2sf);
	s24 =	sadd.s32 $0x30, s24;
	(v2sf) =	vpush v20, $0x4;
	v37 =	vadd.s32 s31, v0;
	v41 =	vadd.s32 s30, v0;
	v22 =	vld.idx.msk [tilespmem:v22+s11+$0x0], $0xffff  }
0x99: {  	s29 =	sadd.s32 $0x10, s28;
	v46 =	vadd.s32 s24, v0;
	v25 =	vmul.f32 v27, v25;
	v23 =	vadd.f32 $0.0e+00, v23  }
0x9a: {  	s31 =	sadd.s32 $0x20, s28;
	v38 =	vand.u32 $0xFFFFFF80, v37;
	v39 =	vadd.s32 s29, v0;
	v43 =	vand.u32 $0xFFFFFF80, v41  }
0x9b: {  	s28 =	sadd.s32 $0x30, s28;
	v44 =	vadd.s32 s31, v0;
	v31 =	vmul.f32 v28, v26;
	v23 =	vadd.f32 v25, v23  }
0x9c: {  	s25 =	sadd.s32 $0xFFFFFA00, s23;
	v47 =	vand.u32 $0xFFFFFF80, v46;
	v49 =	vadd.s32 s28, v0;
	v42 =	vand.u32 $0xFFFFFF80, v39  }
0x9d: {  	v29 =	vadd.s32 s25, v43;
	v22 =	vmul.f32 v30, v22;
	v23 =	vadd.f32 v31, v23  }
0x9e: {  	v45 =	vand.u32 $0xFFFFFF80, v44;
	v24 =	vand.u32 $0x7F, v33;
	v25 =	vadd.s32 v0, v34  }
0x9f: {  	v36 =	vand.u32 $0xFFFFFF80, v25;
	v22 =	vadd.f32 v22, v23;
	v23 =	vadd.s32 s25, v35  }
0xa0: {  	v25 =	vand.u32 $0x7F, v25;
	v23 =	vor.u32 v24, v23;
	v24 =	vadd.s32 s25, v36  }
0xa1: {  	v26 =	vand.u32 $0x7F, v37;
	v27 =	vadd.s32 s25, v38;
	v24 =	vor.u32 v25, v24  }
0xa2: {  	v28 =	vand.u32 $0x7F, v39;
	v40 =	vor.u32 v26, v27;
	v27 =	vadd.s32 s25, v42  }
0xa3: {  	v50 =	vand.u32 $0xFFFFFF80, v49;
	v26 =	vand.u32 $0x7F, v41;
	v27 =	vor.u32 v28, v27  }
0xa4: {  	v26 =	vor.u32 v26, v29;
	v28 =	vand.u32 $0x7F, v44;
	v29 =	vadd.s32 s25, v45;
	[tilespmem:$0x10A20] =	vst v22  }
0xa5: {  	v51 =	vand.u32 $0x7F, v49;
	v28 =	vor.u32 v28, v29;
	v29 =	vadd.s32 s25, v50;
	v23 =	vld.idx.msk [tilespmem:v23+s11+$0x0], $0xffff  }
0xa6: {  	v48 =	vadd.s32 s25, v47;
	v30 =	vand.u32 $0x7F, v46;
	v29 =	vor.u32 v51, v29;
	v24 =	vld.idx.msk [tilespmem:v24+s13+$0x0], $0xffff  }
0xa7: {  	v22 =	vor.u32 v30, v48;
	v25 =	vld.idx.msk [tilespmem:v40+s11+$0x0], $0xffff  }
0xa8: {  	v54 =	vbroadcast v21, $0x4;
	v27 =	vld.idx.msk [tilespmem:v27+s13+$0x0], $0xffff  }
0xa9: {  	v26 =	vld.idx.msk [tilespmem:v26+s11+$0x0], $0xffff  }
0xaa: {  	v56 =	vbroadcast v20, $0x4;
	v55 =	vadd.s32 v0, v54;
	s24 =	spop (v2sf);
	v28 =	vld.idx.msk [tilespmem:v28+s13+$0x0], $0xffff  }
0xab: {  	v57 =	vand.u32 $0xFFFFFF80, v55;
	(v2sf) =	vpush v21, $0x5;
	s29 =	sadd.s32 $0x10, s24;
	s31 =	sadd.s32 $0x20, s24;
	v52 =	vld.idx.msk [tilespmem:v29+s13+$0x0], $0xffff;
	v23 =	vmul.f32 v24, v23  }
0xac: {  	s28 =	spop (v2sf);
	(v2sf) =	vpush v20, $0x5;
	v59 =	vadd.s32 s29, v0;
	v63 =	vadd.s32 s31, v0;
	v22 =	vld.idx.msk [tilespmem:v22+s11+$0x0], $0xffff  }
0xad: {  	s30 =	sadd.s32 $0x10, s28;
	s29 =	sadd.s32 $0x20, s28;
	v60 =	vand.u32 $0xFFFFFF80, v59;
	v25 =	vmul.f32 v27, v25;
	v23 =	vadd.f32 $0.0e+00, v23  }
0xae: {  	s24 =	sadd.s32 $0x30, s24;
	v61 =	vadd.s32 s30, v0;
	v33 =	vand.u32 $0xFFFFFF80, v63;
	v34 =	vadd.s32 s29, v0  }
0xaf: {  	v36 =	vadd.s32 s24, v0;
	v53 =	vmul.f32 v28, v26;
	v23 =	vadd.f32 v25, v23  }
0xb0: {  	s30 =	sadd.s32 $0x30, s28;
	v32 =	vand.u32 $0xFFFFFF80, v61;
	v35 =	vand.u32 $0xFFFFFF80, v34;
	v37 =	vand.u32 $0xFFFFFF80, v36  }
0xb1: {  	s25 =	sadd.s32 $0xFFFFFA80, s23;
	v39 =	vadd.s32 s30, v0;
	v22 =	vmul.f32 v52, v22;
	v23 =	vadd.f32 v53, v23  }
0xb2: {  	v29 =	vadd.s32 s25, v33;
	v24 =	vand.u32 $0x7F, v55;
	v25 =	vadd.s32 v0, v56  }
0xb3: {  	v58 =	vand.u32 $0xFFFFFF80, v25;
	v22 =	vadd.f32 v22, v23;
	v23 =	vadd.s32 s25, v57  }
0xb4: {  	v25 =	vand.u32 $0x7F, v25;
	v23 =	vor.u32 v24, v23;
	v24 =	vadd.s32 s25, v58  }
0xb5: {  	v26 =	vand.u32 $0x7F, v59;
	v27 =	vadd.s32 s25, v60;
	v24 =	vor.u32 v25, v24  }
0xb6: {  	v28 =	vand.u32 $0x7F, v61;
	v62 =	vor.u32 v26, v27;
	v27 =	vadd.s32 s25, v32  }
0xb7: {  	v40 =	vand.u32 $0xFFFFFF80, v39;
	v26 =	vand.u32 $0x7F, v63;
	v27 =	vor.u32 v28, v27  }
0xb8: {  	v26 =	vor.u32 v26, v29;
	v28 =	vand.u32 $0x7F, v34;
	v29 =	vadd.s32 s25, v35;
	[tilespmem:$0x10A30] =	vst v22  }
0xb9: {  	v41 =	vand.u32 $0x7F, v39;
	v28 =	vor.u32 v28, v29;
	v29 =	vadd.s32 s25, v40;
	v23 =	vld.idx.msk [tilespmem:v23+s11+$0x0], $0xffff  }
0xba: {  	v30 =	vand.u32 $0x7F, v36;
	v38 =	vadd.s32 s25, v37;
	v29 =	vor.u32 v41, v29;
	v24 =	vld.idx.msk [tilespmem:v24+s13+$0x0], $0xffff  }
0xbb: {  	v22 =	vor.u32 v30, v38;
	v25 =	vld.idx.msk [tilespmem:v62+s11+$0x0], $0xffff  }
0xbc: {  	v44 =	vbroadcast v21, $0x5;
	v27 =	vld.idx.msk [tilespmem:v27+s13+$0x0], $0xffff  }
0xbd: {  	s24 =	spop (v2sf);
	v26 =	vld.idx.msk [tilespmem:v26+s11+$0x0], $0xffff  }
0xbe: {  	v45 =	vadd.s32 v0, v44;
	v46 =	vbroadcast v20, $0x5;
	s31 =	sadd.s32 $0x10, s24;
	v28 =	vld.idx.msk [tilespmem:v28+s13+$0x0], $0xffff  }
0xbf: {  	(v2sf) =	vpush v21, $0x6;
	s28 =	spop (v2sf);
	v49 =	vadd.s32 s31, v0;
	v42 =	vld.idx.msk [tilespmem:v29+s13+$0x0], $0xffff;
	v23 =	vmul.f32 v24, v23  }
0xc0: {  	v47 =	vand.u32 $0xFFFFFF80, v45;
	(v2sf) =	vpush v20, $0x6;
	s29 =	sadd.s32 $0x10, s28;
	v50 =	vand.u32 $0xFFFFFF80, v49;
	v22 =	vld.idx.msk [tilespmem:v22+s11+$0x0], $0xffff  }
0xc1: {  	s31 =	sadd.s32 $0x20, s28;
	s28 =	sadd.s32 $0x30, s28;
	v51 =	vadd.s32 s29, v0;
	v25 =	vmul.f32 v27, v25;
	v23 =	vadd.f32 $0.0e+00, v23  }
0xc2: {  	s30 =	sadd.s32 $0x20, s24;
	v56 =	vadd.s32 s31, v0;
	v61 =	vadd.s32 s28, v0;
	v54 =	vand.u32 $0xFFFFFF80, v51  }
0xc3: {  	v53 =	vadd.s32 s30, v0;
	v43 =	vmul.f32 v28, v26;
	v23 =	vadd.f32 v25, v23  }
0xc4: {  	s24 =	sadd.s32 $0x30, s24;
	v63 =	vand.u32 $0x7F, v61;
	v55 =	vand.u32 $0xFFFFFF80, v53;
	v57 =	vand.u32 $0xFFFFFF80, v56  }
0xc5: {  	s25 =	sadd.s32 $0xFFFFFB00, s23;
	v58 =	vadd.s32 s24, v0;
	v22 =	vmul.f32 v42, v22;
	v23 =	vadd.f32 v43, v23  }
0xc6: {  	v29 =	vadd.s32 s25, v55;
	v24 =	vand.u32 $0x7F, v45;
	v25 =	vadd.s32 v0, v46  }
0xc7: {  	v48 =	vand.u32 $0xFFFFFF80, v25;
	v22 =	vadd.f32 v22, v23;
	v23 =	vadd.s32 s25, v47  }
0xc8: {  	v25 =	vand.u32 $0x7F, v25;
	v23 =	vor.u32 v24, v23;
	v24 =	vadd.s32 s25, v48  }
0xc9: {  	v26 =	vand.u32 $0x7F, v49;
	v27 =	vadd.s32 s25, v50;
	v24 =	vor.u32 v25, v24  }
0xca: {  	v28 =	vand.u32 $0x7F, v51;
	v52 =	vor.u32 v26, v27;
	v27 =	vadd.s32 s25, v54  }
0xcb: {  	v62 =	vand.u32 $0xFFFFFF80, v61;
	v26 =	vand.u32 $0x7F, v53;
	v27 =	vor.u32 v28, v27  }
0xcc: {  	v26 =	vor.u32 v26, v29;
	v28 =	vand.u32 $0x7F, v56;
	v29 =	vadd.s32 s25, v57;
	[tilespmem:$0x10A40] =	vst v22  }
0xcd: {  	v59 =	vand.u32 $0xFFFFFF80, v58;
	v28 =	vor.u32 v28, v29;
	v29 =	vadd.s32 s25, v62;
	v23 =	vld.idx.msk [tilespmem:v23+s11+$0x0], $0xffff  }
0xce: {  	v30 =	vand.u32 $0x7F, v58;
	v60 =	vadd.s32 s25, v59;
	v29 =	vor.u32 v63, v29;
	v24 =	vld.idx.msk [tilespmem:v24+s13+$0x0], $0xffff  }
0xcf: {  	v22 =	vor.u32 v30, v60;
	v25 =	vld.idx.msk [tilespmem:v52+s11+$0x0], $0xffff  }
0xd0: {  	v32 =	vbroadcast v21, $0x6;
	v27 =	vld.idx.msk [tilespmem:v27+s13+$0x0], $0xffff  }
0xd1: {  	v26 =	vld.idx.msk [tilespmem:v26+s11+$0x0], $0xffff  }
0xd2: {  	v34 =	vbroadcast v20, $0x6;
	v33 =	vadd.s32 v0, v32;
	s24 =	spop (v2sf);
	v28 =	vld.idx.msk [tilespmem:v28+s13+$0x0], $0xffff  }
0xd3: {  	v35 =	vand.u32 $0xFFFFFF80, v33;
	(v2sf) =	vpush v21, $0x7;
	s29 =	sadd.s32 $0x10, s24;
	s28 =	spop (v2sf);
	s31 =	sadd.s32 $0x20, s24;
	v30 =	vld.idx.msk [tilespmem:v29+s13+$0x0], $0xffff;
	v23 =	vmul.f32 v24, v23  }
0xd4: {  	(v2sf) =	vpush v20, $0x7;
	v37 =	vadd.s32 s29, v0;
	s30 =	sadd.s32 $0x10, s28;
	v41 =	vadd.s32 s31, v0;
	v22 =	vld.idx.msk [tilespmem:v22+s11+$0x0], $0xffff  }
0xd5: {  	s29 =	sadd.s32 $0x20, s28;
	v39 =	vadd.s32 s30, v0;
	v25 =	vmul.f32 v27, v25;
	v23 =	vadd.f32 $0.0e+00, v23  }
0xd6: {  	v38 =	vand.u32 $0xFFFFFF80, v37;
	v44 =	vadd.s32 s29, v0;
	s30 =	sadd.s32 $0x30, s28;
	v42 =	vand.u32 $0xFFFFFF80, v39  }
0xd7: {  	v49 =	vadd.s32 s30, v0;
	v31 =	vmul.f32 v28, v26;
	v23 =	vadd.f32 v25, v23  }
0xd8: {  	s24 =	sadd.s32 $0x30, s24;
	v45 =	vand.u32 $0xFFFFFF80, v44;
	v50 =	vand.u32 $0xFFFFFF80, v49;
	v51 =	vand.u32 $0x7F, v49  }
0xd9: {  	v46 =	vadd.s32 s24, v0;
	v22 =	vmul.f32 v30, v22;
	v23 =	vadd.f32 v31, v23  }
0xda: {  	v43 =	vand.u32 $0xFFFFFF80, v41;
	s25 =	sadd.s32 $0xFFFFFB80, s23;
	v24 =	vand.u32 $0x7F, v33;
	v25 =	vadd.s32 v0, v34  }
0xdb: {  	v36 =	vand.u32 $0xFFFFFF80, v25;
	v22 =	vadd.f32 v22, v23;
	v23 =	vadd.s32 s25, v35  }
0xdc: {  	v25 =	vand.u32 $0x7F, v25;
	v23 =	vor.u32 v24, v23;
	v24 =	vadd.s32 s25, v36  }
0xdd: {  	v26 =	vand.u32 $0x7F, v37;
	v27 =	vadd.s32 s25, v38;
	v24 =	vor.u32 v25, v24  }
0xde: {  	v28 =	vand.u32 $0x7F, v39;
	v40 =	vor.u32 v26, v27;
	v27 =	vadd.s32 s25, v42  }
0xdf: {  	v29 =	vadd.s32 s25, v43;
	v26 =	vand.u32 $0x7F, v41;
	v27 =	vor.u32 v28, v27  }
0xe0: {  	v26 =	vor.u32 v26, v29;
	v28 =	vand.u32 $0x7F, v44;
	v29 =	vadd.s32 s25, v45;
	[tilespmem:$0x10A50] =	vst v22  }
0xe1: {  	v47 =	vand.u32 $0xFFFFFF80, v46;
	v28 =	vor.u32 v28, v29;
	v29 =	vadd.s32 s25, v50;
	v23 =	vld.idx.msk [tilespmem:v23+s11+$0x0], $0xffff  }
0xe2: {  	v48 =	vadd.s32 s25, v47;
	v30 =	vand.u32 $0x7F, v46;
	v29 =	vor.u32 v51, v29;
	v24 =	vld.idx.msk [tilespmem:v24+s13+$0x0], $0xffff  }
0xe3: {  	v22 =	vor.u32 v30, v48;
	v25 =	vld.idx.msk [tilespmem:v40+s11+$0x0], $0xffff  }
0xe4: {  	v54 =	vbroadcast v21, $0x7;
	v27 =	vld.idx.msk [tilespmem:v27+s13+$0x0], $0xffff  }
0xe5: {  	v26 =	vld.idx.msk [tilespmem:v26+s11+$0x0], $0xffff  }
0xe6: {  	v56 =	vbroadcast v20, $0x7;
	v55 =	vadd.s32 v0, v54;
	s24 =	spop (v2sf);
	v28 =	vld.idx.msk [tilespmem:v28+s13+$0x0], $0xffff  }
0xe7: {  	v57 =	vand.u32 $0xFFFFFF80, v55;
	(v2sf) =	vpush v21, $0x8;
	s31 =	sadd.s32 $0x10, s24;
	s28 =	spop (v2sf);
	s30 =	sadd.s32 $0x20, s24;
	v52 =	vld.idx.msk [tilespmem:v29+s13+$0x0], $0xffff;
	v23 =	vmul.f32 v24, v23  }
0xe8: {  	(v2sf) =	vpush v20, $0x8;
	v59 =	vadd.s32 s31, v0;
	s29 =	sadd.s32 $0x10, s28;
	v63 =	vadd.s32 s30, v0;
	v22 =	vld.idx.msk [tilespmem:v22+s11+$0x0], $0xffff  }
0xe9: {  	s31 =	sadd.s32 $0x20, s28;
	s28 =	sadd.s32 $0x30, s28;
	v61 =	vadd.s32 s29, v0;
	v25 =	vmul.f32 v27, v25;
	v23 =	vadd.f32 $0.0e+00, v23  }
0xea: {  	v60 =	vand.u32 $0xFFFFFF80, v59;
	v32 =	vand.u32 $0xFFFFFF80, v61;
	v39 =	vadd.s32 s28, v0  }
0xeb: {  	v34 =	vadd.s32 s31, v0;
	v53 =	vmul.f32 v28, v26;
	v23 =	vadd.f32 v25, v23  }
0xec: {  	s24 =	sadd.s32 $0x30, s24;
	v41 =	vand.u32 $0x7F, v39;
	v33 =	vand.u32 $0xFFFFFF80, v63;
	v35 =	vand.u32 $0xFFFFFF80, v34  }
0xed: {  	s25 =	sadd.s32 $0xFFFFFC00, s23;
	v36 =	vadd.s32 s24, v0;
	v22 =	vmul.f32 v52, v22;
	v23 =	vadd.f32 v53, v23  }
0xee: {  	v29 =	vadd.s32 s25, v33;
	v24 =	vand.u32 $0x7F, v55;
	v25 =	vadd.s32 v0, v56  }
0xef: {  	v58 =	vand.u32 $0xFFFFFF80, v25;
	v22 =	vadd.f32 v22, v23;
	v23 =	vadd.s32 s25, v57  }
0xf0: {  	v25 =	vand.u32 $0x7F, v25;
	v23 =	vor.u32 v24, v23;
	v24 =	vadd.s32 s25, v58  }
0xf1: {  	v26 =	vand.u32 $0x7F, v59;
	v27 =	vadd.s32 s25, v60;
	v24 =	vor.u32 v25, v24  }
0xf2: {  	v28 =	vand.u32 $0x7F, v61;
	v62 =	vor.u32 v26, v27;
	v27 =	vadd.s32 s25, v32  }
0xf3: {  	v40 =	vand.u32 $0xFFFFFF80, v39;
	v26 =	vand.u32 $0x7F, v63;
	v27 =	vor.u32 v28, v27  }
0xf4: {  	v26 =	vor.u32 v26, v29;
	v28 =	vand.u32 $0x7F, v34;
	v29 =	vadd.s32 s25, v35;
	[tilespmem:$0x10A60] =	vst v22  }
0xf5: {  	v37 =	vand.u32 $0xFFFFFF80, v36;
	v28 =	vor.u32 v28, v29;
	v29 =	vadd.s32 s25, v40;
	v23 =	vld.idx.msk [tilespmem:v23+s11+$0x0], $0xffff  }
0xf6: {  	v30 =	vand.u32 $0x7F, v36;
	v38 =	vadd.s32 s25, v37;
	v29 =	vor.u32 v41, v29;
	v24 =	vld.idx.msk [tilespmem:v24+s13+$0x0], $0xffff  }
0xf7: {  	v22 =	vor.u32 v30, v38;
	v25 =	vld.idx.msk [tilespmem:v62+s11+$0x0], $0xffff  }
0xf8: {  	v44 =	vbroadcast v21, $0x8;
	v27 =	vld.idx.msk [tilespmem:v27+s13+$0x0], $0xffff  }
0xf9: {  	s24 =	spop (v2sf);
	v26 =	vld.idx.msk [tilespmem:v26+s11+$0x0], $0xffff  }
0xfa: {  	v45 =	vadd.s32 v0, v44;
	v46 =	vbroadcast v20, $0x8;
	s29 =	sadd.s32 $0x10, s24;
	v28 =	vld.idx.msk [tilespmem:v28+s13+$0x0], $0xffff  }
0xfb: {  	(v2sf) =	vpush v21, $0x9;
	s28 =	spop (v2sf);
	v49 =	vadd.s32 s29, v0;
	v42 =	vld.idx.msk [tilespmem:v29+s13+$0x0], $0xffff;
	v23 =	vmul.f32 v24, v23  }
0xfc: {  	v47 =	vand.u32 $0xFFFFFF80, v45;
	(v2sf) =	vpush v20, $0x9;
	s30 =	sadd.s32 $0x10, s28;
	v50 =	vand.u32 $0xFFFFFF80, v49;
	v22 =	vld.idx.msk [tilespmem:v22+s11+$0x0], $0xffff  }
0xfd: {  	s29 =	sadd.s32 $0x20, s28;
	v51 =	vadd.s32 s30, v0;
	s30 =	sadd.s32 $0x30, s28;
	v25 =	vmul.f32 v27, v25;
	v23 =	vadd.f32 $0.0e+00, v23  }
0xfe: {  	s31 =	sadd.s32 $0x20, s24;
	v54 =	vand.u32 $0xFFFFFF80, v51;
	v61 =	vadd.s32 s30, v0;
	v56 =	vadd.s32 s29, v0  }
0xff: {  	v53 =	vadd.s32 s31, v0;
	v43 =	vmul.f32 v28, v26;
	v23 =	vadd.f32 v25, v23  }
0x100: {  	s24 =	sadd.s32 $0x30, s24;
	v63 =	vand.u32 $0x7F, v61;
	v55 =	vand.u32 $0xFFFFFF80, v53;
	v57 =	vand.u32 $0xFFFFFF80, v56  }
0x101: {  	s25 =	sadd.s32 $0xFFFFFC80, s23;
	v58 =	vadd.s32 s24, v0;
	v22 =	vmul.f32 v42, v22;
	v23 =	vadd.f32 v43, v23  }
0x102: {  	v29 =	vadd.s32 s25, v55;
	v24 =	vand.u32 $0x7F, v45;
	v25 =	vadd.s32 v0, v46  }
0x103: {  	v48 =	vand.u32 $0xFFFFFF80, v25;
	v22 =	vadd.f32 v22, v23;
	v23 =	vadd.s32 s25, v47  }
0x104: {  	v25 =	vand.u32 $0x7F, v25;
	v23 =	vor.u32 v24, v23;
	v24 =	vadd.s32 s25, v48  }
0x105: {  	v26 =	vand.u32 $0x7F, v49;
	v27 =	vadd.s32 s25, v50;
	v24 =	vor.u32 v25, v24  }
0x106: {  	v28 =	vand.u32 $0x7F, v51;
	v52 =	vor.u32 v26, v27;
	v27 =	vadd.s32 s25, v54  }
0x107: {  	v62 =	vand.u32 $0xFFFFFF80, v61;
	v26 =	vand.u32 $0x7F, v53;
	v27 =	vor.u32 v28, v27  }
0x108: {  	v26 =	vor.u32 v26, v29;
	v28 =	vand.u32 $0x7F, v56;
	v29 =	vadd.s32 s25, v57;
	[tilespmem:$0x10A70] =	vst v22  }
0x109: {  	v59 =	vand.u32 $0xFFFFFF80, v58;
	v28 =	vor.u32 v28, v29;
	v29 =	vadd.s32 s25, v62;
	v23 =	vld.idx.msk [tilespmem:v23+s11+$0x0], $0xffff  }
0x10a: {  	v30 =	vand.u32 $0x7F, v58;
	v60 =	vadd.s32 s25, v59;
	v29 =	vor.u32 v63, v29;
	v24 =	vld.idx.msk [tilespmem:v24+s13+$0x0], $0xffff  }
0x10b: {  	v22 =	vor.u32 v30, v60;
	v25 =	vld.idx.msk [tilespmem:v52+s11+$0x0], $0xffff  }
0x10c: {  	v31 =	vbroadcast v21, $0x9;
	v27 =	vld.idx.msk [tilespmem:v27+s13+$0x0], $0xffff  }
0x10d: {  	v26 =	vld.idx.msk [tilespmem:v26+s11+$0x0], $0xffff  }
0x10e: {  	v33 =	vbroadcast v20, $0x9;
	v32 =	vadd.s32 v0, v31;
	s24 =	spop (v2sf);
	v28 =	vld.idx.msk [tilespmem:v28+s13+$0x0], $0xffff  }
0x10f: {  	v34 =	vand.u32 $0xFFFFFF80, v32;
	(v2sf) =	vpush v21, $0xA;
	s31 =	sadd.s32 $0x10, s24;
	s28 =	spop (v2sf);
	s30 =	sadd.s32 $0x20, s24;
	v29 =	vld.idx.msk [tilespmem:v29+s13+$0x0], $0xffff;
	v23 =	vmul.f32 v24, v23  }
0x110: {  	(v2sf) =	vpush v20, $0xA;
	v36 =	vadd.s32 s31, v0;
	s29 =	sadd.s32 $0x10, s28;
	v40 =	vadd.s32 s30, v0;
	v22 =	vld.idx.msk [tilespmem:v22+s11+$0x0], $0xffff  }
0x111: {  	s24 =	sadd.s32 $0x30, s24;
	v38 =	vadd.s32 s29, v0;
	v25 =	vmul.f32 v27, v25;
	v23 =	vadd.f32 $0.0e+00, v23  }
0x112: {  	s31 =	sadd.s32 $0x20, s28;
	v37 =	vand.u32 $0xFFFFFF80, v36;
	v41 =	vand.u32 $0xFFFFFF80, v38;
	v45 =	vadd.s32 s24, v0  }
0x113: {  	v43 =	vadd.s32 s31, v0;
	v30 =	vmul.f32 v28, v26;
	v23 =	vadd.f32 v25, v23  }
0x114: {  	s28 =	sadd.s32 $0x30, s28;
	v42 =	vand.u32 $0xFFFFFF80, v40;
	v46 =	vand.u32 $0xFFFFFF80, v45;
	v44 =	vand.u32 $0xFFFFFF80, v43  }
0x115: {  	v48 =	vadd.s32 s28, v0;
	v22 =	vmul.f32 v29, v22;
	v23 =	vadd.f32 v30, v23  }
0x116: {  	s25 =	sadd.s32 $0xFFFFFD00, s23;
	v49 =	vand.u32 $0xFFFFFF80, v48;
	v24 =	vand.u32 $0x7F, v32;
	v25 =	vadd.s32 v0, v33  }
0x117: {  	v35 =	vand.u32 $0xFFFFFF80, v25;
	v22 =	vadd.f32 v22, v23;
	v23 =	vadd.s32 s25, v34  }
0x118: {  	v25 =	vand.u32 $0x7F, v25;
	v23 =	vor.u32 v24, v23;
	v24 =	vadd.s32 s25, v35  }
0x119: {  	v26 =	vand.u32 $0x7F, v36;
	v27 =	vadd.s32 s25, v37;
	v24 =	vor.u32 v25, v24  }
0x11a: {  	v28 =	vand.u32 $0x7F, v38;
	v39 =	vor.u32 v26, v27;
	v27 =	vadd.s32 s25, v41  }
0x11b: {  	v26 =	vand.u32 $0x7F, v40;
	v27 =	vor.u32 v28, v27;
	v29 =	vadd.s32 s25, v42  }
0x11c: {  	v28 =	vand.u32 $0x7F, v43;
	v26 =	vor.u32 v26, v29;
	v29 =	vadd.s32 s25, v44;
	[tilespmem:$0x10A80] =	vst v22  }
0x11d: {  	v50 =	vand.u32 $0x7F, v48;
	v28 =	vor.u32 v28, v29;
	v29 =	vadd.s32 s25, v49;
	v23 =	vld.idx.msk [tilespmem:v23+s11+$0x0], $0xffff  }
0x11e: {  	v47 =	vadd.s32 s25, v46;
	v29 =	vor.u32 v50, v29;
	v30 =	vand.u32 $0x7F, v45;
	v24 =	vld.idx.msk [tilespmem:v24+s13+$0x0], $0xffff  }
0x11f: {  	v22 =	vor.u32 v30, v47;
	v25 =	vld.idx.msk [tilespmem:v39+s11+$0x0], $0xffff  }
0x120: {  	v53 =	vbroadcast v21, $0xA;
	v27 =	vld.idx.msk [tilespmem:v27+s13+$0x0], $0xffff  }
0x121: {  	s24 =	spop (v2sf);
	v26 =	vld.idx.msk [tilespmem:v26+s11+$0x0], $0xffff  }
0x122: {  	v55 =	vbroadcast v20, $0xA;
	v54 =	vadd.s32 v0, v53;
	s29 =	sadd.s32 $0x10, s24;
	v28 =	vld.idx.msk [tilespmem:v28+s13+$0x0], $0xffff  }
0x123: {  	v56 =	vand.u32 $0xFFFFFF80, v54;
	v58 =	vadd.s32 s29, v0;
	s31 =	sadd.s32 $0x20, s24;
	s28 =	spop (v2sf);
	v51 =	vld.idx.msk [tilespmem:v29+s13+$0x0], $0xffff;
	v23 =	vmul.f32 v24, v23  }
0x124: {  	(v2sf) =	vpush v21, $0xB;
	v59 =	vand.u32 $0xFFFFFF80, v58;
	v62 =	vadd.s32 s31, v0;
	s30 =	sadd.s32 $0x10, s28;
	v22 =	vld.idx.msk [tilespmem:v22+s11+$0x0], $0xffff  }
0x125: {  	v60 =	vadd.s32 s30, v0;
	s30 =	sadd.s32 $0x30, s28;
	v25 =	vmul.f32 v27, v25;
	v23 =	vadd.f32 $0.0e+00, v23  }
0x126: {  	(v2sf) =	vpush v20, $0xB;
	s29 =	sadd.s32 $0x20, s28;
	v63 =	vand.u32 $0xFFFFFF80, v60;
	v38 =	vadd.s32 s30, v0  }
0x127: {  	v33 =	vadd.s32 s29, v0;
	v52 =	vmul.f32 v28, v26;
	v23 =	vadd.f32 v25, v23  }
0x128: {  	s24 =	sadd.s32 $0x30, s24;
	v40 =	vand.u32 $0x7F, v38;
	v32 =	vand.u32 $0xFFFFFF80, v62;
	v34 =	vand.u32 $0xFFFFFF80, v33  }
0x129: {  	s25 =	sadd.s32 $0xFFFFFD80, s23;
	v35 =	vadd.s32 s24, v0;
	v22 =	vmul.f32 v51, v22;
	v23 =	vadd.f32 v52, v23  }
0x12a: {  	v29 =	vadd.s32 s25, v32;
	v24 =	vand.u32 $0x7F, v54;
	v25 =	vadd.s32 v0, v55  }
0x12b: {  	v57 =	vand.u32 $0xFFFFFF80, v25;
	v22 =	vadd.f32 v22, v23;
	v23 =	vadd.s32 s25, v56  }
0x12c: {  	v25 =	vand.u32 $0x7F, v25;
	v23 =	vor.u32 v24, v23;
	v24 =	vadd.s32 s25, v57  }
0x12d: {  	v26 =	vand.u32 $0x7F, v58;
	v27 =	vadd.s32 s25, v59;
	v24 =	vor.u32 v25, v24  }
0x12e: {  	v28 =	vand.u32 $0x7F, v60;
	v61 =	vor.u32 v26, v27;
	v27 =	vadd.s32 s25, v63  }
0x12f: {  	v39 =	vand.u32 $0xFFFFFF80, v38;
	v26 =	vand.u32 $0x7F, v62;
	v27 =	vor.u32 v28, v27  }
0x130: {  	v26 =	vor.u32 v26, v29;
	v28 =	vand.u32 $0x7F, v33;
	v29 =	vadd.s32 s25, v34;
	[tilespmem:$0x10A90] =	vst v22  }
0x131: {  	v36 =	vand.u32 $0xFFFFFF80, v35;
	v28 =	vor.u32 v28, v29;
	v29 =	vadd.s32 s25, v39;
	v23 =	vld.idx.msk [tilespmem:v23+s11+$0x0], $0xffff  }
0x132: {  	v30 =	vand.u32 $0x7F, v35;
	v37 =	vadd.s32 s25, v36;
	v29 =	vor.u32 v40, v29;
	v24 =	vld.idx.msk [tilespmem:v24+s13+$0x0], $0xffff  }
0x133: {  	v43 =	vbroadcast v21, $0xB;
	v22 =	vor.u32 v30, v37;
	v25 =	vld.idx.msk [tilespmem:v61+s11+$0x0], $0xffff  }
0x134: {  	v27 =	vld.idx.msk [tilespmem:v27+s13+$0x0], $0xffff  }
0x135: {  	v44 =	vadd.s32 v0, v43;
	s24 =	spop (v2sf);
	v26 =	vld.idx.msk [tilespmem:v26+s11+$0x0], $0xffff  }
0x136: {  	v46 =	vand.u32 $0xFFFFFF80, v44;
	s31 =	sadd.s32 $0x10, s24;
	v28 =	vld.idx.msk [tilespmem:v28+s13+$0x0], $0xffff  }
0x137: {  	(v2sf) =	vpush v21, $0xC;
	s28 =	spop (v2sf);
	v48 =	vadd.s32 s31, v0;
	v41 =	vld.idx.msk [tilespmem:v29+s13+$0x0], $0xffff;
	v23 =	vmul.f32 v24, v23  }
0x138: {  	v45 =	vbroadcast v20, $0xB;
	(v2sf) =	vpush v20, $0xC;
	s29 =	sadd.s32 $0x10, s28;
	v49 =	vand.u32 $0xFFFFFF80, v48;
	v22 =	vld.idx.msk [tilespmem:v22+s11+$0x0], $0xffff  }
0x139: {  	s31 =	sadd.s32 $0x20, s28;
	s28 =	sadd.s32 $0x30, s28;
	v50 =	vadd.s32 s29, v0;
	v25 =	vmul.f32 v27, v25;
	v23 =	vadd.f32 $0.0e+00, v23  }
0x13a: {  	s30 =	sadd.s32 $0x20, s24;
	v53 =	vand.u32 $0xFFFFFF80, v50;
	v60 =	vadd.s32 s28, v0;
	v55 =	vadd.s32 s31, v0  }
0x13b: {  	v52 =	vadd.s32 s30, v0;
	v42 =	vmul.f32 v28, v26;
	v23 =	vadd.f32 v25, v23  }
0x13c: {  	s24 =	sadd.s32 $0x30, s24;
	v62 =	vand.u32 $0x7F, v60;
	v54 =	vand.u32 $0xFFFFFF80, v52;
	v56 =	vand.u32 $0xFFFFFF80, v55  }
0x13d: {  	s25 =	sadd.s32 $0xFFFFFE00, s23;
	v57 =	vadd.s32 s24, v0;
	v22 =	vmul.f32 v41, v22;
	v23 =	vadd.f32 v42, v23  }
0x13e: {  	v29 =	vadd.s32 s25, v54;
	v24 =	vand.u32 $0x7F, v44;
	v25 =	vadd.s32 v0, v45  }
0x13f: {  	v47 =	vand.u32 $0xFFFFFF80, v25;
	v22 =	vadd.f32 v22, v23;
	v23 =	vadd.s32 s25, v46  }
0x140: {  	v25 =	vand.u32 $0x7F, v25;
	v23 =	vor.u32 v24, v23;
	v24 =	vadd.s32 s25, v47  }
0x141: {  	v26 =	vand.u32 $0x7F, v48;
	v27 =	vadd.s32 s25, v49;
	v24 =	vor.u32 v25, v24  }
0x142: {  	v28 =	vand.u32 $0x7F, v50;
	v51 =	vor.u32 v26, v27;
	v27 =	vadd.s32 s25, v53  }
0x143: {  	v61 =	vand.u32 $0xFFFFFF80, v60;
	v26 =	vand.u32 $0x7F, v52;
	v27 =	vor.u32 v28, v27  }
0x144: {  	v26 =	vor.u32 v26, v29;
	v28 =	vand.u32 $0x7F, v55;
	v29 =	vadd.s32 s25, v56;
	[tilespmem:$0x10AA0] =	vst v22  }
0x145: {  	v58 =	vand.u32 $0xFFFFFF80, v57;
	v28 =	vor.u32 v28, v29;
	v29 =	vadd.s32 s25, v61;
	v23 =	vld.idx.msk [tilespmem:v23+s11+$0x0], $0xffff  }
0x146: {  	v30 =	vand.u32 $0x7F, v57;
	v59 =	vadd.s32 s25, v58;
	v29 =	vor.u32 v62, v29;
	v24 =	vld.idx.msk [tilespmem:v24+s13+$0x0], $0xffff  }
0x147: {  	v22 =	vor.u32 v30, v59;
	v25 =	vld.idx.msk [tilespmem:v51+s11+$0x0], $0xffff  }
0x148: {  	s24 =	spop (v2sf);
	v27 =	vld.idx.msk [tilespmem:v27+s13+$0x0], $0xffff  }
0x149: {  	(v2sf) =	vpush v21, $0xD;
	s28 =	spop (v2sf);
	v26 =	vld.idx.msk [tilespmem:v26+s11+$0x0], $0xffff  }
0x14a: {  	v32 =	vbroadcast v20, $0xC;
	s29 =	sadd.s32 $0x10, s24;
	(v2sf) =	vpush v20, $0xD;
	s30 =	sadd.s32 $0x10, s28;
	v28 =	vld.idx.msk [tilespmem:v28+s13+$0x0], $0xffff  }
0x14b: {  	s31 =	sadd.s32 $0x20, s24;
	v35 =	vadd.s32 s29, v0;
	v37 =	vadd.s32 s30, v0;
	v63 =	vld.idx.msk [tilespmem:v29+s13+$0x0], $0xffff;
	v23 =	vmul.f32 v24, v23  }
0x14c: {  	v39 =	vadd.s32 s31, v0;
	v36 =	vand.u32 $0xFFFFFF80, v35;
	v40 =	vand.u32 $0xFFFFFF80, v37;
	v22 =	vld.idx.msk [tilespmem:v22+s11+$0x0], $0xffff  }
0x14d: {  	s24 =	sadd.s32 $0x30, s24;
	s29 =	sadd.s32 $0x20, s28;
	s30 =	sadd.s32 $0x30, s28;
	v41 =	vand.u32 $0xFFFFFF80, v39;
	v25 =	vmul.f32 v27, v25;
	v23 =	vadd.f32 $0.0e+00, v23  }
0x14e: {  	v44 =	vadd.s32 s24, v0;
	v42 =	vadd.s32 s29, v0;
	v47 =	vadd.s32 s30, v0  }
0x14f: {  	v30 =	vbroadcast v21, $0xC;
	v29 =	vmul.f32 v28, v26;
	v23 =	vadd.f32 v25, v23  }
0x150: {  	v45 =	vand.u32 $0xFFFFFF80, v44;
	v43 =	vand.u32 $0xFFFFFF80, v42;
	v48 =	vand.u32 $0xFFFFFF80, v47  }
0x151: {  	v31 =	vadd.s32 v0, v30;
	v22 =	vmul.f32 v63, v22;
	v23 =	vadd.f32 v29, v23  }
0x152: {  	s25 =	sadd.s32 $0xFFFFFE80, s23;
	v33 =	vand.u32 $0xFFFFFF80, v31;
	v24 =	vand.u32 $0x7F, v31;
	v25 =	vadd.s32 v0, v32  }
0x153: {  	v34 =	vand.u32 $0xFFFFFF80, v25;
	v22 =	vadd.f32 v22, v23;
	v23 =	vadd.s32 s25, v33  }
0x154: {  	v25 =	vand.u32 $0x7F, v25;
	v23 =	vor.u32 v24, v23;
	v24 =	vadd.s32 s25, v34  }
0x155: {  	v26 =	vand.u32 $0x7F, v35;
	v27 =	vadd.s32 s25, v36;
	v24 =	vor.u32 v25, v24  }
0x156: {  	v28 =	vand.u32 $0x7F, v37;
	v38 =	vor.u32 v26, v27;
	v27 =	vadd.s32 s25, v40  }
0x157: {  	v26 =	vand.u32 $0x7F, v39;
	v27 =	vor.u32 v28, v27;
	v29 =	vadd.s32 s25, v41  }
0x158: {  	v28 =	vand.u32 $0x7F, v42;
	v26 =	vor.u32 v26, v29;
	v29 =	vadd.s32 s25, v43;
	[tilespmem:$0x10AB0] =	vst v22  }
0x159: {  	v49 =	vand.u32 $0x7F, v47;
	v28 =	vor.u32 v28, v29;
	v29 =	vadd.s32 s25, v48;
	v23 =	vld.idx.msk [tilespmem:v23+s11+$0x0], $0xffff  }
0x15a: {  	v46 =	vadd.s32 s25, v45;
	v30 =	vand.u32 $0x7F, v44;
	v29 =	vor.u32 v49, v29;
	v24 =	vld.idx.msk [tilespmem:v24+s13+$0x0], $0xffff  }
0x15b: {  	v22 =	vor.u32 v30, v46;
	v25 =	vld.idx.msk [tilespmem:v38+s11+$0x0], $0xffff  }
0x15c: {  	v52 =	vbroadcast v21, $0xD;
	v27 =	vld.idx.msk [tilespmem:v27+s13+$0x0], $0xffff  }
0x15d: {  	s24 =	spop (v2sf);
	v26 =	vld.idx.msk [tilespmem:v26+s11+$0x0], $0xffff  }
0x15e: {  	v54 =	vbroadcast v20, $0xD;
	v53 =	vadd.s32 v0, v52;
	s31 =	sadd.s32 $0x10, s24;
	v28 =	vld.idx.msk [tilespmem:v28+s13+$0x0], $0xffff  }
0x15f: {  	(v2sf) =	vpush v21, $0xE;
	s28 =	spop (v2sf);
	v57 =	vadd.s32 s31, v0;
	v50 =	vld.idx.msk [tilespmem:v29+s13+$0x0], $0xffff;
	v23 =	vmul.f32 v24, v23  }
0x160: {  	v55 =	vand.u32 $0xFFFFFF80, v53;
	(v2sf) =	vpush v20, $0xE;
	s29 =	sadd.s32 $0x10, s28;
	v58 =	vand.u32 $0xFFFFFF80, v57;
	v22 =	vld.idx.msk [tilespmem:v22+s11+$0x0], $0xffff  }
0x161: {  	s30 =	sadd.s32 $0x20, s24;
	v59 =	vadd.s32 s29, v0;
	s29 =	sadd.s32 $0x30, s28;
	v25 =	vmul.f32 v27, v25;
	v23 =	vadd.f32 $0.0e+00, v23  }
0x162: {  	s31 =	sadd.s32 $0x20, s28;
	v61 =	vadd.s32 s30, v0;
	v62 =	vand.u32 $0xFFFFFF80, v59;
	v37 =	vadd.s32 s29, v0  }
0x163: {  	v32 =	vadd.s32 s31, v0;
	v51 =	vmul.f32 v28, v26;
	v23 =	vadd.f32 v25, v23  }
0x164: {  	s24 =	sadd.s32 $0x30, s24;
	v39 =	vand.u32 $0x7F, v37;
	v63 =	vand.u32 $0xFFFFFF80, v61;
	v33 =	vand.u32 $0xFFFFFF80, v32  }
0x165: {  	v34 =	vadd.s32 s24, v0;
	v22 =	vmul.f32 v50, v22;
	v23 =	vadd.f32 v51, v23  }
0x166: {  	s25 =	sadd.s32 $0xFFFFFF00, s23;
	v38 =	vand.u32 $0xFFFFFF80, v37;
	v24 =	vand.u32 $0x7F, v53;
	v25 =	vadd.s32 v0, v54  }
0x167: {  	v56 =	vand.u32 $0xFFFFFF80, v25;
	v22 =	vadd.f32 v22, v23;
	v23 =	vadd.s32 s25, v55  }
0x168: {  	v25 =	vand.u32 $0x7F, v25;
	v23 =	vor.u32 v24, v23;
	v24 =	vadd.s32 s25, v56  }
0x169: {  	v27 =	vadd.s32 s25, v58;
	v26 =	vand.u32 $0x7F, v57;
	v24 =	vor.u32 v25, v24  }
0x16a: {  	v28 =	vand.u32 $0x7F, v59;
	v60 =	vor.u32 v26, v27;
	v27 =	vadd.s32 s25, v62  }
0x16b: {  	v29 =	vadd.s32 s25, v63;
	v26 =	vand.u32 $0x7F, v61;
	v27 =	vor.u32 v28, v27  }
0x16c: {  	v26 =	vor.u32 v26, v29;
	v28 =	vand.u32 $0x7F, v32;
	v29 =	vadd.s32 s25, v33;
	[tilespmem:$0x10AC0] =	vst v22  }
0x16d: {  	v35 =	vand.u32 $0xFFFFFF80, v34;
	v28 =	vor.u32 v28, v29;
	v29 =	vadd.s32 s25, v38;
	v23 =	vld.idx.msk [tilespmem:v23+s11+$0x0], $0xffff  }
0x16e: {  	v30 =	vand.u32 $0x7F, v34;
	v36 =	vadd.s32 s25, v35;
	v29 =	vor.u32 v39, v29;
	v24 =	vld.idx.msk [tilespmem:v24+s13+$0x0], $0xffff  }
0x16f: {  	v22 =	vor.u32 v30, v36;
	v25 =	vld.idx.msk [tilespmem:v60+s11+$0x0], $0xffff  }
0x170: {  	v42 =	vbroadcast v21, $0xE;
	v27 =	vld.idx.msk [tilespmem:v27+s13+$0x0], $0xffff  }
0x171: {  	s24 =	spop (v2sf);
	v26 =	vld.idx.msk [tilespmem:v26+s11+$0x0], $0xffff  }
0x172: {  	v44 =	vbroadcast v20, $0xE;
	v43 =	vadd.s32 v0, v42;
	s30 =	sadd.s32 $0x10, s24;
	v28 =	vld.idx.msk [tilespmem:v28+s13+$0x0], $0xffff  }
0x173: {  	(v2sf) =	vpush v21, $0xF;
	s28 =	spop (v2sf);
	v47 =	vadd.s32 s30, v0;
	v40 =	vld.idx.msk [tilespmem:v29+s13+$0x0], $0xffff;
	v23 =	vmul.f32 v24, v23  }
0x174: {  	v45 =	vand.u32 $0xFFFFFF80, v43;
	(v2sf) =	vpush v20, $0xF;
	s31 =	sadd.s32 $0x10, s28;
	v48 =	vand.u32 $0xFFFFFF80, v47;
	v22 =	vld.idx.msk [tilespmem:v22+s11+$0x0], $0xffff  }
0x175: {  	s30 =	sadd.s32 $0x20, s28;
	v49 =	vadd.s32 s31, v0;
	s31 =	sadd.s32 $0x30, s28;
	v25 =	vmul.f32 v27, v25;
	v23 =	vadd.f32 $0.0e+00, v23  }
0x176: {  	s29 =	sadd.s32 $0x20, s24;
	v52 =	vand.u32 $0xFFFFFF80, v49;
	v59 =	vadd.s32 s31, v0;
	v54 =	vadd.s32 s30, v0  }
0x177: {  	v51 =	vadd.s32 s29, v0;
	v41 =	vmul.f32 v28, v26;
	v23 =	vadd.f32 v25, v23  }
0x178: {  	s24 =	sadd.s32 $0x30, s24;
	v61 =	vand.u32 $0x7F, v59;
	v53 =	vand.u32 $0xFFFFFF80, v51;
	v55 =	vand.u32 $0xFFFFFF80, v54  }
0x179: {  	s25 =	sadd.s32 $0xFFFFFF80, s23;
	v56 =	vadd.s32 s24, v0;
	v22 =	vmul.f32 v40, v22;
	v23 =	vadd.f32 v41, v23  }
0x17a: {  	v29 =	vadd.s32 s25, v53;
	v24 =	vand.u32 $0x7F, v43;
	v25 =	vadd.s32 v0, v44  }
0x17b: {  	v46 =	vand.u32 $0xFFFFFF80, v25;
	v22 =	vadd.f32 v22, v23;
	v23 =	vadd.s32 s25, v45  }
0x17c: {  	v25 =	vand.u32 $0x7F, v25;
	v23 =	vor.u32 v24, v23;
	v24 =	vadd.s32 s25, v46  }
0x17d: {  	v26 =	vand.u32 $0x7F, v47;
	v27 =	vadd.s32 s25, v48;
	v24 =	vor.u32 v25, v24  }
0x17e: {  	v28 =	vand.u32 $0x7F, v49;
	v50 =	vor.u32 v26, v27;
	v27 =	vadd.s32 s25, v52  }
0x17f: {  	v60 =	vand.u32 $0xFFFFFF80, v59;
	v26 =	vand.u32 $0x7F, v51;
	v27 =	vor.u32 v28, v27  }
0x180: {  	v26 =	vor.u32 v26, v29;
	v28 =	vand.u32 $0x7F, v54;
	v29 =	vadd.s32 s25, v55;
	[tilespmem:$0x10AD0] =	vst v22  }
0x181: {  	v57 =	vand.u32 $0xFFFFFF80, v56;
	v28 =	vor.u32 v28, v29;
	v29 =	vadd.s32 s25, v60;
	v23 =	vld.idx.msk [tilespmem:v23+s11+$0x0], $0xffff  }
0x182: {  	v30 =	vand.u32 $0x7F, v56;
	v58 =	vadd.s32 s25, v57;
	v29 =	vor.u32 v61, v29;
	v24 =	vld.idx.msk [tilespmem:v24+s13+$0x0], $0xffff  }
0x183: {  	v22 =	vor.u32 v30, v58;
	v25 =	vld.idx.msk [tilespmem:v50+s11+$0x0], $0xffff  }
0x184: {  	v21 =	vbroadcast v21, $0xF;
	v20 =	vbroadcast v20, $0xF;
	s26 =	spop (v2sf);
	v27 =	vld.idx.msk [tilespmem:v27+s13+$0x0], $0xffff  }
0x185: {  	s31 =	spop (v2sf);
	v26 =	vld.idx.msk [tilespmem:v26+s11+$0x0], $0xffff  }
0x186: {  	v21 =	vadd.s32 v0, v21;
	v20 =	vadd.s32 v0, v20;
	s28 =	sadd.s32 $0x10, s31;
	s29 =	sadd.s32 $0x20, s26;
	v28 =	vld.idx.msk [tilespmem:v28+s13+$0x0], $0xffff  }
0x187: {  	v33 =	vadd.s32 s28, v0;
	v35 =	vadd.s32 s29, v0;
	s24 =	sadd.s32 $0x30, s26;
	v62 =	vld.idx.msk [tilespmem:v29+s13+$0x0], $0xffff;
	v23 =	vmul.f32 v24, v23  }
0x188: {  	v34 =	vand.u32 $0xFFFFFF80, v33;
	v36 =	vand.u32 $0xFFFFFF80, v35;
	v41 =	vadd.s32 s24, v0;
	v22 =	vld.idx.msk [tilespmem:v22+s11+$0x0], $0xffff  }
0x189: {  	s30 =	sadd.s32 $0x10, s26;
	v43 =	vand.u32 $0xFFFFFF80, v41;
	v25 =	vmul.f32 v27, v25;
	v23 =	vadd.f32 $0.0e+00, v23  }
0x18a: {  	v30 =	vadd.s32 s30, v0;
	v29 =	vand.u32 $0xFFFFFF80, v20;
	v20 =	vand.u32 $0x7F, v20  }
0x18b: {  	s30 =	sadd.s32 $0x20, s31;
	s31 =	sadd.s32 $0x30, s31;
	v31 =	vand.u32 $0xFFFFFF80, v30;
	v63 =	vmul.f32 v28, v26;
	v23 =	vadd.f32 v25, v23  }
0x18c: {  	v32 =	vand.u32 $0x7F, v30;
	v37 =	vadd.s32 s30, v0;
	v44 =	vadd.s32 s31, v0  }
0x18d: {  	v39 =	vand.u32 $0xFFFFFF80, v37;
	v22 =	vmul.f32 v62, v22;
	v23 =	vadd.f32 v63, v23  }
0x18e: {  	v28 =	vand.u32 $0xFFFFFF80, v21;
	v21 =	vand.u32 $0x7F, v21;
	v24 =	vadd.s32 s23, v29  }
0x18f: {  	v20 =	vor.u32 v20, v24;
	v22 =	vadd.f32 v22, v23;
	v23 =	vadd.s32 s23, v28  }
0x190: {  	v24 =	vadd.s32 s23, v34;
	v25 =	vand.u32 $0x7F, v33;
	v21 =	vor.u32 v21, v23  }
0x191: {  	v40 =	vand.u32 $0x7F, v37;
	v24 =	vor.u32 v25, v24;
	v23 =	vadd.s32 s23, v31  }
0x192: {  	v26 =	vand.u32 $0x7F, v35;
	v27 =	vadd.s32 s23, v36;
	v23 =	vor.u32 v32, v23  }
0x193: {  	v45 =	vand.u32 $0xFFFFFF80, v44;
	v38 =	vor.u32 v26, v27;
	v26 =	vadd.s32 s23, v39;
	[tilespmem:$0x10AE0] =	vst v22  }
0x194: {  	v46 =	vadd.s32 s23, v45;
	v27 =	vand.u32 $0x7F, v44;
	v42 =	vor.u32 v40, v26;
	v20 =	vld.idx.msk [tilespmem:v20+s13+$0x0], $0xffff  }
0x195: {  	v26 =	vadd.s32 s23, v43;
	v27 =	vor.u32 v27, v46;
	v28 =	vand.u32 $0x7F, v41;
	v21 =	vld.idx.msk [tilespmem:v21+s11+$0x0], $0xffff  }
0x196: {  	v26 =	vor.u32 v28, v26;
	v24 =	vld.idx.msk [tilespmem:v24+s13+$0x0], $0xffff  }
0x197: {  	v23 =	vld.idx.msk [tilespmem:v23+s11+$0x0], $0xffff  }
0x198: {  	v25 =	vld.idx.msk [tilespmem:v38+s11+$0x0], $0xffff  }
0x199: {  	v22 =	vld.idx.msk [tilespmem:v42+s13+$0x0], $0xffff  }
0x19a: {  	v48 =	vld.idx.msk [tilespmem:v27+s13+$0x0], $0xffff;
	v20 =	vmul.f32 v20, v21  }
0x19b: {  	v47 =	vld.idx.msk [tilespmem:v26+s11+$0x0], $0xffff  }
0x19c: {  	v23 =	vmul.f32 v24, v23;
	v20 =	vadd.f32 $0.0e+00, v20;
	_ =	sdelay $0x1  }
0x19d: {  	v22 =	vmul.f32 v22, v25;
	v20 =	vadd.f32 v23, v20;
	_ =	sdelay $0x1  }
0x19e: {  	v21 =	vmul.f32 v48, v47;
	v20 =	vadd.f32 v22, v20;
	_ =	sdelay $0x1  }
0x19f: {  	v20 =	vadd.f32 v21, v20;
	_ =	sdelay $0x1  }
0x1a0: {  	[tilespmem:$0x10AF0] =	vst v20  }
0x1a1: {  	v20 =	vld.idx.msk [tilespmem:v2+s16+$0x0], $0xffff;
	_ =	sdelay $0x1  }
0x1a2: {  	v49 =	vld.idx.msk [tilespmem:v5+s16+$0x0], $0xffff;
	_ =	sdelay $0x1  }
0x1a3: {  	v50 =	vld.idx.msk [tilespmem:v6+s16+$0x0], $0xffff  }
0x1a4: {  	v20 =	vadd.f32 $0.0e+00, v20  }
0x1a5: {  	v51 =	vld.idx.msk [tilespmem:v7+s16+$0x0], $0xffff  }
0x1a6: {  	v20 =	vadd.f32 v49, v20  }
0x1a7: {  	v52 =	vld.idx.msk [tilespmem:v8+s16+$0x0], $0xffff  }
0x1a8: {  	v20 =	vadd.f32 v50, v20  }
0x1a9: {  	v53 =	vld.idx.msk [tilespmem:v9+s16+$0x0], $0xffff  }
0x1aa: {  	v20 =	vadd.f32 v51, v20  }
0x1ab: {  	v54 =	vld.idx.msk [tilespmem:v10+s16+$0x0], $0xffff  }
0x1ac: {  	v20 =	vadd.f32 v52, v20  }
0x1ad: {  	v55 =	vld.idx.msk [tilespmem:v11+s16+$0x0], $0xffff  }
0x1ae: {  	v20 =	vadd.f32 v53, v20  }
0x1af: {  	v56 =	vld.idx.msk [tilespmem:v12+s16+$0x0], $0xffff  }
0x1b0: {  	v20 =	vadd.f32 v54, v20  }
0x1b1: {  	v57 =	vld.idx.msk [tilespmem:v13+s16+$0x0], $0xffff  }
0x1b2: {  	v20 =	vadd.f32 v55, v20  }
0x1b3: {  	v58 =	vld.idx.msk [tilespmem:v14+s16+$0x0], $0xffff  }
0x1b4: {  	v20 =	vadd.f32 v56, v20  }
0x1b5: {  	v59 =	vld.idx.msk [tilespmem:v15+s16+$0x0], $0xffff  }
0x1b6: {  	v20 =	vadd.f32 v57, v20  }
0x1b7: {  	v60 =	vld.idx.msk [tilespmem:v16+s16+$0x0], $0xffff  }
0x1b8: {  	v20 =	vadd.f32 v58, v20  }
0x1b9: {  	v61 =	vld.idx.msk [tilespmem:v17+s16+$0x0], $0xffff  }
0x1ba: {  	v20 =	vadd.f32 v59, v20  }
0x1bb: {  	v62 =	vld.idx.msk [tilespmem:v18+s16+$0x0], $0xffff  }
0x1bc: {  	v20 =	vadd.f32 v60, v20  }
0x1bd: {  	v63 =	vld.idx.msk [tilespmem:v19+s16+$0x0], $0xffff  }
0x1be: {  	v20 =	vadd.f32 v61, v20  }
0x1bf: {  	p0 =	sne.s32 s19, $0xFF  }
.Ltmp1:
0x1c0: {  	v20 =	vadd.f32 v62, v20;
	(pc) =	sbr.rel @p0 .LBB2_4-.Ltmp1, $4  }
0x1c1: {  	_ = 	snop  }
0x1c2: {  	v20 =	vadd.f32 v63, v20  }
0x1c3: {  	s20 =	sadd.s32 $0x10, s20  }
0x1c4: {  	s21 =	sadd.s32 $0x10, s21;
	s19 =	sadd.s32 $0x10, s19;
	[tilespmem:s22+$0x0] =	vst v20;
	s22 =	sadd.s32 $0x10, s22  }
0x1c5: {  	s19 =	simm.s32 $0x200  }
0x1c6: {  	v20 =	vor.u32 s19, v1;
	_ =	sdelay $0x2  }
0x1c7: {  	v21 =	vor.u32 s19, v3;
	_ =	sdelay $0x1  }
0x1c8: {  	v20 =	vld.idx.msk [tilespmem:v20+s2+$0x0], $0xffff;
	_ =	sdelay $0x2  }
0x1c9: {  	v21 =	vld.idx.msk [tilespmem:v21+s2+$0x0], $0xffff;
	_ =	sdelay $0x1  }
0x1ca: {  	v22 =	vshra.s32 v20, $0x1F  }
0x1cb: {  	v22 =	vshrl.u32 v22, $0x12  }
0x1cc: {  	v22 =	vadd.s32 v22, v20  }
0x1cd: {  	v23 =	vshra.s32 v21, $0x1F;
	v22 =	vshra.s32 v22, $0xE  }
0x1ce: {  	v23 =	vshrl.u32 v23, $0x12;
	v24 =	vshll.u32 v22, $0xE  }
0x1cf: {  	vm1 =	vlt.s32 v20, $0x1;
	v23 =	vadd.s32 v23, v21;
	vm0 =	vne.s32 v20, v24  }
0x1d0: {  	v61 =	vand.u32 $0xFFFFC000, v23;
	vm0 =	vmand vm1, vm0  }
0x1d1: {  	vm15 =	vlt.s32 v21, $0x1;
	vm14 =	vne.s32 v21, v61;
	v25 =	vsel vm0, $0xFFFFFFFF, v4  }
0x1d2: {  	v62 =	vand.u32 $0x1FFF, v20;
	vm0 =	vmand vm15, vm14;
	v22 =	vadd.s32 v25, v22  }
0x1d3: {  	v23 =	vshra.s32 v23, $0xE;
	v63 =	vsel vm0, $0xFFFFFFFF, v4;
	v22 =	vshll.u32 v22, $0xD  }
0x1d4: {  	s20 =	simm.s32 $0x400;
	v20 =	vshrl.u32 v20, $0x7;
	v23 =	vadd.s32 v63, v23;
	v22 =	vor.u32 v22, v62  }
0x1d5: {  	s23 =	simm.s32 $0x220;
	v20 =	vand.u32 $0x40, v20;
	[tilespmem:s20+$0x0] =	vst v22;
	v22 =	vshll.u32 v23, $0xD;
	v23 =	vand.u32 $0x1FFF, v21  }
0x1d6: {  	s19 =	simm.s32 $0x700;
	v22 =	vor.u32 v22, v23;
	v23 =	vshrl.u32 v21, $0x7;
	v21 =	vor.u32 s23, v1  }
0x1d7: {  	[tilespmem:s19+$0x0] =	vst v20;
	v20 =	vor.u32 s23, v3  }
0x1d8: {  	s21 =	simm.s32 $0x500  }
0x1d9: {  	s22 =	simm.s32 $0x900;
	s23 =	simm.s32 $0x240;
	[tilespmem:s21+$0x0] =	vst v22;
	v22 =	vand.u32 $0x40, v23  }
.LBB2_6:
0x1da: {  	p0 =	sne.s32 s23, $0x3E0;
	[tilespmem:s22+$0x0] =	vst v22  }
0x1db: {  	v22 =	vld.idx.msk [tilespmem:v21+s2+$0x0], $0xffff  }
0x1dc: {  	v23 =	vld.idx.msk [tilespmem:v20+s2+$0x0], $0xffff;
	_ =	sdelay $0x4  }
0x1dd: {  	v20 =	vshra.s32 v22, $0x1F  }
0x1de: {  	v20 =	vshrl.u32 v20, $0x12  }
0x1df: {  	v20 =	vadd.s32 v20, v22  }
0x1e0: {  	v21 =	vshra.s32 v23, $0x1F;
	v24 =	vshra.s32 v20, $0xE  }
0x1e1: {  	v21 =	vshrl.u32 v21, $0x12;
	v20 =	vor.u32 s23, v3;
	v25 =	vshll.u32 v24, $0xE  }
0x1e2: {  	vm1 =	vlt.s32 v22, $0x1;
	vm0 =	vne.s32 v22, v25;
	v25 =	vadd.s32 v21, v23  }
0x1e3: {  	v21 =	vor.u32 s23, v1;
	vm0 =	vmand vm1, vm0;
	v26 =	vand.u32 $0xFFFFC000, v25  }
0x1e4: {  	vm1 =	vlt.s32 v23, $0x1;
	v27 =	vsel vm0, $0xFFFFFFFF, v4;
	vm0 =	vne.s32 v23, v26  }
0x1e5: {  	v26 =	vand.u32 $0x1FFF, v22;
	v24 =	vadd.s32 v27, v24;
	vm0 =	vmand vm1, vm0  }
.Ltmp2:
0x1e6: {  	v25 =	vshra.s32 v25, $0xE;
	v24 =	vshll.u32 v24, $0xD;
	v27 =	vsel vm0, $0xFFFFFFFF, v4;
	(pc) =	sbr.rel @p0 .LBB2_6-.Ltmp2, $4  }
0x1e7: {  	s20 =	sadd.s32 $0x10, s20;
	v22 =	vshrl.u32 v22, $0x7;
	v24 =	vor.u32 v24, v26;
	v25 =	vadd.s32 v27, v25  }
0x1e8: {  	s19 =	sadd.s32 $0x10, s19;
	v22 =	vand.u32 $0x40, v22;
	[tilespmem:s20+$0x0] =	vst v24;
	v24 =	vshll.u32 v25, $0xD;
	v25 =	vand.u32 $0x1FFF, v23  }
0x1e9: {  	s21 =	sadd.s32 $0x10, s21;
	v23 =	vshrl.u32 v23, $0x7;
	[tilespmem:s19+$0x0] =	vst v22;
	v22 =	vor.u32 v24, v25  }
0x1ea: {  	s22 =	sadd.s32 $0x10, s22;
	s23 =	sadd.s32 $0x20, s23;
	[tilespmem:s21+$0x0] =	vst v22;
	v22 =	vand.u32 $0x40, v23  }
0x1eb: {  	_ =	sdelay $0x2  }
0x1ec: {  	[tilespmem:s22+$0x0] =	vst v22  }
0x1ed: {  	v21 =	vld.idx.msk [tilespmem:v21+s2+$0x0], $0xffff;
	_ =	sdelay $0x2  }
0x1ee: {  	v20 =	vld.idx.msk [tilespmem:v20+s2+$0x0], $0xffff;
	_ =	sdelay $0x1  }
0x1ef: {  	v57 =	vshra.s32 v21, $0x1F  }
0x1f0: {  	v22 =	vshrl.u32 v57, $0x12  }
0x1f1: {  	v22 =	vadd.s32 v22, v21  }
0x1f2: {  	v23 =	vshra.s32 v20, $0x1F;
	v22 =	vshra.s32 v22, $0xE  }
0x1f3: {  	v23 =	vshrl.u32 v23, $0x12;
	v24 =	vshll.u32 v22, $0xE  }
0x1f4: {  	vm1 =	vlt.s32 v21, $0x1;
	v23 =	vadd.s32 v23, v20;
	vm0 =	vne.s32 v21, v24  }
0x1f5: {  	v58 =	vand.u32 $0xFFFFC000, v23;
	vm0 =	vmand vm1, vm0  }
0x1f6: {  	vm15 =	vlt.s32 v20, $0x1;
	vm14 =	vne.s32 v20, v58;
	v25 =	vsel vm0, $0xFFFFFFFF, v4  }
0x1f7: {  	v59 =	vand.u32 $0x1FFF, v21;
	vm0 =	vmand vm15, vm14;
	v22 =	vadd.s32 v25, v22  }
0x1f8: {  	v23 =	vshra.s32 v23, $0xE;
	v60 =	vsel vm0, $0xFFFFFFFF, v4;
	v22 =	vshll.u32 v22, $0xD  }
0x1f9: {  	s20 =	sadd.s32 $0x10, s20;
	v21 =	vshrl.u32 v21, $0x7;
	v23 =	vadd.s32 v60, v23;
	v22 =	vor.u32 v22, v59  }
0x1fa: {  	s19 =	sadd.s32 $0x10, s19;
	v62 =	vand.u32 $0x1FFF, v20;
	v21 =	vand.u32 $0x40, v21;
	v61 =	vshll.u32 v23, $0xD;
	[tilespmem:s20+$0x0] =	vst v22  }
0x1fb: {  	s30 =	sadd.s32 $0x10, s21;
	v20 =	vshrl.u32 v20, $0x7;
	v63 =	vor.u32 v61, v62;
	[tilespmem:s19+$0x0] =	vst v21  }
0x1fc: {  	s31 =	sadd.s32 $0x10, s22;
	v20 =	vand.u32 $0x40, v20;
	[tilespmem:s30+$0x0] =	vst v63  }
0x1fd: {  	[tilespmem:s31+$0x0] =	vst v20  }
0x1fe: {  	[tilespmem:s11], [sflag:$0x1] =	stream.indirect.gather [hbm4b:s3+s9], $0x80, s10, s9, $0xb8;
	[tilespmem:$0x10D00] =	vst v63  }
0x1ff: {  	_ = 	snop  }
0x200: {  	[tilespmem:s13], [sflag:$0x2] =	stream.indirect.gather [hbm4b:s4+s9], $0x80, s12, s9, $0xb8;
	[tilespmem:$0x10D00] =	vst v63  }
0x201: {  	_ =	swait.ge [sflag:s14], $0x8000  }
0x202: {  	[sflag:s14] =	ssyncset.done $0x0  }
0x203: {  	[sflag:s14] =	ssyncadd.s32 $0xFFFF8000  }
0x204: {  	_ =	swait.ge [sflag:s15], $0x8000  }
0x205: {  	s21 =	simm.s32 $0x900;
	s22 =	simm.s32 $0x700;
	[sflag:s15] =	ssyncset.done $0x0  }
0x206: {  	s20 =	simm.s32 $0x10C00;
	s19 =	simm.s32 $0xF;
	[sflag:s15] =	ssyncadd.s32 $0xFFFF8000  }
.LBB2_8:
0x207: {  	v21 =	vld [tilespmem:s22+$0x0];
	_ =	sdelay $0x1  }
0x208: {  	v20 =	vld [tilespmem:s21+$0x0];
	_ =	sdelay $0x2  }
0x209: {  	(v2sf) =	vpush v21, $0x0;
	_ =	sdelay $0x1  }
0x20a: {  	(v2sf) =	vpush v20, $0x0;
	_ =	sdelay $0x7  }
0x20b: {  	v22 =	vbroadcast v21, $0x0  }
0x20c: {  	v23 =	vbroadcast v20, $0x0  }
0x20d: {  	s23 =	sshll.u32 s19, $0x7;
	v22 =	vadd.s32 v0, v22  }
0x20e: {  	s25 =	sadd.s32 $0xFFFFF880, s23;
	v23 =	vadd.s32 v0, v23;
	v24 =	vand.u32 $0xFFFFFF80, v22  }
0x20f: {  	v22 =	vand.u32 $0x7F, v22;
	v42 =	vand.u32 $0xFFFFFF80, v23;
	v24 =	vadd.s32 s25, v24  }
0x210: {  	v23 =	vand.u32 $0x7F, v23;
	v22 =	vor.u32 v22, v24;
	v24 =	vadd.s32 s25, v42;
	s24 =	spop (v2sf)  }
0x211: {  	v23 =	vor.u32 v23, v24;
	(v2sf) =	vpush v21, $0x1;
	s26 =	sadd.s32 $0x10, s24;
	s31 =	sadd.s32 $0x20, s24  }
0x212: {  	s28 =	spop (v2sf);
	s24 =	sadd.s32 $0x30, s24;
	(v2sf) =	vpush v20, $0x1;
	v25 =	vadd.s32 s26, v0;
	v44 =	vadd.s32 s31, v0  }
0x213: {  	s30 =	sadd.s32 $0x10, s28;
	s29 =	sadd.s32 $0x20, s28;
	v29 =	vadd.s32 s24, v0;
	v26 =	vand.u32 $0xFFFFFF80, v25;
	v25 =	vand.u32 $0x7F, v25  }
0x214: {  	v27 =	vadd.s32 s30, v0;
	v28 =	vand.u32 $0xFFFFFF80, v44;
	v46 =	vadd.s32 s29, v0  }
0x215: {  	v30 =	vand.u32 $0xFFFFFF80, v29;
	v29 =	vand.u32 $0x7F, v29;
	v26 =	vadd.s32 s25, v26  }
0x216: {  	v45 =	vand.u32 $0xFFFFFF80, v27;
	v27 =	vand.u32 $0x7F, v27;
	v28 =	vadd.s32 s25, v28  }
0x217: {  	s30 =	sadd.s32 $0x30, s28;
	v47 =	vand.u32 $0xFFFFFF80, v46;
	v30 =	vadd.s32 s25, v30;
	v43 =	vor.u32 v25, v26  }
0x218: {  	v31 =	vadd.s32 s30, v0;
	v26 =	vadd.s32 s25, v45;
	v48 =	vor.u32 v29, v30  }
0x219: {  	v25 =	vand.u32 $0x7F, v44;
	v49 =	vand.u32 $0xFFFFFF80, v31;
	v26 =	vor.u32 v27, v26  }
0x21a: {  	v22 =	vld.idx.msk [tilespmem:v22+s11+$0x0], $0xffff;
	v25 =	vor.u32 v25, v28;
	v27 =	vand.u32 $0x7F, v46;
	v28 =	vadd.s32 s25, v47  }
0x21b: {  	v23 =	vld.idx.msk [tilespmem:v23+s13+$0x0], $0xffff;
	v50 =	vand.u32 $0x7F, v31;
	v29 =	vadd.s32 s25, v49;
	v27 =	vor.u32 v27, v28  }
0x21c: {  	v29 =	vor.u32 v50, v29;
	v24 =	vld.idx.msk [tilespmem:v43+s11+$0x0], $0xffff  }
0x21d: {  	v51 =	vld.idx.msk [tilespmem:v48+s11+$0x0], $0xffff  }
0x21e: {  	v26 =	vld.idx.msk [tilespmem:v26+s13+$0x0], $0xffff  }
0x21f: {  	v25 =	vld.idx.msk [tilespmem:v25+s11+$0x0], $0xffff  }
0x220: {  	v27 =	vld.idx.msk [tilespmem:v27+s13+$0x0], $0xffff  }
0x221: {  	v54 =	vbroadcast v21, $0x1;
	v52 =	vld.idx.msk [tilespmem:v29+s13+$0x0], $0xffff;
	_ =	sdelay $0x1  }
0x222: {  	v55 =	vadd.s32 v0, v54;
	v22 =	vmul.f32 v23, v22  }
0x223: {  	v56 =	vbroadcast v20, $0x1;
	v57 =	vand.u32 $0xFFFFFF80, v55  }
0x224: {  	v22 =	vadd.f32 $0.0e+00, v22;
	s24 =	spop (v2sf);
	(v2sf) =	vpush v21, $0x2;
	v24 =	vmul.f32 v26, v24  }
0x225: {  	s31 =	sadd.s32 $0x10, s24;
	s28 =	spop (v2sf);
	s30 =	sadd.s32 $0x20, s24;
	(v2sf) =	vpush v20, $0x2;
	v53 =	vmul.f32 v27, v25;
	v23 =	vmul.f32 v52, v51  }
0x226: {  	v25 =	vadd.s32 v0, v56;
	v59 =	vadd.s32 s31, v0;
	v63 =	vadd.s32 s30, v0  }
0x227: {  	v22 =	vadd.f32 v24, v22;
	v24 =	vand.u32 $0x7F, v55;
	v58 =	vand.u32 $0xFFFFFF80, v25  }
0x228: {  	s29 =	sadd.s32 $0x10, s28;
	s31 =	sadd.s32 $0x20, s28;
	v25 =	vand.u32 $0x7F, v25;
	v60 =	vand.u32 $0xFFFFFF80, v59;
	v26 =	vand.u32 $0x7F, v59  }
0x229: {  	s25 =	sadd.s32 $0xFFFFF900, s23;
	v61 =	vadd.s32 s29, v0;
	v33 =	vand.u32 $0xFFFFFF80, v63;
	v34 =	vadd.s32 s31, v0  }
0x22a: {  	v27 =	vadd.s32 s25, v60;
	v32 =	vand.u32 $0xFFFFFF80, v61;
	v28 =	vand.u32 $0x7F, v61  }
0x22b: {  	v22 =	vadd.f32 v53, v22;
	v62 =	vor.u32 v26, v27;
	v27 =	vadd.s32 s25, v32  }
0x22c: {  	v29 =	vadd.s32 s25, v33;
	v26 =	vand.u32 $0x7F, v63;
	v27 =	vor.u32 v28, v27  }
0x22d: {  	v26 =	vor.u32 v26, v29;
	v22 =	vadd.f32 v23, v22;
	v23 =	vadd.s32 s25, v57  }
0x22e: {  	v35 =	vand.u32 $0xFFFFFF80, v34;
	v23 =	vor.u32 v24, v23;
	v24 =	vadd.s32 s25, v58  }
0x22f: {  	s28 =	sadd.s32 $0x30, s28;
	v28 =	vand.u32 $0x7F, v34;
	v29 =	vadd.s32 s25, v35;
	v24 =	vor.u32 v25, v24;
	[tilespmem:$0x10A00] =	vst v22  }
0x230: {  	s24 =	sadd.s32 $0x30, s24;
	v39 =	vadd.s32 s28, v0;
	v28 =	vor.u32 v28, v29;
	v25 =	vld.idx.msk [tilespmem:v62+s11+$0x0], $0xffff  }
0x231: {  	v36 =	vadd.s32 s24, v0;
	v40 =	vand.u32 $0xFFFFFF80, v39;
	v27 =	vld.idx.msk [tilespmem:v27+s13+$0x0], $0xffff  }
0x232: {  	v37 =	vand.u32 $0xFFFFFF80, v36;
	v41 =	vand.u32 $0x7F, v39;
	v29 =	vadd.s32 s25, v40;
	v26 =	vld.idx.msk [tilespmem:v26+s11+$0x0], $0xffff  }
0x233: {  	v30 =	vand.u32 $0x7F, v36;
	v38 =	vadd.s32 s25, v37;
	v29 =	vor.u32 v41, v29;
	v23 =	vld.idx.msk [tilespmem:v23+s11+$0x0], $0xffff  }
0x234: {  	v22 =	vor.u32 v30, v38;
	v24 =	vld.idx.msk [tilespmem:v24+s13+$0x0], $0xffff  }
0x235: {  	v28 =	vld.idx.msk [tilespmem:v28+s13+$0x0], $0xffff  }
0x236: {  	v44 =	vbroadcast v21, $0x2;
	_ =	sdelay $0x1  }
0x237: {  	v46 =	vbroadcast v20, $0x2;
	v45 =	vadd.s32 v0, v44;
	v42 =	vld.idx.msk [tilespmem:v29+s13+$0x0], $0xffff  }
0x238: {  	v47 =	vand.u32 $0xFFFFFF80, v45;
	v22 =	vld.idx.msk [tilespmem:v22+s11+$0x0], $0xffff;
	s24 =	spop (v2sf);
	(v2sf) =	vpush v21, $0x3;
	v23 =	vmul.f32 v24, v23  }
0x239: {  	v25 =	vmul.f32 v27, v25;
	s29 =	sadd.s32 $0x10, s24;
	s28 =	spop (v2sf);
	s31 =	sadd.s32 $0x20, s24;
	(v2sf) =	vpush v20, $0x3;
	v43 =	vmul.f32 v28, v26  }
0x23a: {  	s24 =	sadd.s32 $0x30, s24;
	v49 =	vadd.s32 s29, v0;
	v53 =	vadd.s32 s31, v0;
	v23 =	vadd.f32 $0.0e+00, v23  }
0x23b: {  	s30 =	sadd.s32 $0x10, s28;
	v58 =	vadd.s32 s24, v0;
	v50 =	vand.u32 $0xFFFFFF80, v49;
	v26 =	vand.u32 $0x7F, v49  }
0x23c: {  	s29 =	sadd.s32 $0x20, s28;
	v51 =	vadd.s32 s30, v0;
	v55 =	vand.u32 $0xFFFFFF80, v53;
	v23 =	vadd.f32 v25, v23  }
0x23d: {  	s25 =	sadd.s32 $0xFFFFF980, s23;
	v56 =	vadd.s32 s29, v0;
	v59 =	vand.u32 $0xFFFFFF80, v58;
	v22 =	vmul.f32 v42, v22  }
0x23e: {  	v24 =	vand.u32 $0x7F, v45;
	v27 =	vadd.s32 s25, v50;
	v23 =	vadd.f32 v43, v23  }
0x23f: {  	v54 =	vand.u32 $0xFFFFFF80, v51;
	v28 =	vand.u32 $0x7F, v51;
	v25 =	vadd.s32 v0, v46  }
0x240: {  	v48 =	vand.u32 $0xFFFFFF80, v25;
	v22 =	vadd.f32 v22, v23;
	v23 =	vadd.s32 s25, v47  }
0x241: {  	v25 =	vand.u32 $0x7F, v25;
	v23 =	vor.u32 v24, v23;
	v24 =	vadd.s32 s25, v48  }
0x242: {  	s30 =	sadd.s32 $0x30, s28;
	v29 =	vadd.s32 s25, v55;
	v57 =	vand.u32 $0xFFFFFF80, v56;
	v24 =	vor.u32 v25, v24  }
0x243: {  	v61 =	vadd.s32 s30, v0;
	v52 =	vor.u32 v26, v27;
	v27 =	vadd.s32 s25, v54  }
0x244: {  	v26 =	vand.u32 $0x7F, v53;
	v62 =	vand.u32 $0xFFFFFF80, v61;
	v27 =	vor.u32 v28, v27  }
0x245: {  	v26 =	vor.u32 v26, v29;
	v28 =	vand.u32 $0x7F, v56;
	v29 =	vadd.s32 s25, v57;
	[tilespmem:$0x10A10] =	vst v22  }
0x246: {  	v63 =	vand.u32 $0x7F, v61;
	v28 =	vor.u32 v28, v29;
	v29 =	vadd.s32 s25, v62;
	v23 =	vld.idx.msk [tilespmem:v23+s11+$0x0], $0xffff  }
0x247: {  	v30 =	vand.u32 $0x7F, v58;
	v60 =	vadd.s32 s25, v59;
	v29 =	vor.u32 v63, v29;
	v24 =	vld.idx.msk [tilespmem:v24+s13+$0x0], $0xffff  }
0x248: {  	v22 =	vor.u32 v30, v60;
	v25 =	vld.idx.msk [tilespmem:v52+s11+$0x0], $0xffff  }
0x249: {  	v32 =	vbroadcast v21, $0x3;
	v27 =	vld.idx.msk [tilespmem:v27+s13+$0x0], $0xffff  }
0x24a: {  	v26 =	vld.idx.msk [tilespmem:v26+s11+$0x0], $0xffff  }
0x24b: {  	v34 =	vbroadcast v20, $0x3;
	v33 =	vadd.s32 v0, v32;
	v28 =	vld.idx.msk [tilespmem:v28+s13+$0x0], $0xffff;
	s24 =	spop (v2sf)  }
0x24c: {  	v35 =	vand.u32 $0xFFFFFF80, v33;
	v30 =	vld.idx.msk [tilespmem:v29+s13+$0x0], $0xffff;
	(v2sf) =	vpush v21, $0x4;
	s31 =	sadd.s32 $0x10, s24;
	s30 =	sadd.s32 $0x20, s24;
	v23 =	vmul.f32 v24, v23  }
0x24d: {  	s28 =	spop (v2sf);
	s24 =	sadd.s32 $0x30, s24;
	(v2sf) =	vpush v20, $0x4;
	v37 =	vadd.s32 s31, v0;
	v41 =	vadd.s32 s30, v0;
	v22 =	vld.idx.msk [tilespmem:v22+s11+$0x0], $0xffff  }
0x24e: {  	s29 =	sadd.s32 $0x10, s28;
	v46 =	vadd.s32 s24, v0;
	v25 =	vmul.f32 v27, v25;
	v23 =	vadd.f32 $0.0e+00, v23  }
0x24f: {  	s31 =	sadd.s32 $0x20, s28;
	v38 =	vand.u32 $0xFFFFFF80, v37;
	v39 =	vadd.s32 s29, v0;
	v43 =	vand.u32 $0xFFFFFF80, v41  }
0x250: {  	s28 =	sadd.s32 $0x30, s28;
	v44 =	vadd.s32 s31, v0;
	v31 =	vmul.f32 v28, v26;
	v23 =	vadd.f32 v25, v23  }
0x251: {  	s25 =	sadd.s32 $0xFFFFFA00, s23;
	v47 =	vand.u32 $0xFFFFFF80, v46;
	v49 =	vadd.s32 s28, v0;
	v42 =	vand.u32 $0xFFFFFF80, v39  }
0x252: {  	v29 =	vadd.s32 s25, v43;
	v22 =	vmul.f32 v30, v22;
	v23 =	vadd.f32 v31, v23  }
0x253: {  	v45 =	vand.u32 $0xFFFFFF80, v44;
	v24 =	vand.u32 $0x7F, v33;
	v25 =	vadd.s32 v0, v34  }
0x254: {  	v36 =	vand.u32 $0xFFFFFF80, v25;
	v22 =	vadd.f32 v22, v23;
	v23 =	vadd.s32 s25, v35  }
0x255: {  	v25 =	vand.u32 $0x7F, v25;
	v23 =	vor.u32 v24, v23;
	v24 =	vadd.s32 s25, v36  }
0x256: {  	v26 =	vand.u32 $0x7F, v37;
	v27 =	vadd.s32 s25, v38;
	v24 =	vor.u32 v25, v24  }
0x257: {  	v28 =	vand.u32 $0x7F, v39;
	v40 =	vor.u32 v26, v27;
	v27 =	vadd.s32 s25, v42  }
0x258: {  	v50 =	vand.u32 $0xFFFFFF80, v49;
	v26 =	vand.u32 $0x7F, v41;
	v27 =	vor.u32 v28, v27  }
0x259: {  	v26 =	vor.u32 v26, v29;
	v28 =	vand.u32 $0x7F, v44;
	v29 =	vadd.s32 s25, v45;
	[tilespmem:$0x10A20] =	vst v22  }
0x25a: {  	v51 =	vand.u32 $0x7F, v49;
	v28 =	vor.u32 v28, v29;
	v29 =	vadd.s32 s25, v50;
	v23 =	vld.idx.msk [tilespmem:v23+s11+$0x0], $0xffff  }
0x25b: {  	v48 =	vadd.s32 s25, v47;
	v30 =	vand.u32 $0x7F, v46;
	v29 =	vor.u32 v51, v29;
	v24 =	vld.idx.msk [tilespmem:v24+s13+$0x0], $0xffff  }
0x25c: {  	v22 =	vor.u32 v30, v48;
	v25 =	vld.idx.msk [tilespmem:v40+s11+$0x0], $0xffff  }
0x25d: {  	v54 =	vbroadcast v21, $0x4;
	v27 =	vld.idx.msk [tilespmem:v27+s13+$0x0], $0xffff  }
0x25e: {  	v26 =	vld.idx.msk [tilespmem:v26+s11+$0x0], $0xffff  }
0x25f: {  	v56 =	vbroadcast v20, $0x4;
	v55 =	vadd.s32 v0, v54;
	s24 =	spop (v2sf);
	v28 =	vld.idx.msk [tilespmem:v28+s13+$0x0], $0xffff  }
0x260: {  	v57 =	vand.u32 $0xFFFFFF80, v55;
	(v2sf) =	vpush v21, $0x5;
	s29 =	sadd.s32 $0x10, s24;
	s31 =	sadd.s32 $0x20, s24;
	v52 =	vld.idx.msk [tilespmem:v29+s13+$0x0], $0xffff;
	v23 =	vmul.f32 v24, v23  }
0x261: {  	s28 =	spop (v2sf);
	(v2sf) =	vpush v20, $0x5;
	v59 =	vadd.s32 s29, v0;
	v63 =	vadd.s32 s31, v0;
	v22 =	vld.idx.msk [tilespmem:v22+s11+$0x0], $0xffff  }
0x262: {  	s30 =	sadd.s32 $0x10, s28;
	s29 =	sadd.s32 $0x20, s28;
	v60 =	vand.u32 $0xFFFFFF80, v59;
	v25 =	vmul.f32 v27, v25;
	v23 =	vadd.f32 $0.0e+00, v23  }
0x263: {  	s24 =	sadd.s32 $0x30, s24;
	v61 =	vadd.s32 s30, v0;
	v33 =	vand.u32 $0xFFFFFF80, v63;
	v34 =	vadd.s32 s29, v0  }
0x264: {  	v36 =	vadd.s32 s24, v0;
	v53 =	vmul.f32 v28, v26;
	v23 =	vadd.f32 v25, v23  }
0x265: {  	s30 =	sadd.s32 $0x30, s28;
	v32 =	vand.u32 $0xFFFFFF80, v61;
	v35 =	vand.u32 $0xFFFFFF80, v34;
	v37 =	vand.u32 $0xFFFFFF80, v36  }
0x266: {  	s25 =	sadd.s32 $0xFFFFFA80, s23;
	v39 =	vadd.s32 s30, v0;
	v22 =	vmul.f32 v52, v22;
	v23 =	vadd.f32 v53, v23  }
0x267: {  	v29 =	vadd.s32 s25, v33;
	v24 =	vand.u32 $0x7F, v55;
	v25 =	vadd.s32 v0, v56  }
0x268: {  	v58 =	vand.u32 $0xFFFFFF80, v25;
	v22 =	vadd.f32 v22, v23;
	v23 =	vadd.s32 s25, v57  }
0x269: {  	v25 =	vand.u32 $0x7F, v25;
	v23 =	vor.u32 v24, v23;
	v24 =	vadd.s32 s25, v58  }
0x26a: {  	v26 =	vand.u32 $0x7F, v59;
	v27 =	vadd.s32 s25, v60;
	v24 =	vor.u32 v25, v24  }
0x26b: {  	v28 =	vand.u32 $0x7F, v61;
	v62 =	vor.u32 v26, v27;
	v27 =	vadd.s32 s25, v32  }
0x26c: {  	v40 =	vand.u32 $0xFFFFFF80, v39;
	v26 =	vand.u32 $0x7F, v63;
	v27 =	vor.u32 v28, v27  }
0x26d: {  	v26 =	vor.u32 v26, v29;
	v28 =	vand.u32 $0x7F, v34;
	v29 =	vadd.s32 s25, v35;
	[tilespmem:$0x10A30] =	vst v22  }
0x26e: {  	v41 =	vand.u32 $0x7F, v39;
	v28 =	vor.u32 v28, v29;
	v29 =	vadd.s32 s25, v40;
	v23 =	vld.idx.msk [tilespmem:v23+s11+$0x0], $0xffff  }
0x26f: {  	v30 =	vand.u32 $0x7F, v36;
	v38 =	vadd.s32 s25, v37;
	v29 =	vor.u32 v41, v29;
	v24 =	vld.idx.msk [tilespmem:v24+s13+$0x0], $0xffff  }
0x270: {  	v22 =	vor.u32 v30, v38;
	v25 =	vld.idx.msk [tilespmem:v62+s11+$0x0], $0xffff  }
0x271: {  	v44 =	vbroadcast v21, $0x5;
	v27 =	vld.idx.msk [tilespmem:v27+s13+$0x0], $0xffff  }
0x272: {  	s24 =	spop (v2sf);
	v26 =	vld.idx.msk [tilespmem:v26+s11+$0x0], $0xffff  }
0x273: {  	v45 =	vadd.s32 v0, v44;
	v46 =	vbroadcast v20, $0x5;
	s31 =	sadd.s32 $0x10, s24;
	v28 =	vld.idx.msk [tilespmem:v28+s13+$0x0], $0xffff  }
0x274: {  	(v2sf) =	vpush v21, $0x6;
	s28 =	spop (v2sf);
	v49 =	vadd.s32 s31, v0;
	v42 =	vld.idx.msk [tilespmem:v29+s13+$0x0], $0xffff;
	v23 =	vmul.f32 v24, v23  }
0x275: {  	v47 =	vand.u32 $0xFFFFFF80, v45;
	(v2sf) =	vpush v20, $0x6;
	s29 =	sadd.s32 $0x10, s28;
	v50 =	vand.u32 $0xFFFFFF80, v49;
	v22 =	vld.idx.msk [tilespmem:v22+s11+$0x0], $0xffff  }
0x276: {  	s31 =	sadd.s32 $0x20, s28;
	s28 =	sadd.s32 $0x30, s28;
	v51 =	vadd.s32 s29, v0;
	v25 =	vmul.f32 v27, v25;
	v23 =	vadd.f32 $0.0e+00, v23  }
0x277: {  	s30 =	sadd.s32 $0x20, s24;
	v56 =	vadd.s32 s31, v0;
	v61 =	vadd.s32 s28, v0;
	v54 =	vand.u32 $0xFFFFFF80, v51  }
0x278: {  	v53 =	vadd.s32 s30, v0;
	v43 =	vmul.f32 v28, v26;
	v23 =	vadd.f32 v25, v23  }
0x279: {  	s24 =	sadd.s32 $0x30, s24;
	v63 =	vand.u32 $0x7F, v61;
	v55 =	vand.u32 $0xFFFFFF80, v53;
	v57 =	vand.u32 $0xFFFFFF80, v56  }
0x27a: {  	s25 =	sadd.s32 $0xFFFFFB00, s23;
	v58 =	vadd.s32 s24, v0;
	v22 =	vmul.f32 v42, v22;
	v23 =	vadd.f32 v43, v23  }
0x27b: {  	v29 =	vadd.s32 s25, v55;
	v24 =	vand.u32 $0x7F, v45;
	v25 =	vadd.s32 v0, v46  }
0x27c: {  	v48 =	vand.u32 $0xFFFFFF80, v25;
	v22 =	vadd.f32 v22, v23;
	v23 =	vadd.s32 s25, v47  }
0x27d: {  	v25 =	vand.u32 $0x7F, v25;
	v23 =	vor.u32 v24, v23;
	v24 =	vadd.s32 s25, v48  }
0x27e: {  	v26 =	vand.u32 $0x7F, v49;
	v27 =	vadd.s32 s25, v50;
	v24 =	vor.u32 v25, v24  }
0x27f: {  	v28 =	vand.u32 $0x7F, v51;
	v52 =	vor.u32 v26, v27;
	v27 =	vadd.s32 s25, v54  }
0x280: {  	v62 =	vand.u32 $0xFFFFFF80, v61;
	v26 =	vand.u32 $0x7F, v53;
	v27 =	vor.u32 v28, v27  }
0x281: {  	v26 =	vor.u32 v26, v29;
	v28 =	vand.u32 $0x7F, v56;
	v29 =	vadd.s32 s25, v57;
	[tilespmem:$0x10A40] =	vst v22  }
0x282: {  	v59 =	vand.u32 $0xFFFFFF80, v58;
	v28 =	vor.u32 v28, v29;
	v29 =	vadd.s32 s25, v62;
	v23 =	vld.idx.msk [tilespmem:v23+s11+$0x0], $0xffff  }
0x283: {  	v30 =	vand.u32 $0x7F, v58;
	v60 =	vadd.s32 s25, v59;
	v29 =	vor.u32 v63, v29;
	v24 =	vld.idx.msk [tilespmem:v24+s13+$0x0], $0xffff  }
0x284: {  	v22 =	vor.u32 v30, v60;
	v25 =	vld.idx.msk [tilespmem:v52+s11+$0x0], $0xffff  }
0x285: {  	v32 =	vbroadcast v21, $0x6;
	v27 =	vld.idx.msk [tilespmem:v27+s13+$0x0], $0xffff  }
0x286: {  	v26 =	vld.idx.msk [tilespmem:v26+s11+$0x0], $0xffff  }
0x287: {  	v34 =	vbroadcast v20, $0x6;
	v33 =	vadd.s32 v0, v32;
	s24 =	spop (v2sf);
	v28 =	vld.idx.msk [tilespmem:v28+s13+$0x0], $0xffff  }
0x288: {  	v35 =	vand.u32 $0xFFFFFF80, v33;
	(v2sf) =	vpush v21, $0x7;
	s29 =	sadd.s32 $0x10, s24;
	s28 =	spop (v2sf);
	s31 =	sadd.s32 $0x20, s24;
	v30 =	vld.idx.msk [tilespmem:v29+s13+$0x0], $0xffff;
	v23 =	vmul.f32 v24, v23  }
0x289: {  	(v2sf) =	vpush v20, $0x7;
	v37 =	vadd.s32 s29, v0;
	s30 =	sadd.s32 $0x10, s28;
	v41 =	vadd.s32 s31, v0;
	v22 =	vld.idx.msk [tilespmem:v22+s11+$0x0], $0xffff  }
0x28a: {  	s29 =	sadd.s32 $0x20, s28;
	v39 =	vadd.s32 s30, v0;
	v25 =	vmul.f32 v27, v25;
	v23 =	vadd.f32 $0.0e+00, v23  }
0x28b: {  	v38 =	vand.u32 $0xFFFFFF80, v37;
	v44 =	vadd.s32 s29, v0;
	s30 =	sadd.s32 $0x30, s28;
	v42 =	vand.u32 $0xFFFFFF80, v39  }
0x28c: {  	v49 =	vadd.s32 s30, v0;
	v31 =	vmul.f32 v28, v26;
	v23 =	vadd.f32 v25, v23  }
0x28d: {  	s24 =	sadd.s32 $0x30, s24;
	v45 =	vand.u32 $0xFFFFFF80, v44;
	v50 =	vand.u32 $0xFFFFFF80, v49;
	v51 =	vand.u32 $0x7F, v49  }
0x28e: {  	v46 =	vadd.s32 s24, v0;
	v22 =	vmul.f32 v30, v22;
	v23 =	vadd.f32 v31, v23  }
0x28f: {  	v43 =	vand.u32 $0xFFFFFF80, v41;
	s25 =	sadd.s32 $0xFFFFFB80, s23;
	v24 =	vand.u32 $0x7F, v33;
	v25 =	vadd.s32 v0, v34  }
0x290: {  	v36 =	vand.u32 $0xFFFFFF80, v25;
	v22 =	vadd.f32 v22, v23;
	v23 =	vadd.s32 s25, v35  }
0x291: {  	v25 =	vand.u32 $0x7F, v25;
	v23 =	vor.u32 v24, v23;
	v24 =	vadd.s32 s25, v36  }
0x292: {  	v26 =	vand.u32 $0x7F, v37;
	v27 =	vadd.s32 s25, v38;
	v24 =	vor.u32 v25, v24  }
0x293: {  	v28 =	vand.u32 $0x7F, v39;
	v40 =	vor.u32 v26, v27;
	v27 =	vadd.s32 s25, v42  }
0x294: {  	v29 =	vadd.s32 s25, v43;
	v26 =	vand.u32 $0x7F, v41;
	v27 =	vor.u32 v28, v27  }
0x295: {  	v26 =	vor.u32 v26, v29;
	v28 =	vand.u32 $0x7F, v44;
	v29 =	vadd.s32 s25, v45;
	[tilespmem:$0x10A50] =	vst v22  }
0x296: {  	v47 =	vand.u32 $0xFFFFFF80, v46;
	v28 =	vor.u32 v28, v29;
	v29 =	vadd.s32 s25, v50;
	v23 =	vld.idx.msk [tilespmem:v23+s11+$0x0], $0xffff  }
0x297: {  	v48 =	vadd.s32 s25, v47;
	v30 =	vand.u32 $0x7F, v46;
	v29 =	vor.u32 v51, v29;
	v24 =	vld.idx.msk [tilespmem:v24+s13+$0x0], $0xffff  }
0x298: {  	v22 =	vor.u32 v30, v48;
	v25 =	vld.idx.msk [tilespmem:v40+s11+$0x0], $0xffff  }
0x299: {  	v54 =	vbroadcast v21, $0x7;
	v27 =	vld.idx.msk [tilespmem:v27+s13+$0x0], $0xffff  }
0x29a: {  	v26 =	vld.idx.msk [tilespmem:v26+s11+$0x0], $0xffff  }
0x29b: {  	v56 =	vbroadcast v20, $0x7;
	v55 =	vadd.s32 v0, v54;
	s24 =	spop (v2sf);
	v28 =	vld.idx.msk [tilespmem:v28+s13+$0x0], $0xffff  }
0x29c: {  	v57 =	vand.u32 $0xFFFFFF80, v55;
	(v2sf) =	vpush v21, $0x8;
	s31 =	sadd.s32 $0x10, s24;
	s28 =	spop (v2sf);
	s30 =	sadd.s32 $0x20, s24;
	v52 =	vld.idx.msk [tilespmem:v29+s13+$0x0], $0xffff;
	v23 =	vmul.f32 v24, v23  }
0x29d: {  	(v2sf) =	vpush v20, $0x8;
	v59 =	vadd.s32 s31, v0;
	s29 =	sadd.s32 $0x10, s28;
	v63 =	vadd.s32 s30, v0;
	v22 =	vld.idx.msk [tilespmem:v22+s11+$0x0], $0xffff  }
0x29e: {  	s31 =	sadd.s32 $0x20, s28;
	s28 =	sadd.s32 $0x30, s28;
	v61 =	vadd.s32 s29, v0;
	v25 =	vmul.f32 v27, v25;
	v23 =	vadd.f32 $0.0e+00, v23  }
0x29f: {  	v60 =	vand.u32 $0xFFFFFF80, v59;
	v32 =	vand.u32 $0xFFFFFF80, v61;
	v39 =	vadd.s32 s28, v0  }
0x2a0: {  	v34 =	vadd.s32 s31, v0;
	v53 =	vmul.f32 v28, v26;
	v23 =	vadd.f32 v25, v23  }
0x2a1: {  	s24 =	sadd.s32 $0x30, s24;
	v41 =	vand.u32 $0x7F, v39;
	v33 =	vand.u32 $0xFFFFFF80, v63;
	v35 =	vand.u32 $0xFFFFFF80, v34  }
0x2a2: {  	s25 =	sadd.s32 $0xFFFFFC00, s23;
	v36 =	vadd.s32 s24, v0;
	v22 =	vmul.f32 v52, v22;
	v23 =	vadd.f32 v53, v23  }
0x2a3: {  	v29 =	vadd.s32 s25, v33;
	v24 =	vand.u32 $0x7F, v55;
	v25 =	vadd.s32 v0, v56  }
0x2a4: {  	v58 =	vand.u32 $0xFFFFFF80, v25;
	v22 =	vadd.f32 v22, v23;
	v23 =	vadd.s32 s25, v57  }
0x2a5: {  	v25 =	vand.u32 $0x7F, v25;
	v23 =	vor.u32 v24, v23;
	v24 =	vadd.s32 s25, v58  }
0x2a6: {  	v26 =	vand.u32 $0x7F, v59;
	v27 =	vadd.s32 s25, v60;
	v24 =	vor.u32 v25, v24  }
0x2a7: {  	v28 =	vand.u32 $0x7F, v61;
	v62 =	vor.u32 v26, v27;
	v27 =	vadd.s32 s25, v32  }
0x2a8: {  	v40 =	vand.u32 $0xFFFFFF80, v39;
	v26 =	vand.u32 $0x7F, v63;
	v27 =	vor.u32 v28, v27  }
0x2a9: {  	v26 =	vor.u32 v26, v29;
	v28 =	vand.u32 $0x7F, v34;
	v29 =	vadd.s32 s25, v35;
	[tilespmem:$0x10A60] =	vst v22  }
0x2aa: {  	v37 =	vand.u32 $0xFFFFFF80, v36;
	v28 =	vor.u32 v28, v29;
	v29 =	vadd.s32 s25, v40;
	v23 =	vld.idx.msk [tilespmem:v23+s11+$0x0], $0xffff  }
0x2ab: {  	v30 =	vand.u32 $0x7F, v36;
	v38 =	vadd.s32 s25, v37;
	v29 =	vor.u32 v41, v29;
	v24 =	vld.idx.msk [tilespmem:v24+s13+$0x0], $0xffff  }
0x2ac: {  	v22 =	vor.u32 v30, v38;
	v25 =	vld.idx.msk [tilespmem:v62+s11+$0x0], $0xffff  }
0x2ad: {  	v44 =	vbroadcast v21, $0x8;
	v27 =	vld.idx.msk [tilespmem:v27+s13+$0x0], $0xffff  }
0x2ae: {  	s24 =	spop (v2sf);
	v26 =	vld.idx.msk [tilespmem:v26+s11+$0x0], $0xffff  }
0x2af: {  	v45 =	vadd.s32 v0, v44;
	v46 =	vbroadcast v20, $0x8;
	s29 =	sadd.s32 $0x10, s24;
	v28 =	vld.idx.msk [tilespmem:v28+s13+$0x0], $0xffff  }
0x2b0: {  	(v2sf) =	vpush v21, $0x9;
	s28 =	spop (v2sf);
	v49 =	vadd.s32 s29, v0;
	v42 =	vld.idx.msk [tilespmem:v29+s13+$0x0], $0xffff;
	v23 =	vmul.f32 v24, v23  }
0x2b1: {  	v47 =	vand.u32 $0xFFFFFF80, v45;
	(v2sf) =	vpush v20, $0x9;
	s30 =	sadd.s32 $0x10, s28;
	v50 =	vand.u32 $0xFFFFFF80, v49;
	v22 =	vld.idx.msk [tilespmem:v22+s11+$0x0], $0xffff  }
0x2b2: {  	s29 =	sadd.s32 $0x20, s28;
	v51 =	vadd.s32 s30, v0;
	s30 =	sadd.s32 $0x30, s28;
	v25 =	vmul.f32 v27, v25;
	v23 =	vadd.f32 $0.0e+00, v23  }
0x2b3: {  	s31 =	sadd.s32 $0x20, s24;
	v54 =	vand.u32 $0xFFFFFF80, v51;
	v61 =	vadd.s32 s30, v0;
	v56 =	vadd.s32 s29, v0  }
0x2b4: {  	v53 =	vadd.s32 s31, v0;
	v43 =	vmul.f32 v28, v26;
	v23 =	vadd.f32 v25, v23  }
0x2b5: {  	s24 =	sadd.s32 $0x30, s24;
	v63 =	vand.u32 $0x7F, v61;
	v55 =	vand.u32 $0xFFFFFF80, v53;
	v57 =	vand.u32 $0xFFFFFF80, v56  }
0x2b6: {  	s25 =	sadd.s32 $0xFFFFFC80, s23;
	v58 =	vadd.s32 s24, v0;
	v22 =	vmul.f32 v42, v22;
	v23 =	vadd.f32 v43, v23  }
0x2b7: {  	v29 =	vadd.s32 s25, v55;
	v24 =	vand.u32 $0x7F, v45;
	v25 =	vadd.s32 v0, v46  }
0x2b8: {  	v48 =	vand.u32 $0xFFFFFF80, v25;
	v22 =	vadd.f32 v22, v23;
	v23 =	vadd.s32 s25, v47  }
0x2b9: {  	v25 =	vand.u32 $0x7F, v25;
	v23 =	vor.u32 v24, v23;
	v24 =	vadd.s32 s25, v48  }
0x2ba: {  	v26 =	vand.u32 $0x7F, v49;
	v27 =	vadd.s32 s25, v50;
	v24 =	vor.u32 v25, v24  }
0x2bb: {  	v28 =	vand.u32 $0x7F, v51;
	v52 =	vor.u32 v26, v27;
	v27 =	vadd.s32 s25, v54  }
0x2bc: {  	v62 =	vand.u32 $0xFFFFFF80, v61;
	v26 =	vand.u32 $0x7F, v53;
	v27 =	vor.u32 v28, v27  }
0x2bd: {  	v26 =	vor.u32 v26, v29;
	v28 =	vand.u32 $0x7F, v56;
	v29 =	vadd.s32 s25, v57;
	[tilespmem:$0x10A70] =	vst v22  }
0x2be: {  	v59 =	vand.u32 $0xFFFFFF80, v58;
	v28 =	vor.u32 v28, v29;
	v29 =	vadd.s32 s25, v62;
	v23 =	vld.idx.msk [tilespmem:v23+s11+$0x0], $0xffff  }
0x2bf: {  	v30 =	vand.u32 $0x7F, v58;
	v60 =	vadd.s32 s25, v59;
	v29 =	vor.u32 v63, v29;
	v24 =	vld.idx.msk [tilespmem:v24+s13+$0x0], $0xffff  }
0x2c0: {  	v22 =	vor.u32 v30, v60;
	v25 =	vld.idx.msk [tilespmem:v52+s11+$0x0], $0xffff  }
0x2c1: {  	v31 =	vbroadcast v21, $0x9;
	v27 =	vld.idx.msk [tilespmem:v27+s13+$0x0], $0xffff  }
0x2c2: {  	v26 =	vld.idx.msk [tilespmem:v26+s11+$0x0], $0xffff  }
0x2c3: {  	v33 =	vbroadcast v20, $0x9;
	v32 =	vadd.s32 v0, v31;
	s24 =	spop (v2sf);
	v28 =	vld.idx.msk [tilespmem:v28+s13+$0x0], $0xffff  }
0x2c4: {  	v34 =	vand.u32 $0xFFFFFF80, v32;
	(v2sf) =	vpush v21, $0xA;
	s31 =	sadd.s32 $0x10, s24;
	s28 =	spop (v2sf);
	s30 =	sadd.s32 $0x20, s24;
	v29 =	vld.idx.msk [tilespmem:v29+s13+$0x0], $0xffff;
	v23 =	vmul.f32 v24, v23  }
0x2c5: {  	(v2sf) =	vpush v20, $0xA;
	v36 =	vadd.s32 s31, v0;
	s29 =	sadd.s32 $0x10, s28;
	v40 =	vadd.s32 s30, v0;
	v22 =	vld.idx.msk [tilespmem:v22+s11+$0x0], $0xffff  }
0x2c6: {  	s24 =	sadd.s32 $0x30, s24;
	v38 =	vadd.s32 s29, v0;
	v25 =	vmul.f32 v27, v25;
	v23 =	vadd.f32 $0.0e+00, v23  }
0x2c7: {  	s31 =	sadd.s32 $0x20, s28;
	v37 =	vand.u32 $0xFFFFFF80, v36;
	v41 =	vand.u32 $0xFFFFFF80, v38;
	v45 =	vadd.s32 s24, v0  }
0x2c8: {  	v43 =	vadd.s32 s31, v0;
	v30 =	vmul.f32 v28, v26;
	v23 =	vadd.f32 v25, v23  }
0x2c9: {  	s28 =	sadd.s32 $0x30, s28;
	v42 =	vand.u32 $0xFFFFFF80, v40;
	v46 =	vand.u32 $0xFFFFFF80, v45;
	v44 =	vand.u32 $0xFFFFFF80, v43  }
0x2ca: {  	v48 =	vadd.s32 s28, v0;
	v22 =	vmul.f32 v29, v22;
	v23 =	vadd.f32 v30, v23  }
0x2cb: {  	s25 =	sadd.s32 $0xFFFFFD00, s23;
	v49 =	vand.u32 $0xFFFFFF80, v48;
	v24 =	vand.u32 $0x7F, v32;
	v25 =	vadd.s32 v0, v33  }
0x2cc: {  	v35 =	vand.u32 $0xFFFFFF80, v25;
	v22 =	vadd.f32 v22, v23;
	v23 =	vadd.s32 s25, v34  }
0x2cd: {  	v25 =	vand.u32 $0x7F, v25;
	v23 =	vor.u32 v24, v23;
	v24 =	vadd.s32 s25, v35  }
0x2ce: {  	v26 =	vand.u32 $0x7F, v36;
	v27 =	vadd.s32 s25, v37;
	v24 =	vor.u32 v25, v24  }
0x2cf: {  	v28 =	vand.u32 $0x7F, v38;
	v39 =	vor.u32 v26, v27;
	v27 =	vadd.s32 s25, v41  }
0x2d0: {  	v26 =	vand.u32 $0x7F, v40;
	v27 =	vor.u32 v28, v27;
	v29 =	vadd.s32 s25, v42  }
0x2d1: {  	v28 =	vand.u32 $0x7F, v43;
	v26 =	vor.u32 v26, v29;
	v29 =	vadd.s32 s25, v44;
	[tilespmem:$0x10A80] =	vst v22  }
0x2d2: {  	v50 =	vand.u32 $0x7F, v48;
	v28 =	vor.u32 v28, v29;
	v29 =	vadd.s32 s25, v49;
	v23 =	vld.idx.msk [tilespmem:v23+s11+$0x0], $0xffff  }
0x2d3: {  	v47 =	vadd.s32 s25, v46;
	v29 =	vor.u32 v50, v29;
	v30 =	vand.u32 $0x7F, v45;
	v24 =	vld.idx.msk [tilespmem:v24+s13+$0x0], $0xffff  }
0x2d4: {  	v22 =	vor.u32 v30, v47;
	v25 =	vld.idx.msk [tilespmem:v39+s11+$0x0], $0xffff  }
0x2d5: {  	v53 =	vbroadcast v21, $0xA;
	v27 =	vld.idx.msk [tilespmem:v27+s13+$0x0], $0xffff  }
0x2d6: {  	s24 =	spop (v2sf);
	v26 =	vld.idx.msk [tilespmem:v26+s11+$0x0], $0xffff  }
0x2d7: {  	v55 =	vbroadcast v20, $0xA;
	v54 =	vadd.s32 v0, v53;
	s29 =	sadd.s32 $0x10, s24;
	v28 =	vld.idx.msk [tilespmem:v28+s13+$0x0], $0xffff  }
0x2d8: {  	v56 =	vand.u32 $0xFFFFFF80, v54;
	v58 =	vadd.s32 s29, v0;
	s31 =	sadd.s32 $0x20, s24;
	s28 =	spop (v2sf);
	v51 =	vld.idx.msk [tilespmem:v29+s13+$0x0], $0xffff;
	v23 =	vmul.f32 v24, v23  }
0x2d9: {  	(v2sf) =	vpush v21, $0xB;
	v59 =	vand.u32 $0xFFFFFF80, v58;
	v62 =	vadd.s32 s31, v0;
	s30 =	sadd.s32 $0x10, s28;
	v22 =	vld.idx.msk [tilespmem:v22+s11+$0x0], $0xffff  }
0x2da: {  	v60 =	vadd.s32 s30, v0;
	s30 =	sadd.s32 $0x30, s28;
	v25 =	vmul.f32 v27, v25;
	v23 =	vadd.f32 $0.0e+00, v23  }
0x2db: {  	(v2sf) =	vpush v20, $0xB;
	s29 =	sadd.s32 $0x20, s28;
	v63 =	vand.u32 $0xFFFFFF80, v60;
	v38 =	vadd.s32 s30, v0  }
0x2dc: {  	v33 =	vadd.s32 s29, v0;
	v52 =	vmul.f32 v28, v26;
	v23 =	vadd.f32 v25, v23  }
0x2dd: {  	s24 =	sadd.s32 $0x30, s24;
	v40 =	vand.u32 $0x7F, v38;
	v32 =	vand.u32 $0xFFFFFF80, v62;
	v34 =	vand.u32 $0xFFFFFF80, v33  }
0x2de: {  	s25 =	sadd.s32 $0xFFFFFD80, s23;
	v35 =	vadd.s32 s24, v0;
	v22 =	vmul.f32 v51, v22;
	v23 =	vadd.f32 v52, v23  }
0x2df: {  	v29 =	vadd.s32 s25, v32;
	v24 =	vand.u32 $0x7F, v54;
	v25 =	vadd.s32 v0, v55  }
0x2e0: {  	v57 =	vand.u32 $0xFFFFFF80, v25;
	v22 =	vadd.f32 v22, v23;
	v23 =	vadd.s32 s25, v56  }
0x2e1: {  	v25 =	vand.u32 $0x7F, v25;
	v23 =	vor.u32 v24, v23;
	v24 =	vadd.s32 s25, v57  }
0x2e2: {  	v26 =	vand.u32 $0x7F, v58;
	v27 =	vadd.s32 s25, v59;
	v24 =	vor.u32 v25, v24  }
0x2e3: {  	v28 =	vand.u32 $0x7F, v60;
	v61 =	vor.u32 v26, v27;
	v27 =	vadd.s32 s25, v63  }
0x2e4: {  	v39 =	vand.u32 $0xFFFFFF80, v38;
	v26 =	vand.u32 $0x7F, v62;
	v27 =	vor.u32 v28, v27  }
0x2e5: {  	v26 =	vor.u32 v26, v29;
	v28 =	vand.u32 $0x7F, v33;
	v29 =	vadd.s32 s25, v34;
	[tilespmem:$0x10A90] =	vst v22  }
0x2e6: {  	v36 =	vand.u32 $0xFFFFFF80, v35;
	v28 =	vor.u32 v28, v29;
	v29 =	vadd.s32 s25, v39;
	v23 =	vld.idx.msk [tilespmem:v23+s11+$0x0], $0xffff  }
0x2e7: {  	v30 =	vand.u32 $0x7F, v35;
	v37 =	vadd.s32 s25, v36;
	v29 =	vor.u32 v40, v29;
	v24 =	vld.idx.msk [tilespmem:v24+s13+$0x0], $0xffff  }
0x2e8: {  	v43 =	vbroadcast v21, $0xB;
	v22 =	vor.u32 v30, v37;
	v25 =	vld.idx.msk [tilespmem:v61+s11+$0x0], $0xffff  }
0x2e9: {  	v27 =	vld.idx.msk [tilespmem:v27+s13+$0x0], $0xffff  }
0x2ea: {  	v44 =	vadd.s32 v0, v43;
	s24 =	spop (v2sf);
	v26 =	vld.idx.msk [tilespmem:v26+s11+$0x0], $0xffff  }
0x2eb: {  	v46 =	vand.u32 $0xFFFFFF80, v44;
	s31 =	sadd.s32 $0x10, s24;
	v28 =	vld.idx.msk [tilespmem:v28+s13+$0x0], $0xffff  }
0x2ec: {  	(v2sf) =	vpush v21, $0xC;
	s28 =	spop (v2sf);
	v48 =	vadd.s32 s31, v0;
	v41 =	vld.idx.msk [tilespmem:v29+s13+$0x0], $0xffff;
	v23 =	vmul.f32 v24, v23  }
0x2ed: {  	v45 =	vbroadcast v20, $0xB;
	(v2sf) =	vpush v20, $0xC;
	s29 =	sadd.s32 $0x10, s28;
	v49 =	vand.u32 $0xFFFFFF80, v48;
	v22 =	vld.idx.msk [tilespmem:v22+s11+$0x0], $0xffff  }
0x2ee: {  	s31 =	sadd.s32 $0x20, s28;
	s28 =	sadd.s32 $0x30, s28;
	v50 =	vadd.s32 s29, v0;
	v25 =	vmul.f32 v27, v25;
	v23 =	vadd.f32 $0.0e+00, v23  }
0x2ef: {  	s30 =	sadd.s32 $0x20, s24;
	v53 =	vand.u32 $0xFFFFFF80, v50;
	v60 =	vadd.s32 s28, v0;
	v55 =	vadd.s32 s31, v0  }
0x2f0: {  	v52 =	vadd.s32 s30, v0;
	v42 =	vmul.f32 v28, v26;
	v23 =	vadd.f32 v25, v23  }
0x2f1: {  	s24 =	sadd.s32 $0x30, s24;
	v62 =	vand.u32 $0x7F, v60;
	v54 =	vand.u32 $0xFFFFFF80, v52;
	v56 =	vand.u32 $0xFFFFFF80, v55  }
0x2f2: {  	s25 =	sadd.s32 $0xFFFFFE00, s23;
	v57 =	vadd.s32 s24, v0;
	v22 =	vmul.f32 v41, v22;
	v23 =	vadd.f32 v42, v23  }
0x2f3: {  	v29 =	vadd.s32 s25, v54;
	v24 =	vand.u32 $0x7F, v44;
	v25 =	vadd.s32 v0, v45  }
0x2f4: {  	v47 =	vand.u32 $0xFFFFFF80, v25;
	v22 =	vadd.f32 v22, v23;
	v23 =	vadd.s32 s25, v46  }
0x2f5: {  	v25 =	vand.u32 $0x7F, v25;
	v23 =	vor.u32 v24, v23;
	v24 =	vadd.s32 s25, v47  }
0x2f6: {  	v26 =	vand.u32 $0x7F, v48;
	v27 =	vadd.s32 s25, v49;
	v24 =	vor.u32 v25, v24  }
0x2f7: {  	v28 =	vand.u32 $0x7F, v50;
	v51 =	vor.u32 v26, v27;
	v27 =	vadd.s32 s25, v53  }
0x2f8: {  	v61 =	vand.u32 $0xFFFFFF80, v60;
	v26 =	vand.u32 $0x7F, v52;
	v27 =	vor.u32 v28, v27  }
0x2f9: {  	v26 =	vor.u32 v26, v29;
	v28 =	vand.u32 $0x7F, v55;
	v29 =	vadd.s32 s25, v56;
	[tilespmem:$0x10AA0] =	vst v22  }
0x2fa: {  	v58 =	vand.u32 $0xFFFFFF80, v57;
	v28 =	vor.u32 v28, v29;
	v29 =	vadd.s32 s25, v61;
	v23 =	vld.idx.msk [tilespmem:v23+s11+$0x0], $0xffff  }
0x2fb: {  	v30 =	vand.u32 $0x7F, v57;
	v59 =	vadd.s32 s25, v58;
	v29 =	vor.u32 v62, v29;
	v24 =	vld.idx.msk [tilespmem:v24+s13+$0x0], $0xffff  }
0x2fc: {  	v22 =	vor.u32 v30, v59;
	v25 =	vld.idx.msk [tilespmem:v51+s11+$0x0], $0xffff  }
0x2fd: {  	s24 =	spop (v2sf);
	v27 =	vld.idx.msk [tilespmem:v27+s13+$0x0], $0xffff  }
0x2fe: {  	(v2sf) =	vpush v21, $0xD;
	s28 =	spop (v2sf);
	v26 =	vld.idx.msk [tilespmem:v26+s11+$0x0], $0xffff  }
0x2ff: {  	v32 =	vbroadcast v20, $0xC;
	s29 =	sadd.s32 $0x10, s24;
	(v2sf) =	vpush v20, $0xD;
	s30 =	sadd.s32 $0x10, s28;
	v28 =	vld.idx.msk [tilespmem:v28+s13+$0x0], $0xffff  }
0x300: {  	s31 =	sadd.s32 $0x20, s24;
	v35 =	vadd.s32 s29, v0;
	v37 =	vadd.s32 s30, v0;
	v63 =	vld.idx.msk [tilespmem:v29+s13+$0x0], $0xffff;
	v23 =	vmul.f32 v24, v23  }
0x301: {  	v39 =	vadd.s32 s31, v0;
	v36 =	vand.u32 $0xFFFFFF80, v35;
	v40 =	vand.u32 $0xFFFFFF80, v37;
	v22 =	vld.idx.msk [tilespmem:v22+s11+$0x0], $0xffff  }
0x302: {  	s24 =	sadd.s32 $0x30, s24;
	s29 =	sadd.s32 $0x20, s28;
	s30 =	sadd.s32 $0x30, s28;
	v41 =	vand.u32 $0xFFFFFF80, v39;
	v25 =	vmul.f32 v27, v25;
	v23 =	vadd.f32 $0.0e+00, v23  }
0x303: {  	v44 =	vadd.s32 s24, v0;
	v42 =	vadd.s32 s29, v0;
	v47 =	vadd.s32 s30, v0  }
0x304: {  	v30 =	vbroadcast v21, $0xC;
	v29 =	vmul.f32 v28, v26;
	v23 =	vadd.f32 v25, v23  }
0x305: {  	v45 =	vand.u32 $0xFFFFFF80, v44;
	v43 =	vand.u32 $0xFFFFFF80, v42;
	v48 =	vand.u32 $0xFFFFFF80, v47  }
0x306: {  	v31 =	vadd.s32 v0, v30;
	v22 =	vmul.f32 v63, v22;
	v23 =	vadd.f32 v29, v23  }
0x307: {  	s25 =	sadd.s32 $0xFFFFFE80, s23;
	v33 =	vand.u32 $0xFFFFFF80, v31;
	v24 =	vand.u32 $0x7F, v31;
	v25 =	vadd.s32 v0, v32  }
0x308: {  	v34 =	vand.u32 $0xFFFFFF80, v25;
	v22 =	vadd.f32 v22, v23;
	v23 =	vadd.s32 s25, v33  }
0x309: {  	v25 =	vand.u32 $0x7F, v25;
	v23 =	vor.u32 v24, v23;
	v24 =	vadd.s32 s25, v34  }
0x30a: {  	v26 =	vand.u32 $0x7F, v35;
	v27 =	vadd.s32 s25, v36;
	v24 =	vor.u32 v25, v24  }
0x30b: {  	v28 =	vand.u32 $0x7F, v37;
	v38 =	vor.u32 v26, v27;
	v27 =	vadd.s32 s25, v40  }
0x30c: {  	v26 =	vand.u32 $0x7F, v39;
	v27 =	vor.u32 v28, v27;
	v29 =	vadd.s32 s25, v41  }
0x30d: {  	v28 =	vand.u32 $0x7F, v42;
	v26 =	vor.u32 v26, v29;
	v29 =	vadd.s32 s25, v43;
	[tilespmem:$0x10AB0] =	vst v22  }
0x30e: {  	v49 =	vand.u32 $0x7F, v47;
	v28 =	vor.u32 v28, v29;
	v29 =	vadd.s32 s25, v48;
	v23 =	vld.idx.msk [tilespmem:v23+s11+$0x0], $0xffff  }
0x30f: {  	v46 =	vadd.s32 s25, v45;
	v30 =	vand.u32 $0x7F, v44;
	v29 =	vor.u32 v49, v29;
	v24 =	vld.idx.msk [tilespmem:v24+s13+$0x0], $0xffff  }
0x310: {  	v22 =	vor.u32 v30, v46;
	v25 =	vld.idx.msk [tilespmem:v38+s11+$0x0], $0xffff  }
0x311: {  	v52 =	vbroadcast v21, $0xD;
	v27 =	vld.idx.msk [tilespmem:v27+s13+$0x0], $0xffff  }
0x312: {  	s24 =	spop (v2sf);
	v26 =	vld.idx.msk [tilespmem:v26+s11+$0x0], $0xffff  }
0x313: {  	v54 =	vbroadcast v20, $0xD;
	v53 =	vadd.s32 v0, v52;
	s31 =	sadd.s32 $0x10, s24;
	v28 =	vld.idx.msk [tilespmem:v28+s13+$0x0], $0xffff  }
0x314: {  	(v2sf) =	vpush v21, $0xE;
	s28 =	spop (v2sf);
	v57 =	vadd.s32 s31, v0;
	v50 =	vld.idx.msk [tilespmem:v29+s13+$0x0], $0xffff;
	v23 =	vmul.f32 v24, v23  }
0x315: {  	v55 =	vand.u32 $0xFFFFFF80, v53;
	(v2sf) =	vpush v20, $0xE;
	s29 =	sadd.s32 $0x10, s28;
	v58 =	vand.u32 $0xFFFFFF80, v57;
	v22 =	vld.idx.msk [tilespmem:v22+s11+$0x0], $0xffff  }
0x316: {  	s30 =	sadd.s32 $0x20, s24;
	v59 =	vadd.s32 s29, v0;
	s29 =	sadd.s32 $0x30, s28;
	v25 =	vmul.f32 v27, v25;
	v23 =	vadd.f32 $0.0e+00, v23  }
0x317: {  	s31 =	sadd.s32 $0x20, s28;
	v61 =	vadd.s32 s30, v0;
	v62 =	vand.u32 $0xFFFFFF80, v59;
	v37 =	vadd.s32 s29, v0  }
0x318: {  	v32 =	vadd.s32 s31, v0;
	v51 =	vmul.f32 v28, v26;
	v23 =	vadd.f32 v25, v23  }
0x319: {  	s24 =	sadd.s32 $0x30, s24;
	v39 =	vand.u32 $0x7F, v37;
	v63 =	vand.u32 $0xFFFFFF80, v61;
	v33 =	vand.u32 $0xFFFFFF80, v32  }
0x31a: {  	v34 =	vadd.s32 s24, v0;
	v22 =	vmul.f32 v50, v22;
	v23 =	vadd.f32 v51, v23  }
0x31b: {  	s25 =	sadd.s32 $0xFFFFFF00, s23;
	v38 =	vand.u32 $0xFFFFFF80, v37;
	v24 =	vand.u32 $0x7F, v53;
	v25 =	vadd.s32 v0, v54  }
0x31c: {  	v56 =	vand.u32 $0xFFFFFF80, v25;
	v22 =	vadd.f32 v22, v23;
	v23 =	vadd.s32 s25, v55  }
0x31d: {  	v25 =	vand.u32 $0x7F, v25;
	v23 =	vor.u32 v24, v23;
	v24 =	vadd.s32 s25, v56  }
0x31e: {  	v27 =	vadd.s32 s25, v58;
	v26 =	vand.u32 $0x7F, v57;
	v24 =	vor.u32 v25, v24  }
0x31f: {  	v28 =	vand.u32 $0x7F, v59;
	v60 =	vor.u32 v26, v27;
	v27 =	vadd.s32 s25, v62  }
0x320: {  	v29 =	vadd.s32 s25, v63;
	v26 =	vand.u32 $0x7F, v61;
	v27 =	vor.u32 v28, v27  }
0x321: {  	v26 =	vor.u32 v26, v29;
	v28 =	vand.u32 $0x7F, v32;
	v29 =	vadd.s32 s25, v33;
	[tilespmem:$0x10AC0] =	vst v22  }
0x322: {  	v35 =	vand.u32 $0xFFFFFF80, v34;
	v28 =	vor.u32 v28, v29;
	v29 =	vadd.s32 s25, v38;
	v23 =	vld.idx.msk [tilespmem:v23+s11+$0x0], $0xffff  }
0x323: {  	v30 =	vand.u32 $0x7F, v34;
	v36 =	vadd.s32 s25, v35;
	v29 =	vor.u32 v39, v29;
	v24 =	vld.idx.msk [tilespmem:v24+s13+$0x0], $0xffff  }
0x324: {  	v22 =	vor.u32 v30, v36;
	v25 =	vld.idx.msk [tilespmem:v60+s11+$0x0], $0xffff  }
0x325: {  	v42 =	vbroadcast v21, $0xE;
	v27 =	vld.idx.msk [tilespmem:v27+s13+$0x0], $0xffff  }
0x326: {  	s24 =	spop (v2sf);
	v26 =	vld.idx.msk [tilespmem:v26+s11+$0x0], $0xffff  }
0x327: {  	v44 =	vbroadcast v20, $0xE;
	v43 =	vadd.s32 v0, v42;
	s30 =	sadd.s32 $0x10, s24;
	v28 =	vld.idx.msk [tilespmem:v28+s13+$0x0], $0xffff  }
0x328: {  	(v2sf) =	vpush v21, $0xF;
	s28 =	spop (v2sf);
	v47 =	vadd.s32 s30, v0;
	v40 =	vld.idx.msk [tilespmem:v29+s13+$0x0], $0xffff;
	v23 =	vmul.f32 v24, v23  }
0x329: {  	v45 =	vand.u32 $0xFFFFFF80, v43;
	(v2sf) =	vpush v20, $0xF;
	s31 =	sadd.s32 $0x10, s28;
	v48 =	vand.u32 $0xFFFFFF80, v47;
	v22 =	vld.idx.msk [tilespmem:v22+s11+$0x0], $0xffff  }
0x32a: {  	s30 =	sadd.s32 $0x20, s28;
	v49 =	vadd.s32 s31, v0;
	s31 =	sadd.s32 $0x30, s28;
	v25 =	vmul.f32 v27, v25;
	v23 =	vadd.f32 $0.0e+00, v23  }
0x32b: {  	s29 =	sadd.s32 $0x20, s24;
	v52 =	vand.u32 $0xFFFFFF80, v49;
	v59 =	vadd.s32 s31, v0;
	v54 =	vadd.s32 s30, v0  }
0x32c: {  	v51 =	vadd.s32 s29, v0;
	v41 =	vmul.f32 v28, v26;
	v23 =	vadd.f32 v25, v23  }
0x32d: {  	s24 =	sadd.s32 $0x30, s24;
	v61 =	vand.u32 $0x7F, v59;
	v53 =	vand.u32 $0xFFFFFF80, v51;
	v55 =	vand.u32 $0xFFFFFF80, v54  }
0x32e: {  	s25 =	sadd.s32 $0xFFFFFF80, s23;
	v56 =	vadd.s32 s24, v0;
	v22 =	vmul.f32 v40, v22;
	v23 =	vadd.f32 v41, v23  }
0x32f: {  	v29 =	vadd.s32 s25, v53;
	v24 =	vand.u32 $0x7F, v43;
	v25 =	vadd.s32 v0, v44  }
0x330: {  	v46 =	vand.u32 $0xFFFFFF80, v25;
	v22 =	vadd.f32 v22, v23;
	v23 =	vadd.s32 s25, v45  }
0x331: {  	v25 =	vand.u32 $0x7F, v25;
	v23 =	vor.u32 v24, v23;
	v24 =	vadd.s32 s25, v46  }
0x332: {  	v26 =	vand.u32 $0x7F, v47;
	v27 =	vadd.s32 s25, v48;
	v24 =	vor.u32 v25, v24  }
0x333: {  	v28 =	vand.u32 $0x7F, v49;
	v50 =	vor.u32 v26, v27;
	v27 =	vadd.s32 s25, v52  }
0x334: {  	v60 =	vand.u32 $0xFFFFFF80, v59;
	v26 =	vand.u32 $0x7F, v51;
	v27 =	vor.u32 v28, v27  }
0x335: {  	v26 =	vor.u32 v26, v29;
	v28 =	vand.u32 $0x7F, v54;
	v29 =	vadd.s32 s25, v55;
	[tilespmem:$0x10AD0] =	vst v22  }
0x336: {  	v57 =	vand.u32 $0xFFFFFF80, v56;
	v28 =	vor.u32 v28, v29;
	v29 =	vadd.s32 s25, v60;
	v23 =	vld.idx.msk [tilespmem:v23+s11+$0x0], $0xffff  }
0x337: {  	v30 =	vand.u32 $0x7F, v56;
	v58 =	vadd.s32 s25, v57;
	v29 =	vor.u32 v61, v29;
	v24 =	vld.idx.msk [tilespmem:v24+s13+$0x0], $0xffff  }
0x338: {  	v22 =	vor.u32 v30, v58;
	v25 =	vld.idx.msk [tilespmem:v50+s11+$0x0], $0xffff  }
0x339: {  	v21 =	vbroadcast v21, $0xF;
	v20 =	vbroadcast v20, $0xF;
	s26 =	spop (v2sf);
	v27 =	vld.idx.msk [tilespmem:v27+s13+$0x0], $0xffff  }
0x33a: {  	s31 =	spop (v2sf);
	v26 =	vld.idx.msk [tilespmem:v26+s11+$0x0], $0xffff  }
0x33b: {  	v21 =	vadd.s32 v0, v21;
	v20 =	vadd.s32 v0, v20;
	s28 =	sadd.s32 $0x10, s31;
	s29 =	sadd.s32 $0x20, s26;
	v28 =	vld.idx.msk [tilespmem:v28+s13+$0x0], $0xffff  }
0x33c: {  	v33 =	vadd.s32 s28, v0;
	v35 =	vadd.s32 s29, v0;
	s24 =	sadd.s32 $0x30, s26;
	v62 =	vld.idx.msk [tilespmem:v29+s13+$0x0], $0xffff;
	v23 =	vmul.f32 v24, v23  }
0x33d: {  	v34 =	vand.u32 $0xFFFFFF80, v33;
	v36 =	vand.u32 $0xFFFFFF80, v35;
	v41 =	vadd.s32 s24, v0;
	v22 =	vld.idx.msk [tilespmem:v22+s11+$0x0], $0xffff  }
0x33e: {  	s30 =	sadd.s32 $0x10, s26;
	v43 =	vand.u32 $0xFFFFFF80, v41;
	v25 =	vmul.f32 v27, v25;
	v23 =	vadd.f32 $0.0e+00, v23  }
0x33f: {  	v30 =	vadd.s32 s30, v0;
	v29 =	vand.u32 $0xFFFFFF80, v20;
	v20 =	vand.u32 $0x7F, v20  }
0x340: {  	s30 =	sadd.s32 $0x20, s31;
	s31 =	sadd.s32 $0x30, s31;
	v31 =	vand.u32 $0xFFFFFF80, v30;
	v63 =	vmul.f32 v28, v26;
	v23 =	vadd.f32 v25, v23  }
0x341: {  	v32 =	vand.u32 $0x7F, v30;
	v37 =	vadd.s32 s30, v0;
	v44 =	vadd.s32 s31, v0  }
0x342: {  	v39 =	vand.u32 $0xFFFFFF80, v37;
	v22 =	vmul.f32 v62, v22;
	v23 =	vadd.f32 v63, v23  }
0x343: {  	v28 =	vand.u32 $0xFFFFFF80, v21;
	v21 =	vand.u32 $0x7F, v21;
	v24 =	vadd.s32 s23, v29  }
0x344: {  	v20 =	vor.u32 v20, v24;
	v22 =	vadd.f32 v22, v23;
	v23 =	vadd.s32 s23, v28  }
0x345: {  	v24 =	vadd.s32 s23, v34;
	v25 =	vand.u32 $0x7F, v33;
	v21 =	vor.u32 v21, v23  }
0x346: {  	v40 =	vand.u32 $0x7F, v37;
	v24 =	vor.u32 v25, v24;
	v23 =	vadd.s32 s23, v31  }
0x347: {  	v26 =	vand.u32 $0x7F, v35;
	v27 =	vadd.s32 s23, v36;
	v23 =	vor.u32 v32, v23  }
0x348: {  	v45 =	vand.u32 $0xFFFFFF80, v44;
	v38 =	vor.u32 v26, v27;
	v26 =	vadd.s32 s23, v39;
	[tilespmem:$0x10AE0] =	vst v22  }
0x349: {  	v46 =	vadd.s32 s23, v45;
	v27 =	vand.u32 $0x7F, v44;
	v42 =	vor.u32 v40, v26;
	v20 =	vld.idx.msk [tilespmem:v20+s13+$0x0], $0xffff  }
0x34a: {  	v26 =	vadd.s32 s23, v43;
	v27 =	vor.u32 v27, v46;
	v28 =	vand.u32 $0x7F, v41;
	v21 =	vld.idx.msk [tilespmem:v21+s11+$0x0], $0xffff  }
0x34b: {  	v26 =	vor.u32 v28, v26;
	v24 =	vld.idx.msk [tilespmem:v24+s13+$0x0], $0xffff  }
0x34c: {  	v23 =	vld.idx.msk [tilespmem:v23+s11+$0x0], $0xffff  }
0x34d: {  	v25 =	vld.idx.msk [tilespmem:v38+s11+$0x0], $0xffff  }
0x34e: {  	v22 =	vld.idx.msk [tilespmem:v42+s13+$0x0], $0xffff  }
0x34f: {  	v48 =	vld.idx.msk [tilespmem:v27+s13+$0x0], $0xffff;
	v20 =	vmul.f32 v20, v21  }
0x350: {  	v47 =	vld.idx.msk [tilespmem:v26+s11+$0x0], $0xffff  }
0x351: {  	v23 =	vmul.f32 v24, v23;
	v20 =	vadd.f32 $0.0e+00, v20;
	_ =	sdelay $0x1  }
0x352: {  	v22 =	vmul.f32 v22, v25;
	v20 =	vadd.f32 v23, v20;
	_ =	sdelay $0x1  }
0x353: {  	v21 =	vmul.f32 v48, v47;
	v20 =	vadd.f32 v22, v20;
	_ =	sdelay $0x1  }
0x354: {  	v20 =	vadd.f32 v21, v20;
	_ =	sdelay $0x1  }
0x355: {  	[tilespmem:$0x10AF0] =	vst v20  }
0x356: {  	v20 =	vld.idx.msk [tilespmem:v2+s16+$0x0], $0xffff;
	_ =	sdelay $0x1  }
0x357: {  	v49 =	vld.idx.msk [tilespmem:v5+s16+$0x0], $0xffff;
	_ =	sdelay $0x1  }
0x358: {  	v50 =	vld.idx.msk [tilespmem:v6+s16+$0x0], $0xffff  }
0x359: {  	v20 =	vadd.f32 $0.0e+00, v20  }
0x35a: {  	v51 =	vld.idx.msk [tilespmem:v7+s16+$0x0], $0xffff  }
0x35b: {  	v20 =	vadd.f32 v49, v20  }
0x35c: {  	v52 =	vld.idx.msk [tilespmem:v8+s16+$0x0], $0xffff  }
0x35d: {  	v20 =	vadd.f32 v50, v20  }
0x35e: {  	v53 =	vld.idx.msk [tilespmem:v9+s16+$0x0], $0xffff  }
0x35f: {  	v20 =	vadd.f32 v51, v20  }
0x360: {  	v54 =	vld.idx.msk [tilespmem:v10+s16+$0x0], $0xffff  }
0x361: {  	v20 =	vadd.f32 v52, v20  }
0x362: {  	v55 =	vld.idx.msk [tilespmem:v11+s16+$0x0], $0xffff  }
0x363: {  	v20 =	vadd.f32 v53, v20  }
0x364: {  	v56 =	vld.idx.msk [tilespmem:v12+s16+$0x0], $0xffff  }
0x365: {  	v20 =	vadd.f32 v54, v20  }
0x366: {  	v57 =	vld.idx.msk [tilespmem:v13+s16+$0x0], $0xffff  }
0x367: {  	v20 =	vadd.f32 v55, v20  }
0x368: {  	v58 =	vld.idx.msk [tilespmem:v14+s16+$0x0], $0xffff  }
0x369: {  	v20 =	vadd.f32 v56, v20  }
0x36a: {  	v59 =	vld.idx.msk [tilespmem:v15+s16+$0x0], $0xffff  }
0x36b: {  	v20 =	vadd.f32 v57, v20  }
0x36c: {  	v60 =	vld.idx.msk [tilespmem:v16+s16+$0x0], $0xffff  }
0x36d: {  	v20 =	vadd.f32 v58, v20  }
0x36e: {  	v61 =	vld.idx.msk [tilespmem:v17+s16+$0x0], $0xffff  }
0x36f: {  	v20 =	vadd.f32 v59, v20  }
0x370: {  	v62 =	vld.idx.msk [tilespmem:v18+s16+$0x0], $0xffff  }
0x371: {  	v20 =	vadd.f32 v60, v20  }
0x372: {  	v63 =	vld.idx.msk [tilespmem:v19+s16+$0x0], $0xffff  }
0x373: {  	v20 =	vadd.f32 v61, v20  }
0x374: {  	p0 =	sne.s32 s19, $0xFF  }
.Ltmp3:
0x375: {  	v20 =	vadd.f32 v62, v20;
	(pc) =	sbr.rel @p0 .LBB2_8-.Ltmp3, $4  }
0x376: {  	_ = 	snop  }
0x377: {  	v20 =	vadd.f32 v63, v20  }
0x378: {  	s21 =	sadd.s32 $0x10, s21  }
0x379: {  	s22 =	sadd.s32 $0x10, s22;
	s19 =	sadd.s32 $0x10, s19;
	[tilespmem:s20+$0x0] =	vst v20;
	s20 =	sadd.s32 $0x10, s20  }
0x37a: {  	s18 =	sadd.s32 $0x1, s18  }
0x37b: {  	p0 =	sne.s32 s18, s7  }
.Ltmp4:
0x37c: {  	_ = 	snop;
	(pc) =	sbr.rel @p0 .LBB2_1-.Ltmp4, $4  }
0x37d: {  	[hbm4b:s6+s2] =	stream.linear.scatter [tilespmem:s17], [sflag:$0x3], $0x200, $0x38;
	[tilespmem:$0x10D00] =	vst v63  }
0x37e: {  	_ =	swait.ge [sflag:s8], $0x200  }
0x37f: {  	[sflag:s8] =	ssyncset.done $0x0  }
0x380: {  	[sflag:s8] =	ssyncadd.s32 $0xFFFFFE00  }
0x381: {  	_ =	sfence.sel $0x180000  }
0x382: {  	[bflag:$0x0] =	sbarrier.arrive $0xFFFF  }
0x383: {  	p0 =	sne.s32 s1, $0x0;
	_ =	strace $0x90000047  }
0x384: {  	s0 =	sadd.s32 @!p0 $0x100000, s0;
	[bflag:$0x2] =	sbarrier.arrive $0xFFFF  }
0x385: {  	[sflag:s0] =	ssyncadd.tile.s32 @!p0 $0x1;
	_ =	shalt  }
.Lfunc_end2:
_tile_overlayer_lowered:
.L_overlay_start_2:
0x386: {  	(tag) =	ssettag $0x2  }
0x387: {  	s0 =	rddreg [dreg:$0x0];
	s2 =	stileid.u32  }
0x388: {  	s1 =	rddreg [dreg:$0x1];
	p0 =	sne.s32 s2, $0x0  }
0x389: {  	s3 =	rddreg [dreg:$0x2];
	[bflag:$0x3] =	sbarrier.arrive $0xFFFF;
	s2 =	simm.s32 @!p0 $0x1C03  }
0x38a: {  	[timem:s3], [sflag:s2] =	dma.local @!p0 [hbm:s0], s1  }
0x38b: {  	s0 =	simm.s32 @!p0 $0x3  }
0x38c: {  	_ =	swait.ge @!p0 [sflag:s0], s1  }
0x38d: {  	s1 =	ssub.s32 @!p0 $0x0, s1;
	[sflag:s0] =	ssyncset.done @!p0 $0x0  }
0x38e: {  	[sflag:s0] =	ssyncadd.s32 @!p0 s1  }
0x38f: {  	[bflag:$0x3] =	sbarrier.arrive $0xFFFF  }
0x390: {  	_ =	shalt  }

</sc_bundles>
